<compile_context>
chip_gen: v7x
topology: tpu7x:2x2x1
jax: 0.10.2.dev20260603
libtpu: 0.0.44.dev20260713+nightly
codegen_flags: <defaults>
</compile_context>

<pallas_src>
import functools

import jax
import jax.numpy as jnp
from jax import lax
from jax.experimental import pallas as pl
from jax.experimental.pallas import tpu as pltpu
from jax.experimental.pallas import tpu_sc as plsc

N = 10000
NPAD = 10240
E = 320000
D = 128
WIDTH = 144
N_GRAPHS = 64
ALPHA = 0.2
NCORES = 2
NSUB = 16
NW = NCORES * NSUB
EPW = E // NW
CHUNK = 40
NCHUNK = EPW // CHUNK
NSEG = 125
CPS = NCHUNK // NSEG
ROWS_PER_SUB = NPAD // NSUB


def _leaky(x):
    return jnp.where(x >= 0, x, ALPHA * x)



def _prep_tables(h, Wm, Asrc, Adst, srcT_ref, edT_ref, cvec_ref):
    Wh = jnp.dot(h, Wm, preferred_element_type=jnp.float32)
    es = jnp.dot(Wh, Asrc, preferred_element_type=jnp.float32)
    ed = jnp.dot(Wh, Adst, preferred_element_type=jnp.float32)
    H = es.shape[1]
    srcT_ref[...] = jnp.zeros((NPAD, WIDTH), jnp.float32)
    srcT_ref[0:N, 0:D] = Wh
    srcT_ref[0:N, D:D + H] = es
    edT_ref[...] = jnp.zeros((NPAD, 16), jnp.float32)
    edT_ref[0:N, 0:H] = ed
    cmax = _leaky(jnp.max(es, axis=0, keepdims=True)
                  + jnp.max(ed, axis=0, keepdims=True))
    cvec_ref[...] = jnp.full((1, 16), jnp.inf, jnp.float32)
    cvec_ref[0:1, 0:H] = cmax


def _emb_prep_body(x_ref, We_ref, be_ref, Wm_ref, As_ref, Ad_ref,
                   h_ref, srcT_ref, edT_ref, cvec_ref):
    h = jnp.dot(x_ref[...], We_ref[...],
                preferred_element_type=jnp.float32) + be_ref[...]
    h_ref[...] = h
    _prep_tables(h, Wm_ref[...], As_ref[...], Ad_ref[...],
                 srcT_ref, edT_ref, cvec_ref)


def _finish_prep_body(part_ref, h_ref, nn_ref, R_ref, Wm_ref, As_ref, Ad_ref,
                      hn_ref, srcT_ref, edT_ref, cvec_ref, H=8):
    acc = part_ref[0] + part_ref[1]
    num = acc[0:N, 0:D]
    den = acc[0:N, D:D + H]
    den_exp = jnp.dot(den, R_ref[...], preferred_element_type=jnp.float32)
    out = num / (den_exp + 1e-16)
    g = out * nn_ref[...]
    act = jnp.where(g > 0, g, jnp.exp(g) - 1.0)
    hn = act + h_ref[...]
    hn_ref[...] = hn
    _prep_tables(hn, Wm_ref[...], As_ref[...], Ad_ref[...],
                 srcT_ref, edT_ref, cvec_ref)


def _finish_pool_body(part_ref, h_ref, nn_ref, R_ref, ind_ref,
                      Wm1_ref, bm1_ref, Wm2_ref, bm2_ref, Wm3_ref, bm3_ref,
                      y_ref):
    H = 1
    acc = part_ref[0] + part_ref[1]
    num = acc[0:N, 0:D]
    den = acc[0:N, D:D + H]
    den_exp = jnp.dot(den, R_ref[...], preferred_element_type=jnp.float32)
    out = num / (den_exp + 1e-16)
    g = out * nn_ref[...]
    act = jnp.where(g > 0, g, jnp.exp(g) - 1.0)
    h = act + h_ref[...]
    iota = lax.broadcasted_iota(jnp.int32, (N, N_GRAPHS), 1)
    onehot = (ind_ref[...] == iota).astype(jnp.float32)
    counts = jnp.sum(onehot, axis=0, keepdims=True)
    sums = lax.dot_general(onehot, h, (((0,), (0,)), ((), ())),
                           preferred_element_type=jnp.float32)
    pooled = sums / jnp.maximum(counts, 1.0).reshape(N_GRAPHS, 1)
    y1 = jnp.maximum(jnp.dot(pooled, Wm1_ref[...],
                             preferred_element_type=jnp.float32)
                     + bm1_ref[...], 0.0)
    y2 = jnp.maximum(jnp.dot(y1, Wm2_ref[...],
                             preferred_element_type=jnp.float32)
                     + bm2_ref[...], 0.0)
    y_ref[...] = jnp.dot(y2, Wm3_ref[...],
                         preferred_element_type=jnp.float32) + bm3_ref[...]



def _sc_edge_body(srcT, edT, cvh, srch, dsth, zerosh, out_hbm,
                  sidxA, didxA, sidxB, didxB, sdidxA, sdidxB,
                  srowsA, srowsB, edrowsA, edrowsB,
                  orowsA, orowsB, cvec, acc,
                  semGA, semGB, semSA, semSB, semIA, semIB, H=8):
    HID = D // H
    c = lax.axis_index("c")
    s = lax.axis_index("s")
    wid = s * NCORES + c
    pltpu.sync_copy(zerosh.at[pl.ds(s * ROWS_PER_SUB, ROWS_PER_SUB)],
                    acc.at[pl.ds(s * ROWS_PER_SUB, ROWS_PER_SUB)])
    pltpu.sync_copy(cvh, cvec)
    plsc.subcore_barrier()

    def copy_idx(ci, sidx, didx):
        base = wid * EPW + ci * CHUNK
        pltpu.sync_copy(srch.at[pl.ds(base, CHUNK)], sidx)
        pltpu.sync_copy(dsth.at[pl.ds(base, CHUNK)], didx)

    def gather(sidx, didx, srows, edrows, sem):
        pltpu.async_copy(srcT.at[sidx], srows, sem)
        pltpu.async_copy(edT.at[didx], edrows, sem)

    def wait_gather(srows, edrows, sem):
        pltpu.make_async_copy(srcT.at[pl.ds(0, CHUNK)], srows, sem).wait()
        pltpu.make_async_copy(edT.at[pl.ds(0, CHUNK)], edrows, sem).wait()

    def wait_scatter(orows, sem):
        pltpu.make_async_copy(srcT.at[pl.ds(0, CHUNK)], orows, sem).wait()

    def scatter(orows, sdidx, sem):
        pltpu.async_copy(orows, acc.at[sdidx], sem, add=True)

    def compute(srows, edrows, orows):
        def edge_body(i, carry2):
            es = srows[i, pl.ds(D, 16)]
            ed = edrows[i, :]
            z = es + ed
            e = jnp.where(z >= 0, z, ALPHA * z)
            ex = jnp.exp(e - cvec[...])
            orows[i, pl.ds(D, 16)] = ex
            for h in range(H):
                sc = ex[h]
                scv = lax.broadcast_in_dim(sc, (16,), ())
                for j in range(HID // 16):
                    off = h * HID + j * 16
                    orows[i, pl.ds(off, 16)] = srows[i, pl.ds(off, 16)] * scv
            return carry2

        lax.fori_loop(0, CHUNK, edge_body, 0, unroll=False)

    copy_idx(0, sidxA, didxA)
    gather(sidxA, didxA, srowsA, edrowsA, semGA)

    def pair_body(p, c2):
        ci = p * 2
        copy_idx(ci + 1, sidxB, didxB)
        gather(sidxB, didxB, srowsB, edrowsB, semGB)
        wait_gather(srowsA, edrowsA, semGA)

        @pl.when(p > 0)
        def _():
            wait_scatter(orowsA, semSA)

        pltpu.async_copy(dsth.at[pl.ds(wid * EPW + ci * CHUNK, CHUNK)],
                         sdidxA, semIA)
        compute(srowsA, edrowsA, orowsA)
        pltpu.make_async_copy(dsth.at[pl.ds(0, CHUNK)], sdidxA, semIA).wait()
        scatter(orowsA, sdidxA, semSA)

        @pl.when(p < NCHUNK // 2 - 1)
        def _():
            copy_idx(ci + 2, sidxA, didxA)
            gather(sidxA, didxA, srowsA, edrowsA, semGA)

        wait_gather(srowsB, edrowsB, semGB)

        @pl.when(p > 0)
        def _():
            wait_scatter(orowsB, semSB)

        pltpu.async_copy(dsth.at[pl.ds(wid * EPW + (ci + 1) * CHUNK, CHUNK)],
                         sdidxB, semIB)
        compute(srowsB, edrowsB, orowsB)
        pltpu.make_async_copy(dsth.at[pl.ds(0, CHUNK)], sdidxB, semIB).wait()
        scatter(orowsB, sdidxB, semSB)
        return c2

    lax.fori_loop(0, NCHUNK // 2, pair_body, 0, unroll=False)
    wait_scatter(orowsA, semSA)
    wait_scatter(orowsB, semSB)
    plsc.subcore_barrier()
    pltpu.sync_copy(acc.at[pl.ds(s * ROWS_PER_SUB, ROWS_PER_SUB)],
                    out_hbm.at[c, pl.ds(s * ROWS_PER_SUB, ROWS_PER_SUB)])


def _make_sc_edge(H):
    mesh = plsc.VectorSubcoreMesh(core_axis_name="c", subcore_axis_name="s")
    return functools.partial(
        pl.kernel,
        functools.partial(_sc_edge_body, H=H),
        mesh=mesh,
        compiler_params=pltpu.CompilerParams(use_tc_tiling_on_sc=False),
        out_type=jax.ShapeDtypeStruct((NCORES, NPAD, WIDTH), jnp.float32),
        scratch_types=[
            pltpu.VMEM((CHUNK,), jnp.int32),
            pltpu.VMEM((CHUNK,), jnp.int32),
            pltpu.VMEM((CHUNK,), jnp.int32),
            pltpu.VMEM((CHUNK,), jnp.int32),
            pltpu.VMEM((CHUNK,), jnp.int32),
            pltpu.VMEM((CHUNK,), jnp.int32),
            pltpu.VMEM((CHUNK, WIDTH), jnp.float32),
            pltpu.VMEM((CHUNK, WIDTH), jnp.float32),
            pltpu.VMEM((CHUNK, 16), jnp.float32),
            pltpu.VMEM((CHUNK, 16), jnp.float32),
            pltpu.VMEM((CHUNK, WIDTH), jnp.float32),
            pltpu.VMEM((CHUNK, WIDTH), jnp.float32),
            pltpu.VMEM((16,), jnp.float32),
            pltpu.VMEM_SHARED((NPAD, WIDTH), jnp.float32),
            pltpu.SemaphoreType.DMA,
            pltpu.SemaphoreType.DMA,
            pltpu.SemaphoreType.DMA,
            pltpu.SemaphoreType.DMA,
            pltpu.SemaphoreType.DMA,
            pltpu.SemaphoreType.DMA,
        ],
    )()



def _block_diag(a):
    H = a.shape[0]
    eye = jnp.eye(H, dtype=a.dtype)
    return (a[:, :, None] * eye[:, None, :]).reshape(H * a.shape[1], H)


def kernel(x, edge_index, indicator, n_norm, graph_index, W_emb, b_emb,
           W0, asrc0, adst0, W1, asrc1, adst1, W2, asrc2, adst2,
           W3, asrc3, adst3, Wm1, bm1, Wm2, bm2, Wm3, bm3):
    f32 = jnp.float32
    src = edge_index[0]
    dst = edge_index[1]
    zeros_pad = jnp.zeros((NPAD, WIDTH), f32)

    layer_W = [W0.reshape(D, D), W1.reshape(D, D), W2.reshape(D, D),
               W3.reshape(D, D)]
    layer_As = [_block_diag(asrc0), _block_diag(asrc1), _block_diag(asrc2),
                _block_diag(asrc3)]
    layer_Ad = [_block_diag(adst0), _block_diag(adst1), _block_diag(adst2),
                _block_diag(adst3)]
    R8 = jnp.kron(jnp.eye(8, dtype=f32), jnp.ones((1, 16), f32))
    R1 = jnp.ones((1, D), f32)

    table_shapes = (
        jax.ShapeDtypeStruct((N, D), f32),
        jax.ShapeDtypeStruct((NPAD, WIDTH), f32),
        jax.ShapeDtypeStruct((NPAD, 16), f32),
        jax.ShapeDtypeStruct((1, 16), f32),
    )

    h, srcT, edT, cvec = pl.pallas_call(
        _emb_prep_body, out_shape=table_shapes,
    )(x, W_emb, b_emb.reshape(1, D), layer_W[0], layer_As[0], layer_Ad[0])

    sc_edge8 = _make_sc_edge(8)
    sc_edge1 = _make_sc_edge(1)

    for i in range(3):
        part = (sc_edge8 if i < 3 else sc_edge1)(
            srcT, edT, cvec.reshape(16), src, dst, zeros_pad)
        h, srcT, edT, cvec = pl.pallas_call(
            functools.partial(_finish_prep_body, H=8),
            out_shape=table_shapes,
        )(part, h, n_norm, R8, layer_W[i + 1], layer_As[i + 1],
          layer_Ad[i + 1])

    part = sc_edge1(srcT, edT, cvec.reshape(16), src, dst, zeros_pad)
    y = pl.pallas_call(
        _finish_pool_body,
        out_shape=jax.ShapeDtypeStruct((N_GRAPHS, 10), f32),
    )(part, h, n_norm, R1, indicator.reshape(N, 1),
      Wm1, bm1.reshape(1, -1), Wm2, bm2.reshape(1, -1),
      Wm3, bm3.reshape(1, -1))
    return y

# --- scband reference (transcript-rebuilt; emitter-appended) ---
"""Pipeline reference for scband-sp-gat-17171279249892 (READ-ONLY COPY).

The authoritative reference and input builder live on the scoring server;
editing this copy changes nothing except your own understanding.
"""

import jax, jax.numpy as jnp
import numpy as np

N = 10000
E = 320000
IN_DIM = 128
HID = 16
HEADS = 8
OUT_DIM = 128
N_CLASS = 10
N_GRAPHS = 64
ALPHA = 0.2


def setup_inputs(seed: int = 0):
    key = jax.random.key(seed)
    ks = jax.random.split(key, 40)
    inp = {}
    inp["x"] = jax.random.normal(ks[0], (N, IN_DIM), dtype=jnp.float32)
    inp["edge_index"] = jax.random.randint(ks[1], (2, E), 0, N, dtype=jnp.int32)
    inp["indicator"] = jnp.sort(jax.random.randint(ks[2], (N,), 0, N_GRAPHS, dtype=jnp.int32))
    inp["n_norm"] = jax.random.uniform(ks[3], (N, 1), dtype=jnp.float32)
    inp["graph_index"] = jnp.arange(N_GRAPHS, dtype=jnp.int32)
    D = HID * HEADS
    inp["W_emb"] = jax.random.normal(ks[4], (IN_DIM, D), dtype=jnp.float32) * 0.05
    inp["b_emb"] = jnp.zeros((D,), dtype=jnp.float32)
    dims = [(D, HEADS, HID), (D, HEADS, HID), (D, HEADS, HID), (D, 1, OUT_DIM)]
    for i, (din, h, dh) in enumerate(dims):
        inp["W%d" % i] = jax.random.normal(ks[5 + 3 * i], (din, h, dh), dtype=jnp.float32) * 0.05
        inp["asrc%d" % i] = jax.random.normal(ks[6 + 3 * i], (h, dh), dtype=jnp.float32) * 0.05
        inp["adst%d" % i] = jax.random.normal(ks[7 + 3 * i], (h, dh), dtype=jnp.float32) * 0.05
    inp["Wm1"] = jax.random.normal(ks[20], (OUT_DIM, OUT_DIM // 2), dtype=jnp.float32) * 0.05
    inp["bm1"] = jnp.zeros((OUT_DIM // 2,), dtype=jnp.float32)
    inp["Wm2"] = jax.random.normal(ks[21], (OUT_DIM // 2, OUT_DIM // 4), dtype=jnp.float32) * 0.05
    inp["bm2"] = jnp.zeros((OUT_DIM // 4,), dtype=jnp.float32)
    inp["Wm3"] = jax.random.normal(ks[22], (OUT_DIM // 4, N_CLASS), dtype=jnp.float32) * 0.05
    inp["bm3"] = jnp.zeros((N_CLASS,), dtype=jnp.float32)
    return inp


def _gat_layer(h, src, dst, n_norm, W, a_src, a_dst):
    n = h.shape[0]
    Wh = jnp.einsum('ni,ihd->nhd', h, W)
    es = jnp.sum(Wh * a_src[None, :, :], axis=-1)
    ed = jnp.sum(Wh * a_dst[None, :, :], axis=-1)
    e = jax.nn.leaky_relu(es[src] + ed[dst], negative_slope=ALPHA)
    m = jax.lax.stop_gradient(jax.ops.segment_max(e, dst, num_segments=n))
    m = jnp.where(jnp.isfinite(m), m, 0.0)
    ex = jnp.exp(e - m[dst])
    denom = jax.ops.segment_sum(ex, dst, num_segments=n)
    attn = ex / (denom[dst] + 1e-16)
    out = jax.ops.segment_sum(attn[:, :, None] * Wh[src], dst, num_segments=n)
    out = out.reshape(n, -1)
    out = out * n_norm
    out = jax.nn.elu(out)
    return out + h


def _forward(x, edge_index, indicator, n_norm, W_emb, b_emb, layer_params, Wm1, bm1, Wm2, bm2, Wm3, bm3):
    src, dst = edge_index[0], edge_index[1]
    h = x @ W_emb + b_emb
    for (W, a_s, a_d) in layer_params:
        h = _gat_layer(h, src, dst, n_norm, W, a_s, a_d)
    ones = jnp.ones((h.shape[0],), dtype=h.dtype)
    counts = jax.ops.segment_sum(ones, indicator, num_segments=N_GRAPHS)
    sums = jax.ops.segment_sum(h, indicator, num_segments=N_GRAPHS)
    pooled = sums / jnp.maximum(counts, 1.0)[:, None]
    y = jax.nn.relu(pooled @ Wm1 + bm1)
    y = jax.nn.relu(y @ Wm2 + bm2)
    return y @ Wm3 + bm3


def reference(x, edge_index, indicator, n_norm, graph_index, W_emb, b_emb, W0, asrc0, adst0, W1, asrc1, adst1, W2, asrc2, adst2, W3, asrc3, adst3, Wm1, bm1, Wm2, bm2, Wm3, bm3):
    layer_params = [(W0, asrc0, adst0), (W1, asrc1, adst1), (W2, asrc2, adst2), (W3, asrc3, adst3)]
    return _forward(x, edge_index, indicator, n_norm, W_emb, b_emb, layer_params, Wm1, bm1, Wm2, bm2, Wm3, bm3)

if __name__ == "__main__":
    import jax
    _d = setup_inputs()
    print(jax.jit(kernel)(*tuple(_d.values())))

</pallas_src>

<mosaic_0001>
#map = affine_map<(d0, d1) -> (0, 0)>
#map1 = affine_map<(d0, d1) -> (0)>
#map2 = affine_map<(d0, d1) -> (0, 0, 0)>
module attributes {stable_mosaic.version = 14 : i64} {
  func.func @_sc_edge_body(%arg0: i32, %arg1: i32, %arg2: memref<10240x144xf32, #tpu.memory_space<hbm>>, %arg3: memref<10240x16xf32, #tpu.memory_space<hbm>>, %arg4: memref<16xf32, #tpu.memory_space<hbm>>, %arg5: memref<320000xi32, #tpu.memory_space<hbm>>, %arg6: memref<320000xi32, #tpu.memory_space<hbm>>, %arg7: memref<10240x144xf32, #tpu.memory_space<hbm>>, %arg8: memref<2x10240x144xf32, #tpu.memory_space<hbm>>, %arg9: memref<40xi32, #tpu.memory_space<vmem>>, %arg10: memref<40xi32, #tpu.memory_space<vmem>>, %arg11: memref<40xi32, #tpu.memory_space<vmem>>, %arg12: memref<40xi32, #tpu.memory_space<vmem>>, %arg13: memref<40xi32, #tpu.memory_space<vmem>>, %arg14: memref<40xi32, #tpu.memory_space<vmem>>, %arg15: memref<40x144xf32, #tpu.memory_space<vmem>>, %arg16: memref<40x144xf32, #tpu.memory_space<vmem>>, %arg17: memref<40x16xf32, #tpu.memory_space<vmem>>, %arg18: memref<40x16xf32, #tpu.memory_space<vmem>>, %arg19: memref<40x144xf32, #tpu.memory_space<vmem>>, %arg20: memref<40x144xf32, #tpu.memory_space<vmem>>, %arg21: memref<16xf32, #tpu.memory_space<vmem>>, %arg22: memref<10240x144xf32, #tpu.memory_space<vmem_shared>>, %arg23: memref<!tpu.dma_semaphore, #tpu.memory_space<semaphore_mem>>, %arg24: memref<!tpu.dma_semaphore, #tpu.memory_space<semaphore_mem>>, %arg25: memref<!tpu.dma_semaphore, #tpu.memory_space<semaphore_mem>>, %arg26: memref<!tpu.dma_semaphore, #tpu.memory_space<semaphore_mem>>, %arg27: memref<!tpu.dma_semaphore, #tpu.memory_space<semaphore_mem>>, %arg28: memref<!tpu.dma_semaphore, #tpu.memory_space<semaphore_mem>>) attributes {dimension_semantics = [#tpu.dimension_semantics<core_parallel>, #tpu.dimension_semantics<subcore_parallel>], iteration_bounds = array<i64: 2, 16>, scalar_prefetch = 0 : i64, scratch_operands = 20 : i64, tpu.core_type = #tpu.core_type<sc_vector_subcore>, window_params = [{transform_indices = #map}, {transform_indices = #map}, {transform_indices = #map1}, {transform_indices = #map1}, {transform_indices = #map1}, {transform_indices = #map}, {transform_indices = #map2}]} {
    %mul3A = arith.constant 2 : i32
    %mul3A_0 = arith.muli %arg1, %mul3A : i32
    %add3A = arith.addi %mul3A_0, %arg0 : i32
    %mul3A_1 = arith.constant 640 : i32
    %mul3A_2 = arith.muli %arg1, %mul3A_1 : i32
    %mul3A_3 = arith.constant 640 : i32
    %mul3A_4 = arith.muli %arg1, %mul3A_3 : i32
    "tpu.region"() ({
      %run_scoped3A = tpu.sem_alloc : memref<!tpu.dma_semaphore, #tpu.memory_space<semaphore_mem>>
      %dma_start3A_35 = arith.constant 0 : i32
      %dma_start3A_36 = tpu.memref_slice %arg22[%mul3A_4, %dma_start3A_35] : memref<10240x144xf32, #tpu.memory_space<vmem_shared>> -> memref<640x144xf32, #tpu.memory_space<vmem_shared>>
      %dma_start3A_37 = arith.constant 0 : i32
      %dma_start3A_38 = tpu.memref_slice %arg7[%mul3A_2, %dma_start3A_37] : memref<10240x144xf32, #tpu.memory_space<hbm>> -> memref<640x144xf32, #tpu.memory_space<hbm>>
      tpu.enqueue_dma source(%dma_start3A_38 : memref<640x144xf32, #tpu.memory_space<hbm>>) target(%dma_start3A_36 : memref<640x144xf32, #tpu.memory_space<vmem_shared>>) target_semaphore(%run_scoped3A : memref<!tpu.dma_semaphore, #tpu.memory_space<semaphore_mem>>)
      %dma_wait3A_39 = arith.constant 0 : i32
      %dma_wait3A_40 = tpu.memref_slice %arg22[%mul3A_4, %dma_wait3A_39] : memref<10240x144xf32, #tpu.memory_space<vmem_shared>> -> memref<640x144xf32, #tpu.memory_space<vmem_shared>>
      %dma_wait3A_41 = arith.constant 0 : i32
      %dma_wait3A_42 = tpu.memref_slice %arg7[%mul3A_2, %dma_wait3A_41] : memref<10240x144xf32, #tpu.memory_space<hbm>> -> memref<640x144xf32, #tpu.memory_space<hbm>>
      tpu.wait_dma2 semaphore(%run_scoped3A : memref<!tpu.dma_semaphore, #tpu.memory_space<semaphore_mem>>) src(%dma_wait3A_42 : memref<640x144xf32, #tpu.memory_space<hbm>>) dst(%dma_wait3A_40 : memref<640x144xf32, #tpu.memory_space<vmem_shared>>)
      tpu.yield
    }) : () -> ()
    "tpu.region"() ({
      %run_scoped3A = tpu.sem_alloc : memref<!tpu.dma_semaphore, #tpu.memory_space<semaphore_mem>>
      tpu.enqueue_dma source(%arg4 : memref<16xf32, #tpu.memory_space<hbm>>) target(%arg21 : memref<16xf32, #tpu.memory_space<vmem>>) target_semaphore(%run_scoped3A : memref<!tpu.dma_semaphore, #tpu.memory_space<semaphore_mem>>)
      tpu.wait_dma2 semaphore(%run_scoped3A : memref<!tpu.dma_semaphore, #tpu.memory_space<semaphore_mem>>) src(%arg4 : memref<16xf32, #tpu.memory_space<hbm>>) dst(%arg21 : memref<16xf32, #tpu.memory_space<vmem>>)
      tpu.yield
    }) : () -> ()
    %barrier3A = arith.constant 0 : index
    tpu.barrier barrier_id(%barrier3A)
    %mul3A_5 = arith.constant 10000 : i32
    %mul3A_6 = arith.muli %add3A, %mul3A_5 : i32
    %add3A_7 = arith.constant 0 : i32
    %add3A_8 = arith.addi %mul3A_6, %add3A_7 : i32
    "tpu.region"() ({
      %run_scoped3A = tpu.sem_alloc : memref<!tpu.dma_semaphore, #tpu.memory_space<semaphore_mem>>
      %dma_start3A_35 = tpu.memref_slice %arg5[%add3A_8] : memref<320000xi32, #tpu.memory_space<hbm>> -> memref<40xi32, #tpu.memory_space<hbm>>
      %dma_start3A_36 = tpu.memref_slice %arg5[%add3A_8] : memref<320000xi32, #tpu.memory_space<hbm>> -> memref<40xi32, #tpu.memory_space<hbm>>
      tpu.enqueue_dma source(%dma_start3A_36 : memref<40xi32, #tpu.memory_space<hbm>>) target(%arg9 : memref<40xi32, #tpu.memory_space<vmem>>) target_semaphore(%run_scoped3A : memref<!tpu.dma_semaphore, #tpu.memory_space<semaphore_mem>>)
      %dma_wait3A_37 = tpu.memref_slice %arg5[%add3A_8] : memref<320000xi32, #tpu.memory_space<hbm>> -> memref<40xi32, #tpu.memory_space<hbm>>
      %dma_wait3A_38 = tpu.memref_slice %arg5[%add3A_8] : memref<320000xi32, #tpu.memory_space<hbm>> -> memref<40xi32, #tpu.memory_space<hbm>>
      tpu.wait_dma2 semaphore(%run_scoped3A : memref<!tpu.dma_semaphore, #tpu.memory_space<semaphore_mem>>) src(%dma_wait3A_38 : memref<40xi32, #tpu.memory_space<hbm>>) dst(%arg9 : memref<40xi32, #tpu.memory_space<vmem>>)
      tpu.yield
    }) : () -> ()
    "tpu.region"() ({
      %run_scoped3A = tpu.sem_alloc : memref<!tpu.dma_semaphore, #tpu.memory_space<semaphore_mem>>
      %dma_start3A_35 = tpu.memref_slice %arg6[%add3A_8] : memref<320000xi32, #tpu.memory_space<hbm>> -> memref<40xi32, #tpu.memory_space<hbm>>
      %dma_start3A_36 = tpu.memref_slice %arg6[%add3A_8] : memref<320000xi32, #tpu.memory_space<hbm>> -> memref<40xi32, #tpu.memory_space<hbm>>
      tpu.enqueue_dma source(%dma_start3A_36 : memref<40xi32, #tpu.memory_space<hbm>>) target(%arg10 : memref<40xi32, #tpu.memory_space<vmem>>) target_semaphore(%run_scoped3A : memref<!tpu.dma_semaphore, #tpu.memory_space<semaphore_mem>>)
      %dma_wait3A_37 = tpu.memref_slice %arg6[%add3A_8] : memref<320000xi32, #tpu.memory_space<hbm>> -> memref<40xi32, #tpu.memory_space<hbm>>
      %dma_wait3A_38 = tpu.memref_slice %arg6[%add3A_8] : memref<320000xi32, #tpu.memory_space<hbm>> -> memref<40xi32, #tpu.memory_space<hbm>>
      tpu.wait_dma2 semaphore(%run_scoped3A : memref<!tpu.dma_semaphore, #tpu.memory_space<semaphore_mem>>) src(%dma_wait3A_38 : memref<40xi32, #tpu.memory_space<hbm>>) dst(%arg10 : memref<40xi32, #tpu.memory_space<vmem>>)
      tpu.yield
    }) : () -> ()
    %dma_start3A = arith.constant 0 : i32
    %dma_start3A_9 = arith.constant 0 : i32
    %dma_start3A_10 = tpu.memref_slice %arg2[%dma_start3A, %dma_start3A_9] : memref<10240x144xf32, #tpu.memory_space<hbm>> -> memref<10240x144xf32, #tpu.memory_space<hbm>>
    tpu.enqueue_indirect_dma source(%dma_start3A_10 : memref<10240x144xf32, #tpu.memory_space<hbm>>) target(%arg15 : memref<40x144xf32, #tpu.memory_space<vmem>>) offsets(%arg9 : memref<40xi32, #tpu.memory_space<vmem>>) semaphore(%arg23 : memref<!tpu.dma_semaphore, #tpu.memory_space<semaphore_mem>>)
    %dma_start3A_11 = arith.constant 0 : i32
    %dma_start3A_12 = arith.constant 0 : i32
    %dma_start3A_13 = tpu.memref_slice %arg3[%dma_start3A_11, %dma_start3A_12] : memref<10240x16xf32, #tpu.memory_space<hbm>> -> memref<10240x16xf32, #tpu.memory_space<hbm>>
    tpu.enqueue_indirect_dma source(%dma_start3A_13 : memref<10240x16xf32, #tpu.memory_space<hbm>>) target(%arg17 : memref<40x16xf32, #tpu.memory_space<vmem>>) offsets(%arg10 : memref<40xi32, #tpu.memory_space<vmem>>) semaphore(%arg23 : memref<!tpu.dma_semaphore, #tpu.memory_space<semaphore_mem>>)
    %scan3A = arith.constant 0 : i32
    %scan3A_14 = arith.constant 0 : i32
    %scan3A_15 = arith.constant 125 : i32
    %scan3A_16 = arith.addi %scan3A_14, %scan3A_15 : i32
    %scan3A_17 = arith.constant 1 : i32
    scf.for %scan3A_35 = %scan3A_14 to %scan3A_16 step %scan3A_17  : i32 {
      %mul3A_36 = arith.constant 2 : i32
      %mul3A_37 = arith.muli %scan3A_35, %mul3A_36 : i32
      %add3A_38 = arith.constant 1 : i32
      %add3A_39 = arith.addi %mul3A_37, %add3A_38 : i32
      %mul3A_40 = arith.constant 10000 : i32
      %mul3A_41 = arith.muli %add3A, %mul3A_40 : i32
      %mul3A_42 = arith.constant 40 : i32
      %mul3A_43 = arith.muli %add3A_39, %mul3A_42 : i32
      %add3A_44 = arith.addi %mul3A_41, %mul3A_43 : i32
      "tpu.region"() ({
        %run_scoped3A = tpu.sem_alloc : memref<!tpu.dma_semaphore, #tpu.memory_space<semaphore_mem>>
        %dma_start3A_128 = tpu.memref_slice %arg5[%add3A_44] : memref<320000xi32, #tpu.memory_space<hbm>> -> memref<40xi32, #tpu.memory_space<hbm>>
        %dma_start3A_129 = tpu.memref_slice %arg5[%add3A_44] : memref<320000xi32, #tpu.memory_space<hbm>> -> memref<40xi32, #tpu.memory_space<hbm>>
        tpu.enqueue_dma source(%dma_start3A_129 : memref<40xi32, #tpu.memory_space<hbm>>) target(%arg11 : memref<40xi32, #tpu.memory_space<vmem>>) target_semaphore(%run_scoped3A : memref<!tpu.dma_semaphore, #tpu.memory_space<semaphore_mem>>)
        %dma_wait3A_130 = tpu.memref_slice %arg5[%add3A_44] : memref<320000xi32, #tpu.memory_space<hbm>> -> memref<40xi32, #tpu.memory_space<hbm>>
        %dma_wait3A_131 = tpu.memref_slice %arg5[%add3A_44] : memref<320000xi32, #tpu.memory_space<hbm>> -> memref<40xi32, #tpu.memory_space<hbm>>
        tpu.wait_dma2 semaphore(%run_scoped3A : memref<!tpu.dma_semaphore, #tpu.memory_space<semaphore_mem>>) src(%dma_wait3A_131 : memref<40xi32, #tpu.memory_space<hbm>>) dst(%arg11 : memref<40xi32, #tpu.memory_space<vmem>>)
        tpu.yield
      }) : () -> ()
      "tpu.region"() ({
        %run_scoped3A = tpu.sem_alloc : memref<!tpu.dma_semaphore, #tpu.memory_space<semaphore_mem>>
        %dma_start3A_128 = tpu.memref_slice %arg6[%add3A_44] : memref<320000xi32, #tpu.memory_space<hbm>> -> memref<40xi32, #tpu.memory_space<hbm>>
        %dma_start3A_129 = tpu.memref_slice %arg6[%add3A_44] : memref<320000xi32, #tpu.memory_space<hbm>> -> memref<40xi32, #tpu.memory_space<hbm>>
        tpu.enqueue_dma source(%dma_start3A_129 : memref<40xi32, #tpu.memory_space<hbm>>) target(%arg12 : memref<40xi32, #tpu.memory_space<vmem>>) target_semaphore(%run_scoped3A : memref<!tpu.dma_semaphore, #tpu.memory_space<semaphore_mem>>)
        %dma_wait3A_130 = tpu.memref_slice %arg6[%add3A_44] : memref<320000xi32, #tpu.memory_space<hbm>> -> memref<40xi32, #tpu.memory_space<hbm>>
        %dma_wait3A_131 = tpu.memref_slice %arg6[%add3A_44] : memref<320000xi32, #tpu.memory_space<hbm>> -> memref<40xi32, #tpu.memory_space<hbm>>
        tpu.wait_dma2 semaphore(%run_scoped3A : memref<!tpu.dma_semaphore, #tpu.memory_space<semaphore_mem>>) src(%dma_wait3A_131 : memref<40xi32, #tpu.memory_space<hbm>>) dst(%arg12 : memref<40xi32, #tpu.memory_space<vmem>>)
        tpu.yield
      }) : () -> ()
      %dma_start3A_45 = arith.constant 0 : i32
      %dma_start3A_46 = arith.constant 0 : i32
      %dma_start3A_47 = tpu.memref_slice %arg2[%dma_start3A_45, %dma_start3A_46] : memref<10240x144xf32, #tpu.memory_space<hbm>> -> memref<10240x144xf32, #tpu.memory_space<hbm>>
      tpu.enqueue_indirect_dma source(%dma_start3A_47 : memref<10240x144xf32, #tpu.memory_space<hbm>>) target(%arg16 : memref<40x144xf32, #tpu.memory_space<vmem>>) offsets(%arg11 : memref<40xi32, #tpu.memory_space<vmem>>) semaphore(%arg24 : memref<!tpu.dma_semaphore, #tpu.memory_space<semaphore_mem>>)
      %dma_start3A_48 = arith.constant 0 : i32
      %dma_start3A_49 = arith.constant 0 : i32
      %dma_start3A_50 = tpu.memref_slice %arg3[%dma_start3A_48, %dma_start3A_49] : memref<10240x16xf32, #tpu.memory_space<hbm>> -> memref<10240x16xf32, #tpu.memory_space<hbm>>
      tpu.enqueue_indirect_dma source(%dma_start3A_50 : memref<10240x16xf32, #tpu.memory_space<hbm>>) target(%arg18 : memref<40x16xf32, #tpu.memory_space<vmem>>) offsets(%arg12 : memref<40xi32, #tpu.memory_space<vmem>>) semaphore(%arg24 : memref<!tpu.dma_semaphore, #tpu.memory_space<semaphore_mem>>)
      %dma_wait3A_51 = arith.constant 0 : i32
      %dma_wait3A_52 = arith.constant 0 : i32
      %dma_wait3A_53 = tpu.memref_slice %arg2[%dma_wait3A_51, %dma_wait3A_52] : memref<10240x144xf32, #tpu.memory_space<hbm>> -> memref<40x144xf32, #tpu.memory_space<hbm>>
      %dma_wait3A_54 = arith.constant 0 : i32
      %dma_wait3A_55 = arith.constant 0 : i32
      %dma_wait3A_56 = tpu.memref_slice %arg2[%dma_wait3A_54, %dma_wait3A_55] : memref<10240x144xf32, #tpu.memory_space<hbm>> -> memref<40x144xf32, #tpu.memory_space<hbm>>
      tpu.wait_dma2 semaphore(%arg23 : memref<!tpu.dma_semaphore, #tpu.memory_space<semaphore_mem>>) src(%dma_wait3A_56 : memref<40x144xf32, #tpu.memory_space<hbm>>) dst(%arg15 : memref<40x144xf32, #tpu.memory_space<vmem>>)
      %dma_wait3A_57 = arith.constant 0 : i32
      %dma_wait3A_58 = arith.constant 0 : i32
      %dma_wait3A_59 = tpu.memref_slice %arg3[%dma_wait3A_57, %dma_wait3A_58] : memref<10240x16xf32, #tpu.memory_space<hbm>> -> memref<40x16xf32, #tpu.memory_space<hbm>>
      %dma_wait3A_60 = arith.constant 0 : i32
      %dma_wait3A_61 = arith.constant 0 : i32
      %dma_wait3A_62 = tpu.memref_slice %arg3[%dma_wait3A_60, %dma_wait3A_61] : memref<10240x16xf32, #tpu.memory_space<hbm>> -> memref<40x16xf32, #tpu.memory_space<hbm>>
      tpu.wait_dma2 semaphore(%arg23 : memref<!tpu.dma_semaphore, #tpu.memory_space<semaphore_mem>>) src(%dma_wait3A_62 : memref<40x16xf32, #tpu.memory_space<hbm>>) dst(%arg17 : memref<40x16xf32, #tpu.memory_space<vmem>>)
      %gt3A = arith.constant 0 : i32
      %gt3A_63 = arith.cmpi sgt, %scan3A_35, %gt3A : i32
      %convert_element_type3A = arith.extui %gt3A_63 : i1 to i32
      %cond3A = arith.constant 0 : i32
      %cond3A_64 = arith.cmpi ne, %convert_element_type3A, %cond3A : i32
      scf.if %cond3A_64 {
        %dma_wait3A_128 = arith.constant 0 : i32
        %dma_wait3A_129 = arith.constant 0 : i32
        %dma_wait3A_130 = tpu.memref_slice %arg2[%dma_wait3A_128, %dma_wait3A_129] : memref<10240x144xf32, #tpu.memory_space<hbm>> -> memref<40x144xf32, #tpu.memory_space<hbm>>
        %dma_wait3A_131 = arith.constant 0 : i32
        %dma_wait3A_132 = arith.constant 0 : i32
        %dma_wait3A_133 = tpu.memref_slice %arg2[%dma_wait3A_131, %dma_wait3A_132] : memref<10240x144xf32, #tpu.memory_space<hbm>> -> memref<40x144xf32, #tpu.memory_space<hbm>>
        tpu.wait_dma2 semaphore(%arg25 : memref<!tpu.dma_semaphore, #tpu.memory_space<semaphore_mem>>) src(%dma_wait3A_133 : memref<40x144xf32, #tpu.memory_space<hbm>>) dst(%arg19 : memref<40x144xf32, #tpu.memory_space<vmem>>)
      } else {
      }
      %mul3A_65 = arith.constant 10000 : i32
      %mul3A_66 = arith.muli %add3A, %mul3A_65 : i32
      %mul3A_67 = arith.constant 40 : i32
      %mul3A_68 = arith.muli %mul3A_37, %mul3A_67 : i32
      %add3A_69 = arith.addi %mul3A_66, %mul3A_68 : i32
      %dma_start3A_70 = tpu.memref_slice %arg6[%add3A_69] : memref<320000xi32, #tpu.memory_space<hbm>> -> memref<40xi32, #tpu.memory_space<hbm>>
      %dma_start3A_71 = tpu.memref_slice %arg6[%add3A_69] : memref<320000xi32, #tpu.memory_space<hbm>> -> memref<40xi32, #tpu.memory_space<hbm>>
      tpu.enqueue_dma source(%dma_start3A_71 : memref<40xi32, #tpu.memory_space<hbm>>) target(%arg13 : memref<40xi32, #tpu.memory_space<vmem>>) target_semaphore(%arg27 : memref<!tpu.dma_semaphore, #tpu.memory_space<semaphore_mem>>)
      %scan3A_72 = arith.constant 0 : i32
      %scan3A_73 = arith.constant 0 : i32
      %scan3A_74 = arith.constant 40 : i32
      %scan3A_75 = arith.addi %scan3A_73, %scan3A_74 : i32
      %scan3A_76 = arith.constant 1 : i32
      scf.for %scan3A_128 = %scan3A_73 to %scan3A_75 step %scan3A_76  : i32 {
        %get3A = arith.index_cast %scan3A_128 : i32 to index
        %get3A_129 = arith.constant 128 : index
        %get3A_130 = tpu.vector_load %arg15[%get3A, %get3A_129] {strides = array<i32>} : memref<40x144xf32, #tpu.memory_space<vmem>>, vector<1x16xf32>,
        %get3A_131 = vector.shape_cast %get3A_130 : vector<1x16xf32> to vector<16xf32>
        %get3A_132 = arith.index_cast %scan3A_128 : i32 to index
        %get3A_133 = arith.constant 0 : index
        %get3A_134 = tpu.vector_load %arg17[%get3A_132, %get3A_133] {strides = array<i32>} : memref<40x16xf32, #tpu.memory_space<vmem>>, vector<1x16xf32>,
        %get3A_135 = vector.shape_cast %get3A_134 : vector<1x16xf32> to vector<16xf32>
        %add3A_136 = arith.addf %get3A_131, %get3A_135 : vector<16xf32>
        %ge3A = arith.constant 0.000000e+00 : f32
        %ge3A_137 = vector.broadcast %ge3A : f32 to vector<16xf32>
        %ge3A_138 = arith.cmpf oge, %add3A_136, %ge3A_137 : vector<16xf32>
        %mul3A_139 = arith.constant 2.000000e-01 : f32
        %mul3A_140 = vector.broadcast %mul3A_139 : f32 to vector<16xf32>
        %mul3A_141 = arith.mulf %mul3A_140, %add3A_136 : vector<16xf32>
        %select_n3A = arith.select %ge3A_138, %add3A_136, %mul3A_141 : vector<16xi1>, vector<16xf32>
        %get3A_142 = arith.constant 0 : index
        %get3A_143 = tpu.vector_load %arg21[%get3A_142] {strides = array<i32>} : memref<16xf32, #tpu.memory_space<vmem>>, vector<16xf32>,
        %get3A_144 = vector.shape_cast %get3A_143 : vector<16xf32> to vector<16xf32>
        %sub3A = arith.subf %select_n3A, %get3A_144 : vector<16xf32>
        %exp3A = math.exp %sub3A : vector<16xf32>
        %swap3A = arith.index_cast %scan3A_128 : i32 to index
        %swap3A_145 = arith.constant 128 : index
        %swap3A_146 = tpu.vector_load %arg19[%swap3A, %swap3A_145] {strides = array<i32>} : memref<40x144xf32, #tpu.memory_space<vmem>>, vector<1x16xf32>,
        %swap3A_147 = vector.shape_cast %swap3A_146 : vector<1x16xf32> to vector<16xf32>
        %swap3A_148 = vector.shape_cast %exp3A : vector<16xf32> to vector<1x16xf32>
        tpu.vector_store %arg19[%swap3A, %swap3A_145], %swap3A_148 {strides = array<i32>} : memref<40x144xf32, #tpu.memory_space<vmem>>, vector<1x16xf32>,
        %slice3A = vector.extract_strided_slice %exp3A {offsets = [0], sizes = [1], strides = [1]} : vector<16xf32> to vector<1xf32>
        %squeeze3A = vector.extract %slice3A[0] : f32 from vector<1xf32>
        %broadcast_in_dim3A = vector.broadcast %squeeze3A : f32 to vector<16xf32>
        %get3A_149 = arith.index_cast %scan3A_128 : i32 to index
        %get3A_150 = arith.constant 0 : index
        %get3A_151 = tpu.vector_load %arg15[%get3A_149, %get3A_150] {strides = array<i32>} : memref<40x144xf32, #tpu.memory_space<vmem>>, vector<1x16xf32>,
        %get3A_152 = vector.shape_cast %get3A_151 : vector<1x16xf32> to vector<16xf32>
        %mul3A_153 = arith.mulf %get3A_152, %broadcast_in_dim3A : vector<16xf32>
        %swap3A_154 = arith.index_cast %scan3A_128 : i32 to index
        %swap3A_155 = arith.constant 0 : index
        %swap3A_156 = tpu.vector_load %arg19[%swap3A_154, %swap3A_155] {strides = array<i32>} : memref<40x144xf32, #tpu.memory_space<vmem>>, vector<1x16xf32>,
        %swap3A_157 = vector.shape_cast %swap3A_156 : vector<1x16xf32> to vector<16xf32>
        %swap3A_158 = vector.shape_cast %mul3A_153 : vector<16xf32> to vector<1x16xf32>
        tpu.vector_store %arg19[%swap3A_154, %swap3A_155], %swap3A_158 {strides = array<i32>} : memref<40x144xf32, #tpu.memory_space<vmem>>, vector<1x16xf32>,
        %slice3A_159 = vector.extract_strided_slice %exp3A {offsets = [1], sizes = [1], strides = [1]} : vector<16xf32> to vector<1xf32>
        %squeeze3A_160 = vector.extract %slice3A_159[0] : f32 from vector<1xf32>
        %broadcast_in_dim3A_161 = vector.broadcast %squeeze3A_160 : f32 to vector<16xf32>
        %get3A_162 = arith.index_cast %scan3A_128 : i32 to index
        %get3A_163 = arith.constant 16 : index
        %get3A_164 = tpu.vector_load %arg15[%get3A_162, %get3A_163] {strides = array<i32>} : memref<40x144xf32, #tpu.memory_space<vmem>>, vector<1x16xf32>,
        %get3A_165 = vector.shape_cast %get3A_164 : vector<1x16xf32> to vector<16xf32>
        %mul3A_166 = arith.mulf %get3A_165, %broadcast_in_dim3A_161 : vector<16xf32>
        %swap3A_167 = arith.index_cast %scan3A_128 : i32 to index
        %swap3A_168 = arith.constant 16 : index
        %swap3A_169 = tpu.vector_load %arg19[%swap3A_167, %swap3A_168] {strides = array<i32>} : memref<40x144xf32, #tpu.memory_space<vmem>>, vector<1x16xf32>,
        %swap3A_170 = vector.shape_cast %swap3A_169 : vector<1x16xf32> to vector<16xf32>
        %swap3A_171 = vector.shape_cast %mul3A_166 : vector<16xf32> to vector<1x16xf32>
        tpu.vector_store %arg19[%swap3A_167, %swap3A_168], %swap3A_171 {strides = array<i32>} : memref<40x144xf32, #tpu.memory_space<vmem>>, vector<1x16xf32>,
        %slice3A_172 = vector.extract_strided_slice %exp3A {offsets = [2], sizes = [1], strides = [1]} : vector<16xf32> to vector<1xf32>
        %squeeze3A_173 = vector.extract %slice3A_172[0] : f32 from vector<1xf32>
        %broadcast_in_dim3A_174 = vector.broadcast %squeeze3A_173 : f32 to vector<16xf32>
        %get3A_175 = arith.index_cast %scan3A_128 : i32 to index
        %get3A_176 = arith.constant 32 : index
        %get3A_177 = tpu.vector_load %arg15[%get3A_175, %get3A_176] {strides = array<i32>} : memref<40x144xf32, #tpu.memory_space<vmem>>, vector<1x16xf32>,
        %get3A_178 = vector.shape_cast %get3A_177 : vector<1x16xf32> to vector<16xf32>
        %mul3A_179 = arith.mulf %get3A_178, %broadcast_in_dim3A_174 : vector<16xf32>
        %swap3A_180 = arith.index_cast %scan3A_128 : i32 to index
        %swap3A_181 = arith.constant 32 : index
        %swap3A_182 = tpu.vector_load %arg19[%swap3A_180, %swap3A_181] {strides = array<i32>} : memref<40x144xf32, #tpu.memory_space<vmem>>, vector<1x16xf32>,
        %swap3A_183 = vector.shape_cast %swap3A_182 : vector<1x16xf32> to vector<16xf32>
        %swap3A_184 = vector.shape_cast %mul3A_179 : vector<16xf32> to vector<1x16xf32>
        tpu.vector_store %arg19[%swap3A_180, %swap3A_181], %swap3A_184 {strides = array<i32>} : memref<40x144xf32, #tpu.memory_space<vmem>>, vector<1x16xf32>,
        %slice3A_185 = vector.extract_strided_slice %exp3A {offsets = [3], sizes = [1], strides = [1]} : vector<16xf32> to vector<1xf32>
        %squeeze3A_186 = vector.extract %slice3A_185[0] : f32 from vector<1xf32>
        %broadcast_in_dim3A_187 = vector.broadcast %squeeze3A_186 : f32 to vector<16xf32>
        %get3A_188 = arith.index_cast %scan3A_128 : i32 to index
        %get3A_189 = arith.constant 48 : index
        %get3A_190 = tpu.vector_load %arg15[%get3A_188, %get3A_189] {strides = array<i32>} : memref<40x144xf32, #tpu.memory_space<vmem>>, vector<1x16xf32>,
        %get3A_191 = vector.shape_cast %get3A_190 : vector<1x16xf32> to vector<16xf32>
        %mul3A_192 = arith.mulf %get3A_191, %broadcast_in_dim3A_187 : vector<16xf32>
        %swap3A_193 = arith.index_cast %scan3A_128 : i32 to index
        %swap3A_194 = arith.constant 48 : index
        %swap3A_195 = tpu.vector_load %arg19[%swap3A_193, %swap3A_194] {strides = array<i32>} : memref<40x144xf32, #tpu.memory_space<vmem>>, vector<1x16xf32>,
        %swap3A_196 = vector.shape_cast %swap3A_195 : vector<1x16xf32> to vector<16xf32>
        %swap3A_197 = vector.shape_cast %mul3A_192 : vector<16xf32> to vector<1x16xf32>
        tpu.vector_store %arg19[%swap3A_193, %swap3A_194], %swap3A_197 {strides = array<i32>} : memref<40x144xf32, #tpu.memory_space<vmem>>, vector<1x16xf32>,
        %slice3A_198 = vector.extract_strided_slice %exp3A {offsets = [4], sizes = [1], strides = [1]} : vector<16xf32> to vector<1xf32>
        %squeeze3A_199 = vector.extract %slice3A_198[0] : f32 from vector<1xf32>
        %broadcast_in_dim3A_200 = vector.broadcast %squeeze3A_199 : f32 to vector<16xf32>
        %get3A_201 = arith.index_cast %scan3A_128 : i32 to index
        %get3A_202 = arith.constant 64 : index
        %get3A_203 = tpu.vector_load %arg15[%get3A_201, %get3A_202] {strides = array<i32>} : memref<40x144xf32, #tpu.memory_space<vmem>>, vector<1x16xf32>,
        %get3A_204 = vector.shape_cast %get3A_203 : vector<1x16xf32> to vector<16xf32>
        %mul3A_205 = arith.mulf %get3A_204, %broadcast_in_dim3A_200 : vector<16xf32>
        %swap3A_206 = arith.index_cast %scan3A_128 : i32 to index
        %swap3A_207 = arith.constant 64 : index
        %swap3A_208 = tpu.vector_load %arg19[%swap3A_206, %swap3A_207] {strides = array<i32>} : memref<40x144xf32, #tpu.memory_space<vmem>>, vector<1x16xf32>,
        %swap3A_209 = vector.shape_cast %swap3A_208 : vector<1x16xf32> to vector<16xf32>
        %swap3A_210 = vector.shape_cast %mul3A_205 : vector<16xf32> to vector<1x16xf32>
        tpu.vector_store %arg19[%swap3A_206, %swap3A_207], %swap3A_210 {strides = array<i32>} : memref<40x144xf32, #tpu.memory_space<vmem>>, vector<1x16xf32>,
        %slice3A_211 = vector.extract_strided_slice %exp3A {offsets = [5], sizes = [1], strides = [1]} : vector<16xf32> to vector<1xf32>
        %squeeze3A_212 = vector.extract %slice3A_211[0] : f32 from vector<1xf32>
        %broadcast_in_dim3A_213 = vector.broadcast %squeeze3A_212 : f32 to vector<16xf32>
        %get3A_214 = arith.index_cast %scan3A_128 : i32 to index
        %get3A_215 = arith.constant 80 : index
        %get3A_216 = tpu.vector_load %arg15[%get3A_214, %get3A_215] {strides = array<i32>} : memref<40x144xf32, #tpu.memory_space<vmem>>, vector<1x16xf32>,
        %get3A_217 = vector.shape_cast %get3A_216 : vector<1x16xf32> to vector<16xf32>
        %mul3A_218 = arith.mulf %get3A_217, %broadcast_in_dim3A_213 : vector<16xf32>
        %swap3A_219 = arith.index_cast %scan3A_128 : i32 to index
        %swap3A_220 = arith.constant 80 : index
        %swap3A_221 = tpu.vector_load %arg19[%swap3A_219, %swap3A_220] {strides = array<i32>} : memref<40x144xf32, #tpu.memory_space<vmem>>, vector<1x16xf32>,
        %swap3A_222 = vector.shape_cast %swap3A_221 : vector<1x16xf32> to vector<16xf32>
        %swap3A_223 = vector.shape_cast %mul3A_218 : vector<16xf32> to vector<1x16xf32>
        tpu.vector_store %arg19[%swap3A_219, %swap3A_220], %swap3A_223 {strides = array<i32>} : memref<40x144xf32, #tpu.memory_space<vmem>>, vector<1x16xf32>,
        %slice3A_224 = vector.extract_strided_slice %exp3A {offsets = [6], sizes = [1], strides = [1]} : vector<16xf32> to vector<1xf32>
        %squeeze3A_225 = vector.extract %slice3A_224[0] : f32 from vector<1xf32>
        %broadcast_in_dim3A_226 = vector.broadcast %squeeze3A_225 : f32 to vector<16xf32>
        %get3A_227 = arith.index_cast %scan3A_128 : i32 to index
        %get3A_228 = arith.constant 96 : index
        %get3A_229 = tpu.vector_load %arg15[%get3A_227, %get3A_228] {strides = array<i32>} : memref<40x144xf32, #tpu.memory_space<vmem>>, vector<1x16xf32>,
        %get3A_230 = vector.shape_cast %get3A_229 : vector<1x16xf32> to vector<16xf32>
        %mul3A_231 = arith.mulf %get3A_230, %broadcast_in_dim3A_226 : vector<16xf32>
        %swap3A_232 = arith.index_cast %scan3A_128 : i32 to index
        %swap3A_233 = arith.constant 96 : index
        %swap3A_234 = tpu.vector_load %arg19[%swap3A_232, %swap3A_233] {strides = array<i32>} : memref<40x144xf32, #tpu.memory_space<vmem>>, vector<1x16xf32>,
        %swap3A_235 = vector.shape_cast %swap3A_234 : vector<1x16xf32> to vector<16xf32>
        %swap3A_236 = vector.shape_cast %mul3A_231 : vector<16xf32> to vector<1x16xf32>
        tpu.vector_store %arg19[%swap3A_232, %swap3A_233], %swap3A_236 {strides = array<i32>} : memref<40x144xf32, #tpu.memory_space<vmem>>, vector<1x16xf32>,
        %slice3A_237 = vector.extract_strided_slice %exp3A {offsets = [7], sizes = [1], strides = [1]} : vector<16xf32> to vector<1xf32>
        %squeeze3A_238 = vector.extract %slice3A_237[0] : f32 from vector<1xf32>
        %broadcast_in_dim3A_239 = vector.broadcast %squeeze3A_238 : f32 to vector<16xf32>
        %get3A_240 = arith.index_cast %scan3A_128 : i32 to index
        %get3A_241 = arith.constant 112 : index
        %get3A_242 = tpu.vector_load %arg15[%get3A_240, %get3A_241] {strides = array<i32>} : memref<40x144xf32, #tpu.memory_space<vmem>>, vector<1x16xf32>,
        %get3A_243 = vector.shape_cast %get3A_242 : vector<1x16xf32> to vector<16xf32>
        %mul3A_244 = arith.mulf %get3A_243, %broadcast_in_dim3A_239 : vector<16xf32>
        %swap3A_245 = arith.index_cast %scan3A_128 : i32 to index
        %swap3A_246 = arith.constant 112 : index
        %swap3A_247 = tpu.vector_load %arg19[%swap3A_245, %swap3A_246] {strides = array<i32>} : memref<40x144xf32, #tpu.memory_space<vmem>>, vector<1x16xf32>,
        %swap3A_248 = vector.shape_cast %swap3A_247 : vector<1x16xf32> to vector<16xf32>
        %swap3A_249 = vector.shape_cast %mul3A_244 : vector<16xf32> to vector<1x16xf32>
        tpu.vector_store %arg19[%swap3A_245, %swap3A_246], %swap3A_249 {strides = array<i32>} : memref<40x144xf32, #tpu.memory_space<vmem>>, vector<1x16xf32>,
      }
      %scan3A_77 = arith.constant 40 : i32
      %dma_wait3A_78 = arith.constant 0 : i32
      %dma_wait3A_79 = tpu.memref_slice %arg6[%dma_wait3A_78] : memref<320000xi32, #tpu.memory_space<hbm>> -> memref<40xi32, #tpu.memory_space<hbm>>
      %dma_wait3A_80 = arith.constant 0 : i32
      %dma_wait3A_81 = tpu.memref_slice %arg6[%dma_wait3A_80] : memref<320000xi32, #tpu.memory_space<hbm>> -> memref<40xi32, #tpu.memory_space<hbm>>
      tpu.wait_dma2 semaphore(%arg27 : memref<!tpu.dma_semaphore, #tpu.memory_space<semaphore_mem>>) src(%dma_wait3A_81 : memref<40xi32, #tpu.memory_space<hbm>>) dst(%arg13 : memref<40xi32, #tpu.memory_space<vmem>>)
      %dma_start3A_82 = arith.constant 0 : i32
      %dma_start3A_83 = arith.constant 0 : i32
      %dma_start3A_84 = tpu.memref_slice %arg22[%dma_start3A_82, %dma_start3A_83] : memref<10240x144xf32, #tpu.memory_space<vmem_shared>> -> memref<10240x144xf32, #tpu.memory_space<vmem_shared>>
      tpu.enqueue_indirect_dma source(%arg19 : memref<40x144xf32, #tpu.memory_space<vmem>>) target(%dma_start3A_84 : memref<10240x144xf32, #tpu.memory_space<vmem_shared>>) offsets(%arg13 : memref<40xi32, #tpu.memory_space<vmem>>) semaphore(%arg25 : memref<!tpu.dma_semaphore, #tpu.memory_space<semaphore_mem>>) {add = true}
      %lt3A = arith.constant 124 : i32
      %lt3A_85 = arith.cmpi slt, %scan3A_35, %lt3A : i32
      %convert_element_type3A_86 = arith.extui %lt3A_85 : i1 to i32
      %cond3A_87 = arith.constant 0 : i32
      %cond3A_88 = arith.cmpi ne, %convert_element_type3A_86, %cond3A_87 : i32
      scf.if %cond3A_88 {
        %add3A_128 = arith.constant 2 : i32
        %add3A_129 = arith.addi %mul3A_37, %add3A_128 : i32
        %mul3A_130 = arith.constant 10000 : i32
        %mul3A_131 = arith.muli %add3A, %mul3A_130 : i32
        %mul3A_132 = arith.constant 40 : i32
        %mul3A_133 = arith.muli %add3A_129, %mul3A_132 : i32
        %add3A_134 = arith.addi %mul3A_131, %mul3A_133 : i32
        "tpu.region"() ({
          %run_scoped3A = tpu.sem_alloc : memref<!tpu.dma_semaphore, #tpu.memory_space<semaphore_mem>>
          %dma_start3A_141 = tpu.memref_slice %arg5[%add3A_134] : memref<320000xi32, #tpu.memory_space<hbm>> -> memref<40xi32, #tpu.memory_space<hbm>>
          %dma_start3A_142 = tpu.memref_slice %arg5[%add3A_134] : memref<320000xi32, #tpu.memory_space<hbm>> -> memref<40xi32, #tpu.memory_space<hbm>>
          tpu.enqueue_dma source(%dma_start3A_142 : memref<40xi32, #tpu.memory_space<hbm>>) target(%arg9 : memref<40xi32, #tpu.memory_space<vmem>>) target_semaphore(%run_scoped3A : memref<!tpu.dma_semaphore, #tpu.memory_space<semaphore_mem>>)
          %dma_wait3A_143 = tpu.memref_slice %arg5[%add3A_134] : memref<320000xi32, #tpu.memory_space<hbm>> -> memref<40xi32, #tpu.memory_space<hbm>>
          %dma_wait3A_144 = tpu.memref_slice %arg5[%add3A_134] : memref<320000xi32, #tpu.memory_space<hbm>> -> memref<40xi32, #tpu.memory_space<hbm>>
          tpu.wait_dma2 semaphore(%run_scoped3A : memref<!tpu.dma_semaphore, #tpu.memory_space<semaphore_mem>>) src(%dma_wait3A_144 : memref<40xi32, #tpu.memory_space<hbm>>) dst(%arg9 : memref<40xi32, #tpu.memory_space<vmem>>)
          tpu.yield
        }) : () -> ()
        "tpu.region"() ({
          %run_scoped3A = tpu.sem_alloc : memref<!tpu.dma_semaphore, #tpu.memory_space<semaphore_mem>>
          %dma_start3A_141 = tpu.memref_slice %arg6[%add3A_134] : memref<320000xi32, #tpu.memory_space<hbm>> -> memref<40xi32, #tpu.memory_space<hbm>>
          %dma_start3A_142 = tpu.memref_slice %arg6[%add3A_134] : memref<320000xi32, #tpu.memory_space<hbm>> -> memref<40xi32, #tpu.memory_space<hbm>>
          tpu.enqueue_dma source(%dma_start3A_142 : memref<40xi32, #tpu.memory_space<hbm>>) target(%arg10 : memref<40xi32, #tpu.memory_space<vmem>>) target_semaphore(%run_scoped3A : memref<!tpu.dma_semaphore, #tpu.memory_space<semaphore_mem>>)
          %dma_wait3A_143 = tpu.memref_slice %arg6[%add3A_134] : memref<320000xi32, #tpu.memory_space<hbm>> -> memref<40xi32, #tpu.memory_space<hbm>>
          %dma_wait3A_144 = tpu.memref_slice %arg6[%add3A_134] : memref<320000xi32, #tpu.memory_space<hbm>> -> memref<40xi32, #tpu.memory_space<hbm>>
          tpu.wait_dma2 semaphore(%run_scoped3A : memref<!tpu.dma_semaphore, #tpu.memory_space<semaphore_mem>>) src(%dma_wait3A_144 : memref<40xi32, #tpu.memory_space<hbm>>) dst(%arg10 : memref<40xi32, #tpu.memory_space<vmem>>)
          tpu.yield
        }) : () -> ()
        %dma_start3A_135 = arith.constant 0 : i32
        %dma_start3A_136 = arith.constant 0 : i32
        %dma_start3A_137 = tpu.memref_slice %arg2[%dma_start3A_135, %dma_start3A_136] : memref<10240x144xf32, #tpu.memory_space<hbm>> -> memref<10240x144xf32, #tpu.memory_space<hbm>>
        tpu.enqueue_indirect_dma source(%dma_start3A_137 : memref<10240x144xf32, #tpu.memory_space<hbm>>) target(%arg15 : memref<40x144xf32, #tpu.memory_space<vmem>>) offsets(%arg9 : memref<40xi32, #tpu.memory_space<vmem>>) semaphore(%arg23 : memref<!tpu.dma_semaphore, #tpu.memory_space<semaphore_mem>>)
        %dma_start3A_138 = arith.constant 0 : i32
        %dma_start3A_139 = arith.constant 0 : i32
        %dma_start3A_140 = tpu.memref_slice %arg3[%dma_start3A_138, %dma_start3A_139] : memref<10240x16xf32, #tpu.memory_space<hbm>> -> memref<10240x16xf32, #tpu.memory_space<hbm>>
        tpu.enqueue_indirect_dma source(%dma_start3A_140 : memref<10240x16xf32, #tpu.memory_space<hbm>>) target(%arg17 : memref<40x16xf32, #tpu.memory_space<vmem>>) offsets(%arg10 : memref<40xi32, #tpu.memory_space<vmem>>) semaphore(%arg23 : memref<!tpu.dma_semaphore, #tpu.memory_space<semaphore_mem>>)
      } else {
      }
      %dma_wait3A_89 = arith.constant 0 : i32
      %dma_wait3A_90 = arith.constant 0 : i32
      %dma_wait3A_91 = tpu.memref_slice %arg2[%dma_wait3A_89, %dma_wait3A_90] : memref<10240x144xf32, #tpu.memory_space<hbm>> -> memref<40x144xf32, #tpu.memory_space<hbm>>
      %dma_wait3A_92 = arith.constant 0 : i32
      %dma_wait3A_93 = arith.constant 0 : i32
      %dma_wait3A_94 = tpu.memref_slice %arg2[%dma_wait3A_92, %dma_wait3A_93] : memref<10240x144xf32, #tpu.memory_space<hbm>> -> memref<40x144xf32, #tpu.memory_space<hbm>>
      tpu.wait_dma2 semaphore(%arg24 : memref<!tpu.dma_semaphore, #tpu.memory_space<semaphore_mem>>) src(%dma_wait3A_94 : memref<40x144xf32, #tpu.memory_space<hbm>>) dst(%arg16 : memref<40x144xf32, #tpu.memory_space<vmem>>)
      %dma_wait3A_95 = arith.constant 0 : i32
      %dma_wait3A_96 = arith.constant 0 : i32
      %dma_wait3A_97 = tpu.memref_slice %arg3[%dma_wait3A_95, %dma_wait3A_96] : memref<10240x16xf32, #tpu.memory_space<hbm>> -> memref<40x16xf32, #tpu.memory_space<hbm>>
      %dma_wait3A_98 = arith.constant 0 : i32
      %dma_wait3A_99 = arith.constant 0 : i32
      %dma_wait3A_100 = tpu.memref_slice %arg3[%dma_wait3A_98, %dma_wait3A_99] : memref<10240x16xf32, #tpu.memory_space<hbm>> -> memref<40x16xf32, #tpu.memory_space<hbm>>
      tpu.wait_dma2 semaphore(%arg24 : memref<!tpu.dma_semaphore, #tpu.memory_space<semaphore_mem>>) src(%dma_wait3A_100 : memref<40x16xf32, #tpu.memory_space<hbm>>) dst(%arg18 : memref<40x16xf32, #tpu.memory_space<vmem>>)
      %gt3A_101 = arith.constant 0 : i32
      %gt3A_102 = arith.cmpi sgt, %scan3A_35, %gt3A_101 : i32
      %convert_element_type3A_103 = arith.extui %gt3A_102 : i1 to i32
      %cond3A_104 = arith.constant 0 : i32
      %cond3A_105 = arith.cmpi ne, %convert_element_type3A_103, %cond3A_104 : i32
      scf.if %cond3A_105 {
        %dma_wait3A_128 = arith.constant 0 : i32
        %dma_wait3A_129 = arith.constant 0 : i32
        %dma_wait3A_130 = tpu.memref_slice %arg2[%dma_wait3A_128, %dma_wait3A_129] : memref<10240x144xf32, #tpu.memory_space<hbm>> -> memref<40x144xf32, #tpu.memory_space<hbm>>
        %dma_wait3A_131 = arith.constant 0 : i32
        %dma_wait3A_132 = arith.constant 0 : i32
        %dma_wait3A_133 = tpu.memref_slice %arg2[%dma_wait3A_131, %dma_wait3A_132] : memref<10240x144xf32, #tpu.memory_space<hbm>> -> memref<40x144xf32, #tpu.memory_space<hbm>>
        tpu.wait_dma2 semaphore(%arg26 : memref<!tpu.dma_semaphore, #tpu.memory_space<semaphore_mem>>) src(%dma_wait3A_133 : memref<40x144xf32, #tpu.memory_space<hbm>>) dst(%arg20 : memref<40x144xf32, #tpu.memory_space<vmem>>)
      } else {
      }
      %mul3A_106 = arith.constant 10000 : i32
      %mul3A_107 = arith.muli %add3A, %mul3A_106 : i32
      %add3A_108 = arith.constant 1 : i32
      %add3A_109 = arith.addi %mul3A_37, %add3A_108 : i32
      %mul3A_110 = arith.constant 40 : i32
      %mul3A_111 = arith.muli %add3A_109, %mul3A_110 : i32
      %add3A_112 = arith.addi %mul3A_107, %mul3A_111 : i32
      %dma_start3A_113 = tpu.memref_slice %arg6[%add3A_112] : memref<320000xi32, #tpu.memory_space<hbm>> -> memref<40xi32, #tpu.memory_space<hbm>>
      %dma_start3A_114 = tpu.memref_slice %arg6[%add3A_112] : memref<320000xi32, #tpu.memory_space<hbm>> -> memref<40xi32, #tpu.memory_space<hbm>>
      tpu.enqueue_dma source(%dma_start3A_114 : memref<40xi32, #tpu.memory_space<hbm>>) target(%arg14 : memref<40xi32, #tpu.memory_space<vmem>>) target_semaphore(%arg28 : memref<!tpu.dma_semaphore, #tpu.memory_space<semaphore_mem>>)
      %scan3A_115 = arith.constant 0 : i32
      %scan3A_116 = arith.constant 0 : i32
      %scan3A_117 = arith.constant 40 : i32
      %scan3A_118 = arith.addi %scan3A_116, %scan3A_117 : i32
      %scan3A_119 = arith.constant 1 : i32
      scf.for %scan3A_128 = %scan3A_116 to %scan3A_118 step %scan3A_119  : i32 {
        %get3A = arith.index_cast %scan3A_128 : i32 to index
        %get3A_129 = arith.constant 128 : index
        %get3A_130 = tpu.vector_load %arg16[%get3A, %get3A_129] {strides = array<i32>} : memref<40x144xf32, #tpu.memory_space<vmem>>, vector<1x16xf32>,
        %get3A_131 = vector.shape_cast %get3A_130 : vector<1x16xf32> to vector<16xf32>
        %get3A_132 = arith.index_cast %scan3A_128 : i32 to index
        %get3A_133 = arith.constant 0 : index
        %get3A_134 = tpu.vector_load %arg18[%get3A_132, %get3A_133] {strides = array<i32>} : memref<40x16xf32, #tpu.memory_space<vmem>>, vector<1x16xf32>,
        %get3A_135 = vector.shape_cast %get3A_134 : vector<1x16xf32> to vector<16xf32>
        %add3A_136 = arith.addf %get3A_131, %get3A_135 : vector<16xf32>
        %ge3A = arith.constant 0.000000e+00 : f32
        %ge3A_137 = vector.broadcast %ge3A : f32 to vector<16xf32>
        %ge3A_138 = arith.cmpf oge, %add3A_136, %ge3A_137 : vector<16xf32>
        %mul3A_139 = arith.constant 2.000000e-01 : f32
        %mul3A_140 = vector.broadcast %mul3A_139 : f32 to vector<16xf32>
        %mul3A_141 = arith.mulf %mul3A_140, %add3A_136 : vector<16xf32>
        %select_n3A = arith.select %ge3A_138, %add3A_136, %mul3A_141 : vector<16xi1>, vector<16xf32>
        %get3A_142 = arith.constant 0 : index
        %get3A_143 = tpu.vector_load %arg21[%get3A_142] {strides = array<i32>} : memref<16xf32, #tpu.memory_space<vmem>>, vector<16xf32>,
        %get3A_144 = vector.shape_cast %get3A_143 : vector<16xf32> to vector<16xf32>
        %sub3A = arith.subf %select_n3A, %get3A_144 : vector<16xf32>
        %exp3A = math.exp %sub3A : vector<16xf32>
        %swap3A = arith.index_cast %scan3A_128 : i32 to index
        %swap3A_145 = arith.constant 128 : index
        %swap3A_146 = tpu.vector_load %arg20[%swap3A, %swap3A_145] {strides = array<i32>} : memref<40x144xf32, #tpu.memory_space<vmem>>, vector<1x16xf32>,
        %swap3A_147 = vector.shape_cast %swap3A_146 : vector<1x16xf32> to vector<16xf32>
        %swap3A_148 = vector.shape_cast %exp3A : vector<16xf32> to vector<1x16xf32>
        tpu.vector_store %arg20[%swap3A, %swap3A_145], %swap3A_148 {strides = array<i32>} : memref<40x144xf32, #tpu.memory_space<vmem>>, vector<1x16xf32>,
        %slice3A = vector.extract_strided_slice %exp3A {offsets = [0], sizes = [1], strides = [1]} : vector<16xf32> to vector<1xf32>
        %squeeze3A = vector.extract %slice3A[0] : f32 from vector<1xf32>
        %broadcast_in_dim3A = vector.broadcast %squeeze3A : f32 to vector<16xf32>
        %get3A_149 = arith.index_cast %scan3A_128 : i32 to index
        %get3A_150 = arith.constant 0 : index
        %get3A_151 = tpu.vector_load %arg16[%get3A_149, %get3A_150] {strides = array<i32>} : memref<40x144xf32, #tpu.memory_space<vmem>>, vector<1x16xf32>,
        %get3A_152 = vector.shape_cast %get3A_151 : vector<1x16xf32> to vector<16xf32>
        %mul3A_153 = arith.mulf %get3A_152, %broadcast_in_dim3A : vector<16xf32>
        %swap3A_154 = arith.index_cast %scan3A_128 : i32 to index
        %swap3A_155 = arith.constant 0 : index
        %swap3A_156 = tpu.vector_load %arg20[%swap3A_154, %swap3A_155] {strides = array<i32>} : memref<40x144xf32, #tpu.memory_space<vmem>>, vector<1x16xf32>,
        %swap3A_157 = vector.shape_cast %swap3A_156 : vector<1x16xf32> to vector<16xf32>
        %swap3A_158 = vector.shape_cast %mul3A_153 : vector<16xf32> to vector<1x16xf32>
        tpu.vector_store %arg20[%swap3A_154, %swap3A_155], %swap3A_158 {strides = array<i32>} : memref<40x144xf32, #tpu.memory_space<vmem>>, vector<1x16xf32>,
        %slice3A_159 = vector.extract_strided_slice %exp3A {offsets = [1], sizes = [1], strides = [1]} : vector<16xf32> to vector<1xf32>
        %squeeze3A_160 = vector.extract %slice3A_159[0] : f32 from vector<1xf32>
        %broadcast_in_dim3A_161 = vector.broadcast %squeeze3A_160 : f32 to vector<16xf32>
        %get3A_162 = arith.index_cast %scan3A_128 : i32 to index
        %get3A_163 = arith.constant 16 : index
        %get3A_164 = tpu.vector_load %arg16[%get3A_162, %get3A_163] {strides = array<i32>} : memref<40x144xf32, #tpu.memory_space<vmem>>, vector<1x16xf32>,
        %get3A_165 = vector.shape_cast %get3A_164 : vector<1x16xf32> to vector<16xf32>
        %mul3A_166 = arith.mulf %get3A_165, %broadcast_in_dim3A_161 : vector<16xf32>
        %swap3A_167 = arith.index_cast %scan3A_128 : i32 to index
        %swap3A_168 = arith.constant 16 : index
        %swap3A_169 = tpu.vector_load %arg20[%swap3A_167, %swap3A_168] {strides = array<i32>} : memref<40x144xf32, #tpu.memory_space<vmem>>, vector<1x16xf32>,
        %swap3A_170 = vector.shape_cast %swap3A_169 : vector<1x16xf32> to vector<16xf32>
        %swap3A_171 = vector.shape_cast %mul3A_166 : vector<16xf32> to vector<1x16xf32>
        tpu.vector_store %arg20[%swap3A_167, %swap3A_168], %swap3A_171 {strides = array<i32>} : memref<40x144xf32, #tpu.memory_space<vmem>>, vector<1x16xf32>,
        %slice3A_172 = vector.extract_strided_slice %exp3A {offsets = [2], sizes = [1], strides = [1]} : vector<16xf32> to vector<1xf32>
        %squeeze3A_173 = vector.extract %slice3A_172[0] : f32 from vector<1xf32>
        %broadcast_in_dim3A_174 = vector.broadcast %squeeze3A_173 : f32 to vector<16xf32>
        %get3A_175 = arith.index_cast %scan3A_128 : i32 to index
        %get3A_176 = arith.constant 32 : index
        %get3A_177 = tpu.vector_load %arg16[%get3A_175, %get3A_176] {strides = array<i32>} : memref<40x144xf32, #tpu.memory_space<vmem>>, vector<1x16xf32>,
        %get3A_178 = vector.shape_cast %get3A_177 : vector<1x16xf32> to vector<16xf32>
        %mul3A_179 = arith.mulf %get3A_178, %broadcast_in_dim3A_174 : vector<16xf32>
        %swap3A_180 = arith.index_cast %scan3A_128 : i32 to index
        %swap3A_181 = arith.constant 32 : index
        %swap3A_182 = tpu.vector_load %arg20[%swap3A_180, %swap3A_181] {strides = array<i32>} : memref<40x144xf32, #tpu.memory_space<vmem>>, vector<1x16xf32>,
        %swap3A_183 = vector.shape_cast %swap3A_182 : vector<1x16xf32> to vector<16xf32>
        %swap3A_184 = vector.shape_cast %mul3A_179 : vector<16xf32> to vector<1x16xf32>
        tpu.vector_store %arg20[%swap3A_180, %swap3A_181], %swap3A_184 {strides = array<i32>} : memref<40x144xf32, #tpu.memory_space<vmem>>, vector<1x16xf32>,
        %slice3A_185 = vector.extract_strided_slice %exp3A {offsets = [3], sizes = [1], strides = [1]} : vector<16xf32> to vector<1xf32>
        %squeeze3A_186 = vector.extract %slice3A_185[0] : f32 from vector<1xf32>
        %broadcast_in_dim3A_187 = vector.broadcast %squeeze3A_186 : f32 to vector<16xf32>
        %get3A_188 = arith.index_cast %scan3A_128 : i32 to index
        %get3A_189 = arith.constant 48 : index
        %get3A_190 = tpu.vector_load %arg16[%get3A_188, %get3A_189] {strides = array<i32>} : memref<40x144xf32, #tpu.memory_space<vmem>>, vector<1x16xf32>,
        %get3A_191 = vector.shape_cast %get3A_190 : vector<1x16xf32> to vector<16xf32>
        %mul3A_192 = arith.mulf %get3A_191, %broadcast_in_dim3A_187 : vector<16xf32>
        %swap3A_193 = arith.index_cast %scan3A_128 : i32 to index
        %swap3A_194 = arith.constant 48 : index
        %swap3A_195 = tpu.vector_load %arg20[%swap3A_193, %swap3A_194] {strides = array<i32>} : memref<40x144xf32, #tpu.memory_space<vmem>>, vector<1x16xf32>,
        %swap3A_196 = vector.shape_cast %swap3A_195 : vector<1x16xf32> to vector<16xf32>
        %swap3A_197 = vector.shape_cast %mul3A_192 : vector<16xf32> to vector<1x16xf32>
        tpu.vector_store %arg20[%swap3A_193, %swap3A_194], %swap3A_197 {strides = array<i32>} : memref<40x144xf32, #tpu.memory_space<vmem>>, vector<1x16xf32>,
        %slice3A_198 = vector.extract_strided_slice %exp3A {offsets = [4], sizes = [1], strides = [1]} : vector<16xf32> to vector<1xf32>
        %squeeze3A_199 = vector.extract %slice3A_198[0] : f32 from vector<1xf32>
        %broadcast_in_dim3A_200 = vector.broadcast %squeeze3A_199 : f32 to vector<16xf32>
        %get3A_201 = arith.index_cast %scan3A_128 : i32 to index
        %get3A_202 = arith.constant 64 : index
        %get3A_203 = tpu.vector_load %arg16[%get3A_201, %get3A_202] {strides = array<i32>} : memref<40x144xf32, #tpu.memory_space<vmem>>, vector<1x16xf32>,
        %get3A_204 = vector.shape_cast %get3A_203 : vector<1x16xf32> to vector<16xf32>
        %mul3A_205 = arith.mulf %get3A_204, %broadcast_in_dim3A_200 : vector<16xf32>
        %swap3A_206 = arith.index_cast %scan3A_128 : i32 to index
        %swap3A_207 = arith.constant 64 : index
        %swap3A_208 = tpu.vector_load %arg20[%swap3A_206, %swap3A_207] {strides = array<i32>} : memref<40x144xf32, #tpu.memory_space<vmem>>, vector<1x16xf32>,
        %swap3A_209 = vector.shape_cast %swap3A_208 : vector<1x16xf32> to vector<16xf32>
        %swap3A_210 = vector.shape_cast %mul3A_205 : vector<16xf32> to vector<1x16xf32>
        tpu.vector_store %arg20[%swap3A_206, %swap3A_207], %swap3A_210 {strides = array<i32>} : memref<40x144xf32, #tpu.memory_space<vmem>>, vector<1x16xf32>,
        %slice3A_211 = vector.extract_strided_slice %exp3A {offsets = [5], sizes = [1], strides = [1]} : vector<16xf32> to vector<1xf32>
        %squeeze3A_212 = vector.extract %slice3A_211[0] : f32 from vector<1xf32>
        %broadcast_in_dim3A_213 = vector.broadcast %squeeze3A_212 : f32 to vector<16xf32>
        %get3A_214 = arith.index_cast %scan3A_128 : i32 to index
        %get3A_215 = arith.constant 80 : index
        %get3A_216 = tpu.vector_load %arg16[%get3A_214, %get3A_215] {strides = array<i32>} : memref<40x144xf32, #tpu.memory_space<vmem>>, vector<1x16xf32>,
        %get3A_217 = vector.shape_cast %get3A_216 : vector<1x16xf32> to vector<16xf32>
        %mul3A_218 = arith.mulf %get3A_217, %broadcast_in_dim3A_213 : vector<16xf32>
        %swap3A_219 = arith.index_cast %scan3A_128 : i32 to index
        %swap3A_220 = arith.constant 80 : index
        %swap3A_221 = tpu.vector_load %arg20[%swap3A_219, %swap3A_220] {strides = array<i32>} : memref<40x144xf32, #tpu.memory_space<vmem>>, vector<1x16xf32>,
        %swap3A_222 = vector.shape_cast %swap3A_221 : vector<1x16xf32> to vector<16xf32>
        %swap3A_223 = vector.shape_cast %mul3A_218 : vector<16xf32> to vector<1x16xf32>
        tpu.vector_store %arg20[%swap3A_219, %swap3A_220], %swap3A_223 {strides = array<i32>} : memref<40x144xf32, #tpu.memory_space<vmem>>, vector<1x16xf32>,
        %slice3A_224 = vector.extract_strided_slice %exp3A {offsets = [6], sizes = [1], strides = [1]} : vector<16xf32> to vector<1xf32>
        %squeeze3A_225 = vector.extract %slice3A_224[0] : f32 from vector<1xf32>
        %broadcast_in_dim3A_226 = vector.broadcast %squeeze3A_225 : f32 to vector<16xf32>
        %get3A_227 = arith.index_cast %scan3A_128 : i32 to index
        %get3A_228 = arith.constant 96 : index
        %get3A_229 = tpu.vector_load %arg16[%get3A_227, %get3A_228] {strides = array<i32>} : memref<40x144xf32, #tpu.memory_space<vmem>>, vector<1x16xf32>,
        %get3A_230 = vector.shape_cast %get3A_229 : vector<1x16xf32> to vector<16xf32>
        %mul3A_231 = arith.mulf %get3A_230, %broadcast_in_dim3A_226 : vector<16xf32>
        %swap3A_232 = arith.index_cast %scan3A_128 : i32 to index
        %swap3A_233 = arith.constant 96 : index
        %swap3A_234 = tpu.vector_load %arg20[%swap3A_232, %swap3A_233] {strides = array<i32>} : memref<40x144xf32, #tpu.memory_space<vmem>>, vector<1x16xf32>,
        %swap3A_235 = vector.shape_cast %swap3A_234 : vector<1x16xf32> to vector<16xf32>
        %swap3A_236 = vector.shape_cast %mul3A_231 : vector<16xf32> to vector<1x16xf32>
        tpu.vector_store %arg20[%swap3A_232, %swap3A_233], %swap3A_236 {strides = array<i32>} : memref<40x144xf32, #tpu.memory_space<vmem>>, vector<1x16xf32>,
        %slice3A_237 = vector.extract_strided_slice %exp3A {offsets = [7], sizes = [1], strides = [1]} : vector<16xf32> to vector<1xf32>
        %squeeze3A_238 = vector.extract %slice3A_237[0] : f32 from vector<1xf32>
        %broadcast_in_dim3A_239 = vector.broadcast %squeeze3A_238 : f32 to vector<16xf32>
        %get3A_240 = arith.index_cast %scan3A_128 : i32 to index
        %get3A_241 = arith.constant 112 : index
        %get3A_242 = tpu.vector_load %arg16[%get3A_240, %get3A_241] {strides = array<i32>} : memref<40x144xf32, #tpu.memory_space<vmem>>, vector<1x16xf32>,
        %get3A_243 = vector.shape_cast %get3A_242 : vector<1x16xf32> to vector<16xf32>
        %mul3A_244 = arith.mulf %get3A_243, %broadcast_in_dim3A_239 : vector<16xf32>
        %swap3A_245 = arith.index_cast %scan3A_128 : i32 to index
        %swap3A_246 = arith.constant 112 : index
        %swap3A_247 = tpu.vector_load %arg20[%swap3A_245, %swap3A_246] {strides = array<i32>} : memref<40x144xf32, #tpu.memory_space<vmem>>, vector<1x16xf32>,
        %swap3A_248 = vector.shape_cast %swap3A_247 : vector<1x16xf32> to vector<16xf32>
        %swap3A_249 = vector.shape_cast %mul3A_244 : vector<16xf32> to vector<1x16xf32>
        tpu.vector_store %arg20[%swap3A_245, %swap3A_246], %swap3A_249 {strides = array<i32>} : memref<40x144xf32, #tpu.memory_space<vmem>>, vector<1x16xf32>,
      }
      %scan3A_120 = arith.constant 40 : i32
      %dma_wait3A_121 = arith.constant 0 : i32
      %dma_wait3A_122 = tpu.memref_slice %arg6[%dma_wait3A_121] : memref<320000xi32, #tpu.memory_space<hbm>> -> memref<40xi32, #tpu.memory_space<hbm>>
      %dma_wait3A_123 = arith.constant 0 : i32
      %dma_wait3A_124 = tpu.memref_slice %arg6[%dma_wait3A_123] : memref<320000xi32, #tpu.memory_space<hbm>> -> memref<40xi32, #tpu.memory_space<hbm>>
      tpu.wait_dma2 semaphore(%arg28 : memref<!tpu.dma_semaphore, #tpu.memory_space<semaphore_mem>>) src(%dma_wait3A_124 : memref<40xi32, #tpu.memory_space<hbm>>) dst(%arg14 : memref<40xi32, #tpu.memory_space<vmem>>)
      %dma_start3A_125 = arith.constant 0 : i32
      %dma_start3A_126 = arith.constant 0 : i32
      %dma_start3A_127 = tpu.memref_slice %arg22[%dma_start3A_125, %dma_start3A_126] : memref<10240x144xf32, #tpu.memory_space<vmem_shared>> -> memref<10240x144xf32, #tpu.memory_space<vmem_shared>>
      tpu.enqueue_indirect_dma source(%arg20 : memref<40x144xf32, #tpu.memory_space<vmem>>) target(%dma_start3A_127 : memref<10240x144xf32, #tpu.memory_space<vmem_shared>>) offsets(%arg14 : memref<40xi32, #tpu.memory_space<vmem>>) semaphore(%arg26 : memref<!tpu.dma_semaphore, #tpu.memory_space<semaphore_mem>>) {add = true}
    }
    %scan3A_18 = arith.constant 125 : i32
    %dma_wait3A = arith.constant 0 : i32
    %dma_wait3A_19 = arith.constant 0 : i32
    %dma_wait3A_20 = tpu.memref_slice %arg2[%dma_wait3A, %dma_wait3A_19] : memref<10240x144xf32, #tpu.memory_space<hbm>> -> memref<40x144xf32, #tpu.memory_space<hbm>>
    %dma_wait3A_21 = arith.constant 0 : i32
    %dma_wait3A_22 = arith.constant 0 : i32
    %dma_wait3A_23 = tpu.memref_slice %arg2[%dma_wait3A_21, %dma_wait3A_22] : memref<10240x144xf32, #tpu.memory_space<hbm>> -> memref<40x144xf32, #tpu.memory_space<hbm>>
    tpu.wait_dma2 semaphore(%arg25 : memref<!tpu.dma_semaphore, #tpu.memory_space<semaphore_mem>>) src(%dma_wait3A_23 : memref<40x144xf32, #tpu.memory_space<hbm>>) dst(%arg19 : memref<40x144xf32, #tpu.memory_space<vmem>>)
    %dma_wait3A_24 = arith.constant 0 : i32
    %dma_wait3A_25 = arith.constant 0 : i32
    %dma_wait3A_26 = tpu.memref_slice %arg2[%dma_wait3A_24, %dma_wait3A_25] : memref<10240x144xf32, #tpu.memory_space<hbm>> -> memref<40x144xf32, #tpu.memory_space<hbm>>
    %dma_wait3A_27 = arith.constant 0 : i32
    %dma_wait3A_28 = arith.constant 0 : i32
    %dma_wait3A_29 = tpu.memref_slice %arg2[%dma_wait3A_27, %dma_wait3A_28] : memref<10240x144xf32, #tpu.memory_space<hbm>> -> memref<40x144xf32, #tpu.memory_space<hbm>>
    tpu.wait_dma2 semaphore(%arg26 : memref<!tpu.dma_semaphore, #tpu.memory_space<semaphore_mem>>) src(%dma_wait3A_29 : memref<40x144xf32, #tpu.memory_space<hbm>>) dst(%arg20 : memref<40x144xf32, #tpu.memory_space<vmem>>)
    %barrier3A_30 = arith.constant 0 : index
    tpu.barrier barrier_id(%barrier3A_30)
    %mul3A_31 = arith.constant 640 : i32
    %mul3A_32 = arith.muli %arg1, %mul3A_31 : i32
    %mul3A_33 = arith.constant 640 : i32
    %mul3A_34 = arith.muli %arg1, %mul3A_33 : i32
    "tpu.region"() ({
      %run_scoped3A = tpu.sem_alloc : memref<!tpu.dma_semaphore, #tpu.memory_space<semaphore_mem>>
      %dma_start3A_35 = arith.constant 0 : i32
      %dma_start3A_36 = tpu.memref_slice %arg8[%arg0, %mul3A_34, %dma_start3A_35] : memref<2x10240x144xf32, #tpu.memory_space<hbm>> -> memref<1x640x144xf32, #tpu.memory_space<hbm>>
      %dma_start3A_37 = tpu.memref_squeeze %dma_start3A_36 : memref<1x640x144xf32, #tpu.memory_space<hbm>> -> memref<640x144xf32, #tpu.memory_space<hbm>>
      %dma_start3A_38 = arith.constant 0 : i32
      %dma_start3A_39 = tpu.memref_slice %arg22[%mul3A_32, %dma_start3A_38] : memref<10240x144xf32, #tpu.memory_space<vmem_shared>> -> memref<640x144xf32, #tpu.memory_space<vmem_shared>>
      tpu.enqueue_dma source(%dma_start3A_39 : memref<640x144xf32, #tpu.memory_space<vmem_shared>>) target(%dma_start3A_37 : memref<640x144xf32, #tpu.memory_space<hbm>>) target_semaphore(%run_scoped3A : memref<!tpu.dma_semaphore, #tpu.memory_space<semaphore_mem>>)
      %dma_wait3A_40 = arith.constant 0 : i32
      %dma_wait3A_41 = tpu.memref_slice %arg8[%arg0, %mul3A_34, %dma_wait3A_40] : memref<2x10240x144xf32, #tpu.memory_space<hbm>> -> memref<1x640x144xf32, #tpu.memory_space<hbm>>
      %dma_wait3A_42 = tpu.memref_squeeze %dma_wait3A_41 : memref<1x640x144xf32, #tpu.memory_space<hbm>> -> memref<640x144xf32, #tpu.memory_space<hbm>>
      %dma_wait3A_43 = arith.constant 0 : i32
      %dma_wait3A_44 = tpu.memref_slice %arg22[%mul3A_32, %dma_wait3A_43] : memref<10240x144xf32, #tpu.memory_space<vmem_shared>> -> memref<640x144xf32, #tpu.memory_space<vmem_shared>>
      tpu.wait_dma2 semaphore(%run_scoped3A : memref<!tpu.dma_semaphore, #tpu.memory_space<semaphore_mem>>) src(%dma_wait3A_44 : memref<640x144xf32, #tpu.memory_space<vmem_shared>>) dst(%dma_wait3A_42 : memref<640x144xf32, #tpu.memory_space<hbm>>)
      tpu.yield
    }) : () -> ()
    return
  }
}

#map = affine_map<(d0, d1) -> (0, 0)>
#map1 = affine_map<(d0, d1) -> (0)>
#map2 = affine_map<(d0, d1) -> (0, 0, 0)>
module attributes {stable_mosaic.version = 14 : i64} {
  func.func @_sc_edge_body(%arg0: i32, %arg1: i32, %arg2: memref<10240x144xf32, #tpu.memory_space<hbm>>, %arg3: memref<10240x16xf32, #tpu.memory_space<hbm>>, %arg4: memref<16xf32, #tpu.memory_space<hbm>>, %arg5: memref<320000xi32, #tpu.memory_space<hbm>>, %arg6: memref<320000xi32, #tpu.memory_space<hbm>>, %arg7: memref<10240x144xf32, #tpu.memory_space<hbm>>, %arg8: memref<2x10240x144xf32, #tpu.memory_space<hbm>>, %arg9: memref<40xi32, #tpu.memory_space<vmem>>, %arg10: memref<40xi32, #tpu.memory_space<vmem>>, %arg11: memref<40xi32, #tpu.memory_space<vmem>>, %arg12: memref<40xi32, #tpu.memory_space<vmem>>, %arg13: memref<40xi32, #tpu.memory_space<vmem>>, %arg14: memref<40xi32, #tpu.memory_space<vmem>>, %arg15: memref<40x144xf32, #tpu.memory_space<vmem>>, %arg16: memref<40x144xf32, #tpu.memory_space<vmem>>, %arg17: memref<40x16xf32, #tpu.memory_space<vmem>>, %arg18: memref<40x16xf32, #tpu.memory_space<vmem>>, %arg19: memref<40x144xf32, #tpu.memory_space<vmem>>, %arg20: memref<40x144xf32, #tpu.memory_space<vmem>>, %arg21: memref<16xf32, #tpu.memory_space<vmem>>, %arg22: memref<10240x144xf32, #tpu.memory_space<vmem_shared>>, %arg23: memref<!tpu.dma_semaphore, #tpu.memory_space<semaphore_mem>>, %arg24: memref<!tpu.dma_semaphore, #tpu.memory_space<semaphore_mem>>, %arg25: memref<!tpu.dma_semaphore, #tpu.memory_space<semaphore_mem>>, %arg26: memref<!tpu.dma_semaphore, #tpu.memory_space<semaphore_mem>>, %arg27: memref<!tpu.dma_semaphore, #tpu.memory_space<semaphore_mem>>, %arg28: memref<!tpu.dma_semaphore, #tpu.memory_space<semaphore_mem>>) attributes {dimension_semantics = [#tpu.dimension_semantics<core_parallel>, #tpu.dimension_semantics<subcore_parallel>], iteration_bounds = array<i64: 2, 16>, scalar_prefetch = 0 : i64, scratch_operands = 20 : i64, tpu.core_type = #tpu.core_type<sc_vector_subcore>, window_params = [{transform_indices = #map}, {transform_indices = #map}, {transform_indices = #map1}, {transform_indices = #map1}, {transform_indices = #map1}, {transform_indices = #map}, {transform_indices = #map2}]} {
    %mul3A = arith.constant 2 : i32
    %mul3A_0 = arith.muli %arg1, %mul3A : i32
    %add3A = arith.addi %mul3A_0, %arg0 : i32
    %mul3A_1 = arith.constant 640 : i32
    %mul3A_2 = arith.muli %arg1, %mul3A_1 : i32
    %mul3A_3 = arith.constant 640 : i32
    %mul3A_4 = arith.muli %arg1, %mul3A_3 : i32
    "tpu.region"() ({
      %run_scoped3A = tpu.sem_alloc : memref<!tpu.dma_semaphore, #tpu.memory_space<semaphore_mem>>
      %dma_start3A_35 = arith.constant 0 : i32
      %dma_start3A_36 = tpu.memref_slice %arg22[%mul3A_4, %dma_start3A_35] : memref<10240x144xf32, #tpu.memory_space<vmem_shared>> -> memref<640x144xf32, #tpu.memory_space<vmem_shared>>
      %dma_start3A_37 = arith.constant 0 : i32
      %dma_start3A_38 = tpu.memref_slice %arg7[%mul3A_2, %dma_start3A_37] : memref<10240x144xf32, #tpu.memory_space<hbm>> -> memref<640x144xf32, #tpu.memory_space<hbm>>
      tpu.enqueue_dma source(%dma_start3A_38 : memref<640x144xf32, #tpu.memory_space<hbm>>) target(%dma_start3A_36 : memref<640x144xf32, #tpu.memory_space<vmem_shared>>) target_semaphore(%run_scoped3A : memref<!tpu.dma_semaphore, #tpu.memory_space<semaphore_mem>>)
      %dma_wait3A_39 = arith.constant 0 : i32
      %dma_wait3A_40 = tpu.memref_slice %arg22[%mul3A_4, %dma_wait3A_39] : memref<10240x144xf32, #tpu.memory_space<vmem_shared>> -> memref<640x144xf32, #tpu.memory_space<vmem_shared>>
      %dma_wait3A_41 = arith.constant 0 : i32
      %dma_wait3A_42 = tpu.memref_slice %arg7[%mul3A_2, %dma_wait3A_41] : memref<10240x144xf32, #tpu.memory_space<hbm>> -> memref<640x144xf32, #tpu.memory_space<hbm>>
      tpu.wait_dma2 semaphore(%run_scoped3A : memref<!tpu.dma_semaphore, #tpu.memory_space<semaphore_mem>>) src(%dma_wait3A_42 : memref<640x144xf32, #tpu.memory_space<hbm>>) dst(%dma_wait3A_40 : memref<640x144xf32, #tpu.memory_space<vmem_shared>>)
      tpu.yield
    }) : () -> ()
    "tpu.region"() ({
      %run_scoped3A = tpu.sem_alloc : memref<!tpu.dma_semaphore, #tpu.memory_space<semaphore_mem>>
      tpu.enqueue_dma source(%arg4 : memref<16xf32, #tpu.memory_space<hbm>>) target(%arg21 : memref<16xf32, #tpu.memory_space<vmem>>) target_semaphore(%run_scoped3A : memref<!tpu.dma_semaphore, #tpu.memory_space<semaphore_mem>>)
      tpu.wait_dma2 semaphore(%run_scoped3A : memref<!tpu.dma_semaphore, #tpu.memory_space<semaphore_mem>>) src(%arg4 : memref<16xf32, #tpu.memory_space<hbm>>) dst(%arg21 : memref<16xf32, #tpu.memory_space<vmem>>)
      tpu.yield
    }) : () -> ()
    %barrier3A = arith.constant 0 : index
    tpu.barrier barrier_id(%barrier3A)
    %mul3A_5 = arith.constant 10000 : i32
    %mul3A_6 = arith.muli %add3A, %mul3A_5 : i32
    %add3A_7 = arith.constant 0 : i32
    %add3A_8 = arith.addi %mul3A_6, %add3A_7 : i32
    "tpu.region"() ({
      %run_scoped3A = tpu.sem_alloc : memref<!tpu.dma_semaphore, #tpu.memory_space<semaphore_mem>>
      %dma_start3A_35 = tpu.memref_slice %arg5[%add3A_8] : memref<320000xi32, #tpu.memory_space<hbm>> -> memref<40xi32, #tpu.memory_space<hbm>>
      %dma_start3A_36 = tpu.memref_slice %arg5[%add3A_8] : memref<320000xi32, #tpu.memory_space<hbm>> -> memref<40xi32, #tpu.memory_space<hbm>>
      tpu.enqueue_dma source(%dma_start3A_36 : memref<40xi32, #tpu.memory_space<hbm>>) target(%arg9 : memref<40xi32, #tpu.memory_space<vmem>>) target_semaphore(%run_scoped3A : memref<!tpu.dma_semaphore, #tpu.memory_space<semaphore_mem>>)
      %dma_wait3A_37 = tpu.memref_slice %arg5[%add3A_8] : memref<320000xi32, #tpu.memory_space<hbm>> -> memref<40xi32, #tpu.memory_space<hbm>>
      %dma_wait3A_38 = tpu.memref_slice %arg5[%add3A_8] : memref<320000xi32, #tpu.memory_space<hbm>> -> memref<40xi32, #tpu.memory_space<hbm>>
      tpu.wait_dma2 semaphore(%run_scoped3A : memref<!tpu.dma_semaphore, #tpu.memory_space<semaphore_mem>>) src(%dma_wait3A_38 : memref<40xi32, #tpu.memory_space<hbm>>) dst(%arg9 : memref<40xi32, #tpu.memory_space<vmem>>)
      tpu.yield
    }) : () -> ()
    "tpu.region"() ({
      %run_scoped3A = tpu.sem_alloc : memref<!tpu.dma_semaphore, #tpu.memory_space<semaphore_mem>>
      %dma_start3A_35 = tpu.memref_slice %arg6[%add3A_8] : memref<320000xi32, #tpu.memory_space<hbm>> -> memref<40xi32, #tpu.memory_space<hbm>>
      %dma_start3A_36 = tpu.memref_slice %arg6[%add3A_8] : memref<320000xi32, #tpu.memory_space<hbm>> -> memref<40xi32, #tpu.memory_space<hbm>>
      tpu.enqueue_dma source(%dma_start3A_36 : memref<40xi32, #tpu.memory_space<hbm>>) target(%arg10 : memref<40xi32, #tpu.memory_space<vmem>>) target_semaphore(%run_scoped3A : memref<!tpu.dma_semaphore, #tpu.memory_space<semaphore_mem>>)
      %dma_wait3A_37 = tpu.memref_slice %arg6[%add3A_8] : memref<320000xi32, #tpu.memory_space<hbm>> -> memref<40xi32, #tpu.memory_space<hbm>>
      %dma_wait3A_38 = tpu.memref_slice %arg6[%add3A_8] : memref<320000xi32, #tpu.memory_space<hbm>> -> memref<40xi32, #tpu.memory_space<hbm>>
      tpu.wait_dma2 semaphore(%run_scoped3A : memref<!tpu.dma_semaphore, #tpu.memory_space<semaphore_mem>>) src(%dma_wait3A_38 : memref<40xi32, #tpu.memory_space<hbm>>) dst(%arg10 : memref<40xi32, #tpu.memory_space<vmem>>)
      tpu.yield
    }) : () -> ()
    %dma_start3A = arith.constant 0 : i32
    %dma_start3A_9 = arith.constant 0 : i32
    %dma_start3A_10 = tpu.memref_slice %arg2[%dma_start3A, %dma_start3A_9] : memref<10240x144xf32, #tpu.memory_space<hbm>> -> memref<10240x144xf32, #tpu.memory_space<hbm>>
    tpu.enqueue_indirect_dma source(%dma_start3A_10 : memref<10240x144xf32, #tpu.memory_space<hbm>>) target(%arg15 : memref<40x144xf32, #tpu.memory_space<vmem>>) offsets(%arg9 : memref<40xi32, #tpu.memory_space<vmem>>) semaphore(%arg23 : memref<!tpu.dma_semaphore, #tpu.memory_space<semaphore_mem>>)
    %dma_start3A_11 = arith.constant 0 : i32
    %dma_start3A_12 = arith.constant 0 : i32
    %dma_start3A_13 = tpu.memref_slice %arg3[%dma_start3A_11, %dma_start3A_12] : memref<10240x16xf32, #tpu.memory_space<hbm>> -> memref<10240x16xf32, #tpu.memory_space<hbm>>
    tpu.enqueue_indirect_dma source(%dma_start3A_13 : memref<10240x16xf32, #tpu.memory_space<hbm>>) target(%arg17 : memref<40x16xf32, #tpu.memory_space<vmem>>) offsets(%arg10 : memref<40xi32, #tpu.memory_space<vmem>>) semaphore(%arg23 : memref<!tpu.dma_semaphore, #tpu.memory_space<semaphore_mem>>)
    %scan3A = arith.constant 0 : i32
    %scan3A_14 = arith.constant 0 : i32
    %scan3A_15 = arith.constant 125 : i32
    %scan3A_16 = arith.addi %scan3A_14, %scan3A_15 : i32
    %scan3A_17 = arith.constant 1 : i32
    scf.for %scan3A_35 = %scan3A_14 to %scan3A_16 step %scan3A_17  : i32 {
      %mul3A_36 = arith.constant 2 : i32
      %mul3A_37 = arith.muli %scan3A_35, %mul3A_36 : i32
      %add3A_38 = arith.constant 1 : i32
      %add3A_39 = arith.addi %mul3A_37, %add3A_38 : i32
      %mul3A_40 = arith.constant 10000 : i32
      %mul3A_41 = arith.muli %add3A, %mul3A_40 : i32
      %mul3A_42 = arith.constant 40 : i32
      %mul3A_43 = arith.muli %add3A_39, %mul3A_42 : i32
      %add3A_44 = arith.addi %mul3A_41, %mul3A_43 : i32
      "tpu.region"() ({
        %run_scoped3A = tpu.sem_alloc : memref<!tpu.dma_semaphore, #tpu.memory_space<semaphore_mem>>
        %dma_start3A_128 = tpu.memref_slice %arg5[%add3A_44] : memref<320000xi32, #tpu.memory_space<hbm>> -> memref<40xi32, #tpu.memory_space<hbm>>
        %dma_start3A_129 = tpu.memref_slice %arg5[%add3A_44] : memref<320000xi32, #tpu.memory_space<hbm>> -> memref<40xi32, #tpu.memory_space<hbm>>
        tpu.enqueue_dma source(%dma_start3A_129 : memref<40xi32, #tpu.memory_space<hbm>>) target(%arg11 : memref<40xi32, #tpu.memory_space<vmem>>) target_semaphore(%run_scoped3A : memref<!tpu.dma_semaphore, #tpu.memory_space<semaphore_mem>>)
        %dma_wait3A_130 = tpu.memref_slice %arg5[%add3A_44] : memref<320000xi32, #tpu.memory_space<hbm>> -> memref<40xi32, #tpu.memory_space<hbm>>
        %dma_wait3A_131 = tpu.memref_slice %arg5[%add3A_44] : memref<320000xi32, #tpu.memory_space<hbm>> -> memref<40xi32, #tpu.memory_space<hbm>>
        tpu.wait_dma2 semaphore(%run_scoped3A : memref<!tpu.dma_semaphore, #tpu.memory_space<semaphore_mem>>) src(%dma_wait3A_131 : memref<40xi32, #tpu.memory_space<hbm>>) dst(%arg11 : memref<40xi32, #tpu.memory_space<vmem>>)
        tpu.yield
      }) : () -> ()
      "tpu.region"() ({
        %run_scoped3A = tpu.sem_alloc : memref<!tpu.dma_semaphore, #tpu.memory_space<semaphore_mem>>
        %dma_start3A_128 = tpu.memref_slice %arg6[%add3A_44] : memref<320000xi32, #tpu.memory_space<hbm>> -> memref<40xi32, #tpu.memory_space<hbm>>
        %dma_start3A_129 = tpu.memref_slice %arg6[%add3A_44] : memref<320000xi32, #tpu.memory_space<hbm>> -> memref<40xi32, #tpu.memory_space<hbm>>
        tpu.enqueue_dma source(%dma_start3A_129 : memref<40xi32, #tpu.memory_space<hbm>>) target(%arg12 : memref<40xi32, #tpu.memory_space<vmem>>) target_semaphore(%run_scoped3A : memref<!tpu.dma_semaphore, #tpu.memory_space<semaphore_mem>>)
        %dma_wait3A_130 = tpu.memref_slice %arg6[%add3A_44] : memref<320000xi32, #tpu.memory_space<hbm>> -> memref<40xi32, #tpu.memory_space<hbm>>
        %dma_wait3A_131 = tpu.memref_slice %arg6[%add3A_44] : memref<320000xi32, #tpu.memory_space<hbm>> -> memref<40xi32, #tpu.memory_space<hbm>>
        tpu.wait_dma2 semaphore(%run_scoped3A : memref<!tpu.dma_semaphore, #tpu.memory_space<semaphore_mem>>) src(%dma_wait3A_131 : memref<40xi32, #tpu.memory_space<hbm>>) dst(%arg12 : memref<40xi32, #tpu.memory_space<vmem>>)
        tpu.yield
      }) : () -> ()
      %dma_start3A_45 = arith.constant 0 : i32
      %dma_start3A_46 = arith.constant 0 : i32
      %dma_start3A_47 = tpu.memref_slice %arg2[%dma_start3A_45, %dma_start3A_46] : memref<10240x144xf32, #tpu.memory_space<hbm>> -> memref<10240x144xf32, #tpu.memory_space<hbm>>
      tpu.enqueue_indirect_dma source(%dma_start3A_47 : memref<10240x144xf32, #tpu.memory_space<hbm>>) target(%arg16 : memref<40x144xf32, #tpu.memory_space<vmem>>) offsets(%arg11 : memref<40xi32, #tpu.memory_space<vmem>>) semaphore(%arg24 : memref<!tpu.dma_semaphore, #tpu.memory_space<semaphore_mem>>)
      %dma_start3A_48 = arith.constant 0 : i32
      %dma_start3A_49 = arith.constant 0 : i32
      %dma_start3A_50 = tpu.memref_slice %arg3[%dma_start3A_48, %dma_start3A_49] : memref<10240x16xf32, #tpu.memory_space<hbm>> -> memref<10240x16xf32, #tpu.memory_space<hbm>>
      tpu.enqueue_indirect_dma source(%dma_start3A_50 : memref<10240x16xf32, #tpu.memory_space<hbm>>) target(%arg18 : memref<40x16xf32, #tpu.memory_space<vmem>>) offsets(%arg12 : memref<40xi32, #tpu.memory_space<vmem>>) semaphore(%arg24 : memref<!tpu.dma_semaphore, #tpu.memory_space<semaphore_mem>>)
      %dma_wait3A_51 = arith.constant 0 : i32
      %dma_wait3A_52 = arith.constant 0 : i32
      %dma_wait3A_53 = tpu.memref_slice %arg2[%dma_wait3A_51, %dma_wait3A_52] : memref<10240x144xf32, #tpu.memory_space<hbm>> -> memref<40x144xf32, #tpu.memory_space<hbm>>
      %dma_wait3A_54 = arith.constant 0 : i32
      %dma_wait3A_55 = arith.constant 0 : i32
      %dma_wait3A_56 = tpu.memref_slice %arg2[%dma_wait3A_54, %dma_wait3A_55] : memref<10240x144xf32, #tpu.memory_space<hbm>> -> memref<40x144xf32, #tpu.memory_space<hbm>>
      tpu.wait_dma2 semaphore(%arg23 : memref<!tpu.dma_semaphore, #tpu.memory_space<semaphore_mem>>) src(%dma_wait3A_56 : memref<40x144xf32, #tpu.memory_space<hbm>>) dst(%arg15 : memref<40x144xf32, #tpu.memory_space<vmem>>)
      %dma_wait3A_57 = arith.constant 0 : i32
      %dma_wait3A_58 = arith.constant 0 : i32
      %dma_wait3A_59 = tpu.memref_slice %arg3[%dma_wait3A_57, %dma_wait3A_58] : memref<10240x16xf32, #tpu.memory_space<hbm>> -> memref<40x16xf32, #tpu.memory_space<hbm>>
      %dma_wait3A_60 = arith.constant 0 : i32
      %dma_wait3A_61 = arith.constant 0 : i32
      %dma_wait3A_62 = tpu.memref_slice %arg3[%dma_wait3A_60, %dma_wait3A_61] : memref<10240x16xf32, #tpu.memory_space<hbm>> -> memref<40x16xf32, #tpu.memory_space<hbm>>
      tpu.wait_dma2 semaphore(%arg23 : memref<!tpu.dma_semaphore, #tpu.memory_space<semaphore_mem>>) src(%dma_wait3A_62 : memref<40x16xf32, #tpu.memory_space<hbm>>) dst(%arg17 : memref<40x16xf32, #tpu.memory_space<vmem>>)
      %gt3A = arith.constant 0 : i32
      %gt3A_63 = arith.cmpi sgt, %scan3A_35, %gt3A : i32
      %convert_element_type3A = arith.extui %gt3A_63 : i1 to i32
      %cond3A = arith.constant 0 : i32
      %cond3A_64 = arith.cmpi ne, %convert_element_type3A, %cond3A : i32
      scf.if %cond3A_64 {
        %dma_wait3A_128 = arith.constant 0 : i32
        %dma_wait3A_129 = arith.constant 0 : i32
        %dma_wait3A_130 = tpu.memref_slice %arg2[%dma_wait3A_128, %dma_wait3A_129] : memref<10240x144xf32, #tpu.memory_space<hbm>> -> memref<40x144xf32, #tpu.memory_space<hbm>>
        %dma_wait3A_131 = arith.constant 0 : i32
        %dma_wait3A_132 = arith.constant 0 : i32
        %dma_wait3A_133 = tpu.memref_slice %arg2[%dma_wait3A_131, %dma_wait3A_132] : memref<10240x144xf32, #tpu.memory_space<hbm>> -> memref<40x144xf32, #tpu.memory_space<hbm>>
        tpu.wait_dma2 semaphore(%arg25 : memref<!tpu.dma_semaphore, #tpu.memory_space<semaphore_mem>>) src(%dma_wait3A_133 : memref<40x144xf32, #tpu.memory_space<hbm>>) dst(%arg19 : memref<40x144xf32, #tpu.memory_space<vmem>>)
      } else {
      }
      %mul3A_65 = arith.constant 10000 : i32
      %mul3A_66 = arith.muli %add3A, %mul3A_65 : i32
      %mul3A_67 = arith.constant 40 : i32
      %mul3A_68 = arith.muli %mul3A_37, %mul3A_67 : i32
      %add3A_69 = arith.addi %mul3A_66, %mul3A_68 : i32
      %dma_start3A_70 = tpu.memref_slice %arg6[%add3A_69] : memref<320000xi32, #tpu.memory_space<hbm>> -> memref<40xi32, #tpu.memory_space<hbm>>
      %dma_start3A_71 = tpu.memref_slice %arg6[%add3A_69] : memref<320000xi32, #tpu.memory_space<hbm>> -> memref<40xi32, #tpu.memory_space<hbm>>
      tpu.enqueue_dma source(%dma_start3A_71 : memref<40xi32, #tpu.memory_space<hbm>>) target(%arg13 : memref<40xi32, #tpu.memory_space<vmem>>) target_semaphore(%arg27 : memref<!tpu.dma_semaphore, #tpu.memory_space<semaphore_mem>>)
      %scan3A_72 = arith.constant 0 : i32
      %scan3A_73 = arith.constant 0 : i32
      %scan3A_74 = arith.constant 40 : i32
      %scan3A_75 = arith.addi %scan3A_73, %scan3A_74 : i32
      %scan3A_76 = arith.constant 1 : i32
      scf.for %scan3A_128 = %scan3A_73 to %scan3A_75 step %scan3A_76  : i32 {
        %get3A = arith.index_cast %scan3A_128 : i32 to index
        %get3A_129 = arith.constant 128 : index
        %get3A_130 = tpu.vector_load %arg15[%get3A, %get3A_129] {strides = array<i32>} : memref<40x144xf32, #tpu.memory_space<vmem>>, vector<1x16xf32>,
        %get3A_131 = vector.shape_cast %get3A_130 : vector<1x16xf32> to vector<16xf32>
        %get3A_132 = arith.index_cast %scan3A_128 : i32 to index
        %get3A_133 = arith.constant 0 : index
        %get3A_134 = tpu.vector_load %arg17[%get3A_132, %get3A_133] {strides = array<i32>} : memref<40x16xf32, #tpu.memory_space<vmem>>, vector<1x16xf32>,
        %get3A_135 = vector.shape_cast %get3A_134 : vector<1x16xf32> to vector<16xf32>
        %add3A_136 = arith.addf %get3A_131, %get3A_135 : vector<16xf32>
        %ge3A = arith.constant 0.000000e+00 : f32
        %ge3A_137 = vector.broadcast %ge3A : f32 to vector<16xf32>
        %ge3A_138 = arith.cmpf oge, %add3A_136, %ge3A_137 : vector<16xf32>
        %mul3A_139 = arith.constant 2.000000e-01 : f32
        %mul3A_140 = vector.broadcast %mul3A_139 : f32 to vector<16xf32>
        %mul3A_141 = arith.mulf %mul3A_140, %add3A_136 : vector<16xf32>
        %select_n3A = arith.select %ge3A_138, %add3A_136, %mul3A_141 : vector<16xi1>, vector<16xf32>
        %get3A_142 = arith.constant 0 : index
        %get3A_143 = tpu.vector_load %arg21[%get3A_142] {strides = array<i32>} : memref<16xf32, #tpu.memory_space<vmem>>, vector<16xf32>,
        %get3A_144 = vector.shape_cast %get3A_143 : vector<16xf32> to vector<16xf32>
        %sub3A = arith.subf %select_n3A, %get3A_144 : vector<16xf32>
        %exp3A = math.exp %sub3A : vector<16xf32>
        %swap3A = arith.index_cast %scan3A_128 : i32 to index
        %swap3A_145 = arith.constant 128 : index
        %swap3A_146 = tpu.vector_load %arg19[%swap3A, %swap3A_145] {strides = array<i32>} : memref<40x144xf32, #tpu.memory_space<vmem>>, vector<1x16xf32>,
        %swap3A_147 = vector.shape_cast %swap3A_146 : vector<1x16xf32> to vector<16xf32>
        %swap3A_148 = vector.shape_cast %exp3A : vector<16xf32> to vector<1x16xf32>
        tpu.vector_store %arg19[%swap3A, %swap3A_145], %swap3A_148 {strides = array<i32>} : memref<40x144xf32, #tpu.memory_space<vmem>>, vector<1x16xf32>,
        %slice3A = vector.extract_strided_slice %exp3A {offsets = [0], sizes = [1], strides = [1]} : vector<16xf32> to vector<1xf32>
        %squeeze3A = vector.extract %slice3A[0] : f32 from vector<1xf32>
        %broadcast_in_dim3A = vector.broadcast %squeeze3A : f32 to vector<16xf32>
        %get3A_149 = arith.index_cast %scan3A_128 : i32 to index
        %get3A_150 = arith.constant 0 : index
        %get3A_151 = tpu.vector_load %arg15[%get3A_149, %get3A_150] {strides = array<i32>} : memref<40x144xf32, #tpu.memory_space<vmem>>, vector<1x16xf32>,
        %get3A_152 = vector.shape_cast %get3A_151 : vector<1x16xf32> to vector<16xf32>
        %mul3A_153 = arith.mulf %get3A_152, %broadcast_in_dim3A : vector<16xf32>
        %swap3A_154 = arith.index_cast %scan3A_128 : i32 to index
        %swap3A_155 = arith.constant 0 : index
        %swap3A_156 = tpu.vector_load %arg19[%swap3A_154, %swap3A_155] {strides = array<i32>} : memref<40x144xf32, #tpu.memory_space<vmem>>, vector<1x16xf32>,
        %swap3A_157 = vector.shape_cast %swap3A_156 : vector<1x16xf32> to vector<16xf32>
        %swap3A_158 = vector.shape_cast %mul3A_153 : vector<16xf32> to vector<1x16xf32>
        tpu.vector_store %arg19[%swap3A_154, %swap3A_155], %swap3A_158 {strides = array<i32>} : memref<40x144xf32, #tpu.memory_space<vmem>>, vector<1x16xf32>,
        %slice3A_159 = vector.extract_strided_slice %exp3A {offsets = [1], sizes = [1], strides = [1]} : vector<16xf32> to vector<1xf32>
        %squeeze3A_160 = vector.extract %slice3A_159[0] : f32 from vector<1xf32>
        %broadcast_in_dim3A_161 = vector.broadcast %squeeze3A_160 : f32 to vector<16xf32>
        %get3A_162 = arith.index_cast %scan3A_128 : i32 to index
        %get3A_163 = arith.constant 16 : index
        %get3A_164 = tpu.vector_load %arg15[%get3A_162, %get3A_163] {strides = array<i32>} : memref<40x144xf32, #tpu.memory_space<vmem>>, vector<1x16xf32>,
        %get3A_165 = vector.shape_cast %get3A_164 : vector<1x16xf32> to vector<16xf32>
        %mul3A_166 = arith.mulf %get3A_165, %broadcast_in_dim3A_161 : vector<16xf32>
        %swap3A_167 = arith.index_cast %scan3A_128 : i32 to index
        %swap3A_168 = arith.constant 16 : index
        %swap3A_169 = tpu.vector_load %arg19[%swap3A_167, %swap3A_168] {strides = array<i32>} : memref<40x144xf32, #tpu.memory_space<vmem>>, vector<1x16xf32>,
        %swap3A_170 = vector.shape_cast %swap3A_169 : vector<1x16xf32> to vector<16xf32>
        %swap3A_171 = vector.shape_cast %mul3A_166 : vector<16xf32> to vector<1x16xf32>
        tpu.vector_store %arg19[%swap3A_167, %swap3A_168], %swap3A_171 {strides = array<i32>} : memref<40x144xf32, #tpu.memory_space<vmem>>, vector<1x16xf32>,
        %slice3A_172 = vector.extract_strided_slice %exp3A {offsets = [2], sizes = [1], strides = [1]} : vector<16xf32> to vector<1xf32>
        %squeeze3A_173 = vector.extract %slice3A_172[0] : f32 from vector<1xf32>
        %broadcast_in_dim3A_174 = vector.broadcast %squeeze3A_173 : f32 to vector<16xf32>
        %get3A_175 = arith.index_cast %scan3A_128 : i32 to index
        %get3A_176 = arith.constant 32 : index
        %get3A_177 = tpu.vector_load %arg15[%get3A_175, %get3A_176] {strides = array<i32>} : memref<40x144xf32, #tpu.memory_space<vmem>>, vector<1x16xf32>,
        %get3A_178 = vector.shape_cast %get3A_177 : vector<1x16xf32> to vector<16xf32>
        %mul3A_179 = arith.mulf %get3A_178, %broadcast_in_dim3A_174 : vector<16xf32>
        %swap3A_180 = arith.index_cast %scan3A_128 : i32 to index
        %swap3A_181 = arith.constant 32 : index
        %swap3A_182 = tpu.vector_load %arg19[%swap3A_180, %swap3A_181] {strides = array<i32>} : memref<40x144xf32, #tpu.memory_space<vmem>>, vector<1x16xf32>,
        %swap3A_183 = vector.shape_cast %swap3A_182 : vector<1x16xf32> to vector<16xf32>
        %swap3A_184 = vector.shape_cast %mul3A_179 : vector<16xf32> to vector<1x16xf32>
        tpu.vector_store %arg19[%swap3A_180, %swap3A_181], %swap3A_184 {strides = array<i32>} : memref<40x144xf32, #tpu.memory_space<vmem>>, vector<1x16xf32>,
        %slice3A_185 = vector.extract_strided_slice %exp3A {offsets = [3], sizes = [1], strides = [1]} : vector<16xf32> to vector<1xf32>
        %squeeze3A_186 = vector.extract %slice3A_185[0] : f32 from vector<1xf32>
        %broadcast_in_dim3A_187 = vector.broadcast %squeeze3A_186 : f32 to vector<16xf32>
        %get3A_188 = arith.index_cast %scan3A_128 : i32 to index
        %get3A_189 = arith.constant 48 : index
        %get3A_190 = tpu.vector_load %arg15[%get3A_188, %get3A_189] {strides = array<i32>} : memref<40x144xf32, #tpu.memory_space<vmem>>, vector<1x16xf32>,
        %get3A_191 = vector.shape_cast %get3A_190 : vector<1x16xf32> to vector<16xf32>
        %mul3A_192 = arith.mulf %get3A_191, %broadcast_in_dim3A_187 : vector<16xf32>
        %swap3A_193 = arith.index_cast %scan3A_128 : i32 to index
        %swap3A_194 = arith.constant 48 : index
        %swap3A_195 = tpu.vector_load %arg19[%swap3A_193, %swap3A_194] {strides = array<i32>} : memref<40x144xf32, #tpu.memory_space<vmem>>, vector<1x16xf32>,
        %swap3A_196 = vector.shape_cast %swap3A_195 : vector<1x16xf32> to vector<16xf32>
        %swap3A_197 = vector.shape_cast %mul3A_192 : vector<16xf32> to vector<1x16xf32>
        tpu.vector_store %arg19[%swap3A_193, %swap3A_194], %swap3A_197 {strides = array<i32>} : memref<40x144xf32, #tpu.memory_space<vmem>>, vector<1x16xf32>,
        %slice3A_198 = vector.extract_strided_slice %exp3A {offsets = [4], sizes = [1], strides = [1]} : vector<16xf32> to vector<1xf32>
        %squeeze3A_199 = vector.extract %slice3A_198[0] : f32 from vector<1xf32>
        %broadcast_in_dim3A_200 = vector.broadcast %squeeze3A_199 : f32 to vector<16xf32>
        %get3A_201 = arith.index_cast %scan3A_128 : i32 to index
        %get3A_202 = arith.constant 64 : index
        %get3A_203 = tpu.vector_load %arg15[%get3A_201, %get3A_202] {strides = array<i32>} : memref<40x144xf32, #tpu.memory_space<vmem>>, vector<1x16xf32>,
        %get3A_204 = vector.shape_cast %get3A_203 : vector<1x16xf32> to vector<16xf32>
        %mul3A_205 = arith.mulf %get3A_204, %broadcast_in_dim3A_200 : vector<16xf32>
        %swap3A_206 = arith.index_cast %scan3A_128 : i32 to index
        %swap3A_207 = arith.constant 64 : index
        %swap3A_208 = tpu.vector_load %arg19[%swap3A_206, %swap3A_207] {strides = array<i32>} : memref<40x144xf32, #tpu.memory_space<vmem>>, vector<1x16xf32>,
        %swap3A_209 = vector.shape_cast %swap3A_208 : vector<1x16xf32> to vector<16xf32>
        %swap3A_210 = vector.shape_cast %mul3A_205 : vector<16xf32> to vector<1x16xf32>
        tpu.vector_store %arg19[%swap3A_206, %swap3A_207], %swap3A_210 {strides = array<i32>} : memref<40x144xf32, #tpu.memory_space<vmem>>, vector<1x16xf32>,
        %slice3A_211 = vector.extract_strided_slice %exp3A {offsets = [5], sizes = [1], strides = [1]} : vector<16xf32> to vector<1xf32>
        %squeeze3A_212 = vector.extract %slice3A_211[0] : f32 from vector<1xf32>
        %broadcast_in_dim3A_213 = vector.broadcast %squeeze3A_212 : f32 to vector<16xf32>
        %get3A_214 = arith.index_cast %scan3A_128 : i32 to index
        %get3A_215 = arith.constant 80 : index
        %get3A_216 = tpu.vector_load %arg15[%get3A_214, %get3A_215] {strides = array<i32>} : memref<40x144xf32, #tpu.memory_space<vmem>>, vector<1x16xf32>,
        %get3A_217 = vector.shape_cast %get3A_216 : vector<1x16xf32> to vector<16xf32>
        %mul3A_218 = arith.mulf %get3A_217, %broadcast_in_dim3A_213 : vector<16xf32>
        %swap3A_219 = arith.index_cast %scan3A_128 : i32 to index
        %swap3A_220 = arith.constant 80 : index
        %swap3A_221 = tpu.vector_load %arg19[%swap3A_219, %swap3A_220] {strides = array<i32>} : memref<40x144xf32, #tpu.memory_space<vmem>>, vector<1x16xf32>,
        %swap3A_222 = vector.shape_cast %swap3A_221 : vector<1x16xf32> to vector<16xf32>
        %swap3A_223 = vector.shape_cast %mul3A_218 : vector<16xf32> to vector<1x16xf32>
        tpu.vector_store %arg19[%swap3A_219, %swap3A_220], %swap3A_223 {strides = array<i32>} : memref<40x144xf32, #tpu.memory_space<vmem>>, vector<1x16xf32>,
        %slice3A_224 = vector.extract_strided_slice %exp3A {offsets = [6], sizes = [1], strides = [1]} : vector<16xf32> to vector<1xf32>
        %squeeze3A_225 = vector.extract %slice3A_224[0] : f32 from vector<1xf32>
        %broadcast_in_dim3A_226 = vector.broadcast %squeeze3A_225 : f32 to vector<16xf32>
        %get3A_227 = arith.index_cast %scan3A_128 : i32 to index
        %get3A_228 = arith.constant 96 : index
        %get3A_229 = tpu.vector_load %arg15[%get3A_227, %get3A_228] {strides = array<i32>} : memref<40x144xf32, #tpu.memory_space<vmem>>, vector<1x16xf32>,
        %get3A_230 = vector.shape_cast %get3A_229 : vector<1x16xf32> to vector<16xf32>
        %mul3A_231 = arith.mulf %get3A_230, %broadcast_in_dim3A_226 : vector<16xf32>
        %swap3A_232 = arith.index_cast %scan3A_128 : i32 to index
        %swap3A_233 = arith.constant 96 : index
        %swap3A_234 = tpu.vector_load %arg19[%swap3A_232, %swap3A_233] {strides = array<i32>} : memref<40x144xf32, #tpu.memory_space<vmem>>, vector<1x16xf32>,
        %swap3A_235 = vector.shape_cast %swap3A_234 : vector<1x16xf32> to vector<16xf32>
        %swap3A_236 = vector.shape_cast %mul3A_231 : vector<16xf32> to vector<1x16xf32>
        tpu.vector_store %arg19[%swap3A_232, %swap3A_233], %swap3A_236 {strides = array<i32>} : memref<40x144xf32, #tpu.memory_space<vmem>>, vector<1x16xf32>,
        %slice3A_237 = vector.extract_strided_slice %exp3A {offsets = [7], sizes = [1], strides = [1]} : vector<16xf32> to vector<1xf32>
        %squeeze3A_238 = vector.extract %slice3A_237[0] : f32 from vector<1xf32>
        %broadcast_in_dim3A_239 = vector.broadcast %squeeze3A_238 : f32 to vector<16xf32>
        %get3A_240 = arith.index_cast %scan3A_128 : i32 to index
        %get3A_241 = arith.constant 112 : index
        %get3A_242 = tpu.vector_load %arg15[%get3A_240, %get3A_241] {strides = array<i32>} : memref<40x144xf32, #tpu.memory_space<vmem>>, vector<1x16xf32>,
        %get3A_243 = vector.shape_cast %get3A_242 : vector<1x16xf32> to vector<16xf32>
        %mul3A_244 = arith.mulf %get3A_243, %broadcast_in_dim3A_239 : vector<16xf32>
        %swap3A_245 = arith.index_cast %scan3A_128 : i32 to index
        %swap3A_246 = arith.constant 112 : index
        %swap3A_247 = tpu.vector_load %arg19[%swap3A_245, %swap3A_246] {strides = array<i32>} : memref<40x144xf32, #tpu.memory_space<vmem>>, vector<1x16xf32>,
        %swap3A_248 = vector.shape_cast %swap3A_247 : vector<1x16xf32> to vector<16xf32>
        %swap3A_249 = vector.shape_cast %mul3A_244 : vector<16xf32> to vector<1x16xf32>
        tpu.vector_store %arg19[%swap3A_245, %swap3A_246], %swap3A_249 {strides = array<i32>} : memref<40x144xf32, #tpu.memory_space<vmem>>, vector<1x16xf32>,
      }
      %scan3A_77 = arith.constant 40 : i32
      %dma_wait3A_78 = arith.constant 0 : i32
      %dma_wait3A_79 = tpu.memref_slice %arg6[%dma_wait3A_78] : memref<320000xi32, #tpu.memory_space<hbm>> -> memref<40xi32, #tpu.memory_space<hbm>>
      %dma_wait3A_80 = arith.constant 0 : i32
      %dma_wait3A_81 = tpu.memref_slice %arg6[%dma_wait3A_80] : memref<320000xi32, #tpu.memory_space<hbm>> -> memref<40xi32, #tpu.memory_space<hbm>>
      tpu.wait_dma2 semaphore(%arg27 : memref<!tpu.dma_semaphore, #tpu.memory_space<semaphore_mem>>) src(%dma_wait3A_81 : memref<40xi32, #tpu.memory_space<hbm>>) dst(%arg13 : memref<40xi32, #tpu.memory_space<vmem>>)
      %dma_start3A_82 = arith.constant 0 : i32
      %dma_start3A_83 = arith.constant 0 : i32
      %dma_start3A_84 = tpu.memref_slice %arg22[%dma_start3A_82, %dma_start3A_83] : memref<10240x144xf32, #tpu.memory_space<vmem_shared>> -> memref<10240x144xf32, #tpu.memory_space<vmem_shared>>
      tpu.enqueue_indirect_dma source(%arg19 : memref<40x144xf32, #tpu.memory_space<vmem>>) target(%dma_start3A_84 : memref<10240x144xf32, #tpu.memory_space<vmem_shared>>) offsets(%arg13 : memref<40xi32, #tpu.memory_space<vmem>>) semaphore(%arg25 : memref<!tpu.dma_semaphore, #tpu.memory_space<semaphore_mem>>) {add = true}
      %lt3A = arith.constant 124 : i32
      %lt3A_85 = arith.cmpi slt, %scan3A_35, %lt3A : i32
      %convert_element_type3A_86 = arith.extui %lt3A_85 : i1 to i32
      %cond3A_87 = arith.constant 0 : i32
      %cond3A_88 = arith.cmpi ne, %convert_element_type3A_86, %cond3A_87 : i32
      scf.if %cond3A_88 {
        %add3A_128 = arith.constant 2 : i32
        %add3A_129 = arith.addi %mul3A_37, %add3A_128 : i32
        %mul3A_130 = arith.constant 10000 : i32
        %mul3A_131 = arith.muli %add3A, %mul3A_130 : i32
        %mul3A_132 = arith.constant 40 : i32
        %mul3A_133 = arith.muli %add3A_129, %mul3A_132 : i32
        %add3A_134 = arith.addi %mul3A_131, %mul3A_133 : i32
        "tpu.region"() ({
          %run_scoped3A = tpu.sem_alloc : memref<!tpu.dma_semaphore, #tpu.memory_space<semaphore_mem>>
          %dma_start3A_141 = tpu.memref_slice %arg5[%add3A_134] : memref<320000xi32, #tpu.memory_space<hbm>> -> memref<40xi32, #tpu.memory_space<hbm>>
          %dma_start3A_142 = tpu.memref_slice %arg5[%add3A_134] : memref<320000xi32, #tpu.memory_space<hbm>> -> memref<40xi32, #tpu.memory_space<hbm>>
          tpu.enqueue_dma source(%dma_start3A_142 : memref<40xi32, #tpu.memory_space<hbm>>) target(%arg9 : memref<40xi32, #tpu.memory_space<vmem>>) target_semaphore(%run_scoped3A : memref<!tpu.dma_semaphore, #tpu.memory_space<semaphore_mem>>)
          %dma_wait3A_143 = tpu.memref_slice %arg5[%add3A_134] : memref<320000xi32, #tpu.memory_space<hbm>> -> memref<40xi32, #tpu.memory_space<hbm>>
          %dma_wait3A_144 = tpu.memref_slice %arg5[%add3A_134] : memref<320000xi32, #tpu.memory_space<hbm>> -> memref<40xi32, #tpu.memory_space<hbm>>
          tpu.wait_dma2 semaphore(%run_scoped3A : memref<!tpu.dma_semaphore, #tpu.memory_space<semaphore_mem>>) src(%dma_wait3A_144 : memref<40xi32, #tpu.memory_space<hbm>>) dst(%arg9 : memref<40xi32, #tpu.memory_space<vmem>>)
          tpu.yield
        }) : () -> ()
        "tpu.region"() ({
          %run_scoped3A = tpu.sem_alloc : memref<!tpu.dma_semaphore, #tpu.memory_space<semaphore_mem>>
          %dma_start3A_141 = tpu.memref_slice %arg6[%add3A_134] : memref<320000xi32, #tpu.memory_space<hbm>> -> memref<40xi32, #tpu.memory_space<hbm>>
          %dma_start3A_142 = tpu.memref_slice %arg6[%add3A_134] : memref<320000xi32, #tpu.memory_space<hbm>> -> memref<40xi32, #tpu.memory_space<hbm>>
          tpu.enqueue_dma source(%dma_start3A_142 : memref<40xi32, #tpu.memory_space<hbm>>) target(%arg10 : memref<40xi32, #tpu.memory_space<vmem>>) target_semaphore(%run_scoped3A : memref<!tpu.dma_semaphore, #tpu.memory_space<semaphore_mem>>)
          %dma_wait3A_143 = tpu.memref_slice %arg6[%add3A_134] : memref<320000xi32, #tpu.memory_space<hbm>> -> memref<40xi32, #tpu.memory_space<hbm>>
          %dma_wait3A_144 = tpu.memref_slice %arg6[%add3A_134] : memref<320000xi32, #tpu.memory_space<hbm>> -> memref<40xi32, #tpu.memory_space<hbm>>
          tpu.wait_dma2 semaphore(%run_scoped3A : memref<!tpu.dma_semaphore, #tpu.memory_space<semaphore_mem>>) src(%dma_wait3A_144 : memref<40xi32, #tpu.memory_space<hbm>>) dst(%arg10 : memref<40xi32, #tpu.memory_space<vmem>>)
          tpu.yield
        }) : () -> ()
        %dma_start3A_135 = arith.constant 0 : i32
        %dma_start3A_136 = arith.constant 0 : i32
        %dma_start3A_137 = tpu.memref_slice %arg2[%dma_start3A_135, %dma_start3A_136] : memref<10240x144xf32, #tpu.memory_space<hbm>> -> memref<10240x144xf32, #tpu.memory_space<hbm>>
        tpu.enqueue_indirect_dma source(%dma_start3A_137 : memref<10240x144xf32, #tpu.memory_space<hbm>>) target(%arg15 : memref<40x144xf32, #tpu.memory_space<vmem>>) offsets(%arg9 : memref<40xi32, #tpu.memory_space<vmem>>) semaphore(%arg23 : memref<!tpu.dma_semaphore, #tpu.memory_space<semaphore_mem>>)
        %dma_start3A_138 = arith.constant 0 : i32
        %dma_start3A_139 = arith.constant 0 : i32
        %dma_start3A_140 = tpu.memref_slice %arg3[%dma_start3A_138, %dma_start3A_139] : memref<10240x16xf32, #tpu.memory_space<hbm>> -> memref<10240x16xf32, #tpu.memory_space<hbm>>
        tpu.enqueue_indirect_dma source(%dma_start3A_140 : memref<10240x16xf32, #tpu.memory_space<hbm>>) target(%arg17 : memref<40x16xf32, #tpu.memory_space<vmem>>) offsets(%arg10 : memref<40xi32, #tpu.memory_space<vmem>>) semaphore(%arg23 : memref<!tpu.dma_semaphore, #tpu.memory_space<semaphore_mem>>)
      } else {
      }
      %dma_wait3A_89 = arith.constant 0 : i32
      %dma_wait3A_90 = arith.constant 0 : i32
      %dma_wait3A_91 = tpu.memref_slice %arg2[%dma_wait3A_89, %dma_wait3A_90] : memref<10240x144xf32, #tpu.memory_space<hbm>> -> memref<40x144xf32, #tpu.memory_space<hbm>>
      %dma_wait3A_92 = arith.constant 0 : i32
      %dma_wait3A_93 = arith.constant 0 : i32
      %dma_wait3A_94 = tpu.memref_slice %arg2[%dma_wait3A_92, %dma_wait3A_93] : memref<10240x144xf32, #tpu.memory_space<hbm>> -> memref<40x144xf32, #tpu.memory_space<hbm>>
      tpu.wait_dma2 semaphore(%arg24 : memref<!tpu.dma_semaphore, #tpu.memory_space<semaphore_mem>>) src(%dma_wait3A_94 : memref<40x144xf32, #tpu.memory_space<hbm>>) dst(%arg16 : memref<40x144xf32, #tpu.memory_space<vmem>>)
      %dma_wait3A_95 = arith.constant 0 : i32
      %dma_wait3A_96 = arith.constant 0 : i32
      %dma_wait3A_97 = tpu.memref_slice %arg3[%dma_wait3A_95, %dma_wait3A_96] : memref<10240x16xf32, #tpu.memory_space<hbm>> -> memref<40x16xf32, #tpu.memory_space<hbm>>
      %dma_wait3A_98 = arith.constant 0 : i32
      %dma_wait3A_99 = arith.constant 0 : i32
      %dma_wait3A_100 = tpu.memref_slice %arg3[%dma_wait3A_98, %dma_wait3A_99] : memref<10240x16xf32, #tpu.memory_space<hbm>> -> memref<40x16xf32, #tpu.memory_space<hbm>>
      tpu.wait_dma2 semaphore(%arg24 : memref<!tpu.dma_semaphore, #tpu.memory_space<semaphore_mem>>) src(%dma_wait3A_100 : memref<40x16xf32, #tpu.memory_space<hbm>>) dst(%arg18 : memref<40x16xf32, #tpu.memory_space<vmem>>)
      %gt3A_101 = arith.constant 0 : i32
      %gt3A_102 = arith.cmpi sgt, %scan3A_35, %gt3A_101 : i32
      %convert_element_type3A_103 = arith.extui %gt3A_102 : i1 to i32
      %cond3A_104 = arith.constant 0 : i32
      %cond3A_105 = arith.cmpi ne, %convert_element_type3A_103, %cond3A_104 : i32
      scf.if %cond3A_105 {
        %dma_wait3A_128 = arith.constant 0 : i32
        %dma_wait3A_129 = arith.constant 0 : i32
        %dma_wait3A_130 = tpu.memref_slice %arg2[%dma_wait3A_128, %dma_wait3A_129] : memref<10240x144xf32, #tpu.memory_space<hbm>> -> memref<40x144xf32, #tpu.memory_space<hbm>>
        %dma_wait3A_131 = arith.constant 0 : i32
        %dma_wait3A_132 = arith.constant 0 : i32
        %dma_wait3A_133 = tpu.memref_slice %arg2[%dma_wait3A_131, %dma_wait3A_132] : memref<10240x144xf32, #tpu.memory_space<hbm>> -> memref<40x144xf32, #tpu.memory_space<hbm>>
        tpu.wait_dma2 semaphore(%arg26 : memref<!tpu.dma_semaphore, #tpu.memory_space<semaphore_mem>>) src(%dma_wait3A_133 : memref<40x144xf32, #tpu.memory_space<hbm>>) dst(%arg20 : memref<40x144xf32, #tpu.memory_space<vmem>>)
      } else {
      }
      %mul3A_106 = arith.constant 10000 : i32
      %mul3A_107 = arith.muli %add3A, %mul3A_106 : i32
      %add3A_108 = arith.constant 1 : i32
      %add3A_109 = arith.addi %mul3A_37, %add3A_108 : i32
      %mul3A_110 = arith.constant 40 : i32
      %mul3A_111 = arith.muli %add3A_109, %mul3A_110 : i32
      %add3A_112 = arith.addi %mul3A_107, %mul3A_111 : i32
      %dma_start3A_113 = tpu.memref_slice %arg6[%add3A_112] : memref<320000xi32, #tpu.memory_space<hbm>> -> memref<40xi32, #tpu.memory_space<hbm>>
      %dma_start3A_114 = tpu.memref_slice %arg6[%add3A_112] : memref<320000xi32, #tpu.memory_space<hbm>> -> memref<40xi32, #tpu.memory_space<hbm>>
      tpu.enqueue_dma source(%dma_start3A_114 : memref<40xi32, #tpu.memory_space<hbm>>) target(%arg14 : memref<40xi32, #tpu.memory_space<vmem>>) target_semaphore(%arg28 : memref<!tpu.dma_semaphore, #tpu.memory_space<semaphore_mem>>)
      %scan3A_115 = arith.constant 0 : i32
      %scan3A_116 = arith.constant 0 : i32
      %scan3A_117 = arith.constant 40 : i32
      %scan3A_118 = arith.addi %scan3A_116, %scan3A_117 : i32
      %scan3A_119 = arith.constant 1 : i32
      scf.for %scan3A_128 = %scan3A_116 to %scan3A_118 step %scan3A_119  : i32 {
        %get3A = arith.index_cast %scan3A_128 : i32 to index
        %get3A_129 = arith.constant 128 : index
        %get3A_130 = tpu.vector_load %arg16[%get3A, %get3A_129] {strides = array<i32>} : memref<40x144xf32, #tpu.memory_space<vmem>>, vector<1x16xf32>,
        %get3A_131 = vector.shape_cast %get3A_130 : vector<1x16xf32> to vector<16xf32>
        %get3A_132 = arith.index_cast %scan3A_128 : i32 to index
        %get3A_133 = arith.constant 0 : index
        %get3A_134 = tpu.vector_load %arg18[%get3A_132, %get3A_133] {strides = array<i32>} : memref<40x16xf32, #tpu.memory_space<vmem>>, vector<1x16xf32>,
        %get3A_135 = vector.shape_cast %get3A_134 : vector<1x16xf32> to vector<16xf32>
        %add3A_136 = arith.addf %get3A_131, %get3A_135 : vector<16xf32>
        %ge3A = arith.constant 0.000000e+00 : f32
        %ge3A_137 = vector.broadcast %ge3A : f32 to vector<16xf32>
        %ge3A_138 = arith.cmpf oge, %add3A_136, %ge3A_137 : vector<16xf32>
        %mul3A_139 = arith.constant 2.000000e-01 : f32
        %mul3A_140 = vector.broadcast %mul3A_139 : f32 to vector<16xf32>
        %mul3A_141 = arith.mulf %mul3A_140, %add3A_136 : vector<16xf32>
        %select_n3A = arith.select %ge3A_138, %add3A_136, %mul3A_141 : vector<16xi1>, vector<16xf32>
        %get3A_142 = arith.constant 0 : index
        %get3A_143 = tpu.vector_load %arg21[%get3A_142] {strides = array<i32>} : memref<16xf32, #tpu.memory_space<vmem>>, vector<16xf32>,
        %get3A_144 = vector.shape_cast %get3A_143 : vector<16xf32> to vector<16xf32>
        %sub3A = arith.subf %select_n3A, %get3A_144 : vector<16xf32>
        %exp3A = math.exp %sub3A : vector<16xf32>
        %swap3A = arith.index_cast %scan3A_128 : i32 to index
        %swap3A_145 = arith.constant 128 : index
        %swap3A_146 = tpu.vector_load %arg20[%swap3A, %swap3A_145] {strides = array<i32>} : memref<40x144xf32, #tpu.memory_space<vmem>>, vector<1x16xf32>,
        %swap3A_147 = vector.shape_cast %swap3A_146 : vector<1x16xf32> to vector<16xf32>
        %swap3A_148 = vector.shape_cast %exp3A : vector<16xf32> to vector<1x16xf32>
        tpu.vector_store %arg20[%swap3A, %swap3A_145], %swap3A_148 {strides = array<i32>} : memref<40x144xf32, #tpu.memory_space<vmem>>, vector<1x16xf32>,
        %slice3A = vector.extract_strided_slice %exp3A {offsets = [0], sizes = [1], strides = [1]} : vector<16xf32> to vector<1xf32>
        %squeeze3A = vector.extract %slice3A[0] : f32 from vector<1xf32>
        %broadcast_in_dim3A = vector.broadcast %squeeze3A : f32 to vector<16xf32>
        %get3A_149 = arith.index_cast %scan3A_128 : i32 to index
        %get3A_150 = arith.constant 0 : index
        %get3A_151 = tpu.vector_load %arg16[%get3A_149, %get3A_150] {strides = array<i32>} : memref<40x144xf32, #tpu.memory_space<vmem>>, vector<1x16xf32>,
        %get3A_152 = vector.shape_cast %get3A_151 : vector<1x16xf32> to vector<16xf32>
        %mul3A_153 = arith.mulf %get3A_152, %broadcast_in_dim3A : vector<16xf32>
        %swap3A_154 = arith.index_cast %scan3A_128 : i32 to index
        %swap3A_155 = arith.constant 0 : index
        %swap3A_156 = tpu.vector_load %arg20[%swap3A_154, %swap3A_155] {strides = array<i32>} : memref<40x144xf32, #tpu.memory_space<vmem>>, vector<1x16xf32>,
        %swap3A_157 = vector.shape_cast %swap3A_156 : vector<1x16xf32> to vector<16xf32>
        %swap3A_158 = vector.shape_cast %mul3A_153 : vector<16xf32> to vector<1x16xf32>
        tpu.vector_store %arg20[%swap3A_154, %swap3A_155], %swap3A_158 {strides = array<i32>} : memref<40x144xf32, #tpu.memory_space<vmem>>, vector<1x16xf32>,
        %slice3A_159 = vector.extract_strided_slice %exp3A {offsets = [1], sizes = [1], strides = [1]} : vector<16xf32> to vector<1xf32>
        %squeeze3A_160 = vector.extract %slice3A_159[0] : f32 from vector<1xf32>
        %broadcast_in_dim3A_161 = vector.broadcast %squeeze3A_160 : f32 to vector<16xf32>
        %get3A_162 = arith.index_cast %scan3A_128 : i32 to index
        %get3A_163 = arith.constant 16 : index
        %get3A_164 = tpu.vector_load %arg16[%get3A_162, %get3A_163] {strides = array<i32>} : memref<40x144xf32, #tpu.memory_space<vmem>>, vector<1x16xf32>,
        %get3A_165 = vector.shape_cast %get3A_164 : vector<1x16xf32> to vector<16xf32>
        %mul3A_166 = arith.mulf %get3A_165, %broadcast_in_dim3A_161 : vector<16xf32>
        %swap3A_167 = arith.index_cast %scan3A_128 : i32 to index
        %swap3A_168 = arith.constant 16 : index
        %swap3A_169 = tpu.vector_load %arg20[%swap3A_167, %swap3A_168] {strides = array<i32>} : memref<40x144xf32, #tpu.memory_space<vmem>>, vector<1x16xf32>,
        %swap3A_170 = vector.shape_cast %swap3A_169 : vector<1x16xf32> to vector<16xf32>
        %swap3A_171 = vector.shape_cast %mul3A_166 : vector<16xf32> to vector<1x16xf32>
        tpu.vector_store %arg20[%swap3A_167, %swap3A_168], %swap3A_171 {strides = array<i32>} : memref<40x144xf32, #tpu.memory_space<vmem>>, vector<1x16xf32>,
        %slice3A_172 = vector.extract_strided_slice %exp3A {offsets = [2], sizes = [1], strides = [1]} : vector<16xf32> to vector<1xf32>
        %squeeze3A_173 = vector.extract %slice3A_172[0] : f32 from vector<1xf32>
        %broadcast_in_dim3A_174 = vector.broadcast %squeeze3A_173 : f32 to vector<16xf32>
        %get3A_175 = arith.index_cast %scan3A_128 : i32 to index
        %get3A_176 = arith.constant 32 : index
        %get3A_177 = tpu.vector_load %arg16[%get3A_175, %get3A_176] {strides = array<i32>} : memref<40x144xf32, #tpu.memory_space<vmem>>, vector<1x16xf32>,
        %get3A_178 = vector.shape_cast %get3A_177 : vector<1x16xf32> to vector<16xf32>
        %mul3A_179 = arith.mulf %get3A_178, %broadcast_in_dim3A_174 : vector<16xf32>
        %swap3A_180 = arith.index_cast %scan3A_128 : i32 to index
        %swap3A_181 = arith.constant 32 : index
        %swap3A_182 = tpu.vector_load %arg20[%swap3A_180, %swap3A_181] {strides = array<i32>} : memref<40x144xf32, #tpu.memory_space<vmem>>, vector<1x16xf32>,
        %swap3A_183 = vector.shape_cast %swap3A_182 : vector<1x16xf32> to vector<16xf32>
        %swap3A_184 = vector.shape_cast %mul3A_179 : vector<16xf32> to vector<1x16xf32>
        tpu.vector_store %arg20[%swap3A_180, %swap3A_181], %swap3A_184 {strides = array<i32>} : memref<40x144xf32, #tpu.memory_space<vmem>>, vector<1x16xf32>,
        %slice3A_185 = vector.extract_strided_slice %exp3A {offsets = [3], sizes = [1], strides = [1]} : vector<16xf32> to vector<1xf32>
        %squeeze3A_186 = vector.extract %slice3A_185[0] : f32 from vector<1xf32>
        %broadcast_in_dim3A_187 = vector.broadcast %squeeze3A_186 : f32 to vector<16xf32>
        %get3A_188 = arith.index_cast %scan3A_128 : i32 to index
        %get3A_189 = arith.constant 48 : index
        %get3A_190 = tpu.vector_load %arg16[%get3A_188, %get3A_189] {strides = array<i32>} : memref<40x144xf32, #tpu.memory_space<vmem>>, vector<1x16xf32>,
        %get3A_191 = vector.shape_cast %get3A_190 : vector<1x16xf32> to vector<16xf32>
        %mul3A_192 = arith.mulf %get3A_191, %broadcast_in_dim3A_187 : vector<16xf32>
        %swap3A_193 = arith.index_cast %scan3A_128 : i32 to index
        %swap3A_194 = arith.constant 48 : index
        %swap3A_195 = tpu.vector_load %arg20[%swap3A_193, %swap3A_194] {strides = array<i32>} : memref<40x144xf32, #tpu.memory_space<vmem>>, vector<1x16xf32>,
        %swap3A_196 = vector.shape_cast %swap3A_195 : vector<1x16xf32> to vector<16xf32>
        %swap3A_197 = vector.shape_cast %mul3A_192 : vector<16xf32> to vector<1x16xf32>
        tpu.vector_store %arg20[%swap3A_193, %swap3A_194], %swap3A_197 {strides = array<i32>} : memref<40x144xf32, #tpu.memory_space<vmem>>, vector<1x16xf32>,
        %slice3A_198 = vector.extract_strided_slice %exp3A {offsets = [4], sizes = [1], strides = [1]} : vector<16xf32> to vector<1xf32>
        %squeeze3A_199 = vector.extract %slice3A_198[0] : f32 from vector<1xf32>
        %broadcast_in_dim3A_200 = vector.broadcast %squeeze3A_199 : f32 to vector<16xf32>
        %get3A_201 = arith.index_cast %scan3A_128 : i32 to index
        %get3A_202 = arith.constant 64 : index
        %get3A_203 = tpu.vector_load %arg16[%get3A_201, %get3A_202] {strides = array<i32>} : memref<40x144xf32, #tpu.memory_space<vmem>>, vector<1x16xf32>,
        %get3A_204 = vector.shape_cast %get3A_203 : vector<1x16xf32> to vector<16xf32>
        %mul3A_205 = arith.mulf %get3A_204, %broadcast_in_dim3A_200 : vector<16xf32>
        %swap3A_206 = arith.index_cast %scan3A_128 : i32 to index
        %swap3A_207 = arith.constant 64 : index
        %swap3A_208 = tpu.vector_load %arg20[%swap3A_206, %swap3A_207] {strides = array<i32>} : memref<40x144xf32, #tpu.memory_space<vmem>>, vector<1x16xf32>,
        %swap3A_209 = vector.shape_cast %swap3A_208 : vector<1x16xf32> to vector<16xf32>
        %swap3A_210 = vector.shape_cast %mul3A_205 : vector<16xf32> to vector<1x16xf32>
        tpu.vector_store %arg20[%swap3A_206, %swap3A_207], %swap3A_210 {strides = array<i32>} : memref<40x144xf32, #tpu.memory_space<vmem>>, vector<1x16xf32>,
        %slice3A_211 = vector.extract_strided_slice %exp3A {offsets = [5], sizes = [1], strides = [1]} : vector<16xf32> to vector<1xf32>
        %squeeze3A_212 = vector.extract %slice3A_211[0] : f32 from vector<1xf32>
        %broadcast_in_dim3A_213 = vector.broadcast %squeeze3A_212 : f32 to vector<16xf32>
        %get3A_214 = arith.index_cast %scan3A_128 : i32 to index
        %get3A_215 = arith.constant 80 : index
        %get3A_216 = tpu.vector_load %arg16[%get3A_214, %get3A_215] {strides = array<i32>} : memref<40x144xf32, #tpu.memory_space<vmem>>, vector<1x16xf32>,
        %get3A_217 = vector.shape_cast %get3A_216 : vector<1x16xf32> to vector<16xf32>
        %mul3A_218 = arith.mulf %get3A_217, %broadcast_in_dim3A_213 : vector<16xf32>
        %swap3A_219 = arith.index_cast %scan3A_128 : i32 to index
        %swap3A_220 = arith.constant 80 : index
        %swap3A_221 = tpu.vector_load %arg20[%swap3A_219, %swap3A_220] {strides = array<i32>} : memref<40x144xf32, #tpu.memory_space<vmem>>, vector<1x16xf32>,
        %swap3A_222 = vector.shape_cast %swap3A_221 : vector<1x16xf32> to vector<16xf32>
        %swap3A_223 = vector.shape_cast %mul3A_218 : vector<16xf32> to vector<1x16xf32>
        tpu.vector_store %arg20[%swap3A_219, %swap3A_220], %swap3A_223 {strides = array<i32>} : memref<40x144xf32, #tpu.memory_space<vmem>>, vector<1x16xf32>,
        %slice3A_224 = vector.extract_strided_slice %exp3A {offsets = [6], sizes = [1], strides = [1]} : vector<16xf32> to vector<1xf32>
        %squeeze3A_225 = vector.extract %slice3A_224[0] : f32 from vector<1xf32>
        %broadcast_in_dim3A_226 = vector.broadcast %squeeze3A_225 : f32 to vector<16xf32>
        %get3A_227 = arith.index_cast %scan3A_128 : i32 to index
        %get3A_228 = arith.constant 96 : index
        %get3A_229 = tpu.vector_load %arg16[%get3A_227, %get3A_228] {strides = array<i32>} : memref<40x144xf32, #tpu.memory_space<vmem>>, vector<1x16xf32>,
        %get3A_230 = vector.shape_cast %get3A_229 : vector<1x16xf32> to vector<16xf32>
        %mul3A_231 = arith.mulf %get3A_230, %broadcast_in_dim3A_226 : vector<16xf32>
        %swap3A_232 = arith.index_cast %scan3A_128 : i32 to index
        %swap3A_233 = arith.constant 96 : index
        %swap3A_234 = tpu.vector_load %arg20[%swap3A_232, %swap3A_233] {strides = array<i32>} : memref<40x144xf32, #tpu.memory_space<vmem>>, vector<1x16xf32>,
        %swap3A_235 = vector.shape_cast %swap3A_234 : vector<1x16xf32> to vector<16xf32>
        %swap3A_236 = vector.shape_cast %mul3A_231 : vector<16xf32> to vector<1x16xf32>
        tpu.vector_store %arg20[%swap3A_232, %swap3A_233], %swap3A_236 {strides = array<i32>} : memref<40x144xf32, #tpu.memory_space<vmem>>, vector<1x16xf32>,
        %slice3A_237 = vector.extract_strided_slice %exp3A {offsets = [7], sizes = [1], strides = [1]} : vector<16xf32> to vector<1xf32>
        %squeeze3A_238 = vector.extract %slice3A_237[0] : f32 from vector<1xf32>
        %broadcast_in_dim3A_239 = vector.broadcast %squeeze3A_238 : f32 to vector<16xf32>
        %get3A_240 = arith.index_cast %scan3A_128 : i32 to index
        %get3A_241 = arith.constant 112 : index
        %get3A_242 = tpu.vector_load %arg16[%get3A_240, %get3A_241] {strides = array<i32>} : memref<40x144xf32, #tpu.memory_space<vmem>>, vector<1x16xf32>,
        %get3A_243 = vector.shape_cast %get3A_242 : vector<1x16xf32> to vector<16xf32>
        %mul3A_244 = arith.mulf %get3A_243, %broadcast_in_dim3A_239 : vector<16xf32>
        %swap3A_245 = arith.index_cast %scan3A_128 : i32 to index
        %swap3A_246 = arith.constant 112 : index
        %swap3A_247 = tpu.vector_load %arg20[%swap3A_245, %swap3A_246] {strides = array<i32>} : memref<40x144xf32, #tpu.memory_space<vmem>>, vector<1x16xf32>,
        %swap3A_248 = vector.shape_cast %swap3A_247 : vector<1x16xf32> to vector<16xf32>
        %swap3A_249 = vector.shape_cast %mul3A_244 : vector<16xf32> to vector<1x16xf32>
        tpu.vector_store %arg20[%swap3A_245, %swap3A_246], %swap3A_249 {strides = array<i32>} : memref<40x144xf32, #tpu.memory_space<vmem>>, vector<1x16xf32>,
      }
      %scan3A_120 = arith.constant 40 : i32
      %dma_wait3A_121 = arith.constant 0 : i32
      %dma_wait3A_122 = tpu.memref_slice %arg6[%dma_wait3A_121] : memref<320000xi32, #tpu.memory_space<hbm>> -> memref<40xi32, #tpu.memory_space<hbm>>
      %dma_wait3A_123 = arith.constant 0 : i32
      %dma_wait3A_124 = tpu.memref_slice %arg6[%dma_wait3A_123] : memref<320000xi32, #tpu.memory_space<hbm>> -> memref<40xi32, #tpu.memory_space<hbm>>
      tpu.wait_dma2 semaphore(%arg28 : memref<!tpu.dma_semaphore, #tpu.memory_space<semaphore_mem>>) src(%dma_wait3A_124 : memref<40xi32, #tpu.memory_space<hbm>>) dst(%arg14 : memref<40xi32, #tpu.memory_space<vmem>>)
      %dma_start3A_125 = arith.constant 0 : i32
      %dma_start3A_126 = arith.constant 0 : i32
      %dma_start3A_127 = tpu.memref_slice %arg22[%dma_start3A_125, %dma_start3A_126] : memref<10240x144xf32, #tpu.memory_space<vmem_shared>> -> memref<10240x144xf32, #tpu.memory_space<vmem_shared>>
      tpu.enqueue_indirect_dma source(%arg20 : memref<40x144xf32, #tpu.memory_space<vmem>>) target(%dma_start3A_127 : memref<10240x144xf32, #tpu.memory_space<vmem_shared>>) offsets(%arg14 : memref<40xi32, #tpu.memory_space<vmem>>) semaphore(%arg26 : memref<!tpu.dma_semaphore, #tpu.memory_space<semaphore_mem>>) {add = true}
    }
    %scan3A_18 = arith.constant 125 : i32
    %dma_wait3A = arith.constant 0 : i32
    %dma_wait3A_19 = arith.constant 0 : i32
    %dma_wait3A_20 = tpu.memref_slice %arg2[%dma_wait3A, %dma_wait3A_19] : memref<10240x144xf32, #tpu.memory_space<hbm>> -> memref<40x144xf32, #tpu.memory_space<hbm>>
    %dma_wait3A_21 = arith.constant 0 : i32
    %dma_wait3A_22 = arith.constant 0 : i32
    %dma_wait3A_23 = tpu.memref_slice %arg2[%dma_wait3A_21, %dma_wait3A_22] : memref<10240x144xf32, #tpu.memory_space<hbm>> -> memref<40x144xf32, #tpu.memory_space<hbm>>
    tpu.wait_dma2 semaphore(%arg25 : memref<!tpu.dma_semaphore, #tpu.memory_space<semaphore_mem>>) src(%dma_wait3A_23 : memref<40x144xf32, #tpu.memory_space<hbm>>) dst(%arg19 : memref<40x144xf32, #tpu.memory_space<vmem>>)
    %dma_wait3A_24 = arith.constant 0 : i32
    %dma_wait3A_25 = arith.constant 0 : i32
    %dma_wait3A_26 = tpu.memref_slice %arg2[%dma_wait3A_24, %dma_wait3A_25] : memref<10240x144xf32, #tpu.memory_space<hbm>> -> memref<40x144xf32, #tpu.memory_space<hbm>>
    %dma_wait3A_27 = arith.constant 0 : i32
    %dma_wait3A_28 = arith.constant 0 : i32
    %dma_wait3A_29 = tpu.memref_slice %arg2[%dma_wait3A_27, %dma_wait3A_28] : memref<10240x144xf32, #tpu.memory_space<hbm>> -> memref<40x144xf32, #tpu.memory_space<hbm>>
    tpu.wait_dma2 semaphore(%arg26 : memref<!tpu.dma_semaphore, #tpu.memory_space<semaphore_mem>>) src(%dma_wait3A_29 : memref<40x144xf32, #tpu.memory_space<hbm>>) dst(%arg20 : memref<40x144xf32, #tpu.memory_space<vmem>>)
    %barrier3A_30 = arith.constant 0 : index
    tpu.barrier barrier_id(%barrier3A_30)
    %mul3A_31 = arith.constant 640 : i32
    %mul3A_32 = arith.muli %arg1, %mul3A_31 : i32
    %mul3A_33 = arith.constant 640 : i32
    %mul3A_34 = arith.muli %arg1, %mul3A_33 : i32
    "tpu.region"() ({
      %run_scoped3A = tpu.sem_alloc : memref<!tpu.dma_semaphore, #tpu.memory_space<semaphore_mem>>
      %dma_start3A_35 = arith.constant 0 : i32
      %dma_start3A_36 = tpu.memref_slice %arg8[%arg0, %mul3A_34, %dma_start3A_35] : memref<2x10240x144xf32, #tpu.memory_space<hbm>> -> memref<1x640x144xf32, #tpu.memory_space<hbm>>
      %dma_start3A_37 = tpu.memref_squeeze %dma_start3A_36 : memref<1x640x144xf32, #tpu.memory_space<hbm>> -> memref<640x144xf32, #tpu.memory_space<hbm>>
      %dma_start3A_38 = arith.constant 0 : i32
      %dma_start3A_39 = tpu.memref_slice %arg22[%mul3A_32, %dma_start3A_38] : memref<10240x144xf32, #tpu.memory_space<vmem_shared>> -> memref<640x144xf32, #tpu.memory_space<vmem_shared>>
      tpu.enqueue_dma source(%dma_start3A_39 : memref<640x144xf32, #tpu.memory_space<vmem_shared>>) target(%dma_start3A_37 : memref<640x144xf32, #tpu.memory_space<hbm>>) target_semaphore(%run_scoped3A : memref<!tpu.dma_semaphore, #tpu.memory_space<semaphore_mem>>)
      %dma_wait3A_40 = arith.constant 0 : i32
      %dma_wait3A_41 = tpu.memref_slice %arg8[%arg0, %mul3A_34, %dma_wait3A_40] : memref<2x10240x144xf32, #tpu.memory_space<hbm>> -> memref<1x640x144xf32, #tpu.memory_space<hbm>>
      %dma_wait3A_42 = tpu.memref_squeeze %dma_wait3A_41 : memref<1x640x144xf32, #tpu.memory_space<hbm>> -> memref<640x144xf32, #tpu.memory_space<hbm>>
      %dma_wait3A_43 = arith.constant 0 : i32
      %dma_wait3A_44 = tpu.memref_slice %arg22[%mul3A_32, %dma_wait3A_43] : memref<10240x144xf32, #tpu.memory_space<vmem_shared>> -> memref<640x144xf32, #tpu.memory_space<vmem_shared>>
      tpu.wait_dma2 semaphore(%run_scoped3A : memref<!tpu.dma_semaphore, #tpu.memory_space<semaphore_mem>>) src(%dma_wait3A_44 : memref<640x144xf32, #tpu.memory_space<vmem_shared>>) dst(%dma_wait3A_42 : memref<640x144xf32, #tpu.memory_space<hbm>>)
      tpu.yield
    }) : () -> ()
    return
  }
}

#map = affine_map<(d0, d1) -> (0, 0)>
#map1 = affine_map<(d0, d1) -> (0)>
#map2 = affine_map<(d0, d1) -> (0, 0, 0)>
module attributes {stable_mosaic.version = 14 : i64} {
  func.func @_sc_edge_body(%arg0: i32, %arg1: i32, %arg2: memref<10240x144xf32, #tpu.memory_space<hbm>>, %arg3: memref<10240x16xf32, #tpu.memory_space<hbm>>, %arg4: memref<16xf32, #tpu.memory_space<hbm>>, %arg5: memref<320000xi32, #tpu.memory_space<hbm>>, %arg6: memref<320000xi32, #tpu.memory_space<hbm>>, %arg7: memref<10240x144xf32, #tpu.memory_space<hbm>>, %arg8: memref<2x10240x144xf32, #tpu.memory_space<hbm>>, %arg9: memref<40xi32, #tpu.memory_space<vmem>>, %arg10: memref<40xi32, #tpu.memory_space<vmem>>, %arg11: memref<40xi32, #tpu.memory_space<vmem>>, %arg12: memref<40xi32, #tpu.memory_space<vmem>>, %arg13: memref<40xi32, #tpu.memory_space<vmem>>, %arg14: memref<40xi32, #tpu.memory_space<vmem>>, %arg15: memref<40x144xf32, #tpu.memory_space<vmem>>, %arg16: memref<40x144xf32, #tpu.memory_space<vmem>>, %arg17: memref<40x16xf32, #tpu.memory_space<vmem>>, %arg18: memref<40x16xf32, #tpu.memory_space<vmem>>, %arg19: memref<40x144xf32, #tpu.memory_space<vmem>>, %arg20: memref<40x144xf32, #tpu.memory_space<vmem>>, %arg21: memref<16xf32, #tpu.memory_space<vmem>>, %arg22: memref<10240x144xf32, #tpu.memory_space<vmem_shared>>, %arg23: memref<!tpu.dma_semaphore, #tpu.memory_space<semaphore_mem>>, %arg24: memref<!tpu.dma_semaphore, #tpu.memory_space<semaphore_mem>>, %arg25: memref<!tpu.dma_semaphore, #tpu.memory_space<semaphore_mem>>, %arg26: memref<!tpu.dma_semaphore, #tpu.memory_space<semaphore_mem>>, %arg27: memref<!tpu.dma_semaphore, #tpu.memory_space<semaphore_mem>>, %arg28: memref<!tpu.dma_semaphore, #tpu.memory_space<semaphore_mem>>) attributes {dimension_semantics = [#tpu.dimension_semantics<core_parallel>, #tpu.dimension_semantics<subcore_parallel>], iteration_bounds = array<i64: 2, 16>, scalar_prefetch = 0 : i64, scratch_operands = 20 : i64, tpu.core_type = #tpu.core_type<sc_vector_subcore>, window_params = [{transform_indices = #map}, {transform_indices = #map}, {transform_indices = #map1}, {transform_indices = #map1}, {transform_indices = #map1}, {transform_indices = #map}, {transform_indices = #map2}]} {
    %mul3A = arith.constant 2 : i32
    %mul3A_0 = arith.muli %arg1, %mul3A : i32
    %add3A = arith.addi %mul3A_0, %arg0 : i32
    %mul3A_1 = arith.constant 640 : i32
    %mul3A_2 = arith.muli %arg1, %mul3A_1 : i32
    %mul3A_3 = arith.constant 640 : i32
    %mul3A_4 = arith.muli %arg1, %mul3A_3 : i32
    "tpu.region"() ({
      %run_scoped3A = tpu.sem_alloc : memref<!tpu.dma_semaphore, #tpu.memory_space<semaphore_mem>>
      %dma_start3A_35 = arith.constant 0 : i32
      %dma_start3A_36 = tpu.memref_slice %arg22[%mul3A_4, %dma_start3A_35] : memref<10240x144xf32, #tpu.memory_space<vmem_shared>> -> memref<640x144xf32, #tpu.memory_space<vmem_shared>>
      %dma_start3A_37 = arith.constant 0 : i32
      %dma_start3A_38 = tpu.memref_slice %arg7[%mul3A_2, %dma_start3A_37] : memref<10240x144xf32, #tpu.memory_space<hbm>> -> memref<640x144xf32, #tpu.memory_space<hbm>>
      tpu.enqueue_dma source(%dma_start3A_38 : memref<640x144xf32, #tpu.memory_space<hbm>>) target(%dma_start3A_36 : memref<640x144xf32, #tpu.memory_space<vmem_shared>>) target_semaphore(%run_scoped3A : memref<!tpu.dma_semaphore, #tpu.memory_space<semaphore_mem>>)
      %dma_wait3A_39 = arith.constant 0 : i32
      %dma_wait3A_40 = tpu.memref_slice %arg22[%mul3A_4, %dma_wait3A_39] : memref<10240x144xf32, #tpu.memory_space<vmem_shared>> -> memref<640x144xf32, #tpu.memory_space<vmem_shared>>
      %dma_wait3A_41 = arith.constant 0 : i32
      %dma_wait3A_42 = tpu.memref_slice %arg7[%mul3A_2, %dma_wait3A_41] : memref<10240x144xf32, #tpu.memory_space<hbm>> -> memref<640x144xf32, #tpu.memory_space<hbm>>
      tpu.wait_dma2 semaphore(%run_scoped3A : memref<!tpu.dma_semaphore, #tpu.memory_space<semaphore_mem>>) src(%dma_wait3A_42 : memref<640x144xf32, #tpu.memory_space<hbm>>) dst(%dma_wait3A_40 : memref<640x144xf32, #tpu.memory_space<vmem_shared>>)
      tpu.yield
    }) : () -> ()
    "tpu.region"() ({
      %run_scoped3A = tpu.sem_alloc : memref<!tpu.dma_semaphore, #tpu.memory_space<semaphore_mem>>
      tpu.enqueue_dma source(%arg4 : memref<16xf32, #tpu.memory_space<hbm>>) target(%arg21 : memref<16xf32, #tpu.memory_space<vmem>>) target_semaphore(%run_scoped3A : memref<!tpu.dma_semaphore, #tpu.memory_space<semaphore_mem>>)
      tpu.wait_dma2 semaphore(%run_scoped3A : memref<!tpu.dma_semaphore, #tpu.memory_space<semaphore_mem>>) src(%arg4 : memref<16xf32, #tpu.memory_space<hbm>>) dst(%arg21 : memref<16xf32, #tpu.memory_space<vmem>>)
      tpu.yield
    }) : () -> ()
    %barrier3A = arith.constant 0 : index
    tpu.barrier barrier_id(%barrier3A)
    %mul3A_5 = arith.constant 10000 : i32
    %mul3A_6 = arith.muli %add3A, %mul3A_5 : i32
    %add3A_7 = arith.constant 0 : i32
    %add3A_8 = arith.addi %mul3A_6, %add3A_7 : i32
    "tpu.region"() ({
      %run_scoped3A = tpu.sem_alloc : memref<!tpu.dma_semaphore, #tpu.memory_space<semaphore_mem>>
      %dma_start3A_35 = tpu.memref_slice %arg5[%add3A_8] : memref<320000xi32, #tpu.memory_space<hbm>> -> memref<40xi32, #tpu.memory_space<hbm>>
      %dma_start3A_36 = tpu.memref_slice %arg5[%add3A_8] : memref<320000xi32, #tpu.memory_space<hbm>> -> memref<40xi32, #tpu.memory_space<hbm>>
      tpu.enqueue_dma source(%dma_start3A_36 : memref<40xi32, #tpu.memory_space<hbm>>) target(%arg9 : memref<40xi32, #tpu.memory_space<vmem>>) target_semaphore(%run_scoped3A : memref<!tpu.dma_semaphore, #tpu.memory_space<semaphore_mem>>)
      %dma_wait3A_37 = tpu.memref_slice %arg5[%add3A_8] : memref<320000xi32, #tpu.memory_space<hbm>> -> memref<40xi32, #tpu.memory_space<hbm>>
      %dma_wait3A_38 = tpu.memref_slice %arg5[%add3A_8] : memref<320000xi32, #tpu.memory_space<hbm>> -> memref<40xi32, #tpu.memory_space<hbm>>
      tpu.wait_dma2 semaphore(%run_scoped3A : memref<!tpu.dma_semaphore, #tpu.memory_space<semaphore_mem>>) src(%dma_wait3A_38 : memref<40xi32, #tpu.memory_space<hbm>>) dst(%arg9 : memref<40xi32, #tpu.memory_space<vmem>>)
      tpu.yield
    }) : () -> ()
    "tpu.region"() ({
      %run_scoped3A = tpu.sem_alloc : memref<!tpu.dma_semaphore, #tpu.memory_space<semaphore_mem>>
      %dma_start3A_35 = tpu.memref_slice %arg6[%add3A_8] : memref<320000xi32, #tpu.memory_space<hbm>> -> memref<40xi32, #tpu.memory_space<hbm>>
      %dma_start3A_36 = tpu.memref_slice %arg6[%add3A_8] : memref<320000xi32, #tpu.memory_space<hbm>> -> memref<40xi32, #tpu.memory_space<hbm>>
      tpu.enqueue_dma source(%dma_start3A_36 : memref<40xi32, #tpu.memory_space<hbm>>) target(%arg10 : memref<40xi32, #tpu.memory_space<vmem>>) target_semaphore(%run_scoped3A : memref<!tpu.dma_semaphore, #tpu.memory_space<semaphore_mem>>)
      %dma_wait3A_37 = tpu.memref_slice %arg6[%add3A_8] : memref<320000xi32, #tpu.memory_space<hbm>> -> memref<40xi32, #tpu.memory_space<hbm>>
      %dma_wait3A_38 = tpu.memref_slice %arg6[%add3A_8] : memref<320000xi32, #tpu.memory_space<hbm>> -> memref<40xi32, #tpu.memory_space<hbm>>
      tpu.wait_dma2 semaphore(%run_scoped3A : memref<!tpu.dma_semaphore, #tpu.memory_space<semaphore_mem>>) src(%dma_wait3A_38 : memref<40xi32, #tpu.memory_space<hbm>>) dst(%arg10 : memref<40xi32, #tpu.memory_space<vmem>>)
      tpu.yield
    }) : () -> ()
    %dma_start3A = arith.constant 0 : i32
    %dma_start3A_9 = arith.constant 0 : i32
    %dma_start3A_10 = tpu.memref_slice %arg2[%dma_start3A, %dma_start3A_9] : memref<10240x144xf32, #tpu.memory_space<hbm>> -> memref<10240x144xf32, #tpu.memory_space<hbm>>
    tpu.enqueue_indirect_dma source(%dma_start3A_10 : memref<10240x144xf32, #tpu.memory_space<hbm>>) target(%arg15 : memref<40x144xf32, #tpu.memory_space<vmem>>) offsets(%arg9 : memref<40xi32, #tpu.memory_space<vmem>>) semaphore(%arg23 : memref<!tpu.dma_semaphore, #tpu.memory_space<semaphore_mem>>)
    %dma_start3A_11 = arith.constant 0 : i32
    %dma_start3A_12 = arith.constant 0 : i32
    %dma_start3A_13 = tpu.memref_slice %arg3[%dma_start3A_11, %dma_start3A_12] : memref<10240x16xf32, #tpu.memory_space<hbm>> -> memref<10240x16xf32, #tpu.memory_space<hbm>>
    tpu.enqueue_indirect_dma source(%dma_start3A_13 : memref<10240x16xf32, #tpu.memory_space<hbm>>) target(%arg17 : memref<40x16xf32, #tpu.memory_space<vmem>>) offsets(%arg10 : memref<40xi32, #tpu.memory_space<vmem>>) semaphore(%arg23 : memref<!tpu.dma_semaphore, #tpu.memory_space<semaphore_mem>>)
    %scan3A = arith.constant 0 : i32
    %scan3A_14 = arith.constant 0 : i32
    %scan3A_15 = arith.constant 125 : i32
    %scan3A_16 = arith.addi %scan3A_14, %scan3A_15 : i32
    %scan3A_17 = arith.constant 1 : i32
    scf.for %scan3A_35 = %scan3A_14 to %scan3A_16 step %scan3A_17  : i32 {
      %mul3A_36 = arith.constant 2 : i32
      %mul3A_37 = arith.muli %scan3A_35, %mul3A_36 : i32
      %add3A_38 = arith.constant 1 : i32
      %add3A_39 = arith.addi %mul3A_37, %add3A_38 : i32
      %mul3A_40 = arith.constant 10000 : i32
      %mul3A_41 = arith.muli %add3A, %mul3A_40 : i32
      %mul3A_42 = arith.constant 40 : i32
      %mul3A_43 = arith.muli %add3A_39, %mul3A_42 : i32
      %add3A_44 = arith.addi %mul3A_41, %mul3A_43 : i32
      "tpu.region"() ({
        %run_scoped3A = tpu.sem_alloc : memref<!tpu.dma_semaphore, #tpu.memory_space<semaphore_mem>>
        %dma_start3A_128 = tpu.memref_slice %arg5[%add3A_44] : memref<320000xi32, #tpu.memory_space<hbm>> -> memref<40xi32, #tpu.memory_space<hbm>>
        %dma_start3A_129 = tpu.memref_slice %arg5[%add3A_44] : memref<320000xi32, #tpu.memory_space<hbm>> -> memref<40xi32, #tpu.memory_space<hbm>>
        tpu.enqueue_dma source(%dma_start3A_129 : memref<40xi32, #tpu.memory_space<hbm>>) target(%arg11 : memref<40xi32, #tpu.memory_space<vmem>>) target_semaphore(%run_scoped3A : memref<!tpu.dma_semaphore, #tpu.memory_space<semaphore_mem>>)
        %dma_wait3A_130 = tpu.memref_slice %arg5[%add3A_44] : memref<320000xi32, #tpu.memory_space<hbm>> -> memref<40xi32, #tpu.memory_space<hbm>>
        %dma_wait3A_131 = tpu.memref_slice %arg5[%add3A_44] : memref<320000xi32, #tpu.memory_space<hbm>> -> memref<40xi32, #tpu.memory_space<hbm>>
        tpu.wait_dma2 semaphore(%run_scoped3A : memref<!tpu.dma_semaphore, #tpu.memory_space<semaphore_mem>>) src(%dma_wait3A_131 : memref<40xi32, #tpu.memory_space<hbm>>) dst(%arg11 : memref<40xi32, #tpu.memory_space<vmem>>)
        tpu.yield
      }) : () -> ()
      "tpu.region"() ({
        %run_scoped3A = tpu.sem_alloc : memref<!tpu.dma_semaphore, #tpu.memory_space<semaphore_mem>>
        %dma_start3A_128 = tpu.memref_slice %arg6[%add3A_44] : memref<320000xi32, #tpu.memory_space<hbm>> -> memref<40xi32, #tpu.memory_space<hbm>>
        %dma_start3A_129 = tpu.memref_slice %arg6[%add3A_44] : memref<320000xi32, #tpu.memory_space<hbm>> -> memref<40xi32, #tpu.memory_space<hbm>>
        tpu.enqueue_dma source(%dma_start3A_129 : memref<40xi32, #tpu.memory_space<hbm>>) target(%arg12 : memref<40xi32, #tpu.memory_space<vmem>>) target_semaphore(%run_scoped3A : memref<!tpu.dma_semaphore, #tpu.memory_space<semaphore_mem>>)
        %dma_wait3A_130 = tpu.memref_slice %arg6[%add3A_44] : memref<320000xi32, #tpu.memory_space<hbm>> -> memref<40xi32, #tpu.memory_space<hbm>>
        %dma_wait3A_131 = tpu.memref_slice %arg6[%add3A_44] : memref<320000xi32, #tpu.memory_space<hbm>> -> memref<40xi32, #tpu.memory_space<hbm>>
        tpu.wait_dma2 semaphore(%run_scoped3A : memref<!tpu.dma_semaphore, #tpu.memory_space<semaphore_mem>>) src(%dma_wait3A_131 : memref<40xi32, #tpu.memory_space<hbm>>) dst(%arg12 : memref<40xi32, #tpu.memory_space<vmem>>)
        tpu.yield
      }) : () -> ()
      %dma_start3A_45 = arith.constant 0 : i32
      %dma_start3A_46 = arith.constant 0 : i32
      %dma_start3A_47 = tpu.memref_slice %arg2[%dma_start3A_45, %dma_start3A_46] : memref<10240x144xf32, #tpu.memory_space<hbm>> -> memref<10240x144xf32, #tpu.memory_space<hbm>>
      tpu.enqueue_indirect_dma source(%dma_start3A_47 : memref<10240x144xf32, #tpu.memory_space<hbm>>) target(%arg16 : memref<40x144xf32, #tpu.memory_space<vmem>>) offsets(%arg11 : memref<40xi32, #tpu.memory_space<vmem>>) semaphore(%arg24 : memref<!tpu.dma_semaphore, #tpu.memory_space<semaphore_mem>>)
      %dma_start3A_48 = arith.constant 0 : i32
      %dma_start3A_49 = arith.constant 0 : i32
      %dma_start3A_50 = tpu.memref_slice %arg3[%dma_start3A_48, %dma_start3A_49] : memref<10240x16xf32, #tpu.memory_space<hbm>> -> memref<10240x16xf32, #tpu.memory_space<hbm>>
      tpu.enqueue_indirect_dma source(%dma_start3A_50 : memref<10240x16xf32, #tpu.memory_space<hbm>>) target(%arg18 : memref<40x16xf32, #tpu.memory_space<vmem>>) offsets(%arg12 : memref<40xi32, #tpu.memory_space<vmem>>) semaphore(%arg24 : memref<!tpu.dma_semaphore, #tpu.memory_space<semaphore_mem>>)
      %dma_wait3A_51 = arith.constant 0 : i32
      %dma_wait3A_52 = arith.constant 0 : i32
      %dma_wait3A_53 = tpu.memref_slice %arg2[%dma_wait3A_51, %dma_wait3A_52] : memref<10240x144xf32, #tpu.memory_space<hbm>> -> memref<40x144xf32, #tpu.memory_space<hbm>>
      %dma_wait3A_54 = arith.constant 0 : i32
      %dma_wait3A_55 = arith.constant 0 : i32
      %dma_wait3A_56 = tpu.memref_slice %arg2[%dma_wait3A_54, %dma_wait3A_55] : memref<10240x144xf32, #tpu.memory_space<hbm>> -> memref<40x144xf32, #tpu.memory_space<hbm>>
      tpu.wait_dma2 semaphore(%arg23 : memref<!tpu.dma_semaphore, #tpu.memory_space<semaphore_mem>>) src(%dma_wait3A_56 : memref<40x144xf32, #tpu.memory_space<hbm>>) dst(%arg15 : memref<40x144xf32, #tpu.memory_space<vmem>>)
      %dma_wait3A_57 = arith.constant 0 : i32
      %dma_wait3A_58 = arith.constant 0 : i32
      %dma_wait3A_59 = tpu.memref_slice %arg3[%dma_wait3A_57, %dma_wait3A_58] : memref<10240x16xf32, #tpu.memory_space<hbm>> -> memref<40x16xf32, #tpu.memory_space<hbm>>
      %dma_wait3A_60 = arith.constant 0 : i32
      %dma_wait3A_61 = arith.constant 0 : i32
      %dma_wait3A_62 = tpu.memref_slice %arg3[%dma_wait3A_60, %dma_wait3A_61] : memref<10240x16xf32, #tpu.memory_space<hbm>> -> memref<40x16xf32, #tpu.memory_space<hbm>>
      tpu.wait_dma2 semaphore(%arg23 : memref<!tpu.dma_semaphore, #tpu.memory_space<semaphore_mem>>) src(%dma_wait3A_62 : memref<40x16xf32, #tpu.memory_space<hbm>>) dst(%arg17 : memref<40x16xf32, #tpu.memory_space<vmem>>)
      %gt3A = arith.constant 0 : i32
      %gt3A_63 = arith.cmpi sgt, %scan3A_35, %gt3A : i32
      %convert_element_type3A = arith.extui %gt3A_63 : i1 to i32
      %cond3A = arith.constant 0 : i32
      %cond3A_64 = arith.cmpi ne, %convert_element_type3A, %cond3A : i32
      scf.if %cond3A_64 {
        %dma_wait3A_128 = arith.constant 0 : i32
        %dma_wait3A_129 = arith.constant 0 : i32
        %dma_wait3A_130 = tpu.memref_slice %arg2[%dma_wait3A_128, %dma_wait3A_129] : memref<10240x144xf32, #tpu.memory_space<hbm>> -> memref<40x144xf32, #tpu.memory_space<hbm>>
        %dma_wait3A_131 = arith.constant 0 : i32
        %dma_wait3A_132 = arith.constant 0 : i32
        %dma_wait3A_133 = tpu.memref_slice %arg2[%dma_wait3A_131, %dma_wait3A_132] : memref<10240x144xf32, #tpu.memory_space<hbm>> -> memref<40x144xf32, #tpu.memory_space<hbm>>
        tpu.wait_dma2 semaphore(%arg25 : memref<!tpu.dma_semaphore, #tpu.memory_space<semaphore_mem>>) src(%dma_wait3A_133 : memref<40x144xf32, #tpu.memory_space<hbm>>) dst(%arg19 : memref<40x144xf32, #tpu.memory_space<vmem>>)
      } else {
      }
      %mul3A_65 = arith.constant 10000 : i32
      %mul3A_66 = arith.muli %add3A, %mul3A_65 : i32
      %mul3A_67 = arith.constant 40 : i32
      %mul3A_68 = arith.muli %mul3A_37, %mul3A_67 : i32
      %add3A_69 = arith.addi %mul3A_66, %mul3A_68 : i32
      %dma_start3A_70 = tpu.memref_slice %arg6[%add3A_69] : memref<320000xi32, #tpu.memory_space<hbm>> -> memref<40xi32, #tpu.memory_space<hbm>>
      %dma_start3A_71 = tpu.memref_slice %arg6[%add3A_69] : memref<320000xi32, #tpu.memory_space<hbm>> -> memref<40xi32, #tpu.memory_space<hbm>>
      tpu.enqueue_dma source(%dma_start3A_71 : memref<40xi32, #tpu.memory_space<hbm>>) target(%arg13 : memref<40xi32, #tpu.memory_space<vmem>>) target_semaphore(%arg27 : memref<!tpu.dma_semaphore, #tpu.memory_space<semaphore_mem>>)
      %scan3A_72 = arith.constant 0 : i32
      %scan3A_73 = arith.constant 0 : i32
      %scan3A_74 = arith.constant 40 : i32
      %scan3A_75 = arith.addi %scan3A_73, %scan3A_74 : i32
      %scan3A_76 = arith.constant 1 : i32
      scf.for %scan3A_128 = %scan3A_73 to %scan3A_75 step %scan3A_76  : i32 {
        %get3A = arith.index_cast %scan3A_128 : i32 to index
        %get3A_129 = arith.constant 128 : index
        %get3A_130 = tpu.vector_load %arg15[%get3A, %get3A_129] {strides = array<i32>} : memref<40x144xf32, #tpu.memory_space<vmem>>, vector<1x16xf32>,
        %get3A_131 = vector.shape_cast %get3A_130 : vector<1x16xf32> to vector<16xf32>
        %get3A_132 = arith.index_cast %scan3A_128 : i32 to index
        %get3A_133 = arith.constant 0 : index
        %get3A_134 = tpu.vector_load %arg17[%get3A_132, %get3A_133] {strides = array<i32>} : memref<40x16xf32, #tpu.memory_space<vmem>>, vector<1x16xf32>,
        %get3A_135 = vector.shape_cast %get3A_134 : vector<1x16xf32> to vector<16xf32>
        %add3A_136 = arith.addf %get3A_131, %get3A_135 : vector<16xf32>
        %ge3A = arith.constant 0.000000e+00 : f32
        %ge3A_137 = vector.broadcast %ge3A : f32 to vector<16xf32>
        %ge3A_138 = arith.cmpf oge, %add3A_136, %ge3A_137 : vector<16xf32>
        %mul3A_139 = arith.constant 2.000000e-01 : f32
        %mul3A_140 = vector.broadcast %mul3A_139 : f32 to vector<16xf32>
        %mul3A_141 = arith.mulf %mul3A_140, %add3A_136 : vector<16xf32>
        %select_n3A = arith.select %ge3A_138, %add3A_136, %mul3A_141 : vector<16xi1>, vector<16xf32>
        %get3A_142 = arith.constant 0 : index
        %get3A_143 = tpu.vector_load %arg21[%get3A_142] {strides = array<i32>} : memref<16xf32, #tpu.memory_space<vmem>>, vector<16xf32>,
        %get3A_144 = vector.shape_cast %get3A_143 : vector<16xf32> to vector<16xf32>
        %sub3A = arith.subf %select_n3A, %get3A_144 : vector<16xf32>
        %exp3A = math.exp %sub3A : vector<16xf32>
        %swap3A = arith.index_cast %scan3A_128 : i32 to index
        %swap3A_145 = arith.constant 128 : index
        %swap3A_146 = tpu.vector_load %arg19[%swap3A, %swap3A_145] {strides = array<i32>} : memref<40x144xf32, #tpu.memory_space<vmem>>, vector<1x16xf32>,
        %swap3A_147 = vector.shape_cast %swap3A_146 : vector<1x16xf32> to vector<16xf32>
        %swap3A_148 = vector.shape_cast %exp3A : vector<16xf32> to vector<1x16xf32>
        tpu.vector_store %arg19[%swap3A, %swap3A_145], %swap3A_148 {strides = array<i32>} : memref<40x144xf32, #tpu.memory_space<vmem>>, vector<1x16xf32>,
        %slice3A = vector.extract_strided_slice %exp3A {offsets = [0], sizes = [1], strides = [1]} : vector<16xf32> to vector<1xf32>
        %squeeze3A = vector.extract %slice3A[0] : f32 from vector<1xf32>
        %broadcast_in_dim3A = vector.broadcast %squeeze3A : f32 to vector<16xf32>
        %get3A_149 = arith.index_cast %scan3A_128 : i32 to index
        %get3A_150 = arith.constant 0 : index
        %get3A_151 = tpu.vector_load %arg15[%get3A_149, %get3A_150] {strides = array<i32>} : memref<40x144xf32, #tpu.memory_space<vmem>>, vector<1x16xf32>,
        %get3A_152 = vector.shape_cast %get3A_151 : vector<1x16xf32> to vector<16xf32>
        %mul3A_153 = arith.mulf %get3A_152, %broadcast_in_dim3A : vector<16xf32>
        %swap3A_154 = arith.index_cast %scan3A_128 : i32 to index
        %swap3A_155 = arith.constant 0 : index
        %swap3A_156 = tpu.vector_load %arg19[%swap3A_154, %swap3A_155] {strides = array<i32>} : memref<40x144xf32, #tpu.memory_space<vmem>>, vector<1x16xf32>,
        %swap3A_157 = vector.shape_cast %swap3A_156 : vector<1x16xf32> to vector<16xf32>
        %swap3A_158 = vector.shape_cast %mul3A_153 : vector<16xf32> to vector<1x16xf32>
        tpu.vector_store %arg19[%swap3A_154, %swap3A_155], %swap3A_158 {strides = array<i32>} : memref<40x144xf32, #tpu.memory_space<vmem>>, vector<1x16xf32>,
        %get3A_159 = arith.index_cast %scan3A_128 : i32 to index
        %get3A_160 = arith.constant 16 : index
        %get3A_161 = tpu.vector_load %arg15[%get3A_159, %get3A_160] {strides = array<i32>} : memref<40x144xf32, #tpu.memory_space<vmem>>, vector<1x16xf32>,
        %get3A_162 = vector.shape_cast %get3A_161 : vector<1x16xf32> to vector<16xf32>
        %mul3A_163 = arith.mulf %get3A_162, %broadcast_in_dim3A : vector<16xf32>
        %swap3A_164 = arith.index_cast %scan3A_128 : i32 to index
        %swap3A_165 = arith.constant 16 : index
        %swap3A_166 = tpu.vector_load %arg19[%swap3A_164, %swap3A_165] {strides = array<i32>} : memref<40x144xf32, #tpu.memory_space<vmem>>, vector<1x16xf32>,
        %swap3A_167 = vector.shape_cast %swap3A_166 : vector<1x16xf32> to vector<16xf32>
        %swap3A_168 = vector.shape_cast %mul3A_163 : vector<16xf32> to vector<1x16xf32>
        tpu.vector_store %arg19[%swap3A_164, %swap3A_165], %swap3A_168 {strides = array<i32>} : memref<40x144xf32, #tpu.memory_space<vmem>>, vector<1x16xf32>,
        %get3A_169 = arith.index_cast %scan3A_128 : i32 to index
        %get3A_170 = arith.constant 32 : index
        %get3A_171 = tpu.vector_load %arg15[%get3A_169, %get3A_170] {strides = array<i32>} : memref<40x144xf32, #tpu.memory_space<vmem>>, vector<1x16xf32>,
        %get3A_172 = vector.shape_cast %get3A_171 : vector<1x16xf32> to vector<16xf32>
        %mul3A_173 = arith.mulf %get3A_172, %broadcast_in_dim3A : vector<16xf32>
        %swap3A_174 = arith.index_cast %scan3A_128 : i32 to index
        %swap3A_175 = arith.constant 32 : index
        %swap3A_176 = tpu.vector_load %arg19[%swap3A_174, %swap3A_175] {strides = array<i32>} : memref<40x144xf32, #tpu.memory_space<vmem>>, vector<1x16xf32>,
        %swap3A_177 = vector.shape_cast %swap3A_176 : vector<1x16xf32> to vector<16xf32>
        %swap3A_178 = vector.shape_cast %mul3A_173 : vector<16xf32> to vector<1x16xf32>
        tpu.vector_store %arg19[%swap3A_174, %swap3A_175], %swap3A_178 {strides = array<i32>} : memref<40x144xf32, #tpu.memory_space<vmem>>, vector<1x16xf32>,
        %get3A_179 = arith.index_cast %scan3A_128 : i32 to index
        %get3A_180 = arith.constant 48 : index
        %get3A_181 = tpu.vector_load %arg15[%get3A_179, %get3A_180] {strides = array<i32>} : memref<40x144xf32, #tpu.memory_space<vmem>>, vector<1x16xf32>,
        %get3A_182 = vector.shape_cast %get3A_181 : vector<1x16xf32> to vector<16xf32>
        %mul3A_183 = arith.mulf %get3A_182, %broadcast_in_dim3A : vector<16xf32>
        %swap3A_184 = arith.index_cast %scan3A_128 : i32 to index
        %swap3A_185 = arith.constant 48 : index
        %swap3A_186 = tpu.vector_load %arg19[%swap3A_184, %swap3A_185] {strides = array<i32>} : memref<40x144xf32, #tpu.memory_space<vmem>>, vector<1x16xf32>,
        %swap3A_187 = vector.shape_cast %swap3A_186 : vector<1x16xf32> to vector<16xf32>
        %swap3A_188 = vector.shape_cast %mul3A_183 : vector<16xf32> to vector<1x16xf32>
        tpu.vector_store %arg19[%swap3A_184, %swap3A_185], %swap3A_188 {strides = array<i32>} : memref<40x144xf32, #tpu.memory_space<vmem>>, vector<1x16xf32>,
        %get3A_189 = arith.index_cast %scan3A_128 : i32 to index
        %get3A_190 = arith.constant 64 : index
        %get3A_191 = tpu.vector_load %arg15[%get3A_189, %get3A_190] {strides = array<i32>} : memref<40x144xf32, #tpu.memory_space<vmem>>, vector<1x16xf32>,
        %get3A_192 = vector.shape_cast %get3A_191 : vector<1x16xf32> to vector<16xf32>
        %mul3A_193 = arith.mulf %get3A_192, %broadcast_in_dim3A : vector<16xf32>
        %swap3A_194 = arith.index_cast %scan3A_128 : i32 to index
        %swap3A_195 = arith.constant 64 : index
        %swap3A_196 = tpu.vector_load %arg19[%swap3A_194, %swap3A_195] {strides = array<i32>} : memref<40x144xf32, #tpu.memory_space<vmem>>, vector<1x16xf32>,
        %swap3A_197 = vector.shape_cast %swap3A_196 : vector<1x16xf32> to vector<16xf32>
        %swap3A_198 = vector.shape_cast %mul3A_193 : vector<16xf32> to vector<1x16xf32>
        tpu.vector_store %arg19[%swap3A_194, %swap3A_195], %swap3A_198 {strides = array<i32>} : memref<40x144xf32, #tpu.memory_space<vmem>>, vector<1x16xf32>,
        %get3A_199 = arith.index_cast %scan3A_128 : i32 to index
        %get3A_200 = arith.constant 80 : index
        %get3A_201 = tpu.vector_load %arg15[%get3A_199, %get3A_200] {strides = array<i32>} : memref<40x144xf32, #tpu.memory_space<vmem>>, vector<1x16xf32>,
        %get3A_202 = vector.shape_cast %get3A_201 : vector<1x16xf32> to vector<16xf32>
        %mul3A_203 = arith.mulf %get3A_202, %broadcast_in_dim3A : vector<16xf32>
        %swap3A_204 = arith.index_cast %scan3A_128 : i32 to index
        %swap3A_205 = arith.constant 80 : index
        %swap3A_206 = tpu.vector_load %arg19[%swap3A_204, %swap3A_205] {strides = array<i32>} : memref<40x144xf32, #tpu.memory_space<vmem>>, vector<1x16xf32>,
        %swap3A_207 = vector.shape_cast %swap3A_206 : vector<1x16xf32> to vector<16xf32>
        %swap3A_208 = vector.shape_cast %mul3A_203 : vector<16xf32> to vector<1x16xf32>
        tpu.vector_store %arg19[%swap3A_204, %swap3A_205], %swap3A_208 {strides = array<i32>} : memref<40x144xf32, #tpu.memory_space<vmem>>, vector<1x16xf32>,
        %get3A_209 = arith.index_cast %scan3A_128 : i32 to index
        %get3A_210 = arith.constant 96 : index
        %get3A_211 = tpu.vector_load %arg15[%get3A_209, %get3A_210] {strides = array<i32>} : memref<40x144xf32, #tpu.memory_space<vmem>>, vector<1x16xf32>,
        %get3A_212 = vector.shape_cast %get3A_211 : vector<1x16xf32> to vector<16xf32>
        %mul3A_213 = arith.mulf %get3A_212, %broadcast_in_dim3A : vector<16xf32>
        %swap3A_214 = arith.index_cast %scan3A_128 : i32 to index
        %swap3A_215 = arith.constant 96 : index
        %swap3A_216 = tpu.vector_load %arg19[%swap3A_214, %swap3A_215] {strides = array<i32>} : memref<40x144xf32, #tpu.memory_space<vmem>>, vector<1x16xf32>,
        %swap3A_217 = vector.shape_cast %swap3A_216 : vector<1x16xf32> to vector<16xf32>
        %swap3A_218 = vector.shape_cast %mul3A_213 : vector<16xf32> to vector<1x16xf32>
        tpu.vector_store %arg19[%swap3A_214, %swap3A_215], %swap3A_218 {strides = array<i32>} : memref<40x144xf32, #tpu.memory_space<vmem>>, vector<1x16xf32>,
        %get3A_219 = arith.index_cast %scan3A_128 : i32 to index
        %get3A_220 = arith.constant 112 : index
        %get3A_221 = tpu.vector_load %arg15[%get3A_219, %get3A_220] {strides = array<i32>} : memref<40x144xf32, #tpu.memory_space<vmem>>, vector<1x16xf32>,
        %get3A_222 = vector.shape_cast %get3A_221 : vector<1x16xf32> to vector<16xf32>
        %mul3A_223 = arith.mulf %get3A_222, %broadcast_in_dim3A : vector<16xf32>
        %swap3A_224 = arith.index_cast %scan3A_128 : i32 to index
        %swap3A_225 = arith.constant 112 : index
        %swap3A_226 = tpu.vector_load %arg19[%swap3A_224, %swap3A_225] {strides = array<i32>} : memref<40x144xf32, #tpu.memory_space<vmem>>, vector<1x16xf32>,
        %swap3A_227 = vector.shape_cast %swap3A_226 : vector<1x16xf32> to vector<16xf32>
        %swap3A_228 = vector.shape_cast %mul3A_223 : vector<16xf32> to vector<1x16xf32>
        tpu.vector_store %arg19[%swap3A_224, %swap3A_225], %swap3A_228 {strides = array<i32>} : memref<40x144xf32, #tpu.memory_space<vmem>>, vector<1x16xf32>,
      }
      %scan3A_77 = arith.constant 40 : i32
      %dma_wait3A_78 = arith.constant 0 : i32
      %dma_wait3A_79 = tpu.memref_slice %arg6[%dma_wait3A_78] : memref<320000xi32, #tpu.memory_space<hbm>> -> memref<40xi32, #tpu.memory_space<hbm>>
      %dma_wait3A_80 = arith.constant 0 : i32
      %dma_wait3A_81 = tpu.memref_slice %arg6[%dma_wait3A_80] : memref<320000xi32, #tpu.memory_space<hbm>> -> memref<40xi32, #tpu.memory_space<hbm>>
      tpu.wait_dma2 semaphore(%arg27 : memref<!tpu.dma_semaphore, #tpu.memory_space<semaphore_mem>>) src(%dma_wait3A_81 : memref<40xi32, #tpu.memory_space<hbm>>) dst(%arg13 : memref<40xi32, #tpu.memory_space<vmem>>)
      %dma_start3A_82 = arith.constant 0 : i32
      %dma_start3A_83 = arith.constant 0 : i32
      %dma_start3A_84 = tpu.memref_slice %arg22[%dma_start3A_82, %dma_start3A_83] : memref<10240x144xf32, #tpu.memory_space<vmem_shared>> -> memref<10240x144xf32, #tpu.memory_space<vmem_shared>>
      tpu.enqueue_indirect_dma source(%arg19 : memref<40x144xf32, #tpu.memory_space<vmem>>) target(%dma_start3A_84 : memref<10240x144xf32, #tpu.memory_space<vmem_shared>>) offsets(%arg13 : memref<40xi32, #tpu.memory_space<vmem>>) semaphore(%arg25 : memref<!tpu.dma_semaphore, #tpu.memory_space<semaphore_mem>>) {add = true}
      %lt3A = arith.constant 124 : i32
      %lt3A_85 = arith.cmpi slt, %scan3A_35, %lt3A : i32
      %convert_element_type3A_86 = arith.extui %lt3A_85 : i1 to i32
      %cond3A_87 = arith.constant 0 : i32
      %cond3A_88 = arith.cmpi ne, %convert_element_type3A_86, %cond3A_87 : i32
      scf.if %cond3A_88 {
        %add3A_128 = arith.constant 2 : i32
        %add3A_129 = arith.addi %mul3A_37, %add3A_128 : i32
        %mul3A_130 = arith.constant 10000 : i32
        %mul3A_131 = arith.muli %add3A, %mul3A_130 : i32
        %mul3A_132 = arith.constant 40 : i32
        %mul3A_133 = arith.muli %add3A_129, %mul3A_132 : i32
        %add3A_134 = arith.addi %mul3A_131, %mul3A_133 : i32
        "tpu.region"() ({
          %run_scoped3A = tpu.sem_alloc : memref<!tpu.dma_semaphore, #tpu.memory_space<semaphore_mem>>
          %dma_start3A_141 = tpu.memref_slice %arg5[%add3A_134] : memref<320000xi32, #tpu.memory_space<hbm>> -> memref<40xi32, #tpu.memory_space<hbm>>
          %dma_start3A_142 = tpu.memref_slice %arg5[%add3A_134] : memref<320000xi32, #tpu.memory_space<hbm>> -> memref<40xi32, #tpu.memory_space<hbm>>
          tpu.enqueue_dma source(%dma_start3A_142 : memref<40xi32, #tpu.memory_space<hbm>>) target(%arg9 : memref<40xi32, #tpu.memory_space<vmem>>) target_semaphore(%run_scoped3A : memref<!tpu.dma_semaphore, #tpu.memory_space<semaphore_mem>>)
          %dma_wait3A_143 = tpu.memref_slice %arg5[%add3A_134] : memref<320000xi32, #tpu.memory_space<hbm>> -> memref<40xi32, #tpu.memory_space<hbm>>
          %dma_wait3A_144 = tpu.memref_slice %arg5[%add3A_134] : memref<320000xi32, #tpu.memory_space<hbm>> -> memref<40xi32, #tpu.memory_space<hbm>>
          tpu.wait_dma2 semaphore(%run_scoped3A : memref<!tpu.dma_semaphore, #tpu.memory_space<semaphore_mem>>) src(%dma_wait3A_144 : memref<40xi32, #tpu.memory_space<hbm>>) dst(%arg9 : memref<40xi32, #tpu.memory_space<vmem>>)
          tpu.yield
        }) : () -> ()
        "tpu.region"() ({
          %run_scoped3A = tpu.sem_alloc : memref<!tpu.dma_semaphore, #tpu.memory_space<semaphore_mem>>
          %dma_start3A_141 = tpu.memref_slice %arg6[%add3A_134] : memref<320000xi32, #tpu.memory_space<hbm>> -> memref<40xi32, #tpu.memory_space<hbm>>
          %dma_start3A_142 = tpu.memref_slice %arg6[%add3A_134] : memref<320000xi32, #tpu.memory_space<hbm>> -> memref<40xi32, #tpu.memory_space<hbm>>
          tpu.enqueue_dma source(%dma_start3A_142 : memref<40xi32, #tpu.memory_space<hbm>>) target(%arg10 : memref<40xi32, #tpu.memory_space<vmem>>) target_semaphore(%run_scoped3A : memref<!tpu.dma_semaphore, #tpu.memory_space<semaphore_mem>>)
          %dma_wait3A_143 = tpu.memref_slice %arg6[%add3A_134] : memref<320000xi32, #tpu.memory_space<hbm>> -> memref<40xi32, #tpu.memory_space<hbm>>
          %dma_wait3A_144 = tpu.memref_slice %arg6[%add3A_134] : memref<320000xi32, #tpu.memory_space<hbm>> -> memref<40xi32, #tpu.memory_space<hbm>>
          tpu.wait_dma2 semaphore(%run_scoped3A : memref<!tpu.dma_semaphore, #tpu.memory_space<semaphore_mem>>) src(%dma_wait3A_144 : memref<40xi32, #tpu.memory_space<hbm>>) dst(%arg10 : memref<40xi32, #tpu.memory_space<vmem>>)
          tpu.yield
        }) : () -> ()
        %dma_start3A_135 = arith.constant 0 : i32
        %dma_start3A_136 = arith.constant 0 : i32
        %dma_start3A_137 = tpu.memref_slice %arg2[%dma_start3A_135, %dma_start3A_136] : memref<10240x144xf32, #tpu.memory_space<hbm>> -> memref<10240x144xf32, #tpu.memory_space<hbm>>
        tpu.enqueue_indirect_dma source(%dma_start3A_137 : memref<10240x144xf32, #tpu.memory_space<hbm>>) target(%arg15 : memref<40x144xf32, #tpu.memory_space<vmem>>) offsets(%arg9 : memref<40xi32, #tpu.memory_space<vmem>>) semaphore(%arg23 : memref<!tpu.dma_semaphore, #tpu.memory_space<semaphore_mem>>)
        %dma_start3A_138 = arith.constant 0 : i32
        %dma_start3A_139 = arith.constant 0 : i32
        %dma_start3A_140 = tpu.memref_slice %arg3[%dma_start3A_138, %dma_start3A_139] : memref<10240x16xf32, #tpu.memory_space<hbm>> -> memref<10240x16xf32, #tpu.memory_space<hbm>>
        tpu.enqueue_indirect_dma source(%dma_start3A_140 : memref<10240x16xf32, #tpu.memory_space<hbm>>) target(%arg17 : memref<40x16xf32, #tpu.memory_space<vmem>>) offsets(%arg10 : memref<40xi32, #tpu.memory_space<vmem>>) semaphore(%arg23 : memref<!tpu.dma_semaphore, #tpu.memory_space<semaphore_mem>>)
      } else {
      }
      %dma_wait3A_89 = arith.constant 0 : i32
      %dma_wait3A_90 = arith.constant 0 : i32
      %dma_wait3A_91 = tpu.memref_slice %arg2[%dma_wait3A_89, %dma_wait3A_90] : memref<10240x144xf32, #tpu.memory_space<hbm>> -> memref<40x144xf32, #tpu.memory_space<hbm>>
      %dma_wait3A_92 = arith.constant 0 : i32
      %dma_wait3A_93 = arith.constant 0 : i32
      %dma_wait3A_94 = tpu.memref_slice %arg2[%dma_wait3A_92, %dma_wait3A_93] : memref<10240x144xf32, #tpu.memory_space<hbm>> -> memref<40x144xf32, #tpu.memory_space<hbm>>
      tpu.wait_dma2 semaphore(%arg24 : memref<!tpu.dma_semaphore, #tpu.memory_space<semaphore_mem>>) src(%dma_wait3A_94 : memref<40x144xf32, #tpu.memory_space<hbm>>) dst(%arg16 : memref<40x144xf32, #tpu.memory_space<vmem>>)
      %dma_wait3A_95 = arith.constant 0 : i32
      %dma_wait3A_96 = arith.constant 0 : i32
      %dma_wait3A_97 = tpu.memref_slice %arg3[%dma_wait3A_95, %dma_wait3A_96] : memref<10240x16xf32, #tpu.memory_space<hbm>> -> memref<40x16xf32, #tpu.memory_space<hbm>>
      %dma_wait3A_98 = arith.constant 0 : i32
      %dma_wait3A_99 = arith.constant 0 : i32
      %dma_wait3A_100 = tpu.memref_slice %arg3[%dma_wait3A_98, %dma_wait3A_99] : memref<10240x16xf32, #tpu.memory_space<hbm>> -> memref<40x16xf32, #tpu.memory_space<hbm>>
      tpu.wait_dma2 semaphore(%arg24 : memref<!tpu.dma_semaphore, #tpu.memory_space<semaphore_mem>>) src(%dma_wait3A_100 : memref<40x16xf32, #tpu.memory_space<hbm>>) dst(%arg18 : memref<40x16xf32, #tpu.memory_space<vmem>>)
      %gt3A_101 = arith.constant 0 : i32
      %gt3A_102 = arith.cmpi sgt, %scan3A_35, %gt3A_101 : i32
      %convert_element_type3A_103 = arith.extui %gt3A_102 : i1 to i32
      %cond3A_104 = arith.constant 0 : i32
      %cond3A_105 = arith.cmpi ne, %convert_element_type3A_103, %cond3A_104 : i32
      scf.if %cond3A_105 {
        %dma_wait3A_128 = arith.constant 0 : i32
        %dma_wait3A_129 = arith.constant 0 : i32
        %dma_wait3A_130 = tpu.memref_slice %arg2[%dma_wait3A_128, %dma_wait3A_129] : memref<10240x144xf32, #tpu.memory_space<hbm>> -> memref<40x144xf32, #tpu.memory_space<hbm>>
        %dma_wait3A_131 = arith.constant 0 : i32
        %dma_wait3A_132 = arith.constant 0 : i32
        %dma_wait3A_133 = tpu.memref_slice %arg2[%dma_wait3A_131, %dma_wait3A_132] : memref<10240x144xf32, #tpu.memory_space<hbm>> -> memref<40x144xf32, #tpu.memory_space<hbm>>
        tpu.wait_dma2 semaphore(%arg26 : memref<!tpu.dma_semaphore, #tpu.memory_space<semaphore_mem>>) src(%dma_wait3A_133 : memref<40x144xf32, #tpu.memory_space<hbm>>) dst(%arg20 : memref<40x144xf32, #tpu.memory_space<vmem>>)
      } else {
      }
      %mul3A_106 = arith.constant 10000 : i32
      %mul3A_107 = arith.muli %add3A, %mul3A_106 : i32
      %add3A_108 = arith.constant 1 : i32
      %add3A_109 = arith.addi %mul3A_37, %add3A_108 : i32
      %mul3A_110 = arith.constant 40 : i32
      %mul3A_111 = arith.muli %add3A_109, %mul3A_110 : i32
      %add3A_112 = arith.addi %mul3A_107, %mul3A_111 : i32
      %dma_start3A_113 = tpu.memref_slice %arg6[%add3A_112] : memref<320000xi32, #tpu.memory_space<hbm>> -> memref<40xi32, #tpu.memory_space<hbm>>
      %dma_start3A_114 = tpu.memref_slice %arg6[%add3A_112] : memref<320000xi32, #tpu.memory_space<hbm>> -> memref<40xi32, #tpu.memory_space<hbm>>
      tpu.enqueue_dma source(%dma_start3A_114 : memref<40xi32, #tpu.memory_space<hbm>>) target(%arg14 : memref<40xi32, #tpu.memory_space<vmem>>) target_semaphore(%arg28 : memref<!tpu.dma_semaphore, #tpu.memory_space<semaphore_mem>>)
      %scan3A_115 = arith.constant 0 : i32
      %scan3A_116 = arith.constant 0 : i32
      %scan3A_117 = arith.constant 40 : i32
      %scan3A_118 = arith.addi %scan3A_116, %scan3A_117 : i32
      %scan3A_119 = arith.constant 1 : i32
      scf.for %scan3A_128 = %scan3A_116 to %scan3A_118 step %scan3A_119  : i32 {
        %get3A = arith.index_cast %scan3A_128 : i32 to index
        %get3A_129 = arith.constant 128 : index
        %get3A_130 = tpu.vector_load %arg16[%get3A, %get3A_129] {strides = array<i32>} : memref<40x144xf32, #tpu.memory_space<vmem>>, vector<1x16xf32>,
        %get3A_131 = vector.shape_cast %get3A_130 : vector<1x16xf32> to vector<16xf32>
        %get3A_132 = arith.index_cast %scan3A_128 : i32 to index
        %get3A_133 = arith.constant 0 : index
        %get3A_134 = tpu.vector_load %arg18[%get3A_132, %get3A_133] {strides = array<i32>} : memref<40x16xf32, #tpu.memory_space<vmem>>, vector<1x16xf32>,
        %get3A_135 = vector.shape_cast %get3A_134 : vector<1x16xf32> to vector<16xf32>
        %add3A_136 = arith.addf %get3A_131, %get3A_135 : vector<16xf32>
        %ge3A = arith.constant 0.000000e+00 : f32
        %ge3A_137 = vector.broadcast %ge3A : f32 to vector<16xf32>
        %ge3A_138 = arith.cmpf oge, %add3A_136, %ge3A_137 : vector<16xf32>
        %mul3A_139 = arith.constant 2.000000e-01 : f32
        %mul3A_140 = vector.broadcast %mul3A_139 : f32 to vector<16xf32>
        %mul3A_141 = arith.mulf %mul3A_140, %add3A_136 : vector<16xf32>
        %select_n3A = arith.select %ge3A_138, %add3A_136, %mul3A_141 : vector<16xi1>, vector<16xf32>
        %get3A_142 = arith.constant 0 : index
        %get3A_143 = tpu.vector_load %arg21[%get3A_142] {strides = array<i32>} : memref<16xf32, #tpu.memory_space<vmem>>, vector<16xf32>,
        %get3A_144 = vector.shape_cast %get3A_143 : vector<16xf32> to vector<16xf32>
        %sub3A = arith.subf %select_n3A, %get3A_144 : vector<16xf32>
        %exp3A = math.exp %sub3A : vector<16xf32>
        %swap3A = arith.index_cast %scan3A_128 : i32 to index
        %swap3A_145 = arith.constant 128 : index
        %swap3A_146 = tpu.vector_load %arg20[%swap3A, %swap3A_145] {strides = array<i32>} : memref<40x144xf32, #tpu.memory_space<vmem>>, vector<1x16xf32>,
        %swap3A_147 = vector.shape_cast %swap3A_146 : vector<1x16xf32> to vector<16xf32>
        %swap3A_148 = vector.shape_cast %exp3A : vector<16xf32> to vector<1x16xf32>
        tpu.vector_store %arg20[%swap3A, %swap3A_145], %swap3A_148 {strides = array<i32>} : memref<40x144xf32, #tpu.memory_space<vmem>>, vector<1x16xf32>,
        %slice3A = vector.extract_strided_slice %exp3A {offsets = [0], sizes = [1], strides = [1]} : vector<16xf32> to vector<1xf32>
        %squeeze3A = vector.extract %slice3A[0] : f32 from vector<1xf32>
        %broadcast_in_dim3A = vector.broadcast %squeeze3A : f32 to vector<16xf32>
        %get3A_149 = arith.index_cast %scan3A_128 : i32 to index
        %get3A_150 = arith.constant 0 : index
        %get3A_151 = tpu.vector_load %arg16[%get3A_149, %get3A_150] {strides = array<i32>} : memref<40x144xf32, #tpu.memory_space<vmem>>, vector<1x16xf32>,
        %get3A_152 = vector.shape_cast %get3A_151 : vector<1x16xf32> to vector<16xf32>
        %mul3A_153 = arith.mulf %get3A_152, %broadcast_in_dim3A : vector<16xf32>
        %swap3A_154 = arith.index_cast %scan3A_128 : i32 to index
        %swap3A_155 = arith.constant 0 : index
        %swap3A_156 = tpu.vector_load %arg20[%swap3A_154, %swap3A_155] {strides = array<i32>} : memref<40x144xf32, #tpu.memory_space<vmem>>, vector<1x16xf32>,
        %swap3A_157 = vector.shape_cast %swap3A_156 : vector<1x16xf32> to vector<16xf32>
        %swap3A_158 = vector.shape_cast %mul3A_153 : vector<16xf32> to vector<1x16xf32>
        tpu.vector_store %arg20[%swap3A_154, %swap3A_155], %swap3A_158 {strides = array<i32>} : memref<40x144xf32, #tpu.memory_space<vmem>>, vector<1x16xf32>,
        %get3A_159 = arith.index_cast %scan3A_128 : i32 to index
        %get3A_160 = arith.constant 16 : index
        %get3A_161 = tpu.vector_load %arg16[%get3A_159, %get3A_160] {strides = array<i32>} : memref<40x144xf32, #tpu.memory_space<vmem>>, vector<1x16xf32>,
        %get3A_162 = vector.shape_cast %get3A_161 : vector<1x16xf32> to vector<16xf32>
        %mul3A_163 = arith.mulf %get3A_162, %broadcast_in_dim3A : vector<16xf32>
        %swap3A_164 = arith.index_cast %scan3A_128 : i32 to index
        %swap3A_165 = arith.constant 16 : index
        %swap3A_166 = tpu.vector_load %arg20[%swap3A_164, %swap3A_165] {strides = array<i32>} : memref<40x144xf32, #tpu.memory_space<vmem>>, vector<1x16xf32>,
        %swap3A_167 = vector.shape_cast %swap3A_166 : vector<1x16xf32> to vector<16xf32>
        %swap3A_168 = vector.shape_cast %mul3A_163 : vector<16xf32> to vector<1x16xf32>
        tpu.vector_store %arg20[%swap3A_164, %swap3A_165], %swap3A_168 {strides = array<i32>} : memref<40x144xf32, #tpu.memory_space<vmem>>, vector<1x16xf32>,
        %get3A_169 = arith.index_cast %scan3A_128 : i32 to index
        %get3A_170 = arith.constant 32 : index
        %get3A_171 = tpu.vector_load %arg16[%get3A_169, %get3A_170] {strides = array<i32>} : memref<40x144xf32, #tpu.memory_space<vmem>>, vector<1x16xf32>,
        %get3A_172 = vector.shape_cast %get3A_171 : vector<1x16xf32> to vector<16xf32>
        %mul3A_173 = arith.mulf %get3A_172, %broadcast_in_dim3A : vector<16xf32>
        %swap3A_174 = arith.index_cast %scan3A_128 : i32 to index
        %swap3A_175 = arith.constant 32 : index
        %swap3A_176 = tpu.vector_load %arg20[%swap3A_174, %swap3A_175] {strides = array<i32>} : memref<40x144xf32, #tpu.memory_space<vmem>>, vector<1x16xf32>,
        %swap3A_177 = vector.shape_cast %swap3A_176 : vector<1x16xf32> to vector<16xf32>
        %swap3A_178 = vector.shape_cast %mul3A_173 : vector<16xf32> to vector<1x16xf32>
        tpu.vector_store %arg20[%swap3A_174, %swap3A_175], %swap3A_178 {strides = array<i32>} : memref<40x144xf32, #tpu.memory_space<vmem>>, vector<1x16xf32>,
        %get3A_179 = arith.index_cast %scan3A_128 : i32 to index
        %get3A_180 = arith.constant 48 : index
        %get3A_181 = tpu.vector_load %arg16[%get3A_179, %get3A_180] {strides = array<i32>} : memref<40x144xf32, #tpu.memory_space<vmem>>, vector<1x16xf32>,
        %get3A_182 = vector.shape_cast %get3A_181 : vector<1x16xf32> to vector<16xf32>
        %mul3A_183 = arith.mulf %get3A_182, %broadcast_in_dim3A : vector<16xf32>
        %swap3A_184 = arith.index_cast %scan3A_128 : i32 to index
        %swap3A_185 = arith.constant 48 : index
        %swap3A_186 = tpu.vector_load %arg20[%swap3A_184, %swap3A_185] {strides = array<i32>} : memref<40x144xf32, #tpu.memory_space<vmem>>, vector<1x16xf32>,
        %swap3A_187 = vector.shape_cast %swap3A_186 : vector<1x16xf32> to vector<16xf32>
        %swap3A_188 = vector.shape_cast %mul3A_183 : vector<16xf32> to vector<1x16xf32>
        tpu.vector_store %arg20[%swap3A_184, %swap3A_185], %swap3A_188 {strides = array<i32>} : memref<40x144xf32, #tpu.memory_space<vmem>>, vector<1x16xf32>,
        %get3A_189 = arith.index_cast %scan3A_128 : i32 to index
        %get3A_190 = arith.constant 64 : index
        %get3A_191 = tpu.vector_load %arg16[%get3A_189, %get3A_190] {strides = array<i32>} : memref<40x144xf32, #tpu.memory_space<vmem>>, vector<1x16xf32>,
        %get3A_192 = vector.shape_cast %get3A_191 : vector<1x16xf32> to vector<16xf32>
        %mul3A_193 = arith.mulf %get3A_192, %broadcast_in_dim3A : vector<16xf32>
        %swap3A_194 = arith.index_cast %scan3A_128 : i32 to index
        %swap3A_195 = arith.constant 64 : index
        %swap3A_196 = tpu.vector_load %arg20[%swap3A_194, %swap3A_195] {strides = array<i32>} : memref<40x144xf32, #tpu.memory_space<vmem>>, vector<1x16xf32>,
        %swap3A_197 = vector.shape_cast %swap3A_196 : vector<1x16xf32> to vector<16xf32>
        %swap3A_198 = vector.shape_cast %mul3A_193 : vector<16xf32> to vector<1x16xf32>
        tpu.vector_store %arg20[%swap3A_194, %swap3A_195], %swap3A_198 {strides = array<i32>} : memref<40x144xf32, #tpu.memory_space<vmem>>, vector<1x16xf32>,
        %get3A_199 = arith.index_cast %scan3A_128 : i32 to index
        %get3A_200 = arith.constant 80 : index
        %get3A_201 = tpu.vector_load %arg16[%get3A_199, %get3A_200] {strides = array<i32>} : memref<40x144xf32, #tpu.memory_space<vmem>>, vector<1x16xf32>,
        %get3A_202 = vector.shape_cast %get3A_201 : vector<1x16xf32> to vector<16xf32>
        %mul3A_203 = arith.mulf %get3A_202, %broadcast_in_dim3A : vector<16xf32>
        %swap3A_204 = arith.index_cast %scan3A_128 : i32 to index
        %swap3A_205 = arith.constant 80 : index
        %swap3A_206 = tpu.vector_load %arg20[%swap3A_204, %swap3A_205] {strides = array<i32>} : memref<40x144xf32, #tpu.memory_space<vmem>>, vector<1x16xf32>,
        %swap3A_207 = vector.shape_cast %swap3A_206 : vector<1x16xf32> to vector<16xf32>
        %swap3A_208 = vector.shape_cast %mul3A_203 : vector<16xf32> to vector<1x16xf32>
        tpu.vector_store %arg20[%swap3A_204, %swap3A_205], %swap3A_208 {strides = array<i32>} : memref<40x144xf32, #tpu.memory_space<vmem>>, vector<1x16xf32>,
        %get3A_209 = arith.index_cast %scan3A_128 : i32 to index
        %get3A_210 = arith.constant 96 : index
        %get3A_211 = tpu.vector_load %arg16[%get3A_209, %get3A_210] {strides = array<i32>} : memref<40x144xf32, #tpu.memory_space<vmem>>, vector<1x16xf32>,
        %get3A_212 = vector.shape_cast %get3A_211 : vector<1x16xf32> to vector<16xf32>
        %mul3A_213 = arith.mulf %get3A_212, %broadcast_in_dim3A : vector<16xf32>
        %swap3A_214 = arith.index_cast %scan3A_128 : i32 to index
        %swap3A_215 = arith.constant 96 : index
        %swap3A_216 = tpu.vector_load %arg20[%swap3A_214, %swap3A_215] {strides = array<i32>} : memref<40x144xf32, #tpu.memory_space<vmem>>, vector<1x16xf32>,
        %swap3A_217 = vector.shape_cast %swap3A_216 : vector<1x16xf32> to vector<16xf32>
        %swap3A_218 = vector.shape_cast %mul3A_213 : vector<16xf32> to vector<1x16xf32>
        tpu.vector_store %arg20[%swap3A_214, %swap3A_215], %swap3A_218 {strides = array<i32>} : memref<40x144xf32, #tpu.memory_space<vmem>>, vector<1x16xf32>,
        %get3A_219 = arith.index_cast %scan3A_128 : i32 to index
        %get3A_220 = arith.constant 112 : index
        %get3A_221 = tpu.vector_load %arg16[%get3A_219, %get3A_220] {strides = array<i32>} : memref<40x144xf32, #tpu.memory_space<vmem>>, vector<1x16xf32>,
        %get3A_222 = vector.shape_cast %get3A_221 : vector<1x16xf32> to vector<16xf32>
        %mul3A_223 = arith.mulf %get3A_222, %broadcast_in_dim3A : vector<16xf32>
        %swap3A_224 = arith.index_cast %scan3A_128 : i32 to index
        %swap3A_225 = arith.constant 112 : index
        %swap3A_226 = tpu.vector_load %arg20[%swap3A_224, %swap3A_225] {strides = array<i32>} : memref<40x144xf32, #tpu.memory_space<vmem>>, vector<1x16xf32>,
        %swap3A_227 = vector.shape_cast %swap3A_226 : vector<1x16xf32> to vector<16xf32>
        %swap3A_228 = vector.shape_cast %mul3A_223 : vector<16xf32> to vector<1x16xf32>
        tpu.vector_store %arg20[%swap3A_224, %swap3A_225], %swap3A_228 {strides = array<i32>} : memref<40x144xf32, #tpu.memory_space<vmem>>, vector<1x16xf32>,
      }
      %scan3A_120 = arith.constant 40 : i32
      %dma_wait3A_121 = arith.constant 0 : i32
      %dma_wait3A_122 = tpu.memref_slice %arg6[%dma_wait3A_121] : memref<320000xi32, #tpu.memory_space<hbm>> -> memref<40xi32, #tpu.memory_space<hbm>>
      %dma_wait3A_123 = arith.constant 0 : i32
      %dma_wait3A_124 = tpu.memref_slice %arg6[%dma_wait3A_123] : memref<320000xi32, #tpu.memory_space<hbm>> -> memref<40xi32, #tpu.memory_space<hbm>>
      tpu.wait_dma2 semaphore(%arg28 : memref<!tpu.dma_semaphore, #tpu.memory_space<semaphore_mem>>) src(%dma_wait3A_124 : memref<40xi32, #tpu.memory_space<hbm>>) dst(%arg14 : memref<40xi32, #tpu.memory_space<vmem>>)
      %dma_start3A_125 = arith.constant 0 : i32
      %dma_start3A_126 = arith.constant 0 : i32
      %dma_start3A_127 = tpu.memref_slice %arg22[%dma_start3A_125, %dma_start3A_126] : memref<10240x144xf32, #tpu.memory_space<vmem_shared>> -> memref<10240x144xf32, #tpu.memory_space<vmem_shared>>
      tpu.enqueue_indirect_dma source(%arg20 : memref<40x144xf32, #tpu.memory_space<vmem>>) target(%dma_start3A_127 : memref<10240x144xf32, #tpu.memory_space<vmem_shared>>) offsets(%arg14 : memref<40xi32, #tpu.memory_space<vmem>>) semaphore(%arg26 : memref<!tpu.dma_semaphore, #tpu.memory_space<semaphore_mem>>) {add = true}
    }
    %scan3A_18 = arith.constant 125 : i32
    %dma_wait3A = arith.constant 0 : i32
    %dma_wait3A_19 = arith.constant 0 : i32
    %dma_wait3A_20 = tpu.memref_slice %arg2[%dma_wait3A, %dma_wait3A_19] : memref<10240x144xf32, #tpu.memory_space<hbm>> -> memref<40x144xf32, #tpu.memory_space<hbm>>
    %dma_wait3A_21 = arith.constant 0 : i32
    %dma_wait3A_22 = arith.constant 0 : i32
    %dma_wait3A_23 = tpu.memref_slice %arg2[%dma_wait3A_21, %dma_wait3A_22] : memref<10240x144xf32, #tpu.memory_space<hbm>> -> memref<40x144xf32, #tpu.memory_space<hbm>>
    tpu.wait_dma2 semaphore(%arg25 : memref<!tpu.dma_semaphore, #tpu.memory_space<semaphore_mem>>) src(%dma_wait3A_23 : memref<40x144xf32, #tpu.memory_space<hbm>>) dst(%arg19 : memref<40x144xf32, #tpu.memory_space<vmem>>)
    %dma_wait3A_24 = arith.constant 0 : i32
    %dma_wait3A_25 = arith.constant 0 : i32
    %dma_wait3A_26 = tpu.memref_slice %arg2[%dma_wait3A_24, %dma_wait3A_25] : memref<10240x144xf32, #tpu.memory_space<hbm>> -> memref<40x144xf32, #tpu.memory_space<hbm>>
    %dma_wait3A_27 = arith.constant 0 : i32
    %dma_wait3A_28 = arith.constant 0 : i32
    %dma_wait3A_29 = tpu.memref_slice %arg2[%dma_wait3A_27, %dma_wait3A_28] : memref<10240x144xf32, #tpu.memory_space<hbm>> -> memref<40x144xf32, #tpu.memory_space<hbm>>
    tpu.wait_dma2 semaphore(%arg26 : memref<!tpu.dma_semaphore, #tpu.memory_space<semaphore_mem>>) src(%dma_wait3A_29 : memref<40x144xf32, #tpu.memory_space<hbm>>) dst(%arg20 : memref<40x144xf32, #tpu.memory_space<vmem>>)
    %barrier3A_30 = arith.constant 0 : index
    tpu.barrier barrier_id(%barrier3A_30)
    %mul3A_31 = arith.constant 640 : i32
    %mul3A_32 = arith.muli %arg1, %mul3A_31 : i32
    %mul3A_33 = arith.constant 640 : i32
    %mul3A_34 = arith.muli %arg1, %mul3A_33 : i32
    "tpu.region"() ({
      %run_scoped3A = tpu.sem_alloc : memref<!tpu.dma_semaphore, #tpu.memory_space<semaphore_mem>>
      %dma_start3A_35 = arith.constant 0 : i32
      %dma_start3A_36 = tpu.memref_slice %arg8[%arg0, %mul3A_34, %dma_start3A_35] : memref<2x10240x144xf32, #tpu.memory_space<hbm>> -> memref<1x640x144xf32, #tpu.memory_space<hbm>>
      %dma_start3A_37 = tpu.memref_squeeze %dma_start3A_36 : memref<1x640x144xf32, #tpu.memory_space<hbm>> -> memref<640x144xf32, #tpu.memory_space<hbm>>
      %dma_start3A_38 = arith.constant 0 : i32
      %dma_start3A_39 = tpu.memref_slice %arg22[%mul3A_32, %dma_start3A_38] : memref<10240x144xf32, #tpu.memory_space<vmem_shared>> -> memref<640x144xf32, #tpu.memory_space<vmem_shared>>
      tpu.enqueue_dma source(%dma_start3A_39 : memref<640x144xf32, #tpu.memory_space<vmem_shared>>) target(%dma_start3A_37 : memref<640x144xf32, #tpu.memory_space<hbm>>) target_semaphore(%run_scoped3A : memref<!tpu.dma_semaphore, #tpu.memory_space<semaphore_mem>>)
      %dma_wait3A_40 = arith.constant 0 : i32
      %dma_wait3A_41 = tpu.memref_slice %arg8[%arg0, %mul3A_34, %dma_wait3A_40] : memref<2x10240x144xf32, #tpu.memory_space<hbm>> -> memref<1x640x144xf32, #tpu.memory_space<hbm>>
      %dma_wait3A_42 = tpu.memref_squeeze %dma_wait3A_41 : memref<1x640x144xf32, #tpu.memory_space<hbm>> -> memref<640x144xf32, #tpu.memory_space<hbm>>
      %dma_wait3A_43 = arith.constant 0 : i32
      %dma_wait3A_44 = tpu.memref_slice %arg22[%mul3A_32, %dma_wait3A_43] : memref<10240x144xf32, #tpu.memory_space<vmem_shared>> -> memref<640x144xf32, #tpu.memory_space<vmem_shared>>
      tpu.wait_dma2 semaphore(%run_scoped3A : memref<!tpu.dma_semaphore, #tpu.memory_space<semaphore_mem>>) src(%dma_wait3A_44 : memref<640x144xf32, #tpu.memory_space<vmem_shared>>) dst(%dma_wait3A_42 : memref<640x144xf32, #tpu.memory_space<hbm>>)
      tpu.yield
    }) : () -> ()
    return
  }
}

#map = affine_map<(d0, d1) -> (0, 0)>
#map1 = affine_map<(d0, d1) -> (0)>
#map2 = affine_map<(d0, d1) -> (0, 0, 0)>
module attributes {stable_mosaic.version = 14 : i64} {
  func.func @_sc_edge_body(%arg0: i32, %arg1: i32, %arg2: memref<10240x144xf32, #tpu.memory_space<hbm>>, %arg3: memref<10240x16xf32, #tpu.memory_space<hbm>>, %arg4: memref<16xf32, #tpu.memory_space<hbm>>, %arg5: memref<320000xi32, #tpu.memory_space<hbm>>, %arg6: memref<320000xi32, #tpu.memory_space<hbm>>, %arg7: memref<10240x144xf32, #tpu.memory_space<hbm>>, %arg8: memref<2x10240x144xf32, #tpu.memory_space<hbm>>, %arg9: memref<40xi32, #tpu.memory_space<vmem>>, %arg10: memref<40xi32, #tpu.memory_space<vmem>>, %arg11: memref<40xi32, #tpu.memory_space<vmem>>, %arg12: memref<40xi32, #tpu.memory_space<vmem>>, %arg13: memref<40xi32, #tpu.memory_space<vmem>>, %arg14: memref<40xi32, #tpu.memory_space<vmem>>, %arg15: memref<40x144xf32, #tpu.memory_space<vmem>>, %arg16: memref<40x144xf32, #tpu.memory_space<vmem>>, %arg17: memref<40x16xf32, #tpu.memory_space<vmem>>, %arg18: memref<40x16xf32, #tpu.memory_space<vmem>>, %arg19: memref<40x144xf32, #tpu.memory_space<vmem>>, %arg20: memref<40x144xf32, #tpu.memory_space<vmem>>, %arg21: memref<16xf32, #tpu.memory_space<vmem>>, %arg22: memref<10240x144xf32, #tpu.memory_space<vmem_shared>>, %arg23: memref<!tpu.dma_semaphore, #tpu.memory_space<semaphore_mem>>, %arg24: memref<!tpu.dma_semaphore, #tpu.memory_space<semaphore_mem>>, %arg25: memref<!tpu.dma_semaphore, #tpu.memory_space<semaphore_mem>>, %arg26: memref<!tpu.dma_semaphore, #tpu.memory_space<semaphore_mem>>, %arg27: memref<!tpu.dma_semaphore, #tpu.memory_space<semaphore_mem>>, %arg28: memref<!tpu.dma_semaphore, #tpu.memory_space<semaphore_mem>>) attributes {dimension_semantics = [#tpu.dimension_semantics<core_parallel>, #tpu.dimension_semantics<subcore_parallel>], iteration_bounds = array<i64: 2, 16>, scalar_prefetch = 0 : i64, scratch_operands = 20 : i64, tpu.core_type = #tpu.core_type<sc_vector_subcore>, window_params = [{transform_indices = #map}, {transform_indices = #map}, {transform_indices = #map1}, {transform_indices = #map1}, {transform_indices = #map1}, {transform_indices = #map}, {transform_indices = #map2}]} {
    %mul3A = arith.constant 2 : i32
    %mul3A_0 = arith.muli %arg1, %mul3A : i32
    %add3A = arith.addi %mul3A_0, %arg0 : i32
    %mul3A_1 = arith.constant 640 : i32
    %mul3A_2 = arith.muli %arg1, %mul3A_1 : i32
    %mul3A_3 = arith.constant 640 : i32
    %mul3A_4 = arith.muli %arg1, %mul3A_3 : i32
    "tpu.region"() ({
      %run_scoped3A = tpu.sem_alloc : memref<!tpu.dma_semaphore, #tpu.memory_space<semaphore_mem>>
      %dma_start3A_35 = arith.constant 0 : i32
      %dma_start3A_36 = tpu.memref_slice %arg22[%mul3A_4, %dma_start3A_35] : memref<10240x144xf32, #tpu.memory_space<vmem_shared>> -> memref<640x144xf32, #tpu.memory_space<vmem_shared>>
      %dma_start3A_37 = arith.constant 0 : i32
      %dma_start3A_38 = tpu.memref_slice %arg7[%mul3A_2, %dma_start3A_37] : memref<10240x144xf32, #tpu.memory_space<hbm>> -> memref<640x144xf32, #tpu.memory_space<hbm>>
      tpu.enqueue_dma source(%dma_start3A_38 : memref<640x144xf32, #tpu.memory_space<hbm>>) target(%dma_start3A_36 : memref<640x144xf32, #tpu.memory_space<vmem_shared>>) target_semaphore(%run_scoped3A : memref<!tpu.dma_semaphore, #tpu.memory_space<semaphore_mem>>)
      %dma_wait3A_39 = arith.constant 0 : i32
      %dma_wait3A_40 = tpu.memref_slice %arg22[%mul3A_4, %dma_wait3A_39] : memref<10240x144xf32, #tpu.memory_space<vmem_shared>> -> memref<640x144xf32, #tpu.memory_space<vmem_shared>>
      %dma_wait3A_41 = arith.constant 0 : i32
      %dma_wait3A_42 = tpu.memref_slice %arg7[%mul3A_2, %dma_wait3A_41] : memref<10240x144xf32, #tpu.memory_space<hbm>> -> memref<640x144xf32, #tpu.memory_space<hbm>>
      tpu.wait_dma2 semaphore(%run_scoped3A : memref<!tpu.dma_semaphore, #tpu.memory_space<semaphore_mem>>) src(%dma_wait3A_42 : memref<640x144xf32, #tpu.memory_space<hbm>>) dst(%dma_wait3A_40 : memref<640x144xf32, #tpu.memory_space<vmem_shared>>)
      tpu.yield
    }) : () -> ()
    "tpu.region"() ({
      %run_scoped3A = tpu.sem_alloc : memref<!tpu.dma_semaphore, #tpu.memory_space<semaphore_mem>>
      tpu.enqueue_dma source(%arg4 : memref<16xf32, #tpu.memory_space<hbm>>) target(%arg21 : memref<16xf32, #tpu.memory_space<vmem>>) target_semaphore(%run_scoped3A : memref<!tpu.dma_semaphore, #tpu.memory_space<semaphore_mem>>)
      tpu.wait_dma2 semaphore(%run_scoped3A : memref<!tpu.dma_semaphore, #tpu.memory_space<semaphore_mem>>) src(%arg4 : memref<16xf32, #tpu.memory_space<hbm>>) dst(%arg21 : memref<16xf32, #tpu.memory_space<vmem>>)
      tpu.yield
    }) : () -> ()
    %barrier3A = arith.constant 0 : index
    tpu.barrier barrier_id(%barrier3A)
    %mul3A_5 = arith.constant 10000 : i32
    %mul3A_6 = arith.muli %add3A, %mul3A_5 : i32
    %add3A_7 = arith.constant 0 : i32
    %add3A_8 = arith.addi %mul3A_6, %add3A_7 : i32
    "tpu.region"() ({
      %run_scoped3A = tpu.sem_alloc : memref<!tpu.dma_semaphore, #tpu.memory_space<semaphore_mem>>
      %dma_start3A_35 = tpu.memref_slice %arg5[%add3A_8] : memref<320000xi32, #tpu.memory_space<hbm>> -> memref<40xi32, #tpu.memory_space<hbm>>
      %dma_start3A_36 = tpu.memref_slice %arg5[%add3A_8] : memref<320000xi32, #tpu.memory_space<hbm>> -> memref<40xi32, #tpu.memory_space<hbm>>
      tpu.enqueue_dma source(%dma_start3A_36 : memref<40xi32, #tpu.memory_space<hbm>>) target(%arg9 : memref<40xi32, #tpu.memory_space<vmem>>) target_semaphore(%run_scoped3A : memref<!tpu.dma_semaphore, #tpu.memory_space<semaphore_mem>>)
      %dma_wait3A_37 = tpu.memref_slice %arg5[%add3A_8] : memref<320000xi32, #tpu.memory_space<hbm>> -> memref<40xi32, #tpu.memory_space<hbm>>
      %dma_wait3A_38 = tpu.memref_slice %arg5[%add3A_8] : memref<320000xi32, #tpu.memory_space<hbm>> -> memref<40xi32, #tpu.memory_space<hbm>>
      tpu.wait_dma2 semaphore(%run_scoped3A : memref<!tpu.dma_semaphore, #tpu.memory_space<semaphore_mem>>) src(%dma_wait3A_38 : memref<40xi32, #tpu.memory_space<hbm>>) dst(%arg9 : memref<40xi32, #tpu.memory_space<vmem>>)
      tpu.yield
    }) : () -> ()
    "tpu.region"() ({
      %run_scoped3A = tpu.sem_alloc : memref<!tpu.dma_semaphore, #tpu.memory_space<semaphore_mem>>
      %dma_start3A_35 = tpu.memref_slice %arg6[%add3A_8] : memref<320000xi32, #tpu.memory_space<hbm>> -> memref<40xi32, #tpu.memory_space<hbm>>
      %dma_start3A_36 = tpu.memref_slice %arg6[%add3A_8] : memref<320000xi32, #tpu.memory_space<hbm>> -> memref<40xi32, #tpu.memory_space<hbm>>
      tpu.enqueue_dma source(%dma_start3A_36 : memref<40xi32, #tpu.memory_space<hbm>>) target(%arg10 : memref<40xi32, #tpu.memory_space<vmem>>) target_semaphore(%run_scoped3A : memref<!tpu.dma_semaphore, #tpu.memory_space<semaphore_mem>>)
      %dma_wait3A_37 = tpu.memref_slice %arg6[%add3A_8] : memref<320000xi32, #tpu.memory_space<hbm>> -> memref<40xi32, #tpu.memory_space<hbm>>
      %dma_wait3A_38 = tpu.memref_slice %arg6[%add3A_8] : memref<320000xi32, #tpu.memory_space<hbm>> -> memref<40xi32, #tpu.memory_space<hbm>>
      tpu.wait_dma2 semaphore(%run_scoped3A : memref<!tpu.dma_semaphore, #tpu.memory_space<semaphore_mem>>) src(%dma_wait3A_38 : memref<40xi32, #tpu.memory_space<hbm>>) dst(%arg10 : memref<40xi32, #tpu.memory_space<vmem>>)
      tpu.yield
    }) : () -> ()
    %dma_start3A = arith.constant 0 : i32
    %dma_start3A_9 = arith.constant 0 : i32
    %dma_start3A_10 = tpu.memref_slice %arg2[%dma_start3A, %dma_start3A_9] : memref<10240x144xf32, #tpu.memory_space<hbm>> -> memref<10240x144xf32, #tpu.memory_space<hbm>>
    tpu.enqueue_indirect_dma source(%dma_start3A_10 : memref<10240x144xf32, #tpu.memory_space<hbm>>) target(%arg15 : memref<40x144xf32, #tpu.memory_space<vmem>>) offsets(%arg9 : memref<40xi32, #tpu.memory_space<vmem>>) semaphore(%arg23 : memref<!tpu.dma_semaphore, #tpu.memory_space<semaphore_mem>>)
    %dma_start3A_11 = arith.constant 0 : i32
    %dma_start3A_12 = arith.constant 0 : i32
    %dma_start3A_13 = tpu.memref_slice %arg3[%dma_start3A_11, %dma_start3A_12] : memref<10240x16xf32, #tpu.memory_space<hbm>> -> memref<10240x16xf32, #tpu.memory_space<hbm>>
    tpu.enqueue_indirect_dma source(%dma_start3A_13 : memref<10240x16xf32, #tpu.memory_space<hbm>>) target(%arg17 : memref<40x16xf32, #tpu.memory_space<vmem>>) offsets(%arg10 : memref<40xi32, #tpu.memory_space<vmem>>) semaphore(%arg23 : memref<!tpu.dma_semaphore, #tpu.memory_space<semaphore_mem>>)
    %scan3A = arith.constant 0 : i32
    %scan3A_14 = arith.constant 0 : i32
    %scan3A_15 = arith.constant 125 : i32
    %scan3A_16 = arith.addi %scan3A_14, %scan3A_15 : i32
    %scan3A_17 = arith.constant 1 : i32
    scf.for %scan3A_35 = %scan3A_14 to %scan3A_16 step %scan3A_17  : i32 {
      %mul3A_36 = arith.constant 2 : i32
      %mul3A_37 = arith.muli %scan3A_35, %mul3A_36 : i32
      %add3A_38 = arith.constant 1 : i32
      %add3A_39 = arith.addi %mul3A_37, %add3A_38 : i32
      %mul3A_40 = arith.constant 10000 : i32
      %mul3A_41 = arith.muli %add3A, %mul3A_40 : i32
      %mul3A_42 = arith.constant 40 : i32
      %mul3A_43 = arith.muli %add3A_39, %mul3A_42 : i32
      %add3A_44 = arith.addi %mul3A_41, %mul3A_43 : i32
      "tpu.region"() ({
        %run_scoped3A = tpu.sem_alloc : memref<!tpu.dma_semaphore, #tpu.memory_space<semaphore_mem>>
        %dma_start3A_128 = tpu.memref_slice %arg5[%add3A_44] : memref<320000xi32, #tpu.memory_space<hbm>> -> memref<40xi32, #tpu.memory_space<hbm>>
        %dma_start3A_129 = tpu.memref_slice %arg5[%add3A_44] : memref<320000xi32, #tpu.memory_space<hbm>> -> memref<40xi32, #tpu.memory_space<hbm>>
        tpu.enqueue_dma source(%dma_start3A_129 : memref<40xi32, #tpu.memory_space<hbm>>) target(%arg11 : memref<40xi32, #tpu.memory_space<vmem>>) target_semaphore(%run_scoped3A : memref<!tpu.dma_semaphore, #tpu.memory_space<semaphore_mem>>)
        %dma_wait3A_130 = tpu.memref_slice %arg5[%add3A_44] : memref<320000xi32, #tpu.memory_space<hbm>> -> memref<40xi32, #tpu.memory_space<hbm>>
        %dma_wait3A_131 = tpu.memref_slice %arg5[%add3A_44] : memref<320000xi32, #tpu.memory_space<hbm>> -> memref<40xi32, #tpu.memory_space<hbm>>
        tpu.wait_dma2 semaphore(%run_scoped3A : memref<!tpu.dma_semaphore, #tpu.memory_space<semaphore_mem>>) src(%dma_wait3A_131 : memref<40xi32, #tpu.memory_space<hbm>>) dst(%arg11 : memref<40xi32, #tpu.memory_space<vmem>>)
        tpu.yield
      }) : () -> ()
      "tpu.region"() ({
        %run_scoped3A = tpu.sem_alloc : memref<!tpu.dma_semaphore, #tpu.memory_space<semaphore_mem>>
        %dma_start3A_128 = tpu.memref_slice %arg6[%add3A_44] : memref<320000xi32, #tpu.memory_space<hbm>> -> memref<40xi32, #tpu.memory_space<hbm>>
        %dma_start3A_129 = tpu.memref_slice %arg6[%add3A_44] : memref<320000xi32, #tpu.memory_space<hbm>> -> memref<40xi32, #tpu.memory_space<hbm>>
        tpu.enqueue_dma source(%dma_start3A_129 : memref<40xi32, #tpu.memory_space<hbm>>) target(%arg12 : memref<40xi32, #tpu.memory_space<vmem>>) target_semaphore(%run_scoped3A : memref<!tpu.dma_semaphore, #tpu.memory_space<semaphore_mem>>)
        %dma_wait3A_130 = tpu.memref_slice %arg6[%add3A_44] : memref<320000xi32, #tpu.memory_space<hbm>> -> memref<40xi32, #tpu.memory_space<hbm>>
        %dma_wait3A_131 = tpu.memref_slice %arg6[%add3A_44] : memref<320000xi32, #tpu.memory_space<hbm>> -> memref<40xi32, #tpu.memory_space<hbm>>
        tpu.wait_dma2 semaphore(%run_scoped3A : memref<!tpu.dma_semaphore, #tpu.memory_space<semaphore_mem>>) src(%dma_wait3A_131 : memref<40xi32, #tpu.memory_space<hbm>>) dst(%arg12 : memref<40xi32, #tpu.memory_space<vmem>>)
        tpu.yield
      }) : () -> ()
      %dma_start3A_45 = arith.constant 0 : i32
      %dma_start3A_46 = arith.constant 0 : i32
      %dma_start3A_47 = tpu.memref_slice %arg2[%dma_start3A_45, %dma_start3A_46] : memref<10240x144xf32, #tpu.memory_space<hbm>> -> memref<10240x144xf32, #tpu.memory_space<hbm>>
      tpu.enqueue_indirect_dma source(%dma_start3A_47 : memref<10240x144xf32, #tpu.memory_space<hbm>>) target(%arg16 : memref<40x144xf32, #tpu.memory_space<vmem>>) offsets(%arg11 : memref<40xi32, #tpu.memory_space<vmem>>) semaphore(%arg24 : memref<!tpu.dma_semaphore, #tpu.memory_space<semaphore_mem>>)
      %dma_start3A_48 = arith.constant 0 : i32
      %dma_start3A_49 = arith.constant 0 : i32
      %dma_start3A_50 = tpu.memref_slice %arg3[%dma_start3A_48, %dma_start3A_49] : memref<10240x16xf32, #tpu.memory_space<hbm>> -> memref<10240x16xf32, #tpu.memory_space<hbm>>
      tpu.enqueue_indirect_dma source(%dma_start3A_50 : memref<10240x16xf32, #tpu.memory_space<hbm>>) target(%arg18 : memref<40x16xf32, #tpu.memory_space<vmem>>) offsets(%arg12 : memref<40xi32, #tpu.memory_space<vmem>>) semaphore(%arg24 : memref<!tpu.dma_semaphore, #tpu.memory_space<semaphore_mem>>)
      %dma_wait3A_51 = arith.constant 0 : i32
      %dma_wait3A_52 = arith.constant 0 : i32
      %dma_wait3A_53 = tpu.memref_slice %arg2[%dma_wait3A_51, %dma_wait3A_52] : memref<10240x144xf32, #tpu.memory_space<hbm>> -> memref<40x144xf32, #tpu.memory_space<hbm>>
      %dma_wait3A_54 = arith.constant 0 : i32
      %dma_wait3A_55 = arith.constant 0 : i32
      %dma_wait3A_56 = tpu.memref_slice %arg2[%dma_wait3A_54, %dma_wait3A_55] : memref<10240x144xf32, #tpu.memory_space<hbm>> -> memref<40x144xf32, #tpu.memory_space<hbm>>
      tpu.wait_dma2 semaphore(%arg23 : memref<!tpu.dma_semaphore, #tpu.memory_space<semaphore_mem>>) src(%dma_wait3A_56 : memref<40x144xf32, #tpu.memory_space<hbm>>) dst(%arg15 : memref<40x144xf32, #tpu.memory_space<vmem>>)
      %dma_wait3A_57 = arith.constant 0 : i32
      %dma_wait3A_58 = arith.constant 0 : i32
      %dma_wait3A_59 = tpu.memref_slice %arg3[%dma_wait3A_57, %dma_wait3A_58] : memref<10240x16xf32, #tpu.memory_space<hbm>> -> memref<40x16xf32, #tpu.memory_space<hbm>>
      %dma_wait3A_60 = arith.constant 0 : i32
      %dma_wait3A_61 = arith.constant 0 : i32
      %dma_wait3A_62 = tpu.memref_slice %arg3[%dma_wait3A_60, %dma_wait3A_61] : memref<10240x16xf32, #tpu.memory_space<hbm>> -> memref<40x16xf32, #tpu.memory_space<hbm>>
      tpu.wait_dma2 semaphore(%arg23 : memref<!tpu.dma_semaphore, #tpu.memory_space<semaphore_mem>>) src(%dma_wait3A_62 : memref<40x16xf32, #tpu.memory_space<hbm>>) dst(%arg17 : memref<40x16xf32, #tpu.memory_space<vmem>>)
      %gt3A = arith.constant 0 : i32
      %gt3A_63 = arith.cmpi sgt, %scan3A_35, %gt3A : i32
      %convert_element_type3A = arith.extui %gt3A_63 : i1 to i32
      %cond3A = arith.constant 0 : i32
      %cond3A_64 = arith.cmpi ne, %convert_element_type3A, %cond3A : i32
      scf.if %cond3A_64 {
        %dma_wait3A_128 = arith.constant 0 : i32
        %dma_wait3A_129 = arith.constant 0 : i32
        %dma_wait3A_130 = tpu.memref_slice %arg2[%dma_wait3A_128, %dma_wait3A_129] : memref<10240x144xf32, #tpu.memory_space<hbm>> -> memref<40x144xf32, #tpu.memory_space<hbm>>
        %dma_wait3A_131 = arith.constant 0 : i32
        %dma_wait3A_132 = arith.constant 0 : i32
        %dma_wait3A_133 = tpu.memref_slice %arg2[%dma_wait3A_131, %dma_wait3A_132] : memref<10240x144xf32, #tpu.memory_space<hbm>> -> memref<40x144xf32, #tpu.memory_space<hbm>>
        tpu.wait_dma2 semaphore(%arg25 : memref<!tpu.dma_semaphore, #tpu.memory_space<semaphore_mem>>) src(%dma_wait3A_133 : memref<40x144xf32, #tpu.memory_space<hbm>>) dst(%arg19 : memref<40x144xf32, #tpu.memory_space<vmem>>)
      } else {
      }
      %mul3A_65 = arith.constant 10000 : i32
      %mul3A_66 = arith.muli %add3A, %mul3A_65 : i32
      %mul3A_67 = arith.constant 40 : i32
      %mul3A_68 = arith.muli %mul3A_37, %mul3A_67 : i32
      %add3A_69 = arith.addi %mul3A_66, %mul3A_68 : i32
      %dma_start3A_70 = tpu.memref_slice %arg6[%add3A_69] : memref<320000xi32, #tpu.memory_space<hbm>> -> memref<40xi32, #tpu.memory_space<hbm>>
      %dma_start3A_71 = tpu.memref_slice %arg6[%add3A_69] : memref<320000xi32, #tpu.memory_space<hbm>> -> memref<40xi32, #tpu.memory_space<hbm>>
      tpu.enqueue_dma source(%dma_start3A_71 : memref<40xi32, #tpu.memory_space<hbm>>) target(%arg13 : memref<40xi32, #tpu.memory_space<vmem>>) target_semaphore(%arg27 : memref<!tpu.dma_semaphore, #tpu.memory_space<semaphore_mem>>)
      %scan3A_72 = arith.constant 0 : i32
      %scan3A_73 = arith.constant 0 : i32
      %scan3A_74 = arith.constant 40 : i32
      %scan3A_75 = arith.addi %scan3A_73, %scan3A_74 : i32
      %scan3A_76 = arith.constant 1 : i32
      scf.for %scan3A_128 = %scan3A_73 to %scan3A_75 step %scan3A_76  : i32 {
        %get3A = arith.index_cast %scan3A_128 : i32 to index
        %get3A_129 = arith.constant 128 : index
        %get3A_130 = tpu.vector_load %arg15[%get3A, %get3A_129] {strides = array<i32>} : memref<40x144xf32, #tpu.memory_space<vmem>>, vector<1x16xf32>,
        %get3A_131 = vector.shape_cast %get3A_130 : vector<1x16xf32> to vector<16xf32>
        %get3A_132 = arith.index_cast %scan3A_128 : i32 to index
        %get3A_133 = arith.constant 0 : index
        %get3A_134 = tpu.vector_load %arg17[%get3A_132, %get3A_133] {strides = array<i32>} : memref<40x16xf32, #tpu.memory_space<vmem>>, vector<1x16xf32>,
        %get3A_135 = vector.shape_cast %get3A_134 : vector<1x16xf32> to vector<16xf32>
        %add3A_136 = arith.addf %get3A_131, %get3A_135 : vector<16xf32>
        %ge3A = arith.constant 0.000000e+00 : f32
        %ge3A_137 = vector.broadcast %ge3A : f32 to vector<16xf32>
        %ge3A_138 = arith.cmpf oge, %add3A_136, %ge3A_137 : vector<16xf32>
        %mul3A_139 = arith.constant 2.000000e-01 : f32
        %mul3A_140 = vector.broadcast %mul3A_139 : f32 to vector<16xf32>
        %mul3A_141 = arith.mulf %mul3A_140, %add3A_136 : vector<16xf32>
        %select_n3A = arith.select %ge3A_138, %add3A_136, %mul3A_141 : vector<16xi1>, vector<16xf32>
        %get3A_142 = arith.constant 0 : index
        %get3A_143 = tpu.vector_load %arg21[%get3A_142] {strides = array<i32>} : memref<16xf32, #tpu.memory_space<vmem>>, vector<16xf32>,
        %get3A_144 = vector.shape_cast %get3A_143 : vector<16xf32> to vector<16xf32>
        %sub3A = arith.subf %select_n3A, %get3A_144 : vector<16xf32>
        %exp3A = math.exp %sub3A : vector<16xf32>
        %swap3A = arith.index_cast %scan3A_128 : i32 to index
        %swap3A_145 = arith.constant 128 : index
        %swap3A_146 = tpu.vector_load %arg19[%swap3A, %swap3A_145] {strides = array<i32>} : memref<40x144xf32, #tpu.memory_space<vmem>>, vector<1x16xf32>,
        %swap3A_147 = vector.shape_cast %swap3A_146 : vector<1x16xf32> to vector<16xf32>
        %swap3A_148 = vector.shape_cast %exp3A : vector<16xf32> to vector<1x16xf32>
        tpu.vector_store %arg19[%swap3A, %swap3A_145], %swap3A_148 {strides = array<i32>} : memref<40x144xf32, #tpu.memory_space<vmem>>, vector<1x16xf32>,
        %slice3A = vector.extract_strided_slice %exp3A {offsets = [0], sizes = [1], strides = [1]} : vector<16xf32> to vector<1xf32>
        %squeeze3A = vector.extract %slice3A[0] : f32 from vector<1xf32>
        %broadcast_in_dim3A = vector.broadcast %squeeze3A : f32 to vector<16xf32>
        %get3A_149 = arith.index_cast %scan3A_128 : i32 to index
        %get3A_150 = arith.constant 0 : index
        %get3A_151 = tpu.vector_load %arg15[%get3A_149, %get3A_150] {strides = array<i32>} : memref<40x144xf32, #tpu.memory_space<vmem>>, vector<1x16xf32>,
        %get3A_152 = vector.shape_cast %get3A_151 : vector<1x16xf32> to vector<16xf32>
        %mul3A_153 = arith.mulf %get3A_152, %broadcast_in_dim3A : vector<16xf32>
        %swap3A_154 = arith.index_cast %scan3A_128 : i32 to index
        %swap3A_155 = arith.constant 0 : index
        %swap3A_156 = tpu.vector_load %arg19[%swap3A_154, %swap3A_155] {strides = array<i32>} : memref<40x144xf32, #tpu.memory_space<vmem>>, vector<1x16xf32>,
        %swap3A_157 = vector.shape_cast %swap3A_156 : vector<1x16xf32> to vector<16xf32>
        %swap3A_158 = vector.shape_cast %mul3A_153 : vector<16xf32> to vector<1x16xf32>
        tpu.vector_store %arg19[%swap3A_154, %swap3A_155], %swap3A_158 {strides = array<i32>} : memref<40x144xf32, #tpu.memory_space<vmem>>, vector<1x16xf32>,
        %slice3A_159 = vector.extract_strided_slice %exp3A {offsets = [1], sizes = [1], strides = [1]} : vector<16xf32> to vector<1xf32>
        %squeeze3A_160 = vector.extract %slice3A_159[0] : f32 from vector<1xf32>
        %broadcast_in_dim3A_161 = vector.broadcast %squeeze3A_160 : f32 to vector<16xf32>
        %get3A_162 = arith.index_cast %scan3A_128 : i32 to index
        %get3A_163 = arith.constant 16 : index
        %get3A_164 = tpu.vector_load %arg15[%get3A_162, %get3A_163] {strides = array<i32>} : memref<40x144xf32, #tpu.memory_space<vmem>>, vector<1x16xf32>,
        %get3A_165 = vector.shape_cast %get3A_164 : vector<1x16xf32> to vector<16xf32>
        %mul3A_166 = arith.mulf %get3A_165, %broadcast_in_dim3A_161 : vector<16xf32>
        %swap3A_167 = arith.index_cast %scan3A_128 : i32 to index
        %swap3A_168 = arith.constant 16 : index
        %swap3A_169 = tpu.vector_load %arg19[%swap3A_167, %swap3A_168] {strides = array<i32>} : memref<40x144xf32, #tpu.memory_space<vmem>>, vector<1x16xf32>,
        %swap3A_170 = vector.shape_cast %swap3A_169 : vector<1x16xf32> to vector<16xf32>
        %swap3A_171 = vector.shape_cast %mul3A_166 : vector<16xf32> to vector<1x16xf32>
        tpu.vector_store %arg19[%swap3A_167, %swap3A_168], %swap3A_171 {strides = array<i32>} : memref<40x144xf32, #tpu.memory_space<vmem>>, vector<1x16xf32>,
        %slice3A_172 = vector.extract_strided_slice %exp3A {offsets = [2], sizes = [1], strides = [1]} : vector<16xf32> to vector<1xf32>
        %squeeze3A_173 = vector.extract %slice3A_172[0] : f32 from vector<1xf32>
        %broadcast_in_dim3A_174 = vector.broadcast %squeeze3A_173 : f32 to vector<16xf32>
        %get3A_175 = arith.index_cast %scan3A_128 : i32 to index
        %get3A_176 = arith.constant 32 : index
        %get3A_177 = tpu.vector_load %arg15[%get3A_175, %get3A_176] {strides = array<i32>} : memref<40x144xf32, #tpu.memory_space<vmem>>, vector<1x16xf32>,
        %get3A_178 = vector.shape_cast %get3A_177 : vector<1x16xf32> to vector<16xf32>
        %mul3A_179 = arith.mulf %get3A_178, %broadcast_in_dim3A_174 : vector<16xf32>
        %swap3A_180 = arith.index_cast %scan3A_128 : i32 to index
        %swap3A_181 = arith.constant 32 : index
        %swap3A_182 = tpu.vector_load %arg19[%swap3A_180, %swap3A_181] {strides = array<i32>} : memref<40x144xf32, #tpu.memory_space<vmem>>, vector<1x16xf32>,
        %swap3A_183 = vector.shape_cast %swap3A_182 : vector<1x16xf32> to vector<16xf32>
        %swap3A_184 = vector.shape_cast %mul3A_179 : vector<16xf32> to vector<1x16xf32>
        tpu.vector_store %arg19[%swap3A_180, %swap3A_181], %swap3A_184 {strides = array<i32>} : memref<40x144xf32, #tpu.memory_space<vmem>>, vector<1x16xf32>,
        %slice3A_185 = vector.extract_strided_slice %exp3A {offsets = [3], sizes = [1], strides = [1]} : vector<16xf32> to vector<1xf32>
        %squeeze3A_186 = vector.extract %slice3A_185[0] : f32 from vector<1xf32>
        %broadcast_in_dim3A_187 = vector.broadcast %squeeze3A_186 : f32 to vector<16xf32>
        %get3A_188 = arith.index_cast %scan3A_128 : i32 to index
        %get3A_189 = arith.constant 48 : index
        %get3A_190 = tpu.vector_load %arg15[%get3A_188, %get3A_189] {strides = array<i32>} : memref<40x144xf32, #tpu.memory_space<vmem>>, vector<1x16xf32>,
        %get3A_191 = vector.shape_cast %get3A_190 : vector<1x16xf32> to vector<16xf32>
        %mul3A_192 = arith.mulf %get3A_191, %broadcast_in_dim3A_187 : vector<16xf32>
        %swap3A_193 = arith.index_cast %scan3A_128 : i32 to index
        %swap3A_194 = arith.constant 48 : index
        %swap3A_195 = tpu.vector_load %arg19[%swap3A_193, %swap3A_194] {strides = array<i32>} : memref<40x144xf32, #tpu.memory_space<vmem>>, vector<1x16xf32>,
        %swap3A_196 = vector.shape_cast %swap3A_195 : vector<1x16xf32> to vector<16xf32>
        %swap3A_197 = vector.shape_cast %mul3A_192 : vector<16xf32> to vector<1x16xf32>
        tpu.vector_store %arg19[%swap3A_193, %swap3A_194], %swap3A_197 {strides = array<i32>} : memref<40x144xf32, #tpu.memory_space<vmem>>, vector<1x16xf32>,
        %slice3A_198 = vector.extract_strided_slice %exp3A {offsets = [4], sizes = [1], strides = [1]} : vector<16xf32> to vector<1xf32>
        %squeeze3A_199 = vector.extract %slice3A_198[0] : f32 from vector<1xf32>
        %broadcast_in_dim3A_200 = vector.broadcast %squeeze3A_199 : f32 to vector<16xf32>
        %get3A_201 = arith.index_cast %scan3A_128 : i32 to index
        %get3A_202 = arith.constant 64 : index
        %get3A_203 = tpu.vector_load %arg15[%get3A_201, %get3A_202] {strides = array<i32>} : memref<40x144xf32, #tpu.memory_space<vmem>>, vector<1x16xf32>,
        %get3A_204 = vector.shape_cast %get3A_203 : vector<1x16xf32> to vector<16xf32>
        %mul3A_205 = arith.mulf %get3A_204, %broadcast_in_dim3A_200 : vector<16xf32>
        %swap3A_206 = arith.index_cast %scan3A_128 : i32 to index
        %swap3A_207 = arith.constant 64 : index
        %swap3A_208 = tpu.vector_load %arg19[%swap3A_206, %swap3A_207] {strides = array<i32>} : memref<40x144xf32, #tpu.memory_space<vmem>>, vector<1x16xf32>,
        %swap3A_209 = vector.shape_cast %swap3A_208 : vector<1x16xf32> to vector<16xf32>
        %swap3A_210 = vector.shape_cast %mul3A_205 : vector<16xf32> to vector<1x16xf32>
        tpu.vector_store %arg19[%swap3A_206, %swap3A_207], %swap3A_210 {strides = array<i32>} : memref<40x144xf32, #tpu.memory_space<vmem>>, vector<1x16xf32>,
        %slice3A_211 = vector.extract_strided_slice %exp3A {offsets = [5], sizes = [1], strides = [1]} : vector<16xf32> to vector<1xf32>
        %squeeze3A_212 = vector.extract %slice3A_211[0] : f32 from vector<1xf32>
        %broadcast_in_dim3A_213 = vector.broadcast %squeeze3A_212 : f32 to vector<16xf32>
        %get3A_214 = arith.index_cast %scan3A_128 : i32 to index
        %get3A_215 = arith.constant 80 : index
        %get3A_216 = tpu.vector_load %arg15[%get3A_214, %get3A_215] {strides = array<i32>} : memref<40x144xf32, #tpu.memory_space<vmem>>, vector<1x16xf32>,
        %get3A_217 = vector.shape_cast %get3A_216 : vector<1x16xf32> to vector<16xf32>
        %mul3A_218 = arith.mulf %get3A_217, %broadcast_in_dim3A_213 : vector<16xf32>
        %swap3A_219 = arith.index_cast %scan3A_128 : i32 to index
        %swap3A_220 = arith.constant 80 : index
        %swap3A_221 = tpu.vector_load %arg19[%swap3A_219, %swap3A_220] {strides = array<i32>} : memref<40x144xf32, #tpu.memory_space<vmem>>, vector<1x16xf32>,
        %swap3A_222 = vector.shape_cast %swap3A_221 : vector<1x16xf32> to vector<16xf32>
        %swap3A_223 = vector.shape_cast %mul3A_218 : vector<16xf32> to vector<1x16xf32>
        tpu.vector_store %arg19[%swap3A_219, %swap3A_220], %swap3A_223 {strides = array<i32>} : memref<40x144xf32, #tpu.memory_space<vmem>>, vector<1x16xf32>,
        %slice3A_224 = vector.extract_strided_slice %exp3A {offsets = [6], sizes = [1], strides = [1]} : vector<16xf32> to vector<1xf32>
        %squeeze3A_225 = vector.extract %slice3A_224[0] : f32 from vector<1xf32>
        %broadcast_in_dim3A_226 = vector.broadcast %squeeze3A_225 : f32 to vector<16xf32>
        %get3A_227 = arith.index_cast %scan3A_128 : i32 to index
        %get3A_228 = arith.constant 96 : index
        %get3A_229 = tpu.vector_load %arg15[%get3A_227, %get3A_228] {strides = array<i32>} : memref<40x144xf32, #tpu.memory_space<vmem>>, vector<1x16xf32>,
        %get3A_230 = vector.shape_cast %get3A_229 : vector<1x16xf32> to vector<16xf32>
        %mul3A_231 = arith.mulf %get3A_230, %broadcast_in_dim3A_226 : vector<16xf32>
        %swap3A_232 = arith.index_cast %scan3A_128 : i32 to index
        %swap3A_233 = arith.constant 96 : index
        %swap3A_234 = tpu.vector_load %arg19[%swap3A_232, %swap3A_233] {strides = array<i32>} : memref<40x144xf32, #tpu.memory_space<vmem>>, vector<1x16xf32>,
        %swap3A_235 = vector.shape_cast %swap3A_234 : vector<1x16xf32> to vector<16xf32>
        %swap3A_236 = vector.shape_cast %mul3A_231 : vector<16xf32> to vector<1x16xf32>
        tpu.vector_store %arg19[%swap3A_232, %swap3A_233], %swap3A_236 {strides = array<i32>} : memref<40x144xf32, #tpu.memory_space<vmem>>, vector<1x16xf32>,
        %slice3A_237 = vector.extract_strided_slice %exp3A {offsets = [7], sizes = [1], strides = [1]} : vector<16xf32> to vector<1xf32>
        %squeeze3A_238 = vector.extract %slice3A_237[0] : f32 from vector<1xf32>
        %broadcast_in_dim3A_239 = vector.broadcast %squeeze3A_238 : f32 to vector<16xf32>
        %get3A_240 = arith.index_cast %scan3A_128 : i32 to index
        %get3A_241 = arith.constant 112 : index
        %get3A_242 = tpu.vector_load %arg15[%get3A_240, %get3A_241] {strides = array<i32>} : memref<40x144xf32, #tpu.memory_space<vmem>>, vector<1x16xf32>,
        %get3A_243 = vector.shape_cast %get3A_242 : vector<1x16xf32> to vector<16xf32>
        %mul3A_244 = arith.mulf %get3A_243, %broadcast_in_dim3A_239 : vector<16xf32>
        %swap3A_245 = arith.index_cast %scan3A_128 : i32 to index
        %swap3A_246 = arith.constant 112 : index
        %swap3A_247 = tpu.vector_load %arg19[%swap3A_245, %swap3A_246] {strides = array<i32>} : memref<40x144xf32, #tpu.memory_space<vmem>>, vector<1x16xf32>,
        %swap3A_248 = vector.shape_cast %swap3A_247 : vector<1x16xf32> to vector<16xf32>
        %swap3A_249 = vector.shape_cast %mul3A_244 : vector<16xf32> to vector<1x16xf32>
        tpu.vector_store %arg19[%swap3A_245, %swap3A_246], %swap3A_249 {strides = array<i32>} : memref<40x144xf32, #tpu.memory_space<vmem>>, vector<1x16xf32>,
      }
      %scan3A_77 = arith.constant 40 : i32
      %dma_wait3A_78 = arith.constant 0 : i32
      %dma_wait3A_79 = tpu.memref_slice %arg6[%dma_wait3A_78] : memref<320000xi32, #tpu.memory_space<hbm>> -> memref<40xi32, #tpu.memory_space<hbm>>
      %dma_wait3A_80 = arith.constant 0 : i32
      %dma_wait3A_81 = tpu.memref_slice %arg6[%dma_wait3A_80] : memref<320000xi32, #tpu.memory_space<hbm>> -> memref<40xi32, #tpu.memory_space<hbm>>
      tpu.wait_dma2 semaphore(%arg27 : memref<!tpu.dma_semaphore, #tpu.memory_space<semaphore_mem>>) src(%dma_wait3A_81 : memref<40xi32, #tpu.memory_space<hbm>>) dst(%arg13 : memref<40xi32, #tpu.memory_space<vmem>>)
      %dma_start3A_82 = arith.constant 0 : i32
      %dma_start3A_83 = arith.constant 0 : i32
      %dma_start3A_84 = tpu.memref_slice %arg22[%dma_start3A_82, %dma_start3A_83] : memref<10240x144xf32, #tpu.memory_space<vmem_shared>> -> memref<10240x144xf32, #tpu.memory_space<vmem_shared>>
      tpu.enqueue_indirect_dma source(%arg19 : memref<40x144xf32, #tpu.memory_space<vmem>>) target(%dma_start3A_84 : memref<10240x144xf32, #tpu.memory_space<vmem_shared>>) offsets(%arg13 : memref<40xi32, #tpu.memory_space<vmem>>) semaphore(%arg25 : memref<!tpu.dma_semaphore, #tpu.memory_space<semaphore_mem>>) {add = true}
      %lt3A = arith.constant 124 : i32
      %lt3A_85 = arith.cmpi slt, %scan3A_35, %lt3A : i32
      %convert_element_type3A_86 = arith.extui %lt3A_85 : i1 to i32
      %cond3A_87 = arith.constant 0 : i32
      %cond3A_88 = arith.cmpi ne, %convert_element_type3A_86, %cond3A_87 : i32
      scf.if %cond3A_88 {
        %add3A_128 = arith.constant 2 : i32
        %add3A_129 = arith.addi %mul3A_37, %add3A_128 : i32
        %mul3A_130 = arith.constant 10000 : i32
        %mul3A_131 = arith.muli %add3A, %mul3A_130 : i32
        %mul3A_132 = arith.constant 40 : i32
        %mul3A_133 = arith.muli %add3A_129, %mul3A_132 : i32
        %add3A_134 = arith.addi %mul3A_131, %mul3A_133 : i32
        "tpu.region"() ({
          %run_scoped3A = tpu.sem_alloc : memref<!tpu.dma_semaphore, #tpu.memory_space<semaphore_mem>>
          %dma_start3A_141 = tpu.memref_slice %arg5[%add3A_134] : memref<320000xi32, #tpu.memory_space<hbm>> -> memref<40xi32, #tpu.memory_space<hbm>>
          %dma_start3A_142 = tpu.memref_slice %arg5[%add3A_134] : memref<320000xi32, #tpu.memory_space<hbm>> -> memref<40xi32, #tpu.memory_space<hbm>>
          tpu.enqueue_dma source(%dma_start3A_142 : memref<40xi32, #tpu.memory_space<hbm>>) target(%arg9 : memref<40xi32, #tpu.memory_space<vmem>>) target_semaphore(%run_scoped3A : memref<!tpu.dma_semaphore, #tpu.memory_space<semaphore_mem>>)
          %dma_wait3A_143 = tpu.memref_slice %arg5[%add3A_134] : memref<320000xi32, #tpu.memory_space<hbm>> -> memref<40xi32, #tpu.memory_space<hbm>>
          %dma_wait3A_144 = tpu.memref_slice %arg5[%add3A_134] : memref<320000xi32, #tpu.memory_space<hbm>> -> memref<40xi32, #tpu.memory_space<hbm>>
          tpu.wait_dma2 semaphore(%run_scoped3A : memref<!tpu.dma_semaphore, #tpu.memory_space<semaphore_mem>>) src(%dma_wait3A_144 : memref<40xi32, #tpu.memory_space<hbm>>) dst(%arg9 : memref<40xi32, #tpu.memory_space<vmem>>)
          tpu.yield
        }) : () -> ()
        "tpu.region"() ({
          %run_scoped3A = tpu.sem_alloc : memref<!tpu.dma_semaphore, #tpu.memory_space<semaphore_mem>>
          %dma_start3A_141 = tpu.memref_slice %arg6[%add3A_134] : memref<320000xi32, #tpu.memory_space<hbm>> -> memref<40xi32, #tpu.memory_space<hbm>>
          %dma_start3A_142 = tpu.memref_slice %arg6[%add3A_134] : memref<320000xi32, #tpu.memory_space<hbm>> -> memref<40xi32, #tpu.memory_space<hbm>>
          tpu.enqueue_dma source(%dma_start3A_142 : memref<40xi32, #tpu.memory_space<hbm>>) target(%arg10 : memref<40xi32, #tpu.memory_space<vmem>>) target_semaphore(%run_scoped3A : memref<!tpu.dma_semaphore, #tpu.memory_space<semaphore_mem>>)
          %dma_wait3A_143 = tpu.memref_slice %arg6[%add3A_134] : memref<320000xi32, #tpu.memory_space<hbm>> -> memref<40xi32, #tpu.memory_space<hbm>>
          %dma_wait3A_144 = tpu.memref_slice %arg6[%add3A_134] : memref<320000xi32, #tpu.memory_space<hbm>> -> memref<40xi32, #tpu.memory_space<hbm>>
          tpu.wait_dma2 semaphore(%run_scoped3A : memref<!tpu.dma_semaphore, #tpu.memory_space<semaphore_mem>>) src(%dma_wait3A_144 : memref<40xi32, #tpu.memory_space<hbm>>) dst(%arg10 : memref<40xi32, #tpu.memory_space<vmem>>)
          tpu.yield
        }) : () -> ()
        %dma_start3A_135 = arith.constant 0 : i32
        %dma_start3A_136 = arith.constant 0 : i32
        %dma_start3A_137 = tpu.memref_slice %arg2[%dma_start3A_135, %dma_start3A_136] : memref<10240x144xf32, #tpu.memory_space<hbm>> -> memref<10240x144xf32, #tpu.memory_space<hbm>>
        tpu.enqueue_indirect_dma source(%dma_start3A_137 : memref<10240x144xf32, #tpu.memory_space<hbm>>) target(%arg15 : memref<40x144xf32, #tpu.memory_space<vmem>>) offsets(%arg9 : memref<40xi32, #tpu.memory_space<vmem>>) semaphore(%arg23 : memref<!tpu.dma_semaphore, #tpu.memory_space<semaphore_mem>>)
        %dma_start3A_138 = arith.constant 0 : i32
        %dma_start3A_139 = arith.constant 0 : i32
        %dma_start3A_140 = tpu.memref_slice %arg3[%dma_start3A_138, %dma_start3A_139] : memref<10240x16xf32, #tpu.memory_space<hbm>> -> memref<10240x16xf32, #tpu.memory_space<hbm>>
        tpu.enqueue_indirect_dma source(%dma_start3A_140 : memref<10240x16xf32, #tpu.memory_space<hbm>>) target(%arg17 : memref<40x16xf32, #tpu.memory_space<vmem>>) offsets(%arg10 : memref<40xi32, #tpu.memory_space<vmem>>) semaphore(%arg23 : memref<!tpu.dma_semaphore, #tpu.memory_space<semaphore_mem>>)
      } else {
      }
      %dma_wait3A_89 = arith.constant 0 : i32
      %dma_wait3A_90 = arith.constant 0 : i32
      %dma_wait3A_91 = tpu.memref_slice %arg2[%dma_wait3A_89, %dma_wait3A_90] : memref<10240x144xf32, #tpu.memory_space<hbm>> -> memref<40x144xf32, #tpu.memory_space<hbm>>
      %dma_wait3A_92 = arith.constant 0 : i32
      %dma_wait3A_93 = arith.constant 0 : i32
      %dma_wait3A_94 = tpu.memref_slice %arg2[%dma_wait3A_92, %dma_wait3A_93] : memref<10240x144xf32, #tpu.memory_space<hbm>> -> memref<40x144xf32, #tpu.memory_space<hbm>>
      tpu.wait_dma2 semaphore(%arg24 : memref<!tpu.dma_semaphore, #tpu.memory_space<semaphore_mem>>) src(%dma_wait3A_94 : memref<40x144xf32, #tpu.memory_space<hbm>>) dst(%arg16 : memref<40x144xf32, #tpu.memory_space<vmem>>)
      %dma_wait3A_95 = arith.constant 0 : i32
      %dma_wait3A_96 = arith.constant 0 : i32
      %dma_wait3A_97 = tpu.memref_slice %arg3[%dma_wait3A_95, %dma_wait3A_96] : memref<10240x16xf32, #tpu.memory_space<hbm>> -> memref<40x16xf32, #tpu.memory_space<hbm>>
      %dma_wait3A_98 = arith.constant 0 : i32
      %dma_wait3A_99 = arith.constant 0 : i32
      %dma_wait3A_100 = tpu.memref_slice %arg3[%dma_wait3A_98, %dma_wait3A_99] : memref<10240x16xf32, #tpu.memory_space<hbm>> -> memref<40x16xf32, #tpu.memory_space<hbm>>
      tpu.wait_dma2 semaphore(%arg24 : memref<!tpu.dma_semaphore, #tpu.memory_space<semaphore_mem>>) src(%dma_wait3A_100 : memref<40x16xf32, #tpu.memory_space<hbm>>) dst(%arg18 : memref<40x16xf32, #tpu.memory_space<vmem>>)
      %gt3A_101 = arith.constant 0 : i32
      %gt3A_102 = arith.cmpi sgt, %scan3A_35, %gt3A_101 : i32
      %convert_element_type3A_103 = arith.extui %gt3A_102 : i1 to i32
      %cond3A_104 = arith.constant 0 : i32
      %cond3A_105 = arith.cmpi ne, %convert_element_type3A_103, %cond3A_104 : i32
      scf.if %cond3A_105 {
        %dma_wait3A_128 = arith.constant 0 : i32
        %dma_wait3A_129 = arith.constant 0 : i32
        %dma_wait3A_130 = tpu.memref_slice %arg2[%dma_wait3A_128, %dma_wait3A_129] : memref<10240x144xf32, #tpu.memory_space<hbm>> -> memref<40x144xf32, #tpu.memory_space<hbm>>
        %dma_wait3A_131 = arith.constant 0 : i32
        %dma_wait3A_132 = arith.constant 0 : i32
        %dma_wait3A_133 = tpu.memref_slice %arg2[%dma_wait3A_131, %dma_wait3A_132] : memref<10240x144xf32, #tpu.memory_space<hbm>> -> memref<40x144xf32, #tpu.memory_space<hbm>>
        tpu.wait_dma2 semaphore(%arg26 : memref<!tpu.dma_semaphore, #tpu.memory_space<semaphore_mem>>) src(%dma_wait3A_133 : memref<40x144xf32, #tpu.memory_space<hbm>>) dst(%arg20 : memref<40x144xf32, #tpu.memory_space<vmem>>)
      } else {
      }
      %mul3A_106 = arith.constant 10000 : i32
      %mul3A_107 = arith.muli %add3A, %mul3A_106 : i32
      %add3A_108 = arith.constant 1 : i32
      %add3A_109 = arith.addi %mul3A_37, %add3A_108 : i32
      %mul3A_110 = arith.constant 40 : i32
      %mul3A_111 = arith.muli %add3A_109, %mul3A_110 : i32
      %add3A_112 = arith.addi %mul3A_107, %mul3A_111 : i32
      %dma_start3A_113 = tpu.memref_slice %arg6[%add3A_112] : memref<320000xi32, #tpu.memory_space<hbm>> -> memref<40xi32, #tpu.memory_space<hbm>>
      %dma_start3A_114 = tpu.memref_slice %arg6[%add3A_112] : memref<320000xi32, #tpu.memory_space<hbm>> -> memref<40xi32, #tpu.memory_space<hbm>>
      tpu.enqueue_dma source(%dma_start3A_114 : memref<40xi32, #tpu.memory_space<hbm>>) target(%arg14 : memref<40xi32, #tpu.memory_space<vmem>>) target_semaphore(%arg28 : memref<!tpu.dma_semaphore, #tpu.memory_space<semaphore_mem>>)
      %scan3A_115 = arith.constant 0 : i32
      %scan3A_116 = arith.constant 0 : i32
      %scan3A_117 = arith.constant 40 : i32
      %scan3A_118 = arith.addi %scan3A_116, %scan3A_117 : i32
      %scan3A_119 = arith.constant 1 : i32
      scf.for %scan3A_128 = %scan3A_116 to %scan3A_118 step %scan3A_119  : i32 {
        %get3A = arith.index_cast %scan3A_128 : i32 to index
        %get3A_129 = arith.constant 128 : index
        %get3A_130 = tpu.vector_load %arg16[%get3A, %get3A_129] {strides = array<i32>} : memref<40x144xf32, #tpu.memory_space<vmem>>, vector<1x16xf32>,
        %get3A_131 = vector.shape_cast %get3A_130 : vector<1x16xf32> to vector<16xf32>
        %get3A_132 = arith.index_cast %scan3A_128 : i32 to index
        %get3A_133 = arith.constant 0 : index
        %get3A_134 = tpu.vector_load %arg18[%get3A_132, %get3A_133] {strides = array<i32>} : memref<40x16xf32, #tpu.memory_space<vmem>>, vector<1x16xf32>,
        %get3A_135 = vector.shape_cast %get3A_134 : vector<1x16xf32> to vector<16xf32>
        %add3A_136 = arith.addf %get3A_131, %get3A_135 : vector<16xf32>
        %ge3A = arith.constant 0.000000e+00 : f32
        %ge3A_137 = vector.broadcast %ge3A : f32 to vector<16xf32>
        %ge3A_138 = arith.cmpf oge, %add3A_136, %ge3A_137 : vector<16xf32>
        %mul3A_139 = arith.constant 2.000000e-01 : f32
        %mul3A_140 = vector.broadcast %mul3A_139 : f32 to vector<16xf32>
        %mul3A_141 = arith.mulf %mul3A_140, %add3A_136 : vector<16xf32>
        %select_n3A = arith.select %ge3A_138, %add3A_136, %mul3A_141 : vector<16xi1>, vector<16xf32>
        %get3A_142 = arith.constant 0 : index
        %get3A_143 = tpu.vector_load %arg21[%get3A_142] {strides = array<i32>} : memref<16xf32, #tpu.memory_space<vmem>>, vector<16xf32>,
        %get3A_144 = vector.shape_cast %get3A_143 : vector<16xf32> to vector<16xf32>
        %sub3A = arith.subf %select_n3A, %get3A_144 : vector<16xf32>
        %exp3A = math.exp %sub3A : vector<16xf32>
        %swap3A = arith.index_cast %scan3A_128 : i32 to index
        %swap3A_145 = arith.constant 128 : index
        %swap3A_146 = tpu.vector_load %arg20[%swap3A, %swap3A_145] {strides = array<i32>} : memref<40x144xf32, #tpu.memory_space<vmem>>, vector<1x16xf32>,
        %swap3A_147 = vector.shape_cast %swap3A_146 : vector<1x16xf32> to vector<16xf32>
        %swap3A_148 = vector.shape_cast %exp3A : vector<16xf32> to vector<1x16xf32>
        tpu.vector_store %arg20[%swap3A, %swap3A_145], %swap3A_148 {strides = array<i32>} : memref<40x144xf32, #tpu.memory_space<vmem>>, vector<1x16xf32>,
        %slice3A = vector.extract_strided_slice %exp3A {offsets = [0], sizes = [1], strides = [1]} : vector<16xf32> to vector<1xf32>
        %squeeze3A = vector.extract %slice3A[0] : f32 from vector<1xf32>
        %broadcast_in_dim3A = vector.broadcast %squeeze3A : f32 to vector<16xf32>
        %get3A_149 = arith.index_cast %scan3A_128 : i32 to index
        %get3A_150 = arith.constant 0 : index
        %get3A_151 = tpu.vector_load %arg16[%get3A_149, %get3A_150] {strides = array<i32>} : memref<40x144xf32, #tpu.memory_space<vmem>>, vector<1x16xf32>,
        %get3A_152 = vector.shape_cast %get3A_151 : vector<1x16xf32> to vector<16xf32>
        %mul3A_153 = arith.mulf %get3A_152, %broadcast_in_dim3A : vector<16xf32>
        %swap3A_154 = arith.index_cast %scan3A_128 : i32 to index
        %swap3A_155 = arith.constant 0 : index
        %swap3A_156 = tpu.vector_load %arg20[%swap3A_154, %swap3A_155] {strides = array<i32>} : memref<40x144xf32, #tpu.memory_space<vmem>>, vector<1x16xf32>,
        %swap3A_157 = vector.shape_cast %swap3A_156 : vector<1x16xf32> to vector<16xf32>
        %swap3A_158 = vector.shape_cast %mul3A_153 : vector<16xf32> to vector<1x16xf32>
        tpu.vector_store %arg20[%swap3A_154, %swap3A_155], %swap3A_158 {strides = array<i32>} : memref<40x144xf32, #tpu.memory_space<vmem>>, vector<1x16xf32>,
        %slice3A_159 = vector.extract_strided_slice %exp3A {offsets = [1], sizes = [1], strides = [1]} : vector<16xf32> to vector<1xf32>
        %squeeze3A_160 = vector.extract %slice3A_159[0] : f32 from vector<1xf32>
        %broadcast_in_dim3A_161 = vector.broadcast %squeeze3A_160 : f32 to vector<16xf32>
        %get3A_162 = arith.index_cast %scan3A_128 : i32 to index
        %get3A_163 = arith.constant 16 : index
        %get3A_164 = tpu.vector_load %arg16[%get3A_162, %get3A_163] {strides = array<i32>} : memref<40x144xf32, #tpu.memory_space<vmem>>, vector<1x16xf32>,
        %get3A_165 = vector.shape_cast %get3A_164 : vector<1x16xf32> to vector<16xf32>
        %mul3A_166 = arith.mulf %get3A_165, %broadcast_in_dim3A_161 : vector<16xf32>
        %swap3A_167 = arith.index_cast %scan3A_128 : i32 to index
        %swap3A_168 = arith.constant 16 : index
        %swap3A_169 = tpu.vector_load %arg20[%swap3A_167, %swap3A_168] {strides = array<i32>} : memref<40x144xf32, #tpu.memory_space<vmem>>, vector<1x16xf32>,
        %swap3A_170 = vector.shape_cast %swap3A_169 : vector<1x16xf32> to vector<16xf32>
        %swap3A_171 = vector.shape_cast %mul3A_166 : vector<16xf32> to vector<1x16xf32>
        tpu.vector_store %arg20[%swap3A_167, %swap3A_168], %swap3A_171 {strides = array<i32>} : memref<40x144xf32, #tpu.memory_space<vmem>>, vector<1x16xf32>,
        %slice3A_172 = vector.extract_strided_slice %exp3A {offsets = [2], sizes = [1], strides = [1]} : vector<16xf32> to vector<1xf32>
        %squeeze3A_173 = vector.extract %slice3A_172[0] : f32 from vector<1xf32>
        %broadcast_in_dim3A_174 = vector.broadcast %squeeze3A_173 : f32 to vector<16xf32>
        %get3A_175 = arith.index_cast %scan3A_128 : i32 to index
        %get3A_176 = arith.constant 32 : index
        %get3A_177 = tpu.vector_load %arg16[%get3A_175, %get3A_176] {strides = array<i32>} : memref<40x144xf32, #tpu.memory_space<vmem>>, vector<1x16xf32>,
        %get3A_178 = vector.shape_cast %get3A_177 : vector<1x16xf32> to vector<16xf32>
        %mul3A_179 = arith.mulf %get3A_178, %broadcast_in_dim3A_174 : vector<16xf32>
        %swap3A_180 = arith.index_cast %scan3A_128 : i32 to index
        %swap3A_181 = arith.constant 32 : index
        %swap3A_182 = tpu.vector_load %arg20[%swap3A_180, %swap3A_181] {strides = array<i32>} : memref<40x144xf32, #tpu.memory_space<vmem>>, vector<1x16xf32>,
        %swap3A_183 = vector.shape_cast %swap3A_182 : vector<1x16xf32> to vector<16xf32>
        %swap3A_184 = vector.shape_cast %mul3A_179 : vector<16xf32> to vector<1x16xf32>
        tpu.vector_store %arg20[%swap3A_180, %swap3A_181], %swap3A_184 {strides = array<i32>} : memref<40x144xf32, #tpu.memory_space<vmem>>, vector<1x16xf32>,
        %slice3A_185 = vector.extract_strided_slice %exp3A {offsets = [3], sizes = [1], strides = [1]} : vector<16xf32> to vector<1xf32>
        %squeeze3A_186 = vector.extract %slice3A_185[0] : f32 from vector<1xf32>
        %broadcast_in_dim3A_187 = vector.broadcast %squeeze3A_186 : f32 to vector<16xf32>
        %get3A_188 = arith.index_cast %scan3A_128 : i32 to index
        %get3A_189 = arith.constant 48 : index
        %get3A_190 = tpu.vector_load %arg16[%get3A_188, %get3A_189] {strides = array<i32>} : memref<40x144xf32, #tpu.memory_space<vmem>>, vector<1x16xf32>,
        %get3A_191 = vector.shape_cast %get3A_190 : vector<1x16xf32> to vector<16xf32>
        %mul3A_192 = arith.mulf %get3A_191, %broadcast_in_dim3A_187 : vector<16xf32>
        %swap3A_193 = arith.index_cast %scan3A_128 : i32 to index
        %swap3A_194 = arith.constant 48 : index
        %swap3A_195 = tpu.vector_load %arg20[%swap3A_193, %swap3A_194] {strides = array<i32>} : memref<40x144xf32, #tpu.memory_space<vmem>>, vector<1x16xf32>,
        %swap3A_196 = vector.shape_cast %swap3A_195 : vector<1x16xf32> to vector<16xf32>
        %swap3A_197 = vector.shape_cast %mul3A_192 : vector<16xf32> to vector<1x16xf32>
        tpu.vector_store %arg20[%swap3A_193, %swap3A_194], %swap3A_197 {strides = array<i32>} : memref<40x144xf32, #tpu.memory_space<vmem>>, vector<1x16xf32>,
        %slice3A_198 = vector.extract_strided_slice %exp3A {offsets = [4], sizes = [1], strides = [1]} : vector<16xf32> to vector<1xf32>
        %squeeze3A_199 = vector.extract %slice3A_198[0] : f32 from vector<1xf32>
        %broadcast_in_dim3A_200 = vector.broadcast %squeeze3A_199 : f32 to vector<16xf32>
        %get3A_201 = arith.index_cast %scan3A_128 : i32 to index
        %get3A_202 = arith.constant 64 : index
        %get3A_203 = tpu.vector_load %arg16[%get3A_201, %get3A_202] {strides = array<i32>} : memref<40x144xf32, #tpu.memory_space<vmem>>, vector<1x16xf32>,
        %get3A_204 = vector.shape_cast %get3A_203 : vector<1x16xf32> to vector<16xf32>
        %mul3A_205 = arith.mulf %get3A_204, %broadcast_in_dim3A_200 : vector<16xf32>
        %swap3A_206 = arith.index_cast %scan3A_128 : i32 to index
        %swap3A_207 = arith.constant 64 : index
        %swap3A_208 = tpu.vector_load %arg20[%swap3A_206, %swap3A_207] {strides = array<i32>} : memref<40x144xf32, #tpu.memory_space<vmem>>, vector<1x16xf32>,
        %swap3A_209 = vector.shape_cast %swap3A_208 : vector<1x16xf32> to vector<16xf32>
        %swap3A_210 = vector.shape_cast %mul3A_205 : vector<16xf32> to vector<1x16xf32>
        tpu.vector_store %arg20[%swap3A_206, %swap3A_207], %swap3A_210 {strides = array<i32>} : memref<40x144xf32, #tpu.memory_space<vmem>>, vector<1x16xf32>,
        %slice3A_211 = vector.extract_strided_slice %exp3A {offsets = [5], sizes = [1], strides = [1]} : vector<16xf32> to vector<1xf32>
        %squeeze3A_212 = vector.extract %slice3A_211[0] : f32 from vector<1xf32>
        %broadcast_in_dim3A_213 = vector.broadcast %squeeze3A_212 : f32 to vector<16xf32>
        %get3A_214 = arith.index_cast %scan3A_128 : i32 to index
        %get3A_215 = arith.constant 80 : index
        %get3A_216 = tpu.vector_load %arg16[%get3A_214, %get3A_215] {strides = array<i32>} : memref<40x144xf32, #tpu.memory_space<vmem>>, vector<1x16xf32>,
        %get3A_217 = vector.shape_cast %get3A_216 : vector<1x16xf32> to vector<16xf32>
        %mul3A_218 = arith.mulf %get3A_217, %broadcast_in_dim3A_213 : vector<16xf32>
        %swap3A_219 = arith.index_cast %scan3A_128 : i32 to index
        %swap3A_220 = arith.constant 80 : index
        %swap3A_221 = tpu.vector_load %arg20[%swap3A_219, %swap3A_220] {strides = array<i32>} : memref<40x144xf32, #tpu.memory_space<vmem>>, vector<1x16xf32>,
        %swap3A_222 = vector.shape_cast %swap3A_221 : vector<1x16xf32> to vector<16xf32>
        %swap3A_223 = vector.shape_cast %mul3A_218 : vector<16xf32> to vector<1x16xf32>
        tpu.vector_store %arg20[%swap3A_219, %swap3A_220], %swap3A_223 {strides = array<i32>} : memref<40x144xf32, #tpu.memory_space<vmem>>, vector<1x16xf32>,
        %slice3A_224 = vector.extract_strided_slice %exp3A {offsets = [6], sizes = [1], strides = [1]} : vector<16xf32> to vector<1xf32>
        %squeeze3A_225 = vector.extract %slice3A_224[0] : f32 from vector<1xf32>
        %broadcast_in_dim3A_226 = vector.broadcast %squeeze3A_225 : f32 to vector<16xf32>
        %get3A_227 = arith.index_cast %scan3A_128 : i32 to index
        %get3A_228 = arith.constant 96 : index
        %get3A_229 = tpu.vector_load %arg16[%get3A_227, %get3A_228] {strides = array<i32>} : memref<40x144xf32, #tpu.memory_space<vmem>>, vector<1x16xf32>,
        %get3A_230 = vector.shape_cast %get3A_229 : vector<1x16xf32> to vector<16xf32>
        %mul3A_231 = arith.mulf %get3A_230, %broadcast_in_dim3A_226 : vector<16xf32>
        %swap3A_232 = arith.index_cast %scan3A_128 : i32 to index
        %swap3A_233 = arith.constant 96 : index
        %swap3A_234 = tpu.vector_load %arg20[%swap3A_232, %swap3A_233] {strides = array<i32>} : memref<40x144xf32, #tpu.memory_space<vmem>>, vector<1x16xf32>,
        %swap3A_235 = vector.shape_cast %swap3A_234 : vector<1x16xf32> to vector<16xf32>
        %swap3A_236 = vector.shape_cast %mul3A_231 : vector<16xf32> to vector<1x16xf32>
        tpu.vector_store %arg20[%swap3A_232, %swap3A_233], %swap3A_236 {strides = array<i32>} : memref<40x144xf32, #tpu.memory_space<vmem>>, vector<1x16xf32>,
        %slice3A_237 = vector.extract_strided_slice %exp3A {offsets = [7], sizes = [1], strides = [1]} : vector<16xf32> to vector<1xf32>
        %squeeze3A_238 = vector.extract %slice3A_237[0] : f32 from vector<1xf32>
        %broadcast_in_dim3A_239 = vector.broadcast %squeeze3A_238 : f32 to vector<16xf32>
        %get3A_240 = arith.index_cast %scan3A_128 : i32 to index
        %get3A_241 = arith.constant 112 : index
        %get3A_242 = tpu.vector_load %arg16[%get3A_240, %get3A_241] {strides = array<i32>} : memref<40x144xf32, #tpu.memory_space<vmem>>, vector<1x16xf32>,
        %get3A_243 = vector.shape_cast %get3A_242 : vector<1x16xf32> to vector<16xf32>
        %mul3A_244 = arith.mulf %get3A_243, %broadcast_in_dim3A_239 : vector<16xf32>
        %swap3A_245 = arith.index_cast %scan3A_128 : i32 to index
        %swap3A_246 = arith.constant 112 : index
        %swap3A_247 = tpu.vector_load %arg20[%swap3A_245, %swap3A_246] {strides = array<i32>} : memref<40x144xf32, #tpu.memory_space<vmem>>, vector<1x16xf32>,
        %swap3A_248 = vector.shape_cast %swap3A_247 : vector<1x16xf32> to vector<16xf32>
        %swap3A_249 = vector.shape_cast %mul3A_244 : vector<16xf32> to vector<1x16xf32>
        tpu.vector_store %arg20[%swap3A_245, %swap3A_246], %swap3A_249 {strides = array<i32>} : memref<40x144xf32, #tpu.memory_space<vmem>>, vector<1x16xf32>,
      }
      %scan3A_120 = arith.constant 40 : i32
      %dma_wait3A_121 = arith.constant 0 : i32
      %dma_wait3A_122 = tpu.memref_slice %arg6[%dma_wait3A_121] : memref<320000xi32, #tpu.memory_space<hbm>> -> memref<40xi32, #tpu.memory_space<hbm>>
      %dma_wait3A_123 = arith.constant 0 : i32
      %dma_wait3A_124 = tpu.memref_slice %arg6[%dma_wait3A_123] : memref<320000xi32, #tpu.memory_space<hbm>> -> memref<40xi32, #tpu.memory_space<hbm>>
      tpu.wait_dma2 semaphore(%arg28 : memref<!tpu.dma_semaphore, #tpu.memory_space<semaphore_mem>>) src(%dma_wait3A_124 : memref<40xi32, #tpu.memory_space<hbm>>) dst(%arg14 : memref<40xi32, #tpu.memory_space<vmem>>)
      %dma_start3A_125 = arith.constant 0 : i32
      %dma_start3A_126 = arith.constant 0 : i32
      %dma_start3A_127 = tpu.memref_slice %arg22[%dma_start3A_125, %dma_start3A_126] : memref<10240x144xf32, #tpu.memory_space<vmem_shared>> -> memref<10240x144xf32, #tpu.memory_space<vmem_shared>>
      tpu.enqueue_indirect_dma source(%arg20 : memref<40x144xf32, #tpu.memory_space<vmem>>) target(%dma_start3A_127 : memref<10240x144xf32, #tpu.memory_space<vmem_shared>>) offsets(%arg14 : memref<40xi32, #tpu.memory_space<vmem>>) semaphore(%arg26 : memref<!tpu.dma_semaphore, #tpu.memory_space<semaphore_mem>>) {add = true}
    }
    %scan3A_18 = arith.constant 125 : i32
    %dma_wait3A = arith.constant 0 : i32
    %dma_wait3A_19 = arith.constant 0 : i32
    %dma_wait3A_20 = tpu.memref_slice %arg2[%dma_wait3A, %dma_wait3A_19] : memref<10240x144xf32, #tpu.memory_space<hbm>> -> memref<40x144xf32, #tpu.memory_space<hbm>>
    %dma_wait3A_21 = arith.constant 0 : i32
    %dma_wait3A_22 = arith.constant 0 : i32
    %dma_wait3A_23 = tpu.memref_slice %arg2[%dma_wait3A_21, %dma_wait3A_22] : memref<10240x144xf32, #tpu.memory_space<hbm>> -> memref<40x144xf32, #tpu.memory_space<hbm>>
    tpu.wait_dma2 semaphore(%arg25 : memref<!tpu.dma_semaphore, #tpu.memory_space<semaphore_mem>>) src(%dma_wait3A_23 : memref<40x144xf32, #tpu.memory_space<hbm>>) dst(%arg19 : memref<40x144xf32, #tpu.memory_space<vmem>>)
    %dma_wait3A_24 = arith.constant 0 : i32
    %dma_wait3A_25 = arith.constant 0 : i32
    %dma_wait3A_26 = tpu.memref_slice %arg2[%dma_wait3A_24, %dma_wait3A_25] : memref<10240x144xf32, #tpu.memory_space<hbm>> -> memref<40x144xf32, #tpu.memory_space<hbm>>
    %dma_wait3A_27 = arith.constant 0 : i32
    %dma_wait3A_28 = arith.constant 0 : i32
    %dma_wait3A_29 = tpu.memref_slice %arg2[%dma_wait3A_27, %dma_wait3A_28] : memref<10240x144xf32, #tpu.memory_space<hbm>> -> memref<40x144xf32, #tpu.memory_space<hbm>>
    tpu.wait_dma2 semaphore(%arg26 : memref<!tpu.dma_semaphore, #tpu.memory_space<semaphore_mem>>) src(%dma_wait3A_29 : memref<40x144xf32, #tpu.memory_space<hbm>>) dst(%arg20 : memref<40x144xf32, #tpu.memory_space<vmem>>)
    %barrier3A_30 = arith.constant 0 : index
    tpu.barrier barrier_id(%barrier3A_30)
    %mul3A_31 = arith.constant 640 : i32
    %mul3A_32 = arith.muli %arg1, %mul3A_31 : i32
    %mul3A_33 = arith.constant 640 : i32
    %mul3A_34 = arith.muli %arg1, %mul3A_33 : i32
    "tpu.region"() ({
      %run_scoped3A = tpu.sem_alloc : memref<!tpu.dma_semaphore, #tpu.memory_space<semaphore_mem>>
      %dma_start3A_35 = arith.constant 0 : i32
      %dma_start3A_36 = tpu.memref_slice %arg8[%arg0, %mul3A_34, %dma_start3A_35] : memref<2x10240x144xf32, #tpu.memory_space<hbm>> -> memref<1x640x144xf32, #tpu.memory_space<hbm>>
      %dma_start3A_37 = tpu.memref_squeeze %dma_start3A_36 : memref<1x640x144xf32, #tpu.memory_space<hbm>> -> memref<640x144xf32, #tpu.memory_space<hbm>>
      %dma_start3A_38 = arith.constant 0 : i32
      %dma_start3A_39 = tpu.memref_slice %arg22[%mul3A_32, %dma_start3A_38] : memref<10240x144xf32, #tpu.memory_space<vmem_shared>> -> memref<640x144xf32, #tpu.memory_space<vmem_shared>>
      tpu.enqueue_dma source(%dma_start3A_39 : memref<640x144xf32, #tpu.memory_space<vmem_shared>>) target(%dma_start3A_37 : memref<640x144xf32, #tpu.memory_space<hbm>>) target_semaphore(%run_scoped3A : memref<!tpu.dma_semaphore, #tpu.memory_space<semaphore_mem>>)
      %dma_wait3A_40 = arith.constant 0 : i32
      %dma_wait3A_41 = tpu.memref_slice %arg8[%arg0, %mul3A_34, %dma_wait3A_40] : memref<2x10240x144xf32, #tpu.memory_space<hbm>> -> memref<1x640x144xf32, #tpu.memory_space<hbm>>
      %dma_wait3A_42 = tpu.memref_squeeze %dma_wait3A_41 : memref<1x640x144xf32, #tpu.memory_space<hbm>> -> memref<640x144xf32, #tpu.memory_space<hbm>>
      %dma_wait3A_43 = arith.constant 0 : i32
      %dma_wait3A_44 = tpu.memref_slice %arg22[%mul3A_32, %dma_wait3A_43] : memref<10240x144xf32, #tpu.memory_space<vmem_shared>> -> memref<640x144xf32, #tpu.memory_space<vmem_shared>>
      tpu.wait_dma2 semaphore(%run_scoped3A : memref<!tpu.dma_semaphore, #tpu.memory_space<semaphore_mem>>) src(%dma_wait3A_44 : memref<640x144xf32, #tpu.memory_space<vmem_shared>>) dst(%dma_wait3A_42 : memref<640x144xf32, #tpu.memory_space<hbm>>)
      tpu.yield
    }) : () -> ()
    return
  }
}

module attributes {stable_mosaic.version = 14 : i64} {
  func.func @_emb_prep_body(%arg0: memref<10000x128xf32, #tpu.memory_space<vmem>>, %arg1: memref<128x128xf32, #tpu.memory_space<vmem>>, %arg2: memref<1x128xf32, #tpu.memory_space<vmem>>, %arg3: memref<128x128xf32, #tpu.memory_space<vmem>>, %arg4: memref<128x8xf32, #tpu.memory_space<vmem>>, %arg5: memref<128x8xf32, #tpu.memory_space<vmem>>, %arg6: memref<10000x128xf32, #tpu.memory_space<vmem>>, %arg7: memref<10240x144xf32, #tpu.memory_space<vmem>>, %arg8: memref<10240x16xf32, #tpu.memory_space<vmem>>, %arg9: memref<1x16xf32, #tpu.memory_space<vmem>>) attributes {dimension_semantics = [], scalar_prefetch = 0 : i64, scratch_operands = 0 : i64, tpu.core_type = #tpu.core_type<tc>} {
    %get3A = arith.constant 0 : index
    %get3A_0 = arith.constant 0 : index
    %get3A_1 = vector.load %arg0[%get3A, %get3A_0] : memref<10000x128xf32, #tpu.memory_space<vmem>>, vector<10000x128xf32>
    %get3A_2 = arith.constant 0 : index
    %get3A_3 = arith.constant 0 : index
    %get3A_4 = vector.load %arg1[%get3A_2, %get3A_3] : memref<128x128xf32, #tpu.memory_space<vmem>>, vector<128x128xf32>
    %dot_general3A = arith.constant dense<0.000000e+00> : vector<10000x128xf32>
    %dot_general3A_5 = tpu.matmul %get3A_1, %get3A_4, %dot_general3A {dimension_numbers = #tpu.dot_dimension_numbers<[1], [0], [0], [1], [0, 0, 1, 1], [], []>, transpose_lhs_hint = false} : vector<10000x128xf32>, vector<128x128xf32>, vector<10000x128xf32> -> vector<10000x128xf32>
    %get3A_6 = arith.constant 0 : index
    %get3A_7 = arith.constant 0 : index
    %get3A_8 = vector.load %arg2[%get3A_6, %get3A_7] : memref<1x128xf32, #tpu.memory_space<vmem>>, vector<1x128xf32>
    %add3A = vector.broadcast %get3A_8 : vector<1x128xf32> to vector<10000x128xf32>
    %add3A_9 = arith.addf %dot_general3A_5, %add3A : vector<10000x128xf32>
    %swap3A = arith.constant 0 : index
    %swap3A_10 = arith.constant 0 : index
    %swap3A_11 = vector.load %arg6[%swap3A, %swap3A_10] : memref<10000x128xf32, #tpu.memory_space<vmem>>, vector<10000x128xf32>
    tpu.vector_store %arg6[%swap3A, %swap3A_10], %add3A_9 {strides = array<i32>} : memref<10000x128xf32, #tpu.memory_space<vmem>>, vector<10000x128xf32>,
    %get3A_12 = arith.constant 0 : index
    %get3A_13 = arith.constant 0 : index
    %get3A_14 = vector.load %arg3[%get3A_12, %get3A_13] : memref<128x128xf32, #tpu.memory_space<vmem>>, vector<128x128xf32>
    %get3A_15 = arith.constant 0 : index
    %get3A_16 = arith.constant 0 : index
    %get3A_17 = vector.load %arg4[%get3A_15, %get3A_16] : memref<128x8xf32, #tpu.memory_space<vmem>>, vector<128x8xf32>
    %get3A_18 = arith.constant 0 : index
    %get3A_19 = arith.constant 0 : index
    %get3A_20 = vector.load %arg5[%get3A_18, %get3A_19] : memref<128x8xf32, #tpu.memory_space<vmem>>, vector<128x8xf32>
    %dot_general3A_21 = arith.constant dense<0.000000e+00> : vector<10000x128xf32>
    %dot_general3A_22 = tpu.matmul %add3A_9, %get3A_14, %dot_general3A_21 {dimension_numbers = #tpu.dot_dimension_numbers<[1], [0], [0], [1], [0, 0, 1, 1], [], []>, transpose_lhs_hint = false} : vector<10000x128xf32>, vector<128x128xf32>, vector<10000x128xf32> -> vector<10000x128xf32>
    %dot_general3A_23 = arith.constant dense<0.000000e+00> : vector<10000x8xf32>
    %dot_general3A_24 = tpu.matmul %dot_general3A_22, %get3A_17, %dot_general3A_23 {dimension_numbers = #tpu.dot_dimension_numbers<[1], [0], [0], [1], [0, 0, 1, 1], [], []>, transpose_lhs_hint = false} : vector<10000x128xf32>, vector<128x8xf32>, vector<10000x8xf32> -> vector<10000x8xf32>
    %dot_general3A_25 = arith.constant dense<0.000000e+00> : vector<10000x8xf32>
    %dot_general3A_26 = tpu.matmul %dot_general3A_22, %get3A_20, %dot_general3A_25 {dimension_numbers = #tpu.dot_dimension_numbers<[1], [0], [0], [1], [0, 0, 1, 1], [], []>, transpose_lhs_hint = false} : vector<10000x128xf32>, vector<128x8xf32>, vector<10000x8xf32> -> vector<10000x8xf32>
    %broadcast_in_dim3A = arith.constant 0.000000e+00 : f32
    %broadcast_in_dim3A_27 = vector.broadcast %broadcast_in_dim3A : f32 to vector<10240x144xf32>
    %swap3A_28 = arith.constant 0 : index
    %swap3A_29 = arith.constant 0 : index
    %swap3A_30 = vector.load %arg7[%swap3A_28, %swap3A_29] : memref<10240x144xf32, #tpu.memory_space<vmem>>, vector<10240x144xf32>
    tpu.vector_store %arg7[%swap3A_28, %swap3A_29], %broadcast_in_dim3A_27 {strides = array<i32>} : memref<10240x144xf32, #tpu.memory_space<vmem>>, vector<10240x144xf32>,
    %swap3A_31 = arith.constant 0 : index
    %swap3A_32 = arith.constant 0 : index
    %swap3A_33 = vector.load %arg7[%swap3A_31, %swap3A_32] : memref<10240x144xf32, #tpu.memory_space<vmem>>, vector<10000x128xf32>
    tpu.vector_store %arg7[%swap3A_31, %swap3A_32], %dot_general3A_22 {strides = array<i32>} : memref<10240x144xf32, #tpu.memory_space<vmem>>, vector<10000x128xf32>,
    %swap3A_34 = arith.constant 0 : index
    %swap3A_35 = arith.constant 128 : index
    %swap3A_36 = vector.load %arg7[%swap3A_34, %swap3A_35] : memref<10240x144xf32, #tpu.memory_space<vmem>>, vector<10000x8xf32>
    tpu.vector_store %arg7[%swap3A_34, %swap3A_35], %dot_general3A_24 {strides = array<i32>} : memref<10240x144xf32, #tpu.memory_space<vmem>>, vector<10000x8xf32>,
    %broadcast_in_dim3A_37 = arith.constant 0.000000e+00 : f32
    %broadcast_in_dim3A_38 = vector.broadcast %broadcast_in_dim3A_37 : f32 to vector<10240x16xf32>
    %swap3A_39 = arith.constant 0 : index
    %swap3A_40 = arith.constant 0 : index
    %swap3A_41 = vector.load %arg8[%swap3A_39, %swap3A_40] : memref<10240x16xf32, #tpu.memory_space<vmem>>, vector<10240x16xf32>
    tpu.vector_store %arg8[%swap3A_39, %swap3A_40], %broadcast_in_dim3A_38 {strides = array<i32>} : memref<10240x16xf32, #tpu.memory_space<vmem>>, vector<10240x16xf32>,
    %swap3A_42 = arith.constant 0 : index
    %swap3A_43 = arith.constant 0 : index
    %swap3A_44 = vector.load %arg8[%swap3A_42, %swap3A_43] : memref<10240x16xf32, #tpu.memory_space<vmem>>, vector<10000x8xf32>
    tpu.vector_store %arg8[%swap3A_42, %swap3A_43], %dot_general3A_26 {strides = array<i32>} : memref<10240x16xf32, #tpu.memory_space<vmem>>, vector<10000x8xf32>,
    %reduce_max3A = arith.constant dense<0xFF800000> : vector<8xf32>
    %reduce_max3A_45 = vector.multi_reduction <maximumf>, %dot_general3A_24, %reduce_max3A [0] : vector<10000x8xf32> to vector<8xf32>
    %broadcast_in_dim3A_46 = vector.shape_cast %reduce_max3A_45 : vector<8xf32> to vector<1x8xf32>
    %reduce_max3A_47 = arith.constant dense<0xFF800000> : vector<8xf32>
    %reduce_max3A_48 = vector.multi_reduction <maximumf>, %dot_general3A_26, %reduce_max3A_47 [0] : vector<10000x8xf32> to vector<8xf32>
    %broadcast_in_dim3A_49 = vector.shape_cast %reduce_max3A_48 : vector<8xf32> to vector<1x8xf32>
    %add3A_50 = arith.addf %broadcast_in_dim3A_46, %broadcast_in_dim3A_49 : vector<1x8xf32>
    %ge3A = arith.constant 0.000000e+00 : f32
    %ge3A_51 = vector.broadcast %ge3A : f32 to vector<1x8xf32>
    %ge3A_52 = arith.cmpf oge, %add3A_50, %ge3A_51 : vector<1x8xf32>
    %mul3A = arith.constant 2.000000e-01 : f32
    %mul3A_53 = vector.broadcast %mul3A : f32 to vector<1x8xf32>
    %mul3A_54 = arith.mulf %mul3A_53, %add3A_50 : vector<1x8xf32>
    %select_n3A = arith.select %ge3A_52, %add3A_50, %mul3A_54 : vector<1x8xi1>, vector<1x8xf32>
    %broadcast_in_dim3A_55 = arith.constant 0x7F800000 : f32
    %broadcast_in_dim3A_56 = vector.broadcast %broadcast_in_dim3A_55 : f32 to vector<1x16xf32>
    %swap3A_57 = arith.constant 0 : index
    %swap3A_58 = arith.constant 0 : index
    %swap3A_59 = vector.load %arg9[%swap3A_57, %swap3A_58] : memref<1x16xf32, #tpu.memory_space<vmem>>, vector<1x16xf32>
    tpu.vector_store %arg9[%swap3A_57, %swap3A_58], %broadcast_in_dim3A_56 {strides = array<i32>} : memref<1x16xf32, #tpu.memory_space<vmem>>, vector<1x16xf32>,
    %swap3A_60 = arith.constant 0 : index
    %swap3A_61 = arith.constant 0 : index
    %swap3A_62 = vector.load %arg9[%swap3A_60, %swap3A_61] : memref<1x16xf32, #tpu.memory_space<vmem>>, vector<1x8xf32>
    tpu.vector_store %arg9[%swap3A_60, %swap3A_61], %select_n3A {strides = array<i32>} : memref<1x16xf32, #tpu.memory_space<vmem>>, vector<1x8xf32>,
    return
  }
}

module attributes {stable_mosaic.version = 14 : i64} {
  func.func @_finish_prep_body(%arg0: memref<2x10240x144xf32, #tpu.memory_space<vmem>>, %arg1: memref<10000x128xf32, #tpu.memory_space<vmem>>, %arg2: memref<10000x1xf32, #tpu.memory_space<vmem>>, %arg3: memref<8x128xf32, #tpu.memory_space<vmem>>, %arg4: memref<128x128xf32, #tpu.memory_space<vmem>>, %arg5: memref<128x8xf32, #tpu.memory_space<vmem>>, %arg6: memref<128x8xf32, #tpu.memory_space<vmem>>, %arg7: memref<10000x128xf32, #tpu.memory_space<vmem>>, %arg8: memref<10240x144xf32, #tpu.memory_space<vmem>>, %arg9: memref<10240x16xf32, #tpu.memory_space<vmem>>, %arg10: memref<1x16xf32, #tpu.memory_space<vmem>>) attributes {dimension_semantics = [], scalar_prefetch = 0 : i64, scratch_operands = 0 : i64, tpu.core_type = #tpu.core_type<tc>} {
    %get3A = arith.constant 0 : index
    %get3A_0 = arith.constant 0 : index
    %get3A_1 = arith.constant 0 : index
    %get3A_2 = vector.load %arg0[%get3A, %get3A_0, %get3A_1] : memref<2x10240x144xf32, #tpu.memory_space<vmem>>, vector<1x10240x144xf32>
    %get3A_3 = vector.shape_cast %get3A_2 : vector<1x10240x144xf32> to vector<10240x144xf32>
    %get3A_4 = arith.constant 1 : index
    %get3A_5 = arith.constant 0 : index
    %get3A_6 = arith.constant 0 : index
    %get3A_7 = vector.load %arg0[%get3A_4, %get3A_5, %get3A_6] : memref<2x10240x144xf32, #tpu.memory_space<vmem>>, vector<1x10240x144xf32>
    %get3A_8 = vector.shape_cast %get3A_7 : vector<1x10240x144xf32> to vector<10240x144xf32>
    %add3A = arith.addf %get3A_3, %get3A_8 : vector<10240x144xf32>
    %slice3A = vector.extract_strided_slice %add3A {offsets = [0, 0], sizes = [10000, 128], strides = [1, 1]} : vector<10240x144xf32> to vector<10000x128xf32>
    %slice3A_9 = vector.extract_strided_slice %add3A {offsets = [0, 128], sizes = [10000, 8], strides = [1, 1]} : vector<10240x144xf32> to vector<10000x8xf32>
    %get3A_10 = arith.constant 0 : index
    %get3A_11 = arith.constant 0 : index
    %get3A_12 = vector.load %arg3[%get3A_10, %get3A_11] : memref<8x128xf32, #tpu.memory_space<vmem>>, vector<8x128xf32>
    %dot_general3A = arith.constant dense<0.000000e+00> : vector<10000x128xf32>
    %dot_general3A_13 = tpu.matmul %slice3A_9, %get3A_12, %dot_general3A {dimension_numbers = #tpu.dot_dimension_numbers<[1], [0], [0], [1], [0, 0, 1, 1], [], []>, transpose_lhs_hint = false} : vector<10000x8xf32>, vector<8x128xf32>, vector<10000x128xf32> -> vector<10000x128xf32>
    %add3A_14 = arith.constant 1.000000e-16 : f32
    %add3A_15 = vector.broadcast %add3A_14 : f32 to vector<10000x128xf32>
    %add3A_16 = arith.addf %dot_general3A_13, %add3A_15 : vector<10000x128xf32>
    %div3A = arith.divf %slice3A, %add3A_16 : vector<10000x128xf32>
    %get3A_17 = arith.constant 0 : index
    %get3A_18 = arith.constant 0 : index
    %get3A_19 = vector.load %arg2[%get3A_17, %get3A_18] : memref<10000x1xf32, #tpu.memory_space<vmem>>, vector<10000x1xf32>
    %mul3A = vector.broadcast %get3A_19 : vector<10000x1xf32> to vector<10000x128xf32>
    %mul3A_20 = arith.mulf %div3A, %mul3A : vector<10000x128xf32>
    %gt3A = arith.constant 0.000000e+00 : f32
    %gt3A_21 = vector.broadcast %gt3A : f32 to vector<10000x128xf32>
    %gt3A_22 = arith.cmpf ogt, %mul3A_20, %gt3A_21 : vector<10000x128xf32>
    %exp3A = math.exp %mul3A_20 : vector<10000x128xf32>
    %sub3A = arith.constant 1.000000e+00 : f32
    %sub3A_23 = vector.broadcast %sub3A : f32 to vector<10000x128xf32>
    %sub3A_24 = arith.subf %exp3A, %sub3A_23 : vector<10000x128xf32>
    %select_n3A = arith.select %gt3A_22, %mul3A_20, %sub3A_24 : vector<10000x128xi1>, vector<10000x128xf32>
    %get3A_25 = arith.constant 0 : index
    %get3A_26 = arith.constant 0 : index
    %get3A_27 = vector.load %arg1[%get3A_25, %get3A_26] : memref<10000x128xf32, #tpu.memory_space<vmem>>, vector<10000x128xf32>
    %add3A_28 = arith.addf %select_n3A, %get3A_27 : vector<10000x128xf32>
    %swap3A = arith.constant 0 : index
    %swap3A_29 = arith.constant 0 : index
    %swap3A_30 = vector.load %arg7[%swap3A, %swap3A_29] : memref<10000x128xf32, #tpu.memory_space<vmem>>, vector<10000x128xf32>
    tpu.vector_store %arg7[%swap3A, %swap3A_29], %add3A_28 {strides = array<i32>} : memref<10000x128xf32, #tpu.memory_space<vmem>>, vector<10000x128xf32>,
    %get3A_31 = arith.constant 0 : index
    %get3A_32 = arith.constant 0 : index
    %get3A_33 = vector.load %arg4[%get3A_31, %get3A_32] : memref<128x128xf32, #tpu.memory_space<vmem>>, vector<128x128xf32>
    %get3A_34 = arith.constant 0 : index
    %get3A_35 = arith.constant 0 : index
    %get3A_36 = vector.load %arg5[%get3A_34, %get3A_35] : memref<128x8xf32, #tpu.memory_space<vmem>>, vector<128x8xf32>
    %get3A_37 = arith.constant 0 : index
    %get3A_38 = arith.constant 0 : index
    %get3A_39 = vector.load %arg6[%get3A_37, %get3A_38] : memref<128x8xf32, #tpu.memory_space<vmem>>, vector<128x8xf32>
    %dot_general3A_40 = arith.constant dense<0.000000e+00> : vector<10000x128xf32>
    %dot_general3A_41 = tpu.matmul %add3A_28, %get3A_33, %dot_general3A_40 {dimension_numbers = #tpu.dot_dimension_numbers<[1], [0], [0], [1], [0, 0, 1, 1], [], []>, transpose_lhs_hint = false} : vector<10000x128xf32>, vector<128x128xf32>, vector<10000x128xf32> -> vector<10000x128xf32>
    %dot_general3A_42 = arith.constant dense<0.000000e+00> : vector<10000x8xf32>
    %dot_general3A_43 = tpu.matmul %dot_general3A_41, %get3A_36, %dot_general3A_42 {dimension_numbers = #tpu.dot_dimension_numbers<[1], [0], [0], [1], [0, 0, 1, 1], [], []>, transpose_lhs_hint = false} : vector<10000x128xf32>, vector<128x8xf32>, vector<10000x8xf32> -> vector<10000x8xf32>
    %dot_general3A_44 = arith.constant dense<0.000000e+00> : vector<10000x8xf32>
    %dot_general3A_45 = tpu.matmul %dot_general3A_41, %get3A_39, %dot_general3A_44 {dimension_numbers = #tpu.dot_dimension_numbers<[1], [0], [0], [1], [0, 0, 1, 1], [], []>, transpose_lhs_hint = false} : vector<10000x128xf32>, vector<128x8xf32>, vector<10000x8xf32> -> vector<10000x8xf32>
    %broadcast_in_dim3A = arith.constant 0.000000e+00 : f32
    %broadcast_in_dim3A_46 = vector.broadcast %broadcast_in_dim3A : f32 to vector<10240x144xf32>
    %swap3A_47 = arith.constant 0 : index
    %swap3A_48 = arith.constant 0 : index
    %swap3A_49 = vector.load %arg8[%swap3A_47, %swap3A_48] : memref<10240x144xf32, #tpu.memory_space<vmem>>, vector<10240x144xf32>
    tpu.vector_store %arg8[%swap3A_47, %swap3A_48], %broadcast_in_dim3A_46 {strides = array<i32>} : memref<10240x144xf32, #tpu.memory_space<vmem>>, vector<10240x144xf32>,
    %swap3A_50 = arith.constant 0 : index
    %swap3A_51 = arith.constant 0 : index
    %swap3A_52 = vector.load %arg8[%swap3A_50, %swap3A_51] : memref<10240x144xf32, #tpu.memory_space<vmem>>, vector<10000x128xf32>
    tpu.vector_store %arg8[%swap3A_50, %swap3A_51], %dot_general3A_41 {strides = array<i32>} : memref<10240x144xf32, #tpu.memory_space<vmem>>, vector<10000x128xf32>,
    %swap3A_53 = arith.constant 0 : index
    %swap3A_54 = arith.constant 128 : index
    %swap3A_55 = vector.load %arg8[%swap3A_53, %swap3A_54] : memref<10240x144xf32, #tpu.memory_space<vmem>>, vector<10000x8xf32>
    tpu.vector_store %arg8[%swap3A_53, %swap3A_54], %dot_general3A_43 {strides = array<i32>} : memref<10240x144xf32, #tpu.memory_space<vmem>>, vector<10000x8xf32>,
    %broadcast_in_dim3A_56 = arith.constant 0.000000e+00 : f32
    %broadcast_in_dim3A_57 = vector.broadcast %broadcast_in_dim3A_56 : f32 to vector<10240x16xf32>
    %swap3A_58 = arith.constant 0 : index
    %swap3A_59 = arith.constant 0 : index
    %swap3A_60 = vector.load %arg9[%swap3A_58, %swap3A_59] : memref<10240x16xf32, #tpu.memory_space<vmem>>, vector<10240x16xf32>
    tpu.vector_store %arg9[%swap3A_58, %swap3A_59], %broadcast_in_dim3A_57 {strides = array<i32>} : memref<10240x16xf32, #tpu.memory_space<vmem>>, vector<10240x16xf32>,
    %swap3A_61 = arith.constant 0 : index
    %swap3A_62 = arith.constant 0 : index
    %swap3A_63 = vector.load %arg9[%swap3A_61, %swap3A_62] : memref<10240x16xf32, #tpu.memory_space<vmem>>, vector<10000x8xf32>
    tpu.vector_store %arg9[%swap3A_61, %swap3A_62], %dot_general3A_45 {strides = array<i32>} : memref<10240x16xf32, #tpu.memory_space<vmem>>, vector<10000x8xf32>,
    %reduce_max3A = arith.constant dense<0xFF800000> : vector<8xf32>
    %reduce_max3A_64 = vector.multi_reduction <maximumf>, %dot_general3A_43, %reduce_max3A [0] : vector<10000x8xf32> to vector<8xf32>
    %broadcast_in_dim3A_65 = vector.shape_cast %reduce_max3A_64 : vector<8xf32> to vector<1x8xf32>
    %reduce_max3A_66 = arith.constant dense<0xFF800000> : vector<8xf32>
    %reduce_max3A_67 = vector.multi_reduction <maximumf>, %dot_general3A_45, %reduce_max3A_66 [0] : vector<10000x8xf32> to vector<8xf32>
    %broadcast_in_dim3A_68 = vector.shape_cast %reduce_max3A_67 : vector<8xf32> to vector<1x8xf32>
    %add3A_69 = arith.addf %broadcast_in_dim3A_65, %broadcast_in_dim3A_68 : vector<1x8xf32>
    %ge3A = arith.constant 0.000000e+00 : f32
    %ge3A_70 = vector.broadcast %ge3A : f32 to vector<1x8xf32>
    %ge3A_71 = arith.cmpf oge, %add3A_69, %ge3A_70 : vector<1x8xf32>
    %mul3A_72 = arith.constant 2.000000e-01 : f32
    %mul3A_73 = vector.broadcast %mul3A_72 : f32 to vector<1x8xf32>
    %mul3A_74 = arith.mulf %mul3A_73, %add3A_69 : vector<1x8xf32>
    %select_n3A_75 = arith.select %ge3A_71, %add3A_69, %mul3A_74 : vector<1x8xi1>, vector<1x8xf32>
    %broadcast_in_dim3A_76 = arith.constant 0x7F800000 : f32
    %broadcast_in_dim3A_77 = vector.broadcast %broadcast_in_dim3A_76 : f32 to vector<1x16xf32>
    %swap3A_78 = arith.constant 0 : index
    %swap3A_79 = arith.constant 0 : index
    %swap3A_80 = vector.load %arg10[%swap3A_78, %swap3A_79] : memref<1x16xf32, #tpu.memory_space<vmem>>, vector<1x16xf32>
    tpu.vector_store %arg10[%swap3A_78, %swap3A_79], %broadcast_in_dim3A_77 {strides = array<i32>} : memref<1x16xf32, #tpu.memory_space<vmem>>, vector<1x16xf32>,
    %swap3A_81 = arith.constant 0 : index
    %swap3A_82 = arith.constant 0 : index
    %swap3A_83 = vector.load %arg10[%swap3A_81, %swap3A_82] : memref<1x16xf32, #tpu.memory_space<vmem>>, vector<1x8xf32>
    tpu.vector_store %arg10[%swap3A_81, %swap3A_82], %select_n3A_75 {strides = array<i32>} : memref<1x16xf32, #tpu.memory_space<vmem>>, vector<1x8xf32>,
    return
  }
}

module attributes {stable_mosaic.version = 14 : i64} {
  func.func @_finish_prep_body(%arg0: memref<2x10240x144xf32, #tpu.memory_space<vmem>>, %arg1: memref<10000x128xf32, #tpu.memory_space<vmem>>, %arg2: memref<10000x1xf32, #tpu.memory_space<vmem>>, %arg3: memref<8x128xf32, #tpu.memory_space<vmem>>, %arg4: memref<128x128xf32, #tpu.memory_space<vmem>>, %arg5: memref<128x1xf32, #tpu.memory_space<vmem>>, %arg6: memref<128x1xf32, #tpu.memory_space<vmem>>, %arg7: memref<10000x128xf32, #tpu.memory_space<vmem>>, %arg8: memref<10240x144xf32, #tpu.memory_space<vmem>>, %arg9: memref<10240x16xf32, #tpu.memory_space<vmem>>, %arg10: memref<1x16xf32, #tpu.memory_space<vmem>>) attributes {dimension_semantics = [], scalar_prefetch = 0 : i64, scratch_operands = 0 : i64, tpu.core_type = #tpu.core_type<tc>} {
    %get3A = arith.constant 0 : index
    %get3A_0 = arith.constant 0 : index
    %get3A_1 = arith.constant 0 : index
    %get3A_2 = vector.load %arg0[%get3A, %get3A_0, %get3A_1] : memref<2x10240x144xf32, #tpu.memory_space<vmem>>, vector<1x10240x144xf32>
    %get3A_3 = vector.shape_cast %get3A_2 : vector<1x10240x144xf32> to vector<10240x144xf32>
    %get3A_4 = arith.constant 1 : index
    %get3A_5 = arith.constant 0 : index
    %get3A_6 = arith.constant 0 : index
    %get3A_7 = vector.load %arg0[%get3A_4, %get3A_5, %get3A_6] : memref<2x10240x144xf32, #tpu.memory_space<vmem>>, vector<1x10240x144xf32>
    %get3A_8 = vector.shape_cast %get3A_7 : vector<1x10240x144xf32> to vector<10240x144xf32>
    %add3A = arith.addf %get3A_3, %get3A_8 : vector<10240x144xf32>
    %slice3A = vector.extract_strided_slice %add3A {offsets = [0, 0], sizes = [10000, 128], strides = [1, 1]} : vector<10240x144xf32> to vector<10000x128xf32>
    %slice3A_9 = vector.extract_strided_slice %add3A {offsets = [0, 128], sizes = [10000, 8], strides = [1, 1]} : vector<10240x144xf32> to vector<10000x8xf32>
    %get3A_10 = arith.constant 0 : index
    %get3A_11 = arith.constant 0 : index
    %get3A_12 = vector.load %arg3[%get3A_10, %get3A_11] : memref<8x128xf32, #tpu.memory_space<vmem>>, vector<8x128xf32>
    %dot_general3A = arith.constant dense<0.000000e+00> : vector<10000x128xf32>
    %dot_general3A_13 = tpu.matmul %slice3A_9, %get3A_12, %dot_general3A {dimension_numbers = #tpu.dot_dimension_numbers<[1], [0], [0], [1], [0, 0, 1, 1], [], []>, transpose_lhs_hint = false} : vector<10000x8xf32>, vector<8x128xf32>, vector<10000x128xf32> -> vector<10000x128xf32>
    %add3A_14 = arith.constant 1.000000e-16 : f32
    %add3A_15 = vector.broadcast %add3A_14 : f32 to vector<10000x128xf32>
    %add3A_16 = arith.addf %dot_general3A_13, %add3A_15 : vector<10000x128xf32>
    %div3A = arith.divf %slice3A, %add3A_16 : vector<10000x128xf32>
    %get3A_17 = arith.constant 0 : index
    %get3A_18 = arith.constant 0 : index
    %get3A_19 = vector.load %arg2[%get3A_17, %get3A_18] : memref<10000x1xf32, #tpu.memory_space<vmem>>, vector<10000x1xf32>
    %mul3A = vector.broadcast %get3A_19 : vector<10000x1xf32> to vector<10000x128xf32>
    %mul3A_20 = arith.mulf %div3A, %mul3A : vector<10000x128xf32>
    %gt3A = arith.constant 0.000000e+00 : f32
    %gt3A_21 = vector.broadcast %gt3A : f32 to vector<10000x128xf32>
    %gt3A_22 = arith.cmpf ogt, %mul3A_20, %gt3A_21 : vector<10000x128xf32>
    %exp3A = math.exp %mul3A_20 : vector<10000x128xf32>
    %sub3A = arith.constant 1.000000e+00 : f32
    %sub3A_23 = vector.broadcast %sub3A : f32 to vector<10000x128xf32>
    %sub3A_24 = arith.subf %exp3A, %sub3A_23 : vector<10000x128xf32>
    %select_n3A = arith.select %gt3A_22, %mul3A_20, %sub3A_24 : vector<10000x128xi1>, vector<10000x128xf32>
    %get3A_25 = arith.constant 0 : index
    %get3A_26 = arith.constant 0 : index
    %get3A_27 = vector.load %arg1[%get3A_25, %get3A_26] : memref<10000x128xf32, #tpu.memory_space<vmem>>, vector<10000x128xf32>
    %add3A_28 = arith.addf %select_n3A, %get3A_27 : vector<10000x128xf32>
    %swap3A = arith.constant 0 : index
    %swap3A_29 = arith.constant 0 : index
    %swap3A_30 = vector.load %arg7[%swap3A, %swap3A_29] : memref<10000x128xf32, #tpu.memory_space<vmem>>, vector<10000x128xf32>
    tpu.vector_store %arg7[%swap3A, %swap3A_29], %add3A_28 {strides = array<i32>} : memref<10000x128xf32, #tpu.memory_space<vmem>>, vector<10000x128xf32>,
    %get3A_31 = arith.constant 0 : index
    %get3A_32 = arith.constant 0 : index
    %get3A_33 = vector.load %arg4[%get3A_31, %get3A_32] : memref<128x128xf32, #tpu.memory_space<vmem>>, vector<128x128xf32>
    %get3A_34 = arith.constant 0 : index
    %get3A_35 = arith.constant 0 : index
    %get3A_36 = vector.load %arg5[%get3A_34, %get3A_35] : memref<128x1xf32, #tpu.memory_space<vmem>>, vector<128x1xf32>
    %get3A_37 = arith.constant 0 : index
    %get3A_38 = arith.constant 0 : index
    %get3A_39 = vector.load %arg6[%get3A_37, %get3A_38] : memref<128x1xf32, #tpu.memory_space<vmem>>, vector<128x1xf32>
    %dot_general3A_40 = arith.constant dense<0.000000e+00> : vector<10000x128xf32>
    %dot_general3A_41 = tpu.matmul %add3A_28, %get3A_33, %dot_general3A_40 {dimension_numbers = #tpu.dot_dimension_numbers<[1], [0], [0], [1], [0, 0, 1, 1], [], []>, transpose_lhs_hint = false} : vector<10000x128xf32>, vector<128x128xf32>, vector<10000x128xf32> -> vector<10000x128xf32>
    %dot_general3A_42 = arith.constant dense<0.000000e+00> : vector<10000x1xf32>
    %dot_general3A_43 = tpu.matmul %dot_general3A_41, %get3A_36, %dot_general3A_42 {dimension_numbers = #tpu.dot_dimension_numbers<[1], [0], [0], [1], [0, 0, 1, 1], [], []>, transpose_lhs_hint = false} : vector<10000x128xf32>, vector<128x1xf32>, vector<10000x1xf32> -> vector<10000x1xf32>
    %dot_general3A_44 = arith.constant dense<0.000000e+00> : vector<10000x1xf32>
    %dot_general3A_45 = tpu.matmul %dot_general3A_41, %get3A_39, %dot_general3A_44 {dimension_numbers = #tpu.dot_dimension_numbers<[1], [0], [0], [1], [0, 0, 1, 1], [], []>, transpose_lhs_hint = false} : vector<10000x128xf32>, vector<128x1xf32>, vector<10000x1xf32> -> vector<10000x1xf32>
    %broadcast_in_dim3A = arith.constant 0.000000e+00 : f32
    %broadcast_in_dim3A_46 = vector.broadcast %broadcast_in_dim3A : f32 to vector<10240x144xf32>
    %swap3A_47 = arith.constant 0 : index
    %swap3A_48 = arith.constant 0 : index
    %swap3A_49 = vector.load %arg8[%swap3A_47, %swap3A_48] : memref<10240x144xf32, #tpu.memory_space<vmem>>, vector<10240x144xf32>
    tpu.vector_store %arg8[%swap3A_47, %swap3A_48], %broadcast_in_dim3A_46 {strides = array<i32>} : memref<10240x144xf32, #tpu.memory_space<vmem>>, vector<10240x144xf32>,
    %swap3A_50 = arith.constant 0 : index
    %swap3A_51 = arith.constant 0 : index
    %swap3A_52 = vector.load %arg8[%swap3A_50, %swap3A_51] : memref<10240x144xf32, #tpu.memory_space<vmem>>, vector<10000x128xf32>
    tpu.vector_store %arg8[%swap3A_50, %swap3A_51], %dot_general3A_41 {strides = array<i32>} : memref<10240x144xf32, #tpu.memory_space<vmem>>, vector<10000x128xf32>,
    %swap3A_53 = arith.constant 0 : index
    %swap3A_54 = arith.constant 128 : index
    %swap3A_55 = vector.load %arg8[%swap3A_53, %swap3A_54] : memref<10240x144xf32, #tpu.memory_space<vmem>>, vector<10000x1xf32>
    tpu.vector_store %arg8[%swap3A_53, %swap3A_54], %dot_general3A_43 {strides = array<i32>} : memref<10240x144xf32, #tpu.memory_space<vmem>>, vector<10000x1xf32>,
    %broadcast_in_dim3A_56 = arith.constant 0.000000e+00 : f32
    %broadcast_in_dim3A_57 = vector.broadcast %broadcast_in_dim3A_56 : f32 to vector<10240x16xf32>
    %swap3A_58 = arith.constant 0 : index
    %swap3A_59 = arith.constant 0 : index
    %swap3A_60 = vector.load %arg9[%swap3A_58, %swap3A_59] : memref<10240x16xf32, #tpu.memory_space<vmem>>, vector<10240x16xf32>
    tpu.vector_store %arg9[%swap3A_58, %swap3A_59], %broadcast_in_dim3A_57 {strides = array<i32>} : memref<10240x16xf32, #tpu.memory_space<vmem>>, vector<10240x16xf32>,
    %swap3A_61 = arith.constant 0 : index
    %swap3A_62 = arith.constant 0 : index
    %swap3A_63 = vector.load %arg9[%swap3A_61, %swap3A_62] : memref<10240x16xf32, #tpu.memory_space<vmem>>, vector<10000x1xf32>
    tpu.vector_store %arg9[%swap3A_61, %swap3A_62], %dot_general3A_45 {strides = array<i32>} : memref<10240x16xf32, #tpu.memory_space<vmem>>, vector<10000x1xf32>,
    %reduce_max3A = arith.constant dense<0xFF800000> : vector<1xf32>
    %reduce_max3A_64 = vector.multi_reduction <maximumf>, %dot_general3A_43, %reduce_max3A [0] : vector<10000x1xf32> to vector<1xf32>
    %broadcast_in_dim3A_65 = vector.shape_cast %reduce_max3A_64 : vector<1xf32> to vector<1x1xf32>
    %reduce_max3A_66 = arith.constant dense<0xFF800000> : vector<1xf32>
    %reduce_max3A_67 = vector.multi_reduction <maximumf>, %dot_general3A_45, %reduce_max3A_66 [0] : vector<10000x1xf32> to vector<1xf32>
    %broadcast_in_dim3A_68 = vector.shape_cast %reduce_max3A_67 : vector<1xf32> to vector<1x1xf32>
    %add3A_69 = arith.addf %broadcast_in_dim3A_65, %broadcast_in_dim3A_68 : vector<1x1xf32>
    %ge3A = arith.constant 0.000000e+00 : f32
    %ge3A_70 = vector.broadcast %ge3A : f32 to vector<1x1xf32>
    %ge3A_71 = arith.cmpf oge, %add3A_69, %ge3A_70 : vector<1x1xf32>
    %mul3A_72 = arith.constant 2.000000e-01 : f32
    %mul3A_73 = vector.broadcast %mul3A_72 : f32 to vector<1x1xf32>
    %mul3A_74 = arith.mulf %mul3A_73, %add3A_69 : vector<1x1xf32>
    %select_n3A_75 = arith.select %ge3A_71, %add3A_69, %mul3A_74 : vector<1x1xi1>, vector<1x1xf32>
    %broadcast_in_dim3A_76 = arith.constant 0x7F800000 : f32
    %broadcast_in_dim3A_77 = vector.broadcast %broadcast_in_dim3A_76 : f32 to vector<1x16xf32>
    %swap3A_78 = arith.constant 0 : index
    %swap3A_79 = arith.constant 0 : index
    %swap3A_80 = vector.load %arg10[%swap3A_78, %swap3A_79] : memref<1x16xf32, #tpu.memory_space<vmem>>, vector<1x16xf32>
    tpu.vector_store %arg10[%swap3A_78, %swap3A_79], %broadcast_in_dim3A_77 {strides = array<i32>} : memref<1x16xf32, #tpu.memory_space<vmem>>, vector<1x16xf32>,
    %swap3A_81 = arith.constant 0 : index
    %swap3A_82 = arith.constant 0 : index
    %swap3A_83 = vector.load %arg10[%swap3A_81, %swap3A_82] : memref<1x16xf32, #tpu.memory_space<vmem>>, vector<1x1xf32>
    tpu.vector_store %arg10[%swap3A_81, %swap3A_82], %select_n3A_75 {strides = array<i32>} : memref<1x16xf32, #tpu.memory_space<vmem>>, vector<1x1xf32>,
    return
  }
}

module attributes {stable_mosaic.version = 14 : i64} {
  func.func @_finish_pool_body(%arg0: memref<2x10240x144xf32, #tpu.memory_space<vmem>>, %arg1: memref<10000x128xf32, #tpu.memory_space<vmem>>, %arg2: memref<10000x1xf32, #tpu.memory_space<vmem>>, %arg3: memref<1x128xf32, #tpu.memory_space<vmem>>, %arg4: memref<10000x1xi32, #tpu.memory_space<vmem>>, %arg5: memref<128x64xf32, #tpu.memory_space<vmem>>, %arg6: memref<1x64xf32, #tpu.memory_space<vmem>>, %arg7: memref<64x32xf32, #tpu.memory_space<vmem>>, %arg8: memref<1x32xf32, #tpu.memory_space<vmem>>, %arg9: memref<32x10xf32, #tpu.memory_space<vmem>>, %arg10: memref<1x10xf32, #tpu.memory_space<vmem>>, %arg11: memref<64x10xf32, #tpu.memory_space<vmem>>) attributes {dimension_semantics = [], scalar_prefetch = 0 : i64, scratch_operands = 0 : i64, tpu.core_type = #tpu.core_type<tc>} {
    %get3A = arith.constant 0 : index
    %get3A_0 = arith.constant 0 : index
    %get3A_1 = arith.constant 0 : index
    %get3A_2 = vector.load %arg0[%get3A, %get3A_0, %get3A_1] : memref<2x10240x144xf32, #tpu.memory_space<vmem>>, vector<1x10240x144xf32>
    %get3A_3 = vector.shape_cast %get3A_2 : vector<1x10240x144xf32> to vector<10240x144xf32>
    %get3A_4 = arith.constant 1 : index
    %get3A_5 = arith.constant 0 : index
    %get3A_6 = arith.constant 0 : index
    %get3A_7 = vector.load %arg0[%get3A_4, %get3A_5, %get3A_6] : memref<2x10240x144xf32, #tpu.memory_space<vmem>>, vector<1x10240x144xf32>
    %get3A_8 = vector.shape_cast %get3A_7 : vector<1x10240x144xf32> to vector<10240x144xf32>
    %add3A = arith.addf %get3A_3, %get3A_8 : vector<10240x144xf32>
    %slice3A = vector.extract_strided_slice %add3A {offsets = [0, 0], sizes = [10000, 128], strides = [1, 1]} : vector<10240x144xf32> to vector<10000x128xf32>
    %slice3A_9 = vector.extract_strided_slice %add3A {offsets = [0, 128], sizes = [10000, 1], strides = [1, 1]} : vector<10240x144xf32> to vector<10000x1xf32>
    %get3A_10 = arith.constant 0 : index
    %get3A_11 = arith.constant 0 : index
    %get3A_12 = vector.load %arg3[%get3A_10, %get3A_11] : memref<1x128xf32, #tpu.memory_space<vmem>>, vector<1x128xf32>
    %dot_general3A = arith.constant dense<0.000000e+00> : vector<10000x128xf32>
    %dot_general3A_13 = tpu.matmul %slice3A_9, %get3A_12, %dot_general3A {dimension_numbers = #tpu.dot_dimension_numbers<[1], [0], [0], [1], [0, 0, 1, 1], [], []>, transpose_lhs_hint = false} : vector<10000x1xf32>, vector<1x128xf32>, vector<10000x128xf32> -> vector<10000x128xf32>
    %add3A_14 = arith.constant 1.000000e-16 : f32
    %add3A_15 = vector.broadcast %add3A_14 : f32 to vector<10000x128xf32>
    %add3A_16 = arith.addf %dot_general3A_13, %add3A_15 : vector<10000x128xf32>
    %div3A = arith.divf %slice3A, %add3A_16 : vector<10000x128xf32>
    %get3A_17 = arith.constant 0 : index
    %get3A_18 = arith.constant 0 : index
    %get3A_19 = vector.load %arg2[%get3A_17, %get3A_18] : memref<10000x1xf32, #tpu.memory_space<vmem>>, vector<10000x1xf32>
    %mul3A = vector.broadcast %get3A_19 : vector<10000x1xf32> to vector<10000x128xf32>
    %mul3A_20 = arith.mulf %div3A, %mul3A : vector<10000x128xf32>
    %gt3A = arith.constant 0.000000e+00 : f32
    %gt3A_21 = vector.broadcast %gt3A : f32 to vector<10000x128xf32>
    %gt3A_22 = arith.cmpf ogt, %mul3A_20, %gt3A_21 : vector<10000x128xf32>
    %exp3A = math.exp %mul3A_20 : vector<10000x128xf32>
    %sub3A = arith.constant 1.000000e+00 : f32
    %sub3A_23 = vector.broadcast %sub3A : f32 to vector<10000x128xf32>
    %sub3A_24 = arith.subf %exp3A, %sub3A_23 : vector<10000x128xf32>
    %select_n3A = arith.select %gt3A_22, %mul3A_20, %sub3A_24 : vector<10000x128xi1>, vector<10000x128xf32>
    %get3A_25 = arith.constant 0 : index
    %get3A_26 = arith.constant 0 : index
    %get3A_27 = vector.load %arg1[%get3A_25, %get3A_26] : memref<10000x128xf32, #tpu.memory_space<vmem>>, vector<10000x128xf32>
    %add3A_28 = arith.addf %select_n3A, %get3A_27 : vector<10000x128xf32>
    %iota3A = tpu.iota {dimensions = array<i32: 1>} : vector<10000x64xi32>
    %get3A_29 = arith.constant 0 : index
    %get3A_30 = arith.constant 0 : index
    %get3A_31 = vector.load %arg4[%get3A_29, %get3A_30] : memref<10000x1xi32, #tpu.memory_space<vmem>>, vector<10000x1xi32>
    %eq3A = vector.broadcast %get3A_31 : vector<10000x1xi32> to vector<10000x64xi32>
    %eq3A_32 = arith.cmpi eq, %eq3A, %iota3A : vector<10000x64xi32>
    %convert_element_type3A = arith.extui %eq3A_32 : vector<10000x64xi1> to vector<10000x64xi32>
    %convert_element_type3A_33 = arith.sitofp %convert_element_type3A : vector<10000x64xi32> to vector<10000x64xf32>
    %reduce_sum3A = arith.constant dense<0.000000e+00> : vector<64xf32>
    %reduce_sum3A_34 = vector.multi_reduction <add>, %convert_element_type3A_33, %reduce_sum3A [0] : vector<10000x64xf32> to vector<64xf32>
    %broadcast_in_dim3A = vector.shape_cast %reduce_sum3A_34 : vector<64xf32> to vector<1x64xf32>
    %dot_general3A_35 = arith.constant dense<0.000000e+00> : vector<64x128xf32>
    %dot_general3A_36 = tpu.matmul %convert_element_type3A_33, %add3A_28, %dot_general3A_35 {dimension_numbers = #tpu.dot_dimension_numbers<[0], [0], [1], [1], [0, 1, 1, 1], [], []>, transpose_lhs_hint = false} : vector<10000x64xf32>, vector<10000x128xf32>, vector<64x128xf32> -> vector<64x128xf32>
    %max3A = arith.constant 1.000000e+00 : f32
    %max3A_37 = vector.broadcast %max3A : f32 to vector<1x64xf32>
    %max3A_38 = arith.maximumf %broadcast_in_dim3A, %max3A_37 : vector<1x64xf32>
    %reshape3A = vector.shape_cast %max3A_38 : vector<1x64xf32> to vector<64x1xf32>
    %div3A_39 = vector.broadcast %reshape3A : vector<64x1xf32> to vector<64x128xf32>
    %div3A_40 = arith.divf %dot_general3A_36, %div3A_39 : vector<64x128xf32>
    %get3A_41 = arith.constant 0 : index
    %get3A_42 = arith.constant 0 : index
    %get3A_43 = vector.load %arg5[%get3A_41, %get3A_42] : memref<128x64xf32, #tpu.memory_space<vmem>>, vector<128x64xf32>
    %dot_general3A_44 = arith.constant dense<0.000000e+00> : vector<64x64xf32>
    %dot_general3A_45 = tpu.matmul %div3A_40, %get3A_43, %dot_general3A_44 {dimension_numbers = #tpu.dot_dimension_numbers<[1], [0], [0], [1], [0, 0, 1, 1], [], []>, transpose_lhs_hint = false} : vector<64x128xf32>, vector<128x64xf32>, vector<64x64xf32> -> vector<64x64xf32>
    %get3A_46 = arith.constant 0 : index
    %get3A_47 = arith.constant 0 : index
    %get3A_48 = vector.load %arg6[%get3A_46, %get3A_47] : memref<1x64xf32, #tpu.memory_space<vmem>>, vector<1x64xf32>
    %add3A_49 = vector.broadcast %get3A_48 : vector<1x64xf32> to vector<64x64xf32>
    %add3A_50 = arith.addf %dot_general3A_45, %add3A_49 : vector<64x64xf32>
    %max3A_51 = arith.constant 0.000000e+00 : f32
    %max3A_52 = vector.broadcast %max3A_51 : f32 to vector<64x64xf32>
    %max3A_53 = arith.maximumf %add3A_50, %max3A_52 : vector<64x64xf32>
    %get3A_54 = arith.constant 0 : index
    %get3A_55 = arith.constant 0 : index
    %get3A_56 = vector.load %arg7[%get3A_54, %get3A_55] : memref<64x32xf32, #tpu.memory_space<vmem>>, vector<64x32xf32>
    %dot_general3A_57 = arith.constant dense<0.000000e+00> : vector<64x32xf32>
    %dot_general3A_58 = tpu.matmul %max3A_53, %get3A_56, %dot_general3A_57 {dimension_numbers = #tpu.dot_dimension_numbers<[1], [0], [0], [1], [0, 0, 1, 1], [], []>, transpose_lhs_hint = false} : vector<64x64xf32>, vector<64x32xf32>, vector<64x32xf32> -> vector<64x32xf32>
    %get3A_59 = arith.constant 0 : index
    %get3A_60 = arith.constant 0 : index
    %get3A_61 = vector.load %arg8[%get3A_59, %get3A_60] : memref<1x32xf32, #tpu.memory_space<vmem>>, vector<1x32xf32>
    %add3A_62 = vector.broadcast %get3A_61 : vector<1x32xf32> to vector<64x32xf32>
    %add3A_63 = arith.addf %dot_general3A_58, %add3A_62 : vector<64x32xf32>
    %max3A_64 = arith.constant 0.000000e+00 : f32
    %max3A_65 = vector.broadcast %max3A_64 : f32 to vector<64x32xf32>
    %max3A_66 = arith.maximumf %add3A_63, %max3A_65 : vector<64x32xf32>
    %get3A_67 = arith.constant 0 : index
    %get3A_68 = arith.constant 0 : index
    %get3A_69 = vector.load %arg9[%get3A_67, %get3A_68] : memref<32x10xf32, #tpu.memory_space<vmem>>, vector<32x10xf32>
    %dot_general3A_70 = arith.constant dense<0.000000e+00> : vector<64x10xf32>
    %dot_general3A_71 = tpu.matmul %max3A_66, %get3A_69, %dot_general3A_70 {dimension_numbers = #tpu.dot_dimension_numbers<[1], [0], [0], [1], [0, 0, 1, 1], [], []>, transpose_lhs_hint = false} : vector<64x32xf32>, vector<32x10xf32>, vector<64x10xf32> -> vector<64x10xf32>
    %get3A_72 = arith.constant 0 : index
    %get3A_73 = arith.constant 0 : index
    %get3A_74 = vector.load %arg10[%get3A_72, %get3A_73] : memref<1x10xf32, #tpu.memory_space<vmem>>, vector<1x10xf32>
    %add3A_75 = vector.broadcast %get3A_74 : vector<1x10xf32> to vector<64x10xf32>
    %add3A_76 = arith.addf %dot_general3A_71, %add3A_75 : vector<64x10xf32>
    %swap3A = arith.constant 0 : index
    %swap3A_77 = arith.constant 0 : index
    %swap3A_78 = vector.load %arg11[%swap3A, %swap3A_77] : memref<64x10xf32, #tpu.memory_space<vmem>>, vector<64x10xf32>
    tpu.vector_store %arg11[%swap3A, %swap3A_77], %add3A_76 {strides = array<i32>} : memref<64x10xf32, #tpu.memory_space<vmem>>, vector<64x10xf32>,
    return
  }
}

</mosaic_0001>

<sc_bundles>
// kernel: kernel.11.cloned.1.call-start
scs
__scs_entry_jumppad:
0x0: {  	(pc) =	sbr.rel $0x88, $3  }
0x1: {  	(tag) =	ssettag $0x0;
	lr =	simm.s32 $0x1  }
0x2: {  	[smem:$0x3F89] =	sst lr;
	_ =	strace $0xD0000000  }
0x3: {  	_ = 	snop  }
0x4: {  	_ = 	snop  }
0x5: {  	_ = 	snop  }
0x6: {  	_ = 	snop  }
0x7: {  	_ = 	snop  }
__scs_overlays_trampoline_lowered:
0x8: {  	[smem:$0x3F98] =	sst s0  }
0x9: {  	[smem:$0x3F99] =	sst s1  }
0xa: {  	[smem:$0x3F9A] =	sst s2  }
0xb: {  	[smem:$0x3F9B] =	sst s3  }
0xc: {  	[smem:$0x3F9C] =	sst s4  }
0xd: {  	[smem:$0x3F9D] =	sst s5  }
0xe: {  	[smem:$0x3F9E] =	sst s6  }
0xf: {  	[smem:$0x3F9F] =	sst s7  }
0x10: {  	[smem:$0x3FA0] =	sst s8  }
0x11: {  	[smem:$0x3FA1] =	sst s9;
	s0 =	simm.s32 @!p0 $0x0  }
0x12: {  	s1 =	sld [smem:$0x3F87];
	s0 =	simm.s32 @p0 $0x1  }
0x13: {  	[smem:$0x3FA2] =	sst s0;
	s0 =	simm.s32 @!p1 $0x0  }
0x14: {  	s2 =	sld [smem:$0x3F86];
	s0 =	simm.s32 @p1 $0x1  }
0x15: {  	[smem:$0x3FA3] =	sst s0;
	s0 =	simm.s32 @!p2 $0x0  }
0x16: {  	s3 =	sld [smem:$0x3FDB];
	s0 =	simm.s32 @p2 $0x1  }
0x17: {  	s4 =	simm.s32 $0x1BF5;
	[smem:$0x3FA5] =	sst s0  }
0x18: {  	s0 =	sld [smem:$0x3F88];
	_ =	swait.ge [sflag:s4], $0x0  }
0x19: {  	s7 =	sld [smem:$0x3F89]  }
0x1a: {  	s8 =	sadd.s32 $0xFFFFE003, lr  }
0x1b: {  	s9 =	sadd.s32 $0xFFFFFEF7, lr;
	s5 =	simm.s32 $0xFFFFFFFF;
	p2 =	slt.u32 s8, $0xFFFFF086  }
0x1c: {  	p1 =	slt.u32 s9, $0xF7A;
	s5 =	simm.s32 @!p2 $0x0  }
0x1d: {  	s5 =	simm.s32 @p1 $0x1;
	p0 =	seq.s32 s7, s2  }
0x1e: {  	s7 =	smul.u32 @!p0 $0xF7A, s2;
	p2 =	seq.s32 @!p0 s5, $0x0  }
0x1f: {  	s9 =	smul.u32 $0xF7A, s1;
	s8 =	simm.s32 @!p0 $0x1BF5;
	p2 =	por !p2, p0  }
0x20: {  	[sflag:s8] =	ssyncset.s32 @!p0 $0xFFFFF086;
	s6 =	sadd.s32 @!p0 s3, s7;
	s7 =	simm.s32 @!p0 $0x108  }
0x21: {  	s3 =	sadd.s32 s3, s9;
	s6 =	sadd.s32 @!p0 $0x88, s6;
	s7 =	simm.s32 @p2 $0x1082  }
0x22: {  	[simem:s7], [sflag:s8] =	dma.local @!p0 [hbm:s6], $0xF7A  }
0x23: {  	s9 =	sor.u32 $0xD0000000, s2;
	s6 =	simm.s32 $0x108;
	_ =	swait.ge @!p0 [sflag:s8], $0x0  }
0x24: {  	s3 =	sadd.s32 $0x88, s3;
	s6 =	simm.s32 @!p1 $0x1082;
	[sflag:s4] =	ssyncset.s32 $0xFFFFF086  }
0x25: {  	[simem:s6], [sflag:s4] =	dma.local [hbm:s3], $0xF7A  }
0x26: {  	[smem:$0x3F89] =	sst s1;
	(tag) =	ssettag s2;
	_ =	strace s9  }
0x27: {  	s1 =	sld [smem:$0x3F99]  }
0x28: {  	s2 =	sld [smem:$0x3F9A]  }
0x29: {  	s4 =	sld [smem:$0x3F9C]  }
0x2a: {  	p0 =	seq.s32 s5, $0x0;
	s5 =	sld [smem:$0x3F9D]  }
0x2b: {  	s6 =	sld [smem:$0x3F9E]  }
0x2c: {  	s7 =	sld [smem:$0x3F9F]  }
0x2d: {  	s3 =	simm.s32 $0x108;
	s8 =	sld [smem:$0x3FA0]  }
0x2e: {  	s3 =	simm.s32 @!p0 $0x1082;
	s9 =	sld [smem:$0x3FA1]  }
0x2f: {  	lr =	sadd.s32 s0, s3;
	s0 =	sld [smem:$0x3F98]  }
0x30: {  	s3 =	sld [smem:$0x3F9B]  }
0x31: {  	[smem:$0x3FA4] =	sst s10  }
0x32: {  	s10 =	sld [smem:$0x3FA2];
	_ =	sdelay $0x3  }
0x33: {  	p0 =	seq.s32 s10, $0x1;
	s10 =	sld [smem:$0x3FA4];
	_ =	sdelay $0x3  }
0x34: {  	[smem:$0x3FA4] =	sst s10  }
0x35: {  	s10 =	sld [smem:$0x3FA3];
	_ =	sdelay $0x3  }
0x36: {  	p1 =	seq.s32 s10, $0x1;
	s10 =	sld [smem:$0x3FA4];
	_ =	sdelay $0x3  }
0x37: {  	[smem:$0x3FA4] =	sst s10  }
0x38: {  	s10 =	sld [smem:$0x3FA5]  }
0x39: {  	_ = 	snop;
	(pc) =	sbr.ind lr, $3  }
0x3a: {  	_ = 	snop  }
0x3b: {  	_ = 	snop  }
0x3c: {  	p2 =	seq.s32 s10, $0x1;
	s10 =	sld [smem:$0x3FA4]  }
0x3d: {  	_ =	shalt  }
0x3e: {  	_ =	shalt  }
0x3f: {  	_ =	shalt  }
0x40: {  	_ =	shalt  }
0x41: {  	_ =	shalt  }
0x42: {  	_ =	shalt  }
0x43: {  	_ =	shalt  }
0x44: {  	_ =	shalt  }
0x45: {  	_ =	shalt  }
0x46: {  	_ =	shalt  }
0x47: {  	_ =	shalt  }
0x48: {  	_ =	shalt  }
0x49: {  	_ =	shalt  }
0x4a: {  	_ =	shalt  }
0x4b: {  	_ =	shalt  }
0x4c: {  	_ =	shalt  }
0x4d: {  	_ =	shalt  }
0x4e: {  	_ =	shalt  }
0x4f: {  	_ =	shalt  }
0x50: {  	_ =	shalt  }
0x51: {  	_ =	shalt  }
0x52: {  	_ =	shalt  }
0x53: {  	_ =	shalt  }
0x54: {  	_ =	shalt  }
0x55: {  	_ =	shalt  }
0x56: {  	_ =	shalt  }
0x57: {  	_ =	shalt  }
0x58: {  	_ =	shalt  }
0x59: {  	_ =	shalt  }
0x5a: {  	_ =	shalt  }
0x5b: {  	_ =	shalt  }
0x5c: {  	_ =	shalt  }
0x5d: {  	_ =	shalt  }
0x5e: {  	_ =	shalt  }
0x5f: {  	_ =	shalt  }
0x60: {  	_ =	shalt  }
0x61: {  	_ =	shalt  }
0x62: {  	_ =	shalt  }
0x63: {  	_ =	shalt  }
0x64: {  	_ =	shalt  }
0x65: {  	_ =	shalt  }
0x66: {  	_ =	shalt  }
0x67: {  	_ =	shalt  }
0x68: {  	_ =	shalt  }
0x69: {  	_ =	shalt  }
0x6a: {  	_ =	shalt  }
0x6b: {  	_ =	shalt  }
0x6c: {  	_ =	shalt  }
0x6d: {  	_ =	shalt  }
0x6e: {  	_ =	shalt  }
0x6f: {  	_ =	shalt  }
0x70: {  	_ =	shalt  }
0x71: {  	_ =	shalt  }
0x72: {  	_ =	shalt  }
0x73: {  	_ =	shalt  }
0x74: {  	_ =	shalt  }
0x75: {  	_ =	shalt  }
0x76: {  	_ =	shalt  }
0x77: {  	_ =	shalt  }
0x78: {  	_ =	shalt  }
0x79: {  	_ =	shalt  }
0x7a: {  	_ =	shalt  }
0x7b: {  	_ =	shalt  }
0x7c: {  	_ =	shalt  }
0x7d: {  	_ =	shalt  }
0x7e: {  	_ =	shalt  }
0x7f: {  	_ =	shalt  }
0x80: {  	_ =	shalt  }
0x81: {  	_ =	shalt  }
0x82: {  	_ =	shalt  }
0x83: {  	_ =	shalt  }
0x84: {  	_ =	shalt  }
0x85: {  	_ =	shalt  }
0x86: {  	_ =	shalt  }
0x87: {  	_ =	shalt  }
.Lfunc_end0:
.L_simem_size_0:
called_computation_lowered:
.L_overlay_start_0:
0x88: {  	s2 =	sld [smem:$0x3FD9]  }
0x89: {  	s3 =	sld [smem:$0x3FFE];
	_ =	sdelay $0x1  }
0x8a: {  	s1 =	srdreg.scid  }
0x8b: {  	s0 =	sand.u32 $0x1, s1  }
0x8c: {  	s17 =	sshll.u32 s0, $0xA;
	s2 =	sadd.s32 s3, s2  }
0x8d: {  	s2 =	sadd.s32 s2, s17  }
0x8e: {  	[smem:$0x3FB0] =	sst s2  }
0x8f: {  	_ = 	snop  }
0x90: {  	s2 =	sld [smem:$0x3FD0];
	(tm) =	ssettm $0x1  }
0x91: {  	s18 =	sld [smem:$0x3FFB];
	_ =	sdelay $0x3  }
0x92: {  	_ =	strace s18  }
0x93: {  	s3 =	sld [smem:$0x3FFC];
	_ =	sdelay $0x3  }
0x94: {  	_ =	strace s3  }
0x95: {  	s3 =	sld [smem:$0x3FFD];
	_ =	sdelay $0x3  }
0x96: {  	_ =	strace s3  }
0x97: {  	_ =	strace $0x8FFFFFFF  }
0x98: {  	s19 =	sld [smem:$0x3FDB];
	_ =	sdelay $0x1  }
0x99: {  	s4 =	simm.s32 $_scs_section_size  }
0x9a: {  	s5 =	simm.s32 $_size__tile_overlayer_lowered;
	s6 =	simm.s32 $_tile_overlayer_lowered  }
0x9b: {  	s22 =	simm.s32 $0x1BFF;
	s21 =	sshll.u32 s6, $0x1;
	s3 =	sadd.s32 s4, s19  }
0x9c: {  	s7 =	simm.s32 $0x0;
	s20 =	sshll.u32 s5, $0x1;
	s5 =	sadd.s32 s21, s3  }
0x9d: {  	[timem:s7], [sflag:s22] =	dma.local [hbm:s5], s20  }
0x9e: {  	_ =	swait.ge [sflag:s22], s20  }
0x9f: {  	s4 =	ssub.s32 $0x0, s20;
	[sflag:s22] =	ssyncset.done $0x0  }
0xa0: {  	[sflag:s22] =	ssyncadd.s32 s4;
	_ =	sdelay $0x1  }
0xa1: {  	s23 =	simm.s32 $0x1B8B  }
0xa2: {  	_ =	swait.ge [sflag:s23], $0x1  }
0xa3: {  	[sflag:s23] =	ssyncset.done $0x0  }
0xa4: {  	s25 =	simm.s32 $0x1B8E;
	s24 =	sld [smem:$0x3FFE];
	[sflag:s23] =	ssyncadd.s32 $0xFFFFFFFF  }
0xa5: {  	s26 =	simm.s32 $execute0_lowered;
	[smem:$0x3FD2] =	sst s25  }
0xa6: {  	s5 =	sshll.u32 s26, $0x1;
	_ =	strace $0x80000046;
	[dreg:$0x1] =	wrdreg $0xFFFFFFFF  }
0xa7: {  	s28 =	simm.s32 $_size_execute0_lowered;
	s3 =	sadd.s32 s3, s5;
	[dreg:$0x0] =	wrdreg $0x0  }
0xa8: {  	s5 =	sshll.u32 s28, $0x1;
	[dreg:$0x2] =	wrdreg s3  }
0xa9: {  	[dreg:$0x3] =	wrdreg s5  }
0xaa: {  	[dreg:$0x4] =	wrdreg $0xC0  }
0xab: {  	_ =	task [dreg:s7], $0x5FFFF  }
0xac: {  	[dreg:$0x1] =	wrdreg $0xFFFFFFFF  }
0xad: {  	[dreg:$0x0] =	wrdreg $0x60  }
0xae: {  	[dreg:$0x2] =	wrdreg s24  }
0xaf: {  	[dreg:$0x3] =	wrdreg s2  }
0xb0: {  	[dreg:$0x4] =	wrdreg $0x60000  }
0xb1: {  	[dreg:$0x5] =	wrdreg $0x9  }
0xb2: {  	_ =	task.clear_ibuf [dreg:s7], $0x6FFFF;
	_ =	strace $0x90000046  }
0xb3: {  	s29 =	simm.s32 $0x9;
	_ =	strace $0x80000048  }
0xb4: {  	_ =	swait.ge [sflag:s29], $0x1  }
0xb5: {  	[sflag:s29] =	ssyncadd.s32 $0xFFFFFFFF  }
0xb6: {  	_ =	strace $0x90000048  }
0xb7: {  	_ =	sfence  }
0xb8: {  	s30 =	sld [smem:$0x0];
	_ =	sdelay $0x2  }
0xb9: {  	s31 =	sshll.u32 s1, $0xD;
	s1 =	sshrl.u32 s1, $0x2  }
0xba: {  	s3 =	sand.u32 $0x4000, s31;
	s1 =	sadd.s32 s1, s30  }
0xbb: {  	s0 =	sor.u32 s3, s0;
	s1 =	sshll.u32 s1, $0x11  }
0xbc: {  	s0 =	sor.u32 s1, s0  }
0xbd: {  	s0 =	sadd.s32 $0x8F2B, s0  }
0xbe: {  	[sflag:s0] =	ssyncadd.remote.s32 $0x1  }
0xbf: {  	_ =	sfence.sel $0xFFFF  }
0xc0: {  	[dreg:$0x0] =	wrdreg $0xFFFFFFFF;
	(pc) =	sbr.abs _section_cstart, $3  }
0xc1: {  	[dreg:$0x1] =	wrdreg $0xFFFFFFFF  }
0xc2: {  	_ =	task.clear_ibuf [dreg:s7], $0x2FFFF;
	_ =	strace $0x9FFFFFFF  }
0xc3: {  	(tm) =	ssettm $0x7FFFFFFF  }
tec
execute0_lowered:
.L_overlay_start_1:
0x0: {  	(tag) =	ssettag $0x1  }
0x1: {  	s0 =	rddreg [dreg:$0x0]  }
0x2: {  	s3 =	rddreg [dreg:$0x2]  }
0x3: {  	s4 =	simm.s32 $0x0;
	s13 =	stileid.u32;
	s1 =	srdreg.scid  }
0x4: {  	s19 =	simm.s32 $0x7;
	s28 =	simm.s32 $0x3070;
	s29 =	simm.s32 $0x1  }
0x5: {  	s30 =	simm.s32 $0xA0;
	s31 =	simm.s32 $0x5;
	s20 =	simm.s32 $0x6  }
0x6: {  	[smem:$0x7FF] =	sst s4;
	s2 =	smul.u32 $0x16800, s13;
	s1 =	sand.u32 $0x1, s1  }
0x7: {  	s5 =	sadd.s32 $0x53C00, s0;
	s6 =	sadd.s32 $0x3C00, s0;
	s7 =	sadd.s32 $0x12A00, s0  }
0x8: {  	s8 =	sadd.s32 $0x8C00, s0;
	s11 =	sshll.u32 s13, $0x1;
	s23 =	sshll.u32 s13, $0x6  }
0x9: {  	_ =	strace $0x80000047;
	s9 =	smul.u32 $0x168000, s1;
	s12 =	ssub.s32 $0x2, s1  }
0xa: {  	s1 =	sor.u32 s1, s11;
	s11 =	sor.u32 $0x1C07, s23;
	s10 =	sshrl.u32 s2, $0x3  }
0xb: {  	s21 =	sshrl.u32 s12, $0x1;
	[dreg:$0x5] =	wrdreg s11;
	s10 =	sadd.s32 s10, s0  }
0xc: {  	s9 =	sadd.s32 s2, s9;
	s22 =	ssub.s32 s12, s21;
	s2 =	sadd.s32 s2, s3  }
0xd: {  	s21 =	simm.s32 $0x28;
	s12 =	simm.s32 $0x0;
	s9 =	sshrl.u32 s9, $0x3  }
0xe: {  	s10 =	sadd.s32 $0x1C800, s10;
	s26 =	smax.u32 s22, $0x1;
	s13 =	sshrl.u32 s2, $0x3  }
0xf: {  	s2 =	simm.s32 $0x2;
	s22 =	simm.s32 $0x4970;
	[dreg:$0x4] =	wrdreg s10  }
0x10: {  	s0 =	sadd.s32 s9, s0;
	s9 =	smul.u32 $0x2710, s1;
	[dreg:$0x9] =	wrdreg s26  }
0x11: {  	s26 =	simm.s32 $0x1770;
	s1 =	simm.s32 $0xC8;
	[dreg:$0xa] =	wrdreg s13  }
0x12: {  	s0 =	sadd.s32 $0x80C00, s0;
	s24 =	sshrl.u32 s9, $0x3;
	s14 =	sadd.s32 $0x28, s9  }
0x13: {  	s15 =	sadd.s32 $0x50, s9;
	[dreg:$0x8] =	wrdreg s0;
	s25 =	sadd.s32 s7, s24  }
0x14: {  	s0 =	simm.s32 $0x32F0;
	s10 =	sadd.s32 s8, s24;
	[dreg:$0x6] =	wrdreg s25  }
0x15: {  	s24 =	simm.s32 $0x50;
	[dreg:$0x7] =	wrdreg s10;
	s25 =	simm.s32 $0x78  }
.LBB2_1:
0x16: {  	s10 =	rddreg [dreg:$0x4]  }
0x17: {  	[spmem:s13], [sflag:s11] =	dma.local [hbm:s10], $0x2D00  }
0x18: {  	_ =	swait.ge [sflag:s19], $0x2D00  }
0x19: {  	[sflag:s19] =	ssyncset.done $0x0  }
0x1a: {  	[sflag:s19] =	ssyncadd.s32 $0xFFFFD300  }
0x1b: {  	s13 =	simm.s32 $0x5FF0;
	s11 =	rddreg [dreg:$0x1]  }
0x1c: {  	[tilespmem:s13], [sflag:$0x7] =	stream.linear.gather [hbm4b:s11+s4], $0x10, $0x38;
	[tilespmem:$0x1C800] =	vst v63  }
0x1d: {  	_ =	swait.ge [sflag:s19], $0x10  }
0x1e: {  	[sflag:s19] =	ssyncset.done $0x0  }
0x1f: {  	[sflag:s19] =	ssyncadd.s32 $0xFFFFFFF0  }
0x20: {  	[bflag:$0x0] =	sbarrier.arrive $0xFFFF  }
0x21: {  	s16 =	rddreg [dreg:$0x6]  }
0x22: {  	[tilespmem:s4], [sflag:$0x7] =	stream.linear.gather [hbm4b:s16+s4], $0x28, $0x38;
	[tilespmem:$0x1C800] =	vst v63  }
0x23: {  	_ =	swait.ge [sflag:s19], $0x28  }
0x24: {  	[sflag:s19] =	ssyncset.done $0x0  }
0x25: {  	s17 =	rddreg [dreg:$0x7];
	[sflag:s19] =	ssyncadd.s32 $0xFFFFFFD8  }
0x26: {  	[tilespmem:s21], [sflag:$0x7] =	stream.linear.gather [hbm4b:s17+s4], $0x28, $0x38;
	[tilespmem:$0x1C800] =	vst v63  }
0x27: {  	_ =	swait.ge [sflag:s19], $0x28  }
0x28: {  	[sflag:s19] =	ssyncset.done $0x0  }
0x29: {  	s18 =	simm.s32 $0xF0;
	[sflag:s19] =	ssyncadd.s32 $0xFFFFFFD8  }
0x2a: {  	[tilespmem:s18], [sflag:$0x1] =	stream.indirect.gather [hbm4b:s5+s21], $0x90, s4, s21, $0xb8;
	[tilespmem:$0x1C800] =	vst v63  }
0x2b: {  	s23 =	simm.s32 $0x2DF0;
	s13 =	simm.s32 $0x0  }
0x2c: {  	[tilespmem:s23], [sflag:$0x1] =	stream.indirect.gather [hbm4b:s6+s21], $0x10, s21, s21, $0xb8;
	[tilespmem:$0x1C800] =	vst v63  }
.LBB2_2:
0x2d: {  	s17 =	smul.u32 $0x50, s13;
	_ =	sdelay $0x1  }
0x2e: {  	s10 =	sadd.s32 s17, s14  }
0x2f: {  	s10 =	sshrl.u32 s10, $0x3  }
0x30: {  	s11 =	sadd.s32 s7, s10  }
0x31: {  	[tilespmem:s24], [sflag:$0x7] =	stream.linear.gather [hbm4b:s11+s4], $0x28, $0x38;
	[tilespmem:$0x1C800] =	vst v63  }
0x32: {  	_ =	swait.ge [sflag:s19], $0x28  }
0x33: {  	[sflag:s19] =	ssyncset.done $0x0  }
0x34: {  	s16 =	sadd.s32 s8, s10;
	[sflag:s19] =	ssyncadd.s32 $0xFFFFFFD8  }
0x35: {  	[tilespmem:s25], [sflag:$0x7] =	stream.linear.gather [hbm4b:s16+s4], $0x28, $0x38;
	[tilespmem:$0x1C800] =	vst v63  }
0x36: {  	_ =	swait.ge [sflag:s19], $0x28  }
0x37: {  	[sflag:s19] =	ssyncset.done $0x0  }
0x38: {  	[sflag:s19] =	ssyncadd.s32 $0xFFFFFFD8  }
0x39: {  	[tilespmem:s26], [sflag:$0x2] =	stream.indirect.gather [hbm4b:s5+s21], $0x90, s24, s21, $0xb8;
	[tilespmem:$0x1C800] =	vst v63  }
0x3a: {  	_ = 	snop  }
0x3b: {  	[tilespmem:s28], [sflag:$0x2] =	stream.indirect.gather [hbm4b:s6+s21], $0x10, s25, s21, $0xb8;
	[tilespmem:$0x1C800] =	vst v63  }
0x3c: {  	_ =	swait.ge [sflag:s29], $0x1680  }
0x3d: {  	[sflag:s29] =	ssyncset.done $0x0  }
0x3e: {  	[sflag:s29] =	ssyncadd.s32 $0xFFFFE980  }
0x3f: {  	_ =	swait.ge [sflag:s29], $0x280  }
0x40: {  	p0 =	seq.s32 s13, $0x0;
	[sflag:s29] =	ssyncset.done $0x0  }
0x41: {  	s10 =	simm.s32 @!p0 $0x3;
	[sflag:s29] =	ssyncadd.s32 $0xFFFFFD80  }
0x42: {  	s23 =	sadd.s32 s9, s17;
	_ =	swait.ge @!p0 [sflag:s10], $0x1680  }
0x43: {  	s11 =	sshrl.u32 s23, $0x3;
	[sflag:s10] =	ssyncset.done @!p0 $0x0  }
0x44: {  	s23 =	simm.s32 $0x0;
	s18 =	sadd.s32 s8, s11;
	[sflag:s10] =	ssyncadd.s32 @!p0 $0xFFFFE980  }
0x45: {  	[tilespmem:s30], [sflag:$0x5] =	stream.linear.gather [hbm4b:s18+s23], $0x28, $0x38;
	[tilespmem:$0x1C800] =	vst v63  }
0x46: {  	s23 =	simm.s32 $0x0  }
0x47: {  	s11 =	simm.s32 $0x240;
	s10 =	simm.s32 $0x2DF0;
	v0 =	vld [tilespmem:s23+$0x170]  }
.LBB2_3:
0x48: {  	p1 =	sne.s32 s11, $0x57C0;
	v1 =	vld [tilespmem:s10+$0x0]  }
0x49: {  	v2 =	vld [tilespmem:$0x5FF0];
	_ =	sdelay $0x3  }
0x4a: {  	v0 =	vadd.f32 v1, v0;
	_ =	sdelay $0x1  }
0x4b: {  	v1 =	vmul.f32 $2.000000030e-01, v0  }
0x4c: {  	vm0 =	vge.f32 v0, $0.0e+00  }
0x4d: {  	v0 =	vsel vm0, v0, v1  }
0x4e: {  	v0 =	vsub.f32 v0, v2;
	_ =	sdelay $0x1  }
0x4f: {  	v0 =	vmul.f32 $1.442695020e+00, v0;
	_ =	sdelay $0x1  }
0x50: {  	(erf) = vpow2.f32 v0;
	_ =	sdelay $0x4  }
0x51: {  	v0 =	vld [tilespmem:s23+$0x130]  }
0x52: {  	v1 =	vld [tilespmem:s23+$0x150]  }
0x53: {  	v2 =	vld [tilespmem:s23+$0x160]  }
0x54: {  	v3 =	vld [tilespmem:s23+$0x140]  }
0x55: {  	v4 =	vld [tilespmem:s23+$0xF0];
	v5 =	vpop (erf)  }
0x56: {  	[tilespmem:s23+$0x3370] =	vst v5;
	v6 =	vld [tilespmem:s23+$0x110];
	v7 =	vbroadcast v5, $0x6;
	v8 =	vbroadcast v5, $0x7  }
0x57: {  	v10 =	vbroadcast v5, $0x4;
	v11 =	vbroadcast v5, $0x5;
	v9 =	vld [tilespmem:s23+$0x120]  }
0x58: {  	v12 =	vld [tilespmem:s23+$0x100];
	v1 =	vmul.f32 v1, v7;
	v2 =	vmul.f32 v2, v8  }
0x59: {  	v0 =	vmul.f32 v0, v10;
	v3 =	vmul.f32 v3, v11  }
0x5a: {  	v7 =	vbroadcast v5, $0x2;
	v8 =	vbroadcast v5, $0x3;
	[tilespmem:s23+$0x3360] =	vst v2  }
0x5b: {  	v2 =	vbroadcast v5, $0x0;
	v5 =	vbroadcast v5, $0x1;
	[tilespmem:s23+$0x3350] =	vst v1  }
0x5c: {  	v1 =	vmul.f32 v7, v6;
	v6 =	vmul.f32 v9, v8;
	[tilespmem:s23+$0x3340] =	vst v3  }
.Ltmp0:
0x5d: {  	v2 =	vmul.f32 v2, v4;
	v3 =	vmul.f32 v5, v12;
	[tilespmem:s23+$0x3330] =	vst v0;
	(pc) =	sbr.rel @p1 .LBB2_3-.Ltmp0, $4  }
0x5e: {  	[tilespmem:s23+$0x3320] =	vst v6  }
0x5f: {  	[tilespmem:s23+$0x3310] =	vst v1  }
0x60: {  	s18 =	sshra.s32 s11, $0x2;
	[tilespmem:s23+$0x3300] =	vst v3  }
0x61: {  	s11 =	sadd.s32 $0x240, s11;
	s10 =	sadd.s32 $0x10, s10;
	v0 =	vld [tilespmem:s18+$0x170];
	[tilespmem:s23+$0x32F0] =	vst v2;
	s23 =	smov.u32 s18  }
0x62: {  	v1 =	vld [tilespmem:s10+$0x0];
	_ =	sdelay $0x4  }
0x63: {  	v2 =	vld [tilespmem:$0x5FF0];
	v0 =	vadd.f32 v1, v0;
	_ =	sdelay $0x1  }
0x64: {  	v1 =	vmul.f32 $2.000000030e-01, v0  }
0x65: {  	vm0 =	vge.f32 v0, $0.0e+00  }
0x66: {  	v0 =	vsel vm0, v0, v1  }
0x67: {  	v0 =	vsub.f32 v0, v2;
	_ =	sdelay $0x1  }
0x68: {  	v0 =	vmul.f32 $1.442695020e+00, v0;
	_ =	sdelay $0x1  }
0x69: {  	(erf) = vpow2.f32 v0;
	_ =	sdelay $0x6  }
0x6a: {  	v2 =	vld [tilespmem:s23+$0x160]  }
0x6b: {  	v1 =	vld [tilespmem:s23+$0x150]  }
0x6c: {  	v3 =	vld [tilespmem:s23+$0x140];
	v5 =	vpop (erf)  }
0x6d: {  	v0 =	vld [tilespmem:s23+$0x130];
	v6 =	vbroadcast v5, $0x7  }
0x6e: {  	v8 =	vld [tilespmem:s23+$0x120];
	v7 =	vbroadcast v5, $0x6  }
0x6f: {  	v9 =	vld [tilespmem:s23+$0x110];
	v10 =	vbroadcast v5, $0x5;
	v2 =	vmul.f32 v2, v6  }
0x70: {  	v11 =	vld [tilespmem:s23+$0x100];
	[tilespmem:s23+$0x3370] =	vst v5;
	v61 =	vbroadcast v5, $0x4;
	v1 =	vmul.f32 v1, v7  }
0x71: {  	v4 =	vld [tilespmem:s23+$0xF0];
	v62 =	vbroadcast v5, $0x3;
	v3 =	vmul.f32 v3, v10;
	[tilespmem:s23+$0x3360] =	vst v2  }
0x72: {  	v0 =	vmul.f32 v0, v61;
	v2 =	vbroadcast v5, $0x2;
	[tilespmem:s23+$0x3350] =	vst v1  }
0x73: {  	v63 =	vmul.f32 v8, v62;
	v1 =	vbroadcast v5, $0x1;
	[tilespmem:s23+$0x3340] =	vst v3  }
0x74: {  	v3 =	vbroadcast v5, $0x0;
	[tilespmem:s23+$0x3330] =	vst v0;
	v2 =	vmul.f32 v2, v9  }
0x75: {  	[tilespmem:s23+$0x3320] =	vst v63;
	v0 =	vmul.f32 v1, v11  }
0x76: {  	v1 =	vmul.f32 v3, v4;
	[tilespmem:s23+$0x3310] =	vst v2  }
0x77: {  	[tilespmem:s23+$0x3300] =	vst v0  }
0x78: {  	[tilespmem:s23+$0x32F0] =	vst v1  }
0x79: {  	p1 =	seq.s32 s13, $0x7C;
	_ =	swait.ge [sflag:s31], $0x28  }
0x7a: {  	s10 =	sadd.s32 @!p1 s17, s15;
	[sflag:s31] =	ssyncset.done $0x0  }
0x7b: {  	s10 =	sshrl.u32 @!p1 s10, $0x3;
	[sflag:s31] =	ssyncadd.s32 $0xFFFFFFD8  }
0x7c: {  	[spmem:s3] =	stream.indirect.scatter.add.f32 [tilespmem:s0], [sflag:$0x3], $0x90, s30, s21, $0xb8;
	[tilespmem:$0x1C800] =	vst v63  }
0x7d: {  	s17 =	simm.s32 @!p1 $0x0;
	s11 =	sadd.s32 @!p1 s7, s10  }
0x7e: {  	[tilespmem:s17], [sflag:$0x7] =	stream.linear.gather @!p1 [hbm4b:s11+s17], $0x28, $0x38;
	[tilespmem:$0x1C800] =	vst v63  }
0x7f: {  	s11 =	simm.s32 @!p1 $0x7  }
0x80: {  	_ =	swait.ge @!p1 [sflag:s11], $0x28  }
0x81: {  	[sflag:s11] =	ssyncset.done @!p1 $0x0  }
0x82: {  	s18 =	simm.s32 @!p1 $0x28;
	s10 =	sadd.s32 @!p1 s8, s10;
	[sflag:s11] =	ssyncadd.s32 @!p1 $0xFFFFFFD8  }
0x83: {  	[tilespmem:s18], [sflag:$0x7] =	stream.linear.gather @!p1 [hbm4b:s10+s17], $0x28, $0x38;
	[tilespmem:$0x1C800] =	vst v63  }
0x84: {  	_ =	swait.ge @!p1 [sflag:s11], $0x28  }
0x85: {  	[sflag:s11] =	ssyncset.done @!p1 $0x0  }
0x86: {  	s10 =	simm.s32 @!p1 $0xF0;
	[sflag:s11] =	ssyncadd.s32 @!p1 $0xFFFFFFD8  }
0x87: {  	[tilespmem:s10], [sflag:$0x1] =	stream.indirect.gather @!p1 [hbm4b:s5+s18], $0x90, s17, s18, $0xb8;
	[tilespmem:$0x1C800] =	vst v63  }
0x88: {  	s10 =	simm.s32 @!p1 $0x2DF0  }
0x89: {  	[tilespmem:s10], [sflag:$0x1] =	stream.indirect.gather @!p1 [hbm4b:s6+s18], $0x10, s18, s18, $0xb8;
	[tilespmem:$0x1C800] =	vst v63  }
0x8a: {  	_ =	swait.ge [sflag:s2], $0x1680  }
0x8b: {  	[sflag:s2] =	ssyncset.done $0x0  }
0x8c: {  	[sflag:s2] =	ssyncadd.s32 $0xFFFFE980  }
0x8d: {  	_ =	swait.ge [sflag:s2], $0x280  }
0x8e: {  	[sflag:s2] =	ssyncset.done $0x0  }
0x8f: {  	s10 =	simm.s32 @!p0 $0x4;
	[sflag:s2] =	ssyncadd.s32 $0xFFFFFD80  }
0x90: {  	_ =	swait.ge @!p0 [sflag:s10], $0x1680  }
0x91: {  	[sflag:s10] =	ssyncset.done @!p0 $0x0  }
0x92: {  	s23 =	simm.s32 $0x0;
	[sflag:s10] =	ssyncadd.s32 @!p0 $0xFFFFE980  }
0x93: {  	[tilespmem:s1], [sflag:$0x6] =	stream.linear.gather [hbm4b:s16+s23], $0x28, $0x38;
	[tilespmem:$0x1C800] =	vst v63  }
0x94: {  	s16 =	simm.s32 $0x0  }
0x95: {  	s11 =	simm.s32 $0x240;
	s10 =	simm.s32 $0x3070;
	v0 =	vld [tilespmem:s16+$0x17F0]  }
.LBB2_5:
0x96: {  	p0 =	sne.s32 s11, $0x57C0;
	v1 =	vld [tilespmem:s10+$0x0]  }
0x97: {  	v2 =	vld [tilespmem:$0x5FF0];
	_ =	sdelay $0x3  }
0x98: {  	v0 =	vadd.f32 v1, v0;
	_ =	sdelay $0x1  }
0x99: {  	v1 =	vmul.f32 $2.000000030e-01, v0  }
0x9a: {  	vm0 =	vge.f32 v0, $0.0e+00  }
0x9b: {  	v0 =	vsel vm0, v0, v1  }
0x9c: {  	v0 =	vsub.f32 v0, v2;
	_ =	sdelay $0x1  }
0x9d: {  	v0 =	vmul.f32 $1.442695020e+00, v0;
	_ =	sdelay $0x1  }
0x9e: {  	(erf) = vpow2.f32 v0;
	_ =	sdelay $0x4  }
0x9f: {  	v0 =	vld [tilespmem:s16+$0x17B0]  }
0xa0: {  	v1 =	vld [tilespmem:s16+$0x17D0]  }
0xa1: {  	v2 =	vld [tilespmem:s16+$0x17E0]  }
0xa2: {  	v3 =	vld [tilespmem:s16+$0x17C0]  }
0xa3: {  	v4 =	vld [tilespmem:s16+$0x1770];
	v5 =	vpop (erf)  }
0xa4: {  	[tilespmem:s16+$0x49F0] =	vst v5;
	v6 =	vld [tilespmem:s16+$0x1790];
	v7 =	vbroadcast v5, $0x6;
	v8 =	vbroadcast v5, $0x7  }
0xa5: {  	v10 =	vbroadcast v5, $0x4;
	v11 =	vbroadcast v5, $0x5;
	v9 =	vld [tilespmem:s16+$0x17A0]  }
0xa6: {  	v12 =	vld [tilespmem:s16+$0x1780];
	v1 =	vmul.f32 v1, v7;
	v2 =	vmul.f32 v2, v8  }
0xa7: {  	v0 =	vmul.f32 v0, v10;
	v3 =	vmul.f32 v3, v11  }
0xa8: {  	v7 =	vbroadcast v5, $0x2;
	v8 =	vbroadcast v5, $0x3;
	[tilespmem:s16+$0x49E0] =	vst v2  }
0xa9: {  	v2 =	vbroadcast v5, $0x0;
	v5 =	vbroadcast v5, $0x1;
	[tilespmem:s16+$0x49D0] =	vst v1  }
0xaa: {  	v1 =	vmul.f32 v7, v6;
	v6 =	vmul.f32 v9, v8;
	[tilespmem:s16+$0x49C0] =	vst v3  }
.Ltmp1:
0xab: {  	v2 =	vmul.f32 v2, v4;
	v3 =	vmul.f32 v5, v12;
	[tilespmem:s16+$0x49B0] =	vst v0;
	(pc) =	sbr.rel @p0 .LBB2_5-.Ltmp1, $4  }
0xac: {  	[tilespmem:s16+$0x49A0] =	vst v6  }
0xad: {  	[tilespmem:s16+$0x4990] =	vst v1  }
0xae: {  	s17 =	sshra.s32 s11, $0x2;
	[tilespmem:s16+$0x4980] =	vst v3  }
0xaf: {  	s11 =	sadd.s32 $0x240, s11;
	s10 =	sadd.s32 $0x10, s10;
	v0 =	vld [tilespmem:s17+$0x17F0];
	[tilespmem:s16+$0x4970] =	vst v2;
	s16 =	smov.u32 s17  }
0xb0: {  	v1 =	vld [tilespmem:s10+$0x0];
	_ =	sdelay $0x4  }
0xb1: {  	v2 =	vld [tilespmem:$0x5FF0];
	v0 =	vadd.f32 v1, v0;
	_ =	sdelay $0x1  }
0xb2: {  	v1 =	vmul.f32 $2.000000030e-01, v0  }
0xb3: {  	vm0 =	vge.f32 v0, $0.0e+00  }
0xb4: {  	v0 =	vsel vm0, v0, v1  }
0xb5: {  	v0 =	vsub.f32 v0, v2;
	_ =	sdelay $0x1  }
0xb6: {  	v0 =	vmul.f32 $1.442695020e+00, v0;
	_ =	sdelay $0x1  }
0xb7: {  	(erf) = vpow2.f32 v0;
	_ =	sdelay $0x6  }
0xb8: {  	v55 =	vld [tilespmem:s16+$0x17E0]  }
0xb9: {  	v54 =	vld [tilespmem:s16+$0x17D0]  }
0xba: {  	v3 =	vld [tilespmem:s16+$0x17C0];
	v5 =	vpop (erf)  }
0xbb: {  	v53 =	vld [tilespmem:s16+$0x17B0];
	v6 =	vbroadcast v5, $0x7  }
0xbc: {  	v8 =	vld [tilespmem:s16+$0x17A0];
	v7 =	vbroadcast v5, $0x6  }
0xbd: {  	v11 =	vld [tilespmem:s16+$0x1780];
	v10 =	vbroadcast v5, $0x5;
	v2 =	vmul.f32 v55, v6  }
0xbe: {  	v4 =	vld [tilespmem:s16+$0x1770];
	[tilespmem:s16+$0x49F0] =	vst v5;
	v56 =	vbroadcast v5, $0x4;
	v1 =	vmul.f32 v54, v7  }
0xbf: {  	v9 =	vld [tilespmem:s16+$0x1790];
	v57 =	vbroadcast v5, $0x3;
	v3 =	vmul.f32 v3, v10;
	[tilespmem:s16+$0x49E0] =	vst v2  }
0xc0: {  	v59 =	vbroadcast v5, $0x1;
	v0 =	vmul.f32 v53, v56;
	[tilespmem:s16+$0x49D0] =	vst v1  }
0xc1: {  	v61 =	vbroadcast v5, $0x0;
	v60 =	vmul.f32 v8, v57;
	[tilespmem:s16+$0x49C0] =	vst v3  }
0xc2: {  	v58 =	vbroadcast v5, $0x2;
	v62 =	vmul.f32 v59, v11;
	[tilespmem:s16+$0x49B0] =	vst v0  }
0xc3: {  	v63 =	vmul.f32 v61, v4;
	[tilespmem:s16+$0x49A0] =	vst v60  }
0xc4: {  	s13 =	sadd.s32 $0x1, s13;
	v2 =	vmul.f32 v58, v9;
	[tilespmem:s16+$0x4980] =	vst v62  }
0xc5: {  	p0 =	sne.s32 s13, $0x7D;
	[tilespmem:s16+$0x4970] =	vst v63  }
.Ltmp2:
0xc6: {  	[tilespmem:s16+$0x4990] =	vst v2;
	(pc) =	sbr.rel @p0 .LBB2_2-.Ltmp2, $4  }
0xc7: {  	_ =	swait.ge [sflag:s20], $0x28  }
0xc8: {  	[sflag:s20] =	ssyncset.done $0x0  }
0xc9: {  	[sflag:s20] =	ssyncadd.s32 $0xFFFFFFD8  }
0xca: {  	[spmem:s3] =	stream.indirect.scatter.add.f32 [tilespmem:s22], [sflag:$0x4], $0x90, s1, s21, $0xb8;
	[tilespmem:$0x1C800] =	vst v63  }
0xcb: {  	s10 =	simm.s32 $0x3  }
0xcc: {  	_ =	swait.ge [sflag:s10], $0x1680  }
0xcd: {  	[sflag:s10] =	ssyncset.done $0x0  }
0xce: {  	s17 =	simm.s32 $0x4;
	[sflag:s10] =	ssyncadd.s32 $0xFFFFE980  }
0xcf: {  	_ =	swait.ge [sflag:s17], $0x1680  }
0xd0: {  	[sflag:s17] =	ssyncset.done $0x0  }
0xd1: {  	[sflag:s17] =	ssyncadd.s32 $0xFFFFE980  }
0xd2: {  	[bflag:$0x0] =	sbarrier.arrive $0xFFFF  }
0xd3: {  	s11 =	rddreg [dreg:$0x5]  }
0xd4: {  	s18 =	rddreg [dreg:$0x8]  }
0xd5: {  	s13 =	rddreg [dreg:$0xa]  }
0xd6: {  	[hbm:s18], [sflag:s11] =	dma.local [spmem:s13], $0x2D00  }
0xd7: {  	_ =	swait.ge [sflag:s19], $0x2D00  }
0xd8: {  	s12 =	sadd.s32 $0x1, s12;
	s23 =	rddreg [dreg:$0x9]  }
0xd9: {  	p0 =	sne.s32 s12, s23  }
.Ltmp3:
0xda: {  	_ = 	snop;
	(pc) =	sbr.rel @p0 .LBB2_1-.Ltmp3, $3  }
0xdb: {  	_ =	sdelay $0x1  }
0xdc: {  	[sflag:s19] =	ssyncset.done $0x0  }
0xdd: {  	[sflag:s19] =	ssyncadd.s32 $0xFFFFD300  }
0xde: {  	_ =	sfence.sel $0x180000  }
0xdf: {  	[bflag:$0x0] =	sbarrier.arrive $0xFFFF  }
0xe0: {  	_ =	strace $0x90000047  }
0xe1: {  	s0 =	stileid.u32;
	[bflag:$0x2] =	sbarrier.arrive $0xFFFF  }
0xe2: {  	p0 =	sne.s32 s0, $0x0;
	s0 =	rddreg [dreg:$0x3]  }
0xe3: {  	s0 =	sadd.s32 @!p0 $0x100000, s0  }
0xe4: {  	[sflag:s0] =	ssyncadd.tile.s32 @!p0 $0x1;
	_ =	shalt  }
.Lfunc_end2:
_tile_overlayer_lowered:
.L_overlay_start_2:
0xe5: {  	(tag) =	ssettag $0x2  }
0xe6: {  	s0 =	rddreg [dreg:$0x0];
	s2 =	stileid.u32  }
0xe7: {  	s1 =	rddreg [dreg:$0x1];
	p0 =	sne.s32 s2, $0x0  }
0xe8: {  	s3 =	rddreg [dreg:$0x2];
	[bflag:$0x3] =	sbarrier.arrive $0xFFFF;
	s2 =	simm.s32 @!p0 $0x1C07  }
0xe9: {  	[timem:s3], [sflag:s2] =	dma.local @!p0 [hbm:s0], s1  }
0xea: {  	s0 =	simm.s32 @!p0 $0x7  }
0xeb: {  	_ =	swait.ge @!p0 [sflag:s0], s1  }
0xec: {  	s1 =	ssub.s32 @!p0 $0x0, s1;
	[sflag:s0] =	ssyncset.done @!p0 $0x0  }
0xed: {  	[sflag:s0] =	ssyncadd.s32 @!p0 s1  }
0xee: {  	[bflag:$0x3] =	sbarrier.arrive $0xFFFF  }
0xef: {  	_ =	shalt  }

// kernel: kernel.14.cloned.1.call-start
scs
__scs_entry_jumppad:
0x0: {  	(pc) =	sbr.rel $0x88, $3  }
0x1: {  	(tag) =	ssettag $0x0;
	lr =	simm.s32 $0x1  }
0x2: {  	[smem:$0x3F89] =	sst lr;
	_ =	strace $0xD0000000  }
0x3: {  	_ = 	snop  }
0x4: {  	_ = 	snop  }
0x5: {  	_ = 	snop  }
0x6: {  	_ = 	snop  }
0x7: {  	_ = 	snop  }
__scs_overlays_trampoline_lowered:
0x8: {  	[smem:$0x3F98] =	sst s0  }
0x9: {  	[smem:$0x3F99] =	sst s1  }
0xa: {  	[smem:$0x3F9A] =	sst s2  }
0xb: {  	[smem:$0x3F9B] =	sst s3  }
0xc: {  	[smem:$0x3F9C] =	sst s4  }
0xd: {  	[smem:$0x3F9D] =	sst s5  }
0xe: {  	[smem:$0x3F9E] =	sst s6  }
0xf: {  	[smem:$0x3F9F] =	sst s7  }
0x10: {  	[smem:$0x3FA0] =	sst s8  }
0x11: {  	[smem:$0x3FA1] =	sst s9;
	s0 =	simm.s32 @!p0 $0x0  }
0x12: {  	s1 =	sld [smem:$0x3F87];
	s0 =	simm.s32 @p0 $0x1  }
0x13: {  	[smem:$0x3FA2] =	sst s0;
	s0 =	simm.s32 @!p1 $0x0  }
0x14: {  	s2 =	sld [smem:$0x3F86];
	s0 =	simm.s32 @p1 $0x1  }
0x15: {  	[smem:$0x3FA3] =	sst s0;
	s0 =	simm.s32 @!p2 $0x0  }
0x16: {  	s3 =	sld [smem:$0x3FDB];
	s0 =	simm.s32 @p2 $0x1  }
0x17: {  	s4 =	simm.s32 $0x1BF5;
	[smem:$0x3FA5] =	sst s0  }
0x18: {  	s0 =	sld [smem:$0x3F88];
	_ =	swait.ge [sflag:s4], $0x0  }
0x19: {  	s7 =	sld [smem:$0x3F89]  }
0x1a: {  	s8 =	sadd.s32 $0xFFFFE003, lr  }
0x1b: {  	s9 =	sadd.s32 $0xFFFFFEF7, lr;
	s5 =	simm.s32 $0xFFFFFFFF;
	p2 =	slt.u32 s8, $0xFFFFF086  }
0x1c: {  	p1 =	slt.u32 s9, $0xF7A;
	s5 =	simm.s32 @!p2 $0x0  }
0x1d: {  	s5 =	simm.s32 @p1 $0x1;
	p0 =	seq.s32 s7, s2  }
0x1e: {  	s7 =	smul.u32 @!p0 $0xF7A, s2;
	p2 =	seq.s32 @!p0 s5, $0x0  }
0x1f: {  	s9 =	smul.u32 $0xF7A, s1;
	s8 =	simm.s32 @!p0 $0x1BF5;
	p2 =	por !p2, p0  }
0x20: {  	[sflag:s8] =	ssyncset.s32 @!p0 $0xFFFFF086;
	s6 =	sadd.s32 @!p0 s3, s7;
	s7 =	simm.s32 @!p0 $0x108  }
0x21: {  	s3 =	sadd.s32 s3, s9;
	s6 =	sadd.s32 @!p0 $0x88, s6;
	s7 =	simm.s32 @p2 $0x1082  }
0x22: {  	[simem:s7], [sflag:s8] =	dma.local @!p0 [hbm:s6], $0xF7A  }
0x23: {  	s9 =	sor.u32 $0xD0000000, s2;
	s6 =	simm.s32 $0x108;
	_ =	swait.ge @!p0 [sflag:s8], $0x0  }
0x24: {  	s3 =	sadd.s32 $0x88, s3;
	s6 =	simm.s32 @!p1 $0x1082;
	[sflag:s4] =	ssyncset.s32 $0xFFFFF086  }
0x25: {  	[simem:s6], [sflag:s4] =	dma.local [hbm:s3], $0xF7A  }
0x26: {  	[smem:$0x3F89] =	sst s1;
	(tag) =	ssettag s2;
	_ =	strace s9  }
0x27: {  	s1 =	sld [smem:$0x3F99]  }
0x28: {  	s2 =	sld [smem:$0x3F9A]  }
0x29: {  	s4 =	sld [smem:$0x3F9C]  }
0x2a: {  	p0 =	seq.s32 s5, $0x0;
	s5 =	sld [smem:$0x3F9D]  }
0x2b: {  	s6 =	sld [smem:$0x3F9E]  }
0x2c: {  	s7 =	sld [smem:$0x3F9F]  }
0x2d: {  	s3 =	simm.s32 $0x108;
	s8 =	sld [smem:$0x3FA0]  }
0x2e: {  	s3 =	simm.s32 @!p0 $0x1082;
	s9 =	sld [smem:$0x3FA1]  }
0x2f: {  	lr =	sadd.s32 s0, s3;
	s0 =	sld [smem:$0x3F98]  }
0x30: {  	s3 =	sld [smem:$0x3F9B]  }
0x31: {  	[smem:$0x3FA4] =	sst s10  }
0x32: {  	s10 =	sld [smem:$0x3FA2];
	_ =	sdelay $0x3  }
0x33: {  	p0 =	seq.s32 s10, $0x1;
	s10 =	sld [smem:$0x3FA4];
	_ =	sdelay $0x3  }
0x34: {  	[smem:$0x3FA4] =	sst s10  }
0x35: {  	s10 =	sld [smem:$0x3FA3];
	_ =	sdelay $0x3  }
0x36: {  	p1 =	seq.s32 s10, $0x1;
	s10 =	sld [smem:$0x3FA4];
	_ =	sdelay $0x3  }
0x37: {  	[smem:$0x3FA4] =	sst s10  }
0x38: {  	s10 =	sld [smem:$0x3FA5]  }
0x39: {  	_ = 	snop;
	(pc) =	sbr.ind lr, $3  }
0x3a: {  	_ = 	snop  }
0x3b: {  	_ = 	snop  }
0x3c: {  	p2 =	seq.s32 s10, $0x1;
	s10 =	sld [smem:$0x3FA4]  }
0x3d: {  	_ =	shalt  }
0x3e: {  	_ =	shalt  }
0x3f: {  	_ =	shalt  }
0x40: {  	_ =	shalt  }
0x41: {  	_ =	shalt  }
0x42: {  	_ =	shalt  }
0x43: {  	_ =	shalt  }
0x44: {  	_ =	shalt  }
0x45: {  	_ =	shalt  }
0x46: {  	_ =	shalt  }
0x47: {  	_ =	shalt  }
0x48: {  	_ =	shalt  }
0x49: {  	_ =	shalt  }
0x4a: {  	_ =	shalt  }
0x4b: {  	_ =	shalt  }
0x4c: {  	_ =	shalt  }
0x4d: {  	_ =	shalt  }
0x4e: {  	_ =	shalt  }
0x4f: {  	_ =	shalt  }
0x50: {  	_ =	shalt  }
0x51: {  	_ =	shalt  }
0x52: {  	_ =	shalt  }
0x53: {  	_ =	shalt  }
0x54: {  	_ =	shalt  }
0x55: {  	_ =	shalt  }
0x56: {  	_ =	shalt  }
0x57: {  	_ =	shalt  }
0x58: {  	_ =	shalt  }
0x59: {  	_ =	shalt  }
0x5a: {  	_ =	shalt  }
0x5b: {  	_ =	shalt  }
0x5c: {  	_ =	shalt  }
0x5d: {  	_ =	shalt  }
0x5e: {  	_ =	shalt  }
0x5f: {  	_ =	shalt  }
0x60: {  	_ =	shalt  }
0x61: {  	_ =	shalt  }
0x62: {  	_ =	shalt  }
0x63: {  	_ =	shalt  }
0x64: {  	_ =	shalt  }
0x65: {  	_ =	shalt  }
0x66: {  	_ =	shalt  }
0x67: {  	_ =	shalt  }
0x68: {  	_ =	shalt  }
0x69: {  	_ =	shalt  }
0x6a: {  	_ =	shalt  }
0x6b: {  	_ =	shalt  }
0x6c: {  	_ =	shalt  }
0x6d: {  	_ =	shalt  }
0x6e: {  	_ =	shalt  }
0x6f: {  	_ =	shalt  }
0x70: {  	_ =	shalt  }
0x71: {  	_ =	shalt  }
0x72: {  	_ =	shalt  }
0x73: {  	_ =	shalt  }
0x74: {  	_ =	shalt  }
0x75: {  	_ =	shalt  }
0x76: {  	_ =	shalt  }
0x77: {  	_ =	shalt  }
0x78: {  	_ =	shalt  }
0x79: {  	_ =	shalt  }
0x7a: {  	_ =	shalt  }
0x7b: {  	_ =	shalt  }
0x7c: {  	_ =	shalt  }
0x7d: {  	_ =	shalt  }
0x7e: {  	_ =	shalt  }
0x7f: {  	_ =	shalt  }
0x80: {  	_ =	shalt  }
0x81: {  	_ =	shalt  }
0x82: {  	_ =	shalt  }
0x83: {  	_ =	shalt  }
0x84: {  	_ =	shalt  }
0x85: {  	_ =	shalt  }
0x86: {  	_ =	shalt  }
0x87: {  	_ =	shalt  }
.Lfunc_end0:
.L_simem_size_0:
called_computation.1_lowered:
.L_overlay_start_0:
0x88: {  	s2 =	sld [smem:$0x3FD9]  }
0x89: {  	s3 =	sld [smem:$0x3FFE];
	_ =	sdelay $0x1  }
0x8a: {  	s1 =	srdreg.scid  }
0x8b: {  	s0 =	sand.u32 $0x1, s1  }
0x8c: {  	s17 =	sshll.u32 s0, $0xA;
	s2 =	sadd.s32 s3, s2  }
0x8d: {  	s2 =	sadd.s32 s2, s17  }
0x8e: {  	[smem:$0x3FB0] =	sst s2  }
0x8f: {  	_ = 	snop  }
0x90: {  	s2 =	sld [smem:$0x3FD0];
	(tm) =	ssettm $0x1  }
0x91: {  	s18 =	sld [smem:$0x3FFB];
	_ =	sdelay $0x3  }
0x92: {  	_ =	strace s18  }
0x93: {  	s3 =	sld [smem:$0x3FFC];
	_ =	sdelay $0x3  }
0x94: {  	_ =	strace s3  }
0x95: {  	s3 =	sld [smem:$0x3FFD];
	_ =	sdelay $0x3  }
0x96: {  	_ =	strace s3  }
0x97: {  	_ =	strace $0x8FFFFFFF  }
0x98: {  	s19 =	sld [smem:$0x3FDB];
	_ =	sdelay $0x1  }
0x99: {  	s4 =	simm.s32 $_scs_section_size  }
0x9a: {  	s5 =	simm.s32 $_size__tile_overlayer_lowered;
	s6 =	simm.s32 $_tile_overlayer_lowered  }
0x9b: {  	s22 =	simm.s32 $0x1BFF;
	s21 =	sshll.u32 s6, $0x1;
	s3 =	sadd.s32 s4, s19  }
0x9c: {  	s7 =	simm.s32 $0x0;
	s20 =	sshll.u32 s5, $0x1;
	s5 =	sadd.s32 s21, s3  }
0x9d: {  	[timem:s7], [sflag:s22] =	dma.local [hbm:s5], s20  }
0x9e: {  	_ =	swait.ge [sflag:s22], s20  }
0x9f: {  	s4 =	ssub.s32 $0x0, s20;
	[sflag:s22] =	ssyncset.done $0x0  }
0xa0: {  	[sflag:s22] =	ssyncadd.s32 s4;
	_ =	sdelay $0x1  }
0xa1: {  	s23 =	simm.s32 $0x1B8B  }
0xa2: {  	_ =	swait.ge [sflag:s23], $0x1  }
0xa3: {  	[sflag:s23] =	ssyncset.done $0x0  }
0xa4: {  	s25 =	simm.s32 $0x1B8E;
	s24 =	sld [smem:$0x3FFE];
	[sflag:s23] =	ssyncadd.s32 $0xFFFFFFFF  }
0xa5: {  	s26 =	simm.s32 $execute0_lowered;
	[smem:$0x3FD2] =	sst s25  }
0xa6: {  	s5 =	sshll.u32 s26, $0x1;
	_ =	strace $0x80000049;
	[dreg:$0x1] =	wrdreg $0xFFFFFFFF  }
0xa7: {  	s28 =	simm.s32 $_size_execute0_lowered;
	s3 =	sadd.s32 s3, s5;
	[dreg:$0x0] =	wrdreg $0x0  }
0xa8: {  	s5 =	sshll.u32 s28, $0x1;
	[dreg:$0x2] =	wrdreg s3  }
0xa9: {  	[dreg:$0x3] =	wrdreg s5  }
0xaa: {  	[dreg:$0x4] =	wrdreg $0xC0  }
0xab: {  	_ =	task [dreg:s7], $0x5FFFF  }
0xac: {  	[dreg:$0x1] =	wrdreg $0xFFFFFFFF  }
0xad: {  	[dreg:$0x0] =	wrdreg $0x60  }
0xae: {  	[dreg:$0x2] =	wrdreg s24  }
0xaf: {  	[dreg:$0x3] =	wrdreg s2  }
0xb0: {  	[dreg:$0x4] =	wrdreg $0x60000  }
0xb1: {  	[dreg:$0x5] =	wrdreg $0x9  }
0xb2: {  	_ =	task.clear_ibuf [dreg:s7], $0x6FFFF;
	_ =	strace $0x90000049  }
0xb3: {  	s29 =	simm.s32 $0x9;
	_ =	strace $0x8000004B  }
0xb4: {  	_ =	swait.ge [sflag:s29], $0x1  }
0xb5: {  	[sflag:s29] =	ssyncadd.s32 $0xFFFFFFFF  }
0xb6: {  	_ =	strace $0x9000004B  }
0xb7: {  	_ =	sfence  }
0xb8: {  	s30 =	sld [smem:$0x0];
	_ =	sdelay $0x2  }
0xb9: {  	s31 =	sshll.u32 s1, $0xD;
	s1 =	sshrl.u32 s1, $0x2  }
0xba: {  	s3 =	sand.u32 $0x4000, s31;
	s1 =	sadd.s32 s1, s30  }
0xbb: {  	s0 =	sor.u32 s3, s0;
	s1 =	sshll.u32 s1, $0x11  }
0xbc: {  	s0 =	sor.u32 s1, s0  }
0xbd: {  	s0 =	sadd.s32 $0x8F2B, s0  }
0xbe: {  	[sflag:s0] =	ssyncadd.remote.s32 $0x1  }
0xbf: {  	_ =	sfence.sel $0xFFFF  }
0xc0: {  	[dreg:$0x0] =	wrdreg $0xFFFFFFFF;
	(pc) =	sbr.abs _section_cstart, $3  }
0xc1: {  	[dreg:$0x1] =	wrdreg $0xFFFFFFFF  }
0xc2: {  	_ =	task.clear_ibuf [dreg:s7], $0x2FFFF;
	_ =	strace $0x9FFFFFFF  }
0xc3: {  	(tm) =	ssettm $0x7FFFFFFF  }
tec
execute0_lowered:
.L_overlay_start_1:
0x0: {  	(tag) =	ssettag $0x1  }
0x1: {  	s0 =	rddreg [dreg:$0x0]  }
0x2: {  	s3 =	rddreg [dreg:$0x2]  }
0x3: {  	s4 =	simm.s32 $0x0;
	s13 =	stileid.u32;
	s1 =	srdreg.scid  }
0x4: {  	s19 =	simm.s32 $0x7;
	s28 =	simm.s32 $0x3070;
	s29 =	simm.s32 $0x1  }
0x5: {  	s30 =	simm.s32 $0xA0;
	s31 =	simm.s32 $0x5;
	s20 =	simm.s32 $0x6  }
0x6: {  	[smem:$0x7FF] =	sst s4;
	s2 =	smul.u32 $0x16800, s13;
	s1 =	sand.u32 $0x1, s1  }
0x7: {  	s5 =	sadd.s32 $0x99800, s0;
	s6 =	sadd.s32 $0x3C00, s0;
	s7 =	sadd.s32 $0x12A00, s0  }
0x8: {  	s8 =	sadd.s32 $0x8C00, s0;
	s11 =	sshll.u32 s13, $0x1;
	s23 =	sshll.u32 s13, $0x6  }
0x9: {  	_ =	strace $0x8000004A;
	s9 =	smul.u32 $0x168000, s1;
	s12 =	ssub.s32 $0x2, s1  }
0xa: {  	s1 =	sor.u32 s1, s11;
	s11 =	sor.u32 $0x1C07, s23;
	s10 =	sshrl.u32 s2, $0x3  }
0xb: {  	s21 =	sshrl.u32 s12, $0x1;
	[dreg:$0x5] =	wrdreg s11;
	s10 =	sadd.s32 s10, s0  }
0xc: {  	s9 =	sadd.s32 s2, s9;
	s22 =	ssub.s32 s12, s21;
	s2 =	sadd.s32 s2, s3  }
0xd: {  	s21 =	simm.s32 $0x28;
	s12 =	simm.s32 $0x0;
	s9 =	sshrl.u32 s9, $0x3  }
0xe: {  	s10 =	sadd.s32 $0x1C800, s10;
	s26 =	smax.u32 s22, $0x1;
	s13 =	sshrl.u32 s2, $0x3  }
0xf: {  	s2 =	simm.s32 $0x2;
	s22 =	simm.s32 $0x4970;
	[dreg:$0x4] =	wrdreg s10  }
0x10: {  	s0 =	sadd.s32 s9, s0;
	s9 =	smul.u32 $0x2710, s1;
	[dreg:$0x9] =	wrdreg s26  }
0x11: {  	s26 =	simm.s32 $0x1770;
	s1 =	simm.s32 $0xC8;
	[dreg:$0xa] =	wrdreg s13  }
0x12: {  	s0 =	sadd.s32 $0xC6800, s0;
	s24 =	sshrl.u32 s9, $0x3;
	s14 =	sadd.s32 $0x28, s9  }
0x13: {  	s15 =	sadd.s32 $0x50, s9;
	[dreg:$0x8] =	wrdreg s0;
	s25 =	sadd.s32 s7, s24  }
0x14: {  	s0 =	simm.s32 $0x32F0;
	s10 =	sadd.s32 s8, s24;
	[dreg:$0x6] =	wrdreg s25  }
0x15: {  	s24 =	simm.s32 $0x50;
	[dreg:$0x7] =	wrdreg s10;
	s25 =	simm.s32 $0x78  }
.LBB2_1:
0x16: {  	s10 =	rddreg [dreg:$0x4]  }
0x17: {  	[spmem:s13], [sflag:s11] =	dma.local [hbm:s10], $0x2D00  }
0x18: {  	_ =	swait.ge [sflag:s19], $0x2D00  }
0x19: {  	[sflag:s19] =	ssyncset.done $0x0  }
0x1a: {  	[sflag:s19] =	ssyncadd.s32 $0xFFFFD300  }
0x1b: {  	s13 =	simm.s32 $0x5FF0;
	s11 =	rddreg [dreg:$0x1]  }
0x1c: {  	[tilespmem:s13], [sflag:$0x7] =	stream.linear.gather [hbm4b:s11+s4], $0x10, $0x38;
	[tilespmem:$0x1C800] =	vst v63  }
0x1d: {  	_ =	swait.ge [sflag:s19], $0x10  }
0x1e: {  	[sflag:s19] =	ssyncset.done $0x0  }
0x1f: {  	[sflag:s19] =	ssyncadd.s32 $0xFFFFFFF0  }
0x20: {  	[bflag:$0x0] =	sbarrier.arrive $0xFFFF  }
0x21: {  	s16 =	rddreg [dreg:$0x6]  }
0x22: {  	[tilespmem:s4], [sflag:$0x7] =	stream.linear.gather [hbm4b:s16+s4], $0x28, $0x38;
	[tilespmem:$0x1C800] =	vst v63  }
0x23: {  	_ =	swait.ge [sflag:s19], $0x28  }
0x24: {  	[sflag:s19] =	ssyncset.done $0x0  }
0x25: {  	s17 =	rddreg [dreg:$0x7];
	[sflag:s19] =	ssyncadd.s32 $0xFFFFFFD8  }
0x26: {  	[tilespmem:s21], [sflag:$0x7] =	stream.linear.gather [hbm4b:s17+s4], $0x28, $0x38;
	[tilespmem:$0x1C800] =	vst v63  }
0x27: {  	_ =	swait.ge [sflag:s19], $0x28  }
0x28: {  	[sflag:s19] =	ssyncset.done $0x0  }
0x29: {  	s18 =	simm.s32 $0xF0;
	[sflag:s19] =	ssyncadd.s32 $0xFFFFFFD8  }
0x2a: {  	[tilespmem:s18], [sflag:$0x1] =	stream.indirect.gather [hbm4b:s5+s21], $0x90, s4, s21, $0xb8;
	[tilespmem:$0x1C800] =	vst v63  }
0x2b: {  	s23 =	simm.s32 $0x2DF0;
	s13 =	simm.s32 $0x0  }
0x2c: {  	[tilespmem:s23], [sflag:$0x1] =	stream.indirect.gather [hbm4b:s6+s21], $0x10, s21, s21, $0xb8;
	[tilespmem:$0x1C800] =	vst v63  }
.LBB2_2:
0x2d: {  	s17 =	smul.u32 $0x50, s13;
	_ =	sdelay $0x1  }
0x2e: {  	s10 =	sadd.s32 s17, s14  }
0x2f: {  	s10 =	sshrl.u32 s10, $0x3  }
0x30: {  	s11 =	sadd.s32 s7, s10  }
0x31: {  	[tilespmem:s24], [sflag:$0x7] =	stream.linear.gather [hbm4b:s11+s4], $0x28, $0x38;
	[tilespmem:$0x1C800] =	vst v63  }
0x32: {  	_ =	swait.ge [sflag:s19], $0x28  }
0x33: {  	[sflag:s19] =	ssyncset.done $0x0  }
0x34: {  	s16 =	sadd.s32 s8, s10;
	[sflag:s19] =	ssyncadd.s32 $0xFFFFFFD8  }
0x35: {  	[tilespmem:s25], [sflag:$0x7] =	stream.linear.gather [hbm4b:s16+s4], $0x28, $0x38;
	[tilespmem:$0x1C800] =	vst v63  }
0x36: {  	_ =	swait.ge [sflag:s19], $0x28  }
0x37: {  	[sflag:s19] =	ssyncset.done $0x0  }
0x38: {  	[sflag:s19] =	ssyncadd.s32 $0xFFFFFFD8  }
0x39: {  	[tilespmem:s26], [sflag:$0x2] =	stream.indirect.gather [hbm4b:s5+s21], $0x90, s24, s21, $0xb8;
	[tilespmem:$0x1C800] =	vst v63  }
0x3a: {  	_ = 	snop  }
0x3b: {  	[tilespmem:s28], [sflag:$0x2] =	stream.indirect.gather [hbm4b:s6+s21], $0x10, s25, s21, $0xb8;
	[tilespmem:$0x1C800] =	vst v63  }
0x3c: {  	_ =	swait.ge [sflag:s29], $0x1680  }
0x3d: {  	[sflag:s29] =	ssyncset.done $0x0  }
0x3e: {  	[sflag:s29] =	ssyncadd.s32 $0xFFFFE980  }
0x3f: {  	_ =	swait.ge [sflag:s29], $0x280  }
0x40: {  	p0 =	seq.s32 s13, $0x0;
	[sflag:s29] =	ssyncset.done $0x0  }
0x41: {  	s10 =	simm.s32 @!p0 $0x3;
	[sflag:s29] =	ssyncadd.s32 $0xFFFFFD80  }
0x42: {  	s23 =	sadd.s32 s9, s17;
	_ =	swait.ge @!p0 [sflag:s10], $0x1680  }
0x43: {  	s11 =	sshrl.u32 s23, $0x3;
	[sflag:s10] =	ssyncset.done @!p0 $0x0  }
0x44: {  	s23 =	simm.s32 $0x0;
	s18 =	sadd.s32 s8, s11;
	[sflag:s10] =	ssyncadd.s32 @!p0 $0xFFFFE980  }
0x45: {  	[tilespmem:s30], [sflag:$0x5] =	stream.linear.gather [hbm4b:s18+s23], $0x28, $0x38;
	[tilespmem:$0x1C800] =	vst v63  }
0x46: {  	s23 =	simm.s32 $0x0  }
0x47: {  	s11 =	simm.s32 $0x240;
	s10 =	simm.s32 $0x2DF0;
	v0 =	vld [tilespmem:s23+$0x170]  }
.LBB2_3:
0x48: {  	p1 =	sne.s32 s11, $0x57C0;
	v1 =	vld [tilespmem:s10+$0x0]  }
0x49: {  	v2 =	vld [tilespmem:$0x5FF0];
	_ =	sdelay $0x3  }
0x4a: {  	v0 =	vadd.f32 v1, v0;
	_ =	sdelay $0x1  }
0x4b: {  	v1 =	vmul.f32 $2.000000030e-01, v0  }
0x4c: {  	vm0 =	vge.f32 v0, $0.0e+00  }
0x4d: {  	v0 =	vsel vm0, v0, v1  }
0x4e: {  	v0 =	vsub.f32 v0, v2;
	_ =	sdelay $0x1  }
0x4f: {  	v0 =	vmul.f32 $1.442695020e+00, v0;
	_ =	sdelay $0x1  }
0x50: {  	(erf) = vpow2.f32 v0;
	_ =	sdelay $0x4  }
0x51: {  	v0 =	vld [tilespmem:s23+$0x130]  }
0x52: {  	v1 =	vld [tilespmem:s23+$0x150]  }
0x53: {  	v2 =	vld [tilespmem:s23+$0x160]  }
0x54: {  	v3 =	vld [tilespmem:s23+$0x140]  }
0x55: {  	v4 =	vld [tilespmem:s23+$0xF0];
	v5 =	vpop (erf)  }
0x56: {  	[tilespmem:s23+$0x3370] =	vst v5;
	v6 =	vld [tilespmem:s23+$0x110];
	v7 =	vbroadcast v5, $0x6;
	v8 =	vbroadcast v5, $0x7  }
0x57: {  	v10 =	vbroadcast v5, $0x4;
	v11 =	vbroadcast v5, $0x5;
	v9 =	vld [tilespmem:s23+$0x120]  }
0x58: {  	v12 =	vld [tilespmem:s23+$0x100];
	v1 =	vmul.f32 v1, v7;
	v2 =	vmul.f32 v2, v8  }
0x59: {  	v0 =	vmul.f32 v0, v10;
	v3 =	vmul.f32 v3, v11  }
0x5a: {  	v7 =	vbroadcast v5, $0x2;
	v8 =	vbroadcast v5, $0x3;
	[tilespmem:s23+$0x3360] =	vst v2  }
0x5b: {  	v2 =	vbroadcast v5, $0x0;
	v5 =	vbroadcast v5, $0x1;
	[tilespmem:s23+$0x3350] =	vst v1  }
0x5c: {  	v1 =	vmul.f32 v7, v6;
	v6 =	vmul.f32 v9, v8;
	[tilespmem:s23+$0x3340] =	vst v3  }
.Ltmp0:
0x5d: {  	v2 =	vmul.f32 v2, v4;
	v3 =	vmul.f32 v5, v12;
	[tilespmem:s23+$0x3330] =	vst v0;
	(pc) =	sbr.rel @p1 .LBB2_3-.Ltmp0, $4  }
0x5e: {  	[tilespmem:s23+$0x3320] =	vst v6  }
0x5f: {  	[tilespmem:s23+$0x3310] =	vst v1  }
0x60: {  	s18 =	sshra.s32 s11, $0x2;
	[tilespmem:s23+$0x3300] =	vst v3  }
0x61: {  	s11 =	sadd.s32 $0x240, s11;
	s10 =	sadd.s32 $0x10, s10;
	v0 =	vld [tilespmem:s18+$0x170];
	[tilespmem:s23+$0x32F0] =	vst v2;
	s23 =	smov.u32 s18  }
0x62: {  	v1 =	vld [tilespmem:s10+$0x0];
	_ =	sdelay $0x4  }
0x63: {  	v2 =	vld [tilespmem:$0x5FF0];
	v0 =	vadd.f32 v1, v0;
	_ =	sdelay $0x1  }
0x64: {  	v1 =	vmul.f32 $2.000000030e-01, v0  }
0x65: {  	vm0 =	vge.f32 v0, $0.0e+00  }
0x66: {  	v0 =	vsel vm0, v0, v1  }
0x67: {  	v0 =	vsub.f32 v0, v2;
	_ =	sdelay $0x1  }
0x68: {  	v0 =	vmul.f32 $1.442695020e+00, v0;
	_ =	sdelay $0x1  }
0x69: {  	(erf) = vpow2.f32 v0;
	_ =	sdelay $0x6  }
0x6a: {  	v2 =	vld [tilespmem:s23+$0x160]  }
0x6b: {  	v1 =	vld [tilespmem:s23+$0x150]  }
0x6c: {  	v3 =	vld [tilespmem:s23+$0x140];
	v5 =	vpop (erf)  }
0x6d: {  	v0 =	vld [tilespmem:s23+$0x130];
	v6 =	vbroadcast v5, $0x7  }
0x6e: {  	v8 =	vld [tilespmem:s23+$0x120];
	v7 =	vbroadcast v5, $0x6  }
0x6f: {  	v9 =	vld [tilespmem:s23+$0x110];
	v10 =	vbroadcast v5, $0x5;
	v2 =	vmul.f32 v2, v6  }
0x70: {  	v11 =	vld [tilespmem:s23+$0x100];
	[tilespmem:s23+$0x3370] =	vst v5;
	v61 =	vbroadcast v5, $0x4;
	v1 =	vmul.f32 v1, v7  }
0x71: {  	v4 =	vld [tilespmem:s23+$0xF0];
	v62 =	vbroadcast v5, $0x3;
	v3 =	vmul.f32 v3, v10;
	[tilespmem:s23+$0x3360] =	vst v2  }
0x72: {  	v0 =	vmul.f32 v0, v61;
	v2 =	vbroadcast v5, $0x2;
	[tilespmem:s23+$0x3350] =	vst v1  }
0x73: {  	v63 =	vmul.f32 v8, v62;
	v1 =	vbroadcast v5, $0x1;
	[tilespmem:s23+$0x3340] =	vst v3  }
0x74: {  	v3 =	vbroadcast v5, $0x0;
	[tilespmem:s23+$0x3330] =	vst v0;
	v2 =	vmul.f32 v2, v9  }
0x75: {  	[tilespmem:s23+$0x3320] =	vst v63;
	v0 =	vmul.f32 v1, v11  }
0x76: {  	v1 =	vmul.f32 v3, v4;
	[tilespmem:s23+$0x3310] =	vst v2  }
0x77: {  	[tilespmem:s23+$0x3300] =	vst v0  }
0x78: {  	[tilespmem:s23+$0x32F0] =	vst v1  }
0x79: {  	p1 =	seq.s32 s13, $0x7C;
	_ =	swait.ge [sflag:s31], $0x28  }
0x7a: {  	s10 =	sadd.s32 @!p1 s17, s15;
	[sflag:s31] =	ssyncset.done $0x0  }
0x7b: {  	s10 =	sshrl.u32 @!p1 s10, $0x3;
	[sflag:s31] =	ssyncadd.s32 $0xFFFFFFD8  }
0x7c: {  	[spmem:s3] =	stream.indirect.scatter.add.f32 [tilespmem:s0], [sflag:$0x3], $0x90, s30, s21, $0xb8;
	[tilespmem:$0x1C800] =	vst v63  }
0x7d: {  	s17 =	simm.s32 @!p1 $0x0;
	s11 =	sadd.s32 @!p1 s7, s10  }
0x7e: {  	[tilespmem:s17], [sflag:$0x7] =	stream.linear.gather @!p1 [hbm4b:s11+s17], $0x28, $0x38;
	[tilespmem:$0x1C800] =	vst v63  }
0x7f: {  	s11 =	simm.s32 @!p1 $0x7  }
0x80: {  	_ =	swait.ge @!p1 [sflag:s11], $0x28  }
0x81: {  	[sflag:s11] =	ssyncset.done @!p1 $0x0  }
0x82: {  	s18 =	simm.s32 @!p1 $0x28;
	s10 =	sadd.s32 @!p1 s8, s10;
	[sflag:s11] =	ssyncadd.s32 @!p1 $0xFFFFFFD8  }
0x83: {  	[tilespmem:s18], [sflag:$0x7] =	stream.linear.gather @!p1 [hbm4b:s10+s17], $0x28, $0x38;
	[tilespmem:$0x1C800] =	vst v63  }
0x84: {  	_ =	swait.ge @!p1 [sflag:s11], $0x28  }
0x85: {  	[sflag:s11] =	ssyncset.done @!p1 $0x0  }
0x86: {  	s10 =	simm.s32 @!p1 $0xF0;
	[sflag:s11] =	ssyncadd.s32 @!p1 $0xFFFFFFD8  }
0x87: {  	[tilespmem:s10], [sflag:$0x1] =	stream.indirect.gather @!p1 [hbm4b:s5+s18], $0x90, s17, s18, $0xb8;
	[tilespmem:$0x1C800] =	vst v63  }
0x88: {  	s10 =	simm.s32 @!p1 $0x2DF0  }
0x89: {  	[tilespmem:s10], [sflag:$0x1] =	stream.indirect.gather @!p1 [hbm4b:s6+s18], $0x10, s18, s18, $0xb8;
	[tilespmem:$0x1C800] =	vst v63  }
0x8a: {  	_ =	swait.ge [sflag:s2], $0x1680  }
0x8b: {  	[sflag:s2] =	ssyncset.done $0x0  }
0x8c: {  	[sflag:s2] =	ssyncadd.s32 $0xFFFFE980  }
0x8d: {  	_ =	swait.ge [sflag:s2], $0x280  }
0x8e: {  	[sflag:s2] =	ssyncset.done $0x0  }
0x8f: {  	s10 =	simm.s32 @!p0 $0x4;
	[sflag:s2] =	ssyncadd.s32 $0xFFFFFD80  }
0x90: {  	_ =	swait.ge @!p0 [sflag:s10], $0x1680  }
0x91: {  	[sflag:s10] =	ssyncset.done @!p0 $0x0  }
0x92: {  	s23 =	simm.s32 $0x0;
	[sflag:s10] =	ssyncadd.s32 @!p0 $0xFFFFE980  }
0x93: {  	[tilespmem:s1], [sflag:$0x6] =	stream.linear.gather [hbm4b:s16+s23], $0x28, $0x38;
	[tilespmem:$0x1C800] =	vst v63  }
0x94: {  	s16 =	simm.s32 $0x0  }
0x95: {  	s11 =	simm.s32 $0x240;
	s10 =	simm.s32 $0x3070;
	v0 =	vld [tilespmem:s16+$0x17F0]  }
.LBB2_5:
0x96: {  	p0 =	sne.s32 s11, $0x57C0;
	v1 =	vld [tilespmem:s10+$0x0]  }
0x97: {  	v2 =	vld [tilespmem:$0x5FF0];
	_ =	sdelay $0x3  }
0x98: {  	v0 =	vadd.f32 v1, v0;
	_ =	sdelay $0x1  }
0x99: {  	v1 =	vmul.f32 $2.000000030e-01, v0  }
0x9a: {  	vm0 =	vge.f32 v0, $0.0e+00  }
0x9b: {  	v0 =	vsel vm0, v0, v1  }
0x9c: {  	v0 =	vsub.f32 v0, v2;
	_ =	sdelay $0x1  }
0x9d: {  	v0 =	vmul.f32 $1.442695020e+00, v0;
	_ =	sdelay $0x1  }
0x9e: {  	(erf) = vpow2.f32 v0;
	_ =	sdelay $0x4  }
0x9f: {  	v0 =	vld [tilespmem:s16+$0x17B0]  }
0xa0: {  	v1 =	vld [tilespmem:s16+$0x17D0]  }
0xa1: {  	v2 =	vld [tilespmem:s16+$0x17E0]  }
0xa2: {  	v3 =	vld [tilespmem:s16+$0x17C0]  }
0xa3: {  	v4 =	vld [tilespmem:s16+$0x1770];
	v5 =	vpop (erf)  }
0xa4: {  	[tilespmem:s16+$0x49F0] =	vst v5;
	v6 =	vld [tilespmem:s16+$0x1790];
	v7 =	vbroadcast v5, $0x6;
	v8 =	vbroadcast v5, $0x7  }
0xa5: {  	v10 =	vbroadcast v5, $0x4;
	v11 =	vbroadcast v5, $0x5;
	v9 =	vld [tilespmem:s16+$0x17A0]  }
0xa6: {  	v12 =	vld [tilespmem:s16+$0x1780];
	v1 =	vmul.f32 v1, v7;
	v2 =	vmul.f32 v2, v8  }
0xa7: {  	v0 =	vmul.f32 v0, v10;
	v3 =	vmul.f32 v3, v11  }
0xa8: {  	v7 =	vbroadcast v5, $0x2;
	v8 =	vbroadcast v5, $0x3;
	[tilespmem:s16+$0x49E0] =	vst v2  }
0xa9: {  	v2 =	vbroadcast v5, $0x0;
	v5 =	vbroadcast v5, $0x1;
	[tilespmem:s16+$0x49D0] =	vst v1  }
0xaa: {  	v1 =	vmul.f32 v7, v6;
	v6 =	vmul.f32 v9, v8;
	[tilespmem:s16+$0x49C0] =	vst v3  }
.Ltmp1:
0xab: {  	v2 =	vmul.f32 v2, v4;
	v3 =	vmul.f32 v5, v12;
	[tilespmem:s16+$0x49B0] =	vst v0;
	(pc) =	sbr.rel @p0 .LBB2_5-.Ltmp1, $4  }
0xac: {  	[tilespmem:s16+$0x49A0] =	vst v6  }
0xad: {  	[tilespmem:s16+$0x4990] =	vst v1  }
0xae: {  	s17 =	sshra.s32 s11, $0x2;
	[tilespmem:s16+$0x4980] =	vst v3  }
0xaf: {  	s11 =	sadd.s32 $0x240, s11;
	s10 =	sadd.s32 $0x10, s10;
	v0 =	vld [tilespmem:s17+$0x17F0];
	[tilespmem:s16+$0x4970] =	vst v2;
	s16 =	smov.u32 s17  }
0xb0: {  	v1 =	vld [tilespmem:s10+$0x0];
	_ =	sdelay $0x4  }
0xb1: {  	v2 =	vld [tilespmem:$0x5FF0];
	v0 =	vadd.f32 v1, v0;
	_ =	sdelay $0x1  }
0xb2: {  	v1 =	vmul.f32 $2.000000030e-01, v0  }
0xb3: {  	vm0 =	vge.f32 v0, $0.0e+00  }
0xb4: {  	v0 =	vsel vm0, v0, v1  }
0xb5: {  	v0 =	vsub.f32 v0, v2;
	_ =	sdelay $0x1  }
0xb6: {  	v0 =	vmul.f32 $1.442695020e+00, v0;
	_ =	sdelay $0x1  }
0xb7: {  	(erf) = vpow2.f32 v0;
	_ =	sdelay $0x6  }
0xb8: {  	v55 =	vld [tilespmem:s16+$0x17E0]  }
0xb9: {  	v54 =	vld [tilespmem:s16+$0x17D0]  }
0xba: {  	v3 =	vld [tilespmem:s16+$0x17C0];
	v5 =	vpop (erf)  }
0xbb: {  	v53 =	vld [tilespmem:s16+$0x17B0];
	v6 =	vbroadcast v5, $0x7  }
0xbc: {  	v8 =	vld [tilespmem:s16+$0x17A0];
	v7 =	vbroadcast v5, $0x6  }
0xbd: {  	v11 =	vld [tilespmem:s16+$0x1780];
	v10 =	vbroadcast v5, $0x5;
	v2 =	vmul.f32 v55, v6  }
0xbe: {  	v4 =	vld [tilespmem:s16+$0x1770];
	[tilespmem:s16+$0x49F0] =	vst v5;
	v56 =	vbroadcast v5, $0x4;
	v1 =	vmul.f32 v54, v7  }
0xbf: {  	v9 =	vld [tilespmem:s16+$0x1790];
	v57 =	vbroadcast v5, $0x3;
	v3 =	vmul.f32 v3, v10;
	[tilespmem:s16+$0x49E0] =	vst v2  }
0xc0: {  	v59 =	vbroadcast v5, $0x1;
	v0 =	vmul.f32 v53, v56;
	[tilespmem:s16+$0x49D0] =	vst v1  }
0xc1: {  	v61 =	vbroadcast v5, $0x0;
	v60 =	vmul.f32 v8, v57;
	[tilespmem:s16+$0x49C0] =	vst v3  }
0xc2: {  	v58 =	vbroadcast v5, $0x2;
	v62 =	vmul.f32 v59, v11;
	[tilespmem:s16+$0x49B0] =	vst v0  }
0xc3: {  	v63 =	vmul.f32 v61, v4;
	[tilespmem:s16+$0x49A0] =	vst v60  }
0xc4: {  	s13 =	sadd.s32 $0x1, s13;
	v2 =	vmul.f32 v58, v9;
	[tilespmem:s16+$0x4980] =	vst v62  }
0xc5: {  	p0 =	sne.s32 s13, $0x7D;
	[tilespmem:s16+$0x4970] =	vst v63  }
.Ltmp2:
0xc6: {  	[tilespmem:s16+$0x4990] =	vst v2;
	(pc) =	sbr.rel @p0 .LBB2_2-.Ltmp2, $4  }
0xc7: {  	_ =	swait.ge [sflag:s20], $0x28  }
0xc8: {  	[sflag:s20] =	ssyncset.done $0x0  }
0xc9: {  	[sflag:s20] =	ssyncadd.s32 $0xFFFFFFD8  }
0xca: {  	[spmem:s3] =	stream.indirect.scatter.add.f32 [tilespmem:s22], [sflag:$0x4], $0x90, s1, s21, $0xb8;
	[tilespmem:$0x1C800] =	vst v63  }
0xcb: {  	s10 =	simm.s32 $0x3  }
0xcc: {  	_ =	swait.ge [sflag:s10], $0x1680  }
0xcd: {  	[sflag:s10] =	ssyncset.done $0x0  }
0xce: {  	s17 =	simm.s32 $0x4;
	[sflag:s10] =	ssyncadd.s32 $0xFFFFE980  }
0xcf: {  	_ =	swait.ge [sflag:s17], $0x1680  }
0xd0: {  	[sflag:s17] =	ssyncset.done $0x0  }
0xd1: {  	[sflag:s17] =	ssyncadd.s32 $0xFFFFE980  }
0xd2: {  	[bflag:$0x0] =	sbarrier.arrive $0xFFFF  }
0xd3: {  	s11 =	rddreg [dreg:$0x5]  }
0xd4: {  	s18 =	rddreg [dreg:$0x8]  }
0xd5: {  	s13 =	rddreg [dreg:$0xa]  }
0xd6: {  	[hbm:s18], [sflag:s11] =	dma.local [spmem:s13], $0x2D00  }
0xd7: {  	_ =	swait.ge [sflag:s19], $0x2D00  }
0xd8: {  	s12 =	sadd.s32 $0x1, s12;
	s23 =	rddreg [dreg:$0x9]  }
0xd9: {  	p0 =	sne.s32 s12, s23  }
.Ltmp3:
0xda: {  	_ = 	snop;
	(pc) =	sbr.rel @p0 .LBB2_1-.Ltmp3, $3  }
0xdb: {  	_ =	sdelay $0x1  }
0xdc: {  	[sflag:s19] =	ssyncset.done $0x0  }
0xdd: {  	[sflag:s19] =	ssyncadd.s32 $0xFFFFD300  }
0xde: {  	_ =	sfence.sel $0x180000  }
0xdf: {  	[bflag:$0x0] =	sbarrier.arrive $0xFFFF  }
0xe0: {  	_ =	strace $0x9000004A  }
0xe1: {  	s0 =	stileid.u32;
	[bflag:$0x2] =	sbarrier.arrive $0xFFFF  }
0xe2: {  	p0 =	sne.s32 s0, $0x0;
	s0 =	rddreg [dreg:$0x3]  }
0xe3: {  	s0 =	sadd.s32 @!p0 $0x100000, s0  }
0xe4: {  	[sflag:s0] =	ssyncadd.tile.s32 @!p0 $0x1;
	_ =	shalt  }
.Lfunc_end2:
_tile_overlayer_lowered:
.L_overlay_start_2:
0xe5: {  	(tag) =	ssettag $0x2  }
0xe6: {  	s0 =	rddreg [dreg:$0x0];
	s2 =	stileid.u32  }
0xe7: {  	s1 =	rddreg [dreg:$0x1];
	p0 =	sne.s32 s2, $0x0  }
0xe8: {  	s3 =	rddreg [dreg:$0x2];
	[bflag:$0x3] =	sbarrier.arrive $0xFFFF;
	s2 =	simm.s32 @!p0 $0x1C07  }
0xe9: {  	[timem:s3], [sflag:s2] =	dma.local @!p0 [hbm:s0], s1  }
0xea: {  	s0 =	simm.s32 @!p0 $0x7  }
0xeb: {  	_ =	swait.ge @!p0 [sflag:s0], s1  }
0xec: {  	s1 =	ssub.s32 @!p0 $0x0, s1;
	[sflag:s0] =	ssyncset.done @!p0 $0x0  }
0xed: {  	[sflag:s0] =	ssyncadd.s32 @!p0 s1  }
0xee: {  	[bflag:$0x3] =	sbarrier.arrive $0xFFFF  }
0xef: {  	_ =	shalt  }

// kernel: kernel.17.cloned.1.call-start
scs
__scs_entry_jumppad:
0x0: {  	(pc) =	sbr.rel $0x88, $3  }
0x1: {  	(tag) =	ssettag $0x0;
	lr =	simm.s32 $0x1  }
0x2: {  	[smem:$0x3F89] =	sst lr;
	_ =	strace $0xD0000000  }
0x3: {  	_ = 	snop  }
0x4: {  	_ = 	snop  }
0x5: {  	_ = 	snop  }
0x6: {  	_ = 	snop  }
0x7: {  	_ = 	snop  }
__scs_overlays_trampoline_lowered:
0x8: {  	[smem:$0x3F98] =	sst s0  }
0x9: {  	[smem:$0x3F99] =	sst s1  }
0xa: {  	[smem:$0x3F9A] =	sst s2  }
0xb: {  	[smem:$0x3F9B] =	sst s3  }
0xc: {  	[smem:$0x3F9C] =	sst s4  }
0xd: {  	[smem:$0x3F9D] =	sst s5  }
0xe: {  	[smem:$0x3F9E] =	sst s6  }
0xf: {  	[smem:$0x3F9F] =	sst s7  }
0x10: {  	[smem:$0x3FA0] =	sst s8  }
0x11: {  	[smem:$0x3FA1] =	sst s9;
	s0 =	simm.s32 @!p0 $0x0  }
0x12: {  	s1 =	sld [smem:$0x3F87];
	s0 =	simm.s32 @p0 $0x1  }
0x13: {  	[smem:$0x3FA2] =	sst s0;
	s0 =	simm.s32 @!p1 $0x0  }
0x14: {  	s2 =	sld [smem:$0x3F86];
	s0 =	simm.s32 @p1 $0x1  }
0x15: {  	[smem:$0x3FA3] =	sst s0;
	s0 =	simm.s32 @!p2 $0x0  }
0x16: {  	s3 =	sld [smem:$0x3FDB];
	s0 =	simm.s32 @p2 $0x1  }
0x17: {  	s4 =	simm.s32 $0x1BF5;
	[smem:$0x3FA5] =	sst s0  }
0x18: {  	s0 =	sld [smem:$0x3F88];
	_ =	swait.ge [sflag:s4], $0x0  }
0x19: {  	s7 =	sld [smem:$0x3F89]  }
0x1a: {  	s8 =	sadd.s32 $0xFFFFE003, lr  }
0x1b: {  	s9 =	sadd.s32 $0xFFFFFEF7, lr;
	s5 =	simm.s32 $0xFFFFFFFF;
	p2 =	slt.u32 s8, $0xFFFFF086  }
0x1c: {  	p1 =	slt.u32 s9, $0xF7A;
	s5 =	simm.s32 @!p2 $0x0  }
0x1d: {  	s5 =	simm.s32 @p1 $0x1;
	p0 =	seq.s32 s7, s2  }
0x1e: {  	s7 =	smul.u32 @!p0 $0xF7A, s2;
	p2 =	seq.s32 @!p0 s5, $0x0  }
0x1f: {  	s9 =	smul.u32 $0xF7A, s1;
	s8 =	simm.s32 @!p0 $0x1BF5;
	p2 =	por !p2, p0  }
0x20: {  	[sflag:s8] =	ssyncset.s32 @!p0 $0xFFFFF086;
	s6 =	sadd.s32 @!p0 s3, s7;
	s7 =	simm.s32 @!p0 $0x108  }
0x21: {  	s3 =	sadd.s32 s3, s9;
	s6 =	sadd.s32 @!p0 $0x88, s6;
	s7 =	simm.s32 @p2 $0x1082  }
0x22: {  	[simem:s7], [sflag:s8] =	dma.local @!p0 [hbm:s6], $0xF7A  }
0x23: {  	s9 =	sor.u32 $0xD0000000, s2;
	s6 =	simm.s32 $0x108;
	_ =	swait.ge @!p0 [sflag:s8], $0x0  }
0x24: {  	s3 =	sadd.s32 $0x88, s3;
	s6 =	simm.s32 @!p1 $0x1082;
	[sflag:s4] =	ssyncset.s32 $0xFFFFF086  }
0x25: {  	[simem:s6], [sflag:s4] =	dma.local [hbm:s3], $0xF7A  }
0x26: {  	[smem:$0x3F89] =	sst s1;
	(tag) =	ssettag s2;
	_ =	strace s9  }
0x27: {  	s1 =	sld [smem:$0x3F99]  }
0x28: {  	s2 =	sld [smem:$0x3F9A]  }
0x29: {  	s4 =	sld [smem:$0x3F9C]  }
0x2a: {  	p0 =	seq.s32 s5, $0x0;
	s5 =	sld [smem:$0x3F9D]  }
0x2b: {  	s6 =	sld [smem:$0x3F9E]  }
0x2c: {  	s7 =	sld [smem:$0x3F9F]  }
0x2d: {  	s3 =	simm.s32 $0x108;
	s8 =	sld [smem:$0x3FA0]  }
0x2e: {  	s3 =	simm.s32 @!p0 $0x1082;
	s9 =	sld [smem:$0x3FA1]  }
0x2f: {  	lr =	sadd.s32 s0, s3;
	s0 =	sld [smem:$0x3F98]  }
0x30: {  	s3 =	sld [smem:$0x3F9B]  }
0x31: {  	[smem:$0x3FA4] =	sst s10  }
0x32: {  	s10 =	sld [smem:$0x3FA2];
	_ =	sdelay $0x3  }
0x33: {  	p0 =	seq.s32 s10, $0x1;
	s10 =	sld [smem:$0x3FA4];
	_ =	sdelay $0x3  }
0x34: {  	[smem:$0x3FA4] =	sst s10  }
0x35: {  	s10 =	sld [smem:$0x3FA3];
	_ =	sdelay $0x3  }
0x36: {  	p1 =	seq.s32 s10, $0x1;
	s10 =	sld [smem:$0x3FA4];
	_ =	sdelay $0x3  }
0x37: {  	[smem:$0x3FA4] =	sst s10  }
0x38: {  	s10 =	sld [smem:$0x3FA5]  }
0x39: {  	_ = 	snop;
	(pc) =	sbr.ind lr, $3  }
0x3a: {  	_ = 	snop  }
0x3b: {  	_ = 	snop  }
0x3c: {  	p2 =	seq.s32 s10, $0x1;
	s10 =	sld [smem:$0x3FA4]  }
0x3d: {  	_ =	shalt  }
0x3e: {  	_ =	shalt  }
0x3f: {  	_ =	shalt  }
0x40: {  	_ =	shalt  }
0x41: {  	_ =	shalt  }
0x42: {  	_ =	shalt  }
0x43: {  	_ =	shalt  }
0x44: {  	_ =	shalt  }
0x45: {  	_ =	shalt  }
0x46: {  	_ =	shalt  }
0x47: {  	_ =	shalt  }
0x48: {  	_ =	shalt  }
0x49: {  	_ =	shalt  }
0x4a: {  	_ =	shalt  }
0x4b: {  	_ =	shalt  }
0x4c: {  	_ =	shalt  }
0x4d: {  	_ =	shalt  }
0x4e: {  	_ =	shalt  }
0x4f: {  	_ =	shalt  }
0x50: {  	_ =	shalt  }
0x51: {  	_ =	shalt  }
0x52: {  	_ =	shalt  }
0x53: {  	_ =	shalt  }
0x54: {  	_ =	shalt  }
0x55: {  	_ =	shalt  }
0x56: {  	_ =	shalt  }
0x57: {  	_ =	shalt  }
0x58: {  	_ =	shalt  }
0x59: {  	_ =	shalt  }
0x5a: {  	_ =	shalt  }
0x5b: {  	_ =	shalt  }
0x5c: {  	_ =	shalt  }
0x5d: {  	_ =	shalt  }
0x5e: {  	_ =	shalt  }
0x5f: {  	_ =	shalt  }
0x60: {  	_ =	shalt  }
0x61: {  	_ =	shalt  }
0x62: {  	_ =	shalt  }
0x63: {  	_ =	shalt  }
0x64: {  	_ =	shalt  }
0x65: {  	_ =	shalt  }
0x66: {  	_ =	shalt  }
0x67: {  	_ =	shalt  }
0x68: {  	_ =	shalt  }
0x69: {  	_ =	shalt  }
0x6a: {  	_ =	shalt  }
0x6b: {  	_ =	shalt  }
0x6c: {  	_ =	shalt  }
0x6d: {  	_ =	shalt  }
0x6e: {  	_ =	shalt  }
0x6f: {  	_ =	shalt  }
0x70: {  	_ =	shalt  }
0x71: {  	_ =	shalt  }
0x72: {  	_ =	shalt  }
0x73: {  	_ =	shalt  }
0x74: {  	_ =	shalt  }
0x75: {  	_ =	shalt  }
0x76: {  	_ =	shalt  }
0x77: {  	_ =	shalt  }
0x78: {  	_ =	shalt  }
0x79: {  	_ =	shalt  }
0x7a: {  	_ =	shalt  }
0x7b: {  	_ =	shalt  }
0x7c: {  	_ =	shalt  }
0x7d: {  	_ =	shalt  }
0x7e: {  	_ =	shalt  }
0x7f: {  	_ =	shalt  }
0x80: {  	_ =	shalt  }
0x81: {  	_ =	shalt  }
0x82: {  	_ =	shalt  }
0x83: {  	_ =	shalt  }
0x84: {  	_ =	shalt  }
0x85: {  	_ =	shalt  }
0x86: {  	_ =	shalt  }
0x87: {  	_ =	shalt  }
.Lfunc_end0:
.L_simem_size_0:
called_computation.2_lowered:
.L_overlay_start_0:
0x88: {  	s2 =	sld [smem:$0x3FD9]  }
0x89: {  	s3 =	sld [smem:$0x3FFE];
	_ =	sdelay $0x1  }
0x8a: {  	s1 =	srdreg.scid  }
0x8b: {  	s0 =	sand.u32 $0x1, s1  }
0x8c: {  	s17 =	sshll.u32 s0, $0xA;
	s2 =	sadd.s32 s3, s2  }
0x8d: {  	s2 =	sadd.s32 s2, s17  }
0x8e: {  	[smem:$0x3FB0] =	sst s2  }
0x8f: {  	_ = 	snop  }
0x90: {  	s2 =	sld [smem:$0x3FD0];
	(tm) =	ssettm $0x1  }
0x91: {  	s18 =	sld [smem:$0x3FFB];
	_ =	sdelay $0x3  }
0x92: {  	_ =	strace s18  }
0x93: {  	s3 =	sld [smem:$0x3FFC];
	_ =	sdelay $0x3  }
0x94: {  	_ =	strace s3  }
0x95: {  	s3 =	sld [smem:$0x3FFD];
	_ =	sdelay $0x3  }
0x96: {  	_ =	strace s3  }
0x97: {  	_ =	strace $0x8FFFFFFF  }
0x98: {  	s19 =	sld [smem:$0x3FDB];
	_ =	sdelay $0x1  }
0x99: {  	s4 =	simm.s32 $_scs_section_size  }
0x9a: {  	s5 =	simm.s32 $_size__tile_overlayer_lowered;
	s6 =	simm.s32 $_tile_overlayer_lowered  }
0x9b: {  	s22 =	simm.s32 $0x1BFF;
	s21 =	sshll.u32 s6, $0x1;
	s3 =	sadd.s32 s4, s19  }
0x9c: {  	s7 =	simm.s32 $0x0;
	s20 =	sshll.u32 s5, $0x1;
	s5 =	sadd.s32 s21, s3  }
0x9d: {  	[timem:s7], [sflag:s22] =	dma.local [hbm:s5], s20  }
0x9e: {  	_ =	swait.ge [sflag:s22], s20  }
0x9f: {  	s4 =	ssub.s32 $0x0, s20;
	[sflag:s22] =	ssyncset.done $0x0  }
0xa0: {  	[sflag:s22] =	ssyncadd.s32 s4;
	_ =	sdelay $0x1  }
0xa1: {  	s23 =	simm.s32 $0x1B8B  }
0xa2: {  	_ =	swait.ge [sflag:s23], $0x1  }
0xa3: {  	[sflag:s23] =	ssyncset.done $0x0  }
0xa4: {  	s25 =	simm.s32 $0x1B8E;
	s24 =	sld [smem:$0x3FFE];
	[sflag:s23] =	ssyncadd.s32 $0xFFFFFFFF  }
0xa5: {  	s26 =	simm.s32 $execute0_lowered;
	[smem:$0x3FD2] =	sst s25  }
0xa6: {  	s5 =	sshll.u32 s26, $0x1;
	_ =	strace $0x8000004C;
	[dreg:$0x1] =	wrdreg $0xFFFFFFFF  }
0xa7: {  	s28 =	simm.s32 $_size_execute0_lowered;
	s3 =	sadd.s32 s3, s5;
	[dreg:$0x0] =	wrdreg $0x0  }
0xa8: {  	s5 =	sshll.u32 s28, $0x1;
	[dreg:$0x2] =	wrdreg s3  }
0xa9: {  	[dreg:$0x3] =	wrdreg s5  }
0xaa: {  	[dreg:$0x4] =	wrdreg $0xC0  }
0xab: {  	_ =	task [dreg:s7], $0x5FFFF  }
0xac: {  	[dreg:$0x1] =	wrdreg $0xFFFFFFFF  }
0xad: {  	[dreg:$0x0] =	wrdreg $0x60  }
0xae: {  	[dreg:$0x2] =	wrdreg s24  }
0xaf: {  	[dreg:$0x3] =	wrdreg s2  }
0xb0: {  	[dreg:$0x4] =	wrdreg $0x60000  }
0xb1: {  	[dreg:$0x5] =	wrdreg $0x9  }
0xb2: {  	_ =	task.clear_ibuf [dreg:s7], $0x6FFFF;
	_ =	strace $0x9000004C  }
0xb3: {  	s29 =	simm.s32 $0x9;
	_ =	strace $0x8000004E  }
0xb4: {  	_ =	swait.ge [sflag:s29], $0x1  }
0xb5: {  	[sflag:s29] =	ssyncadd.s32 $0xFFFFFFFF  }
0xb6: {  	_ =	strace $0x9000004E  }
0xb7: {  	_ =	sfence  }
0xb8: {  	s30 =	sld [smem:$0x0];
	_ =	sdelay $0x2  }
0xb9: {  	s31 =	sshll.u32 s1, $0xD;
	s1 =	sshrl.u32 s1, $0x2  }
0xba: {  	s3 =	sand.u32 $0x4000, s31;
	s1 =	sadd.s32 s1, s30  }
0xbb: {  	s0 =	sor.u32 s3, s0;
	s1 =	sshll.u32 s1, $0x11  }
0xbc: {  	s0 =	sor.u32 s1, s0  }
0xbd: {  	s0 =	sadd.s32 $0x8F2B, s0  }
0xbe: {  	[sflag:s0] =	ssyncadd.remote.s32 $0x1  }
0xbf: {  	_ =	sfence.sel $0xFFFF  }
0xc0: {  	[dreg:$0x0] =	wrdreg $0xFFFFFFFF;
	(pc) =	sbr.abs _section_cstart, $3  }
0xc1: {  	[dreg:$0x1] =	wrdreg $0xFFFFFFFF  }
0xc2: {  	_ =	task.clear_ibuf [dreg:s7], $0x2FFFF;
	_ =	strace $0x9FFFFFFF  }
0xc3: {  	(tm) =	ssettm $0x7FFFFFFF  }
tec
execute0_lowered:
.L_overlay_start_1:
0x0: {  	(tag) =	ssettag $0x1  }
0x1: {  	s0 =	rddreg [dreg:$0x0]  }
0x2: {  	s3 =	rddreg [dreg:$0x2]  }
0x3: {  	s4 =	simm.s32 $0x0;
	s13 =	stileid.u32;
	s1 =	srdreg.scid  }
0x4: {  	s19 =	simm.s32 $0x7;
	s28 =	simm.s32 $0x3070;
	s29 =	simm.s32 $0x1  }
0x5: {  	s30 =	simm.s32 $0xA0;
	s31 =	simm.s32 $0x5;
	s20 =	simm.s32 $0x6  }
0x6: {  	[smem:$0x7FF] =	sst s4;
	s2 =	smul.u32 $0x16800, s13;
	s1 =	sand.u32 $0x1, s1  }
0x7: {  	s5 =	sadd.s32 $0x99800, s0;
	s6 =	sadd.s32 $0x3C00, s0;
	s7 =	sadd.s32 $0x12A00, s0  }
0x8: {  	s8 =	sadd.s32 $0x8C00, s0;
	s11 =	sshll.u32 s13, $0x1;
	s23 =	sshll.u32 s13, $0x6  }
0x9: {  	_ =	strace $0x8000004D;
	s9 =	smul.u32 $0x168000, s1;
	s12 =	ssub.s32 $0x2, s1  }
0xa: {  	s1 =	sor.u32 s1, s11;
	s11 =	sor.u32 $0x1C07, s23;
	s10 =	sshrl.u32 s2, $0x3  }
0xb: {  	s21 =	sshrl.u32 s12, $0x1;
	[dreg:$0x5] =	wrdreg s11;
	s10 =	sadd.s32 s10, s0  }
0xc: {  	s9 =	sadd.s32 s2, s9;
	s22 =	ssub.s32 s12, s21;
	s2 =	sadd.s32 s2, s3  }
0xd: {  	s21 =	simm.s32 $0x28;
	s12 =	simm.s32 $0x0;
	s9 =	sshrl.u32 s9, $0x3  }
0xe: {  	s10 =	sadd.s32 $0x1C800, s10;
	s26 =	smax.u32 s22, $0x1;
	s13 =	sshrl.u32 s2, $0x3  }
0xf: {  	s2 =	simm.s32 $0x2;
	s22 =	simm.s32 $0x4970;
	[dreg:$0x4] =	wrdreg s10  }
0x10: {  	s0 =	sadd.s32 s9, s0;
	s9 =	smul.u32 $0x2710, s1;
	[dreg:$0x9] =	wrdreg s26  }
0x11: {  	s26 =	simm.s32 $0x1770;
	s1 =	simm.s32 $0xC8;
	[dreg:$0xa] =	wrdreg s13  }
0x12: {  	s0 =	sadd.s32 $0xC6800, s0;
	s24 =	sshrl.u32 s9, $0x3;
	s14 =	sadd.s32 $0x28, s9  }
0x13: {  	s15 =	sadd.s32 $0x50, s9;
	[dreg:$0x8] =	wrdreg s0;
	s25 =	sadd.s32 s7, s24  }
0x14: {  	s0 =	simm.s32 $0x32F0;
	s10 =	sadd.s32 s8, s24;
	[dreg:$0x6] =	wrdreg s25  }
0x15: {  	s24 =	simm.s32 $0x50;
	[dreg:$0x7] =	wrdreg s10;
	s25 =	simm.s32 $0x78  }
.LBB2_1:
0x16: {  	s10 =	rddreg [dreg:$0x4]  }
0x17: {  	[spmem:s13], [sflag:s11] =	dma.local [hbm:s10], $0x2D00  }
0x18: {  	_ =	swait.ge [sflag:s19], $0x2D00  }
0x19: {  	[sflag:s19] =	ssyncset.done $0x0  }
0x1a: {  	[sflag:s19] =	ssyncadd.s32 $0xFFFFD300  }
0x1b: {  	s13 =	simm.s32 $0x5FF0;
	s11 =	rddreg [dreg:$0x1]  }
0x1c: {  	[tilespmem:s13], [sflag:$0x7] =	stream.linear.gather [hbm4b:s11+s4], $0x10, $0x38;
	[tilespmem:$0x1C800] =	vst v63  }
0x1d: {  	_ =	swait.ge [sflag:s19], $0x10  }
0x1e: {  	[sflag:s19] =	ssyncset.done $0x0  }
0x1f: {  	[sflag:s19] =	ssyncadd.s32 $0xFFFFFFF0  }
0x20: {  	[bflag:$0x0] =	sbarrier.arrive $0xFFFF  }
0x21: {  	s16 =	rddreg [dreg:$0x6]  }
0x22: {  	[tilespmem:s4], [sflag:$0x7] =	stream.linear.gather [hbm4b:s16+s4], $0x28, $0x38;
	[tilespmem:$0x1C800] =	vst v63  }
0x23: {  	_ =	swait.ge [sflag:s19], $0x28  }
0x24: {  	[sflag:s19] =	ssyncset.done $0x0  }
0x25: {  	s17 =	rddreg [dreg:$0x7];
	[sflag:s19] =	ssyncadd.s32 $0xFFFFFFD8  }
0x26: {  	[tilespmem:s21], [sflag:$0x7] =	stream.linear.gather [hbm4b:s17+s4], $0x28, $0x38;
	[tilespmem:$0x1C800] =	vst v63  }
0x27: {  	_ =	swait.ge [sflag:s19], $0x28  }
0x28: {  	[sflag:s19] =	ssyncset.done $0x0  }
0x29: {  	s18 =	simm.s32 $0xF0;
	[sflag:s19] =	ssyncadd.s32 $0xFFFFFFD8  }
0x2a: {  	[tilespmem:s18], [sflag:$0x1] =	stream.indirect.gather [hbm4b:s5+s21], $0x90, s4, s21, $0xb8;
	[tilespmem:$0x1C800] =	vst v63  }
0x2b: {  	s23 =	simm.s32 $0x2DF0;
	s13 =	simm.s32 $0x0  }
0x2c: {  	[tilespmem:s23], [sflag:$0x1] =	stream.indirect.gather [hbm4b:s6+s21], $0x10, s21, s21, $0xb8;
	[tilespmem:$0x1C800] =	vst v63  }
.LBB2_2:
0x2d: {  	s17 =	smul.u32 $0x50, s13;
	_ =	sdelay $0x1  }
0x2e: {  	s10 =	sadd.s32 s17, s14  }
0x2f: {  	s10 =	sshrl.u32 s10, $0x3  }
0x30: {  	s11 =	sadd.s32 s7, s10  }
0x31: {  	[tilespmem:s24], [sflag:$0x7] =	stream.linear.gather [hbm4b:s11+s4], $0x28, $0x38;
	[tilespmem:$0x1C800] =	vst v63  }
0x32: {  	_ =	swait.ge [sflag:s19], $0x28  }
0x33: {  	[sflag:s19] =	ssyncset.done $0x0  }
0x34: {  	s16 =	sadd.s32 s8, s10;
	[sflag:s19] =	ssyncadd.s32 $0xFFFFFFD8  }
0x35: {  	[tilespmem:s25], [sflag:$0x7] =	stream.linear.gather [hbm4b:s16+s4], $0x28, $0x38;
	[tilespmem:$0x1C800] =	vst v63  }
0x36: {  	_ =	swait.ge [sflag:s19], $0x28  }
0x37: {  	[sflag:s19] =	ssyncset.done $0x0  }
0x38: {  	[sflag:s19] =	ssyncadd.s32 $0xFFFFFFD8  }
0x39: {  	[tilespmem:s26], [sflag:$0x2] =	stream.indirect.gather [hbm4b:s5+s21], $0x90, s24, s21, $0xb8;
	[tilespmem:$0x1C800] =	vst v63  }
0x3a: {  	_ = 	snop  }
0x3b: {  	[tilespmem:s28], [sflag:$0x2] =	stream.indirect.gather [hbm4b:s6+s21], $0x10, s25, s21, $0xb8;
	[tilespmem:$0x1C800] =	vst v63  }
0x3c: {  	_ =	swait.ge [sflag:s29], $0x1680  }
0x3d: {  	[sflag:s29] =	ssyncset.done $0x0  }
0x3e: {  	[sflag:s29] =	ssyncadd.s32 $0xFFFFE980  }
0x3f: {  	_ =	swait.ge [sflag:s29], $0x280  }
0x40: {  	p0 =	seq.s32 s13, $0x0;
	[sflag:s29] =	ssyncset.done $0x0  }
0x41: {  	s10 =	simm.s32 @!p0 $0x3;
	[sflag:s29] =	ssyncadd.s32 $0xFFFFFD80  }
0x42: {  	s23 =	sadd.s32 s9, s17;
	_ =	swait.ge @!p0 [sflag:s10], $0x1680  }
0x43: {  	s11 =	sshrl.u32 s23, $0x3;
	[sflag:s10] =	ssyncset.done @!p0 $0x0  }
0x44: {  	s23 =	simm.s32 $0x0;
	s18 =	sadd.s32 s8, s11;
	[sflag:s10] =	ssyncadd.s32 @!p0 $0xFFFFE980  }
0x45: {  	[tilespmem:s30], [sflag:$0x5] =	stream.linear.gather [hbm4b:s18+s23], $0x28, $0x38;
	[tilespmem:$0x1C800] =	vst v63  }
0x46: {  	s23 =	simm.s32 $0x0  }
0x47: {  	s11 =	simm.s32 $0x240;
	s10 =	simm.s32 $0x2DF0;
	v0 =	vld [tilespmem:s23+$0x170]  }
.LBB2_3:
0x48: {  	p1 =	sne.s32 s11, $0x57C0;
	v1 =	vld [tilespmem:s10+$0x0]  }
0x49: {  	v2 =	vld [tilespmem:$0x5FF0];
	_ =	sdelay $0x3  }
0x4a: {  	v0 =	vadd.f32 v1, v0;
	_ =	sdelay $0x1  }
0x4b: {  	v1 =	vmul.f32 $2.000000030e-01, v0  }
0x4c: {  	vm0 =	vge.f32 v0, $0.0e+00  }
0x4d: {  	v0 =	vsel vm0, v0, v1  }
0x4e: {  	v0 =	vsub.f32 v0, v2;
	_ =	sdelay $0x1  }
0x4f: {  	v0 =	vmul.f32 $1.442695020e+00, v0;
	_ =	sdelay $0x1  }
0x50: {  	(erf) = vpow2.f32 v0;
	_ =	sdelay $0x4  }
0x51: {  	v0 =	vld [tilespmem:s23+$0x130]  }
0x52: {  	v1 =	vld [tilespmem:s23+$0x150]  }
0x53: {  	v2 =	vld [tilespmem:s23+$0x160]  }
0x54: {  	v3 =	vld [tilespmem:s23+$0x140]  }
0x55: {  	v4 =	vld [tilespmem:s23+$0xF0];
	v5 =	vpop (erf)  }
0x56: {  	[tilespmem:s23+$0x3370] =	vst v5;
	v6 =	vld [tilespmem:s23+$0x110];
	v7 =	vbroadcast v5, $0x6;
	v8 =	vbroadcast v5, $0x7  }
0x57: {  	v10 =	vbroadcast v5, $0x4;
	v11 =	vbroadcast v5, $0x5;
	v9 =	vld [tilespmem:s23+$0x120]  }
0x58: {  	v12 =	vld [tilespmem:s23+$0x100];
	v1 =	vmul.f32 v1, v7;
	v2 =	vmul.f32 v2, v8  }
0x59: {  	v0 =	vmul.f32 v0, v10;
	v3 =	vmul.f32 v3, v11  }
0x5a: {  	v7 =	vbroadcast v5, $0x2;
	v8 =	vbroadcast v5, $0x3;
	[tilespmem:s23+$0x3360] =	vst v2  }
0x5b: {  	v2 =	vbroadcast v5, $0x0;
	v5 =	vbroadcast v5, $0x1;
	[tilespmem:s23+$0x3350] =	vst v1  }
0x5c: {  	v1 =	vmul.f32 v7, v6;
	v6 =	vmul.f32 v9, v8;
	[tilespmem:s23+$0x3340] =	vst v3  }
.Ltmp0:
0x5d: {  	v2 =	vmul.f32 v2, v4;
	v3 =	vmul.f32 v5, v12;
	[tilespmem:s23+$0x3330] =	vst v0;
	(pc) =	sbr.rel @p1 .LBB2_3-.Ltmp0, $4  }
0x5e: {  	[tilespmem:s23+$0x3320] =	vst v6  }
0x5f: {  	[tilespmem:s23+$0x3310] =	vst v1  }
0x60: {  	s18 =	sshra.s32 s11, $0x2;
	[tilespmem:s23+$0x3300] =	vst v3  }
0x61: {  	s11 =	sadd.s32 $0x240, s11;
	s10 =	sadd.s32 $0x10, s10;
	v0 =	vld [tilespmem:s18+$0x170];
	[tilespmem:s23+$0x32F0] =	vst v2;
	s23 =	smov.u32 s18  }
0x62: {  	v1 =	vld [tilespmem:s10+$0x0];
	_ =	sdelay $0x4  }
0x63: {  	v2 =	vld [tilespmem:$0x5FF0];
	v0 =	vadd.f32 v1, v0;
	_ =	sdelay $0x1  }
0x64: {  	v1 =	vmul.f32 $2.000000030e-01, v0  }
0x65: {  	vm0 =	vge.f32 v0, $0.0e+00  }
0x66: {  	v0 =	vsel vm0, v0, v1  }
0x67: {  	v0 =	vsub.f32 v0, v2;
	_ =	sdelay $0x1  }
0x68: {  	v0 =	vmul.f32 $1.442695020e+00, v0;
	_ =	sdelay $0x1  }
0x69: {  	(erf) = vpow2.f32 v0;
	_ =	sdelay $0x6  }
0x6a: {  	v2 =	vld [tilespmem:s23+$0x160]  }
0x6b: {  	v1 =	vld [tilespmem:s23+$0x150]  }
0x6c: {  	v3 =	vld [tilespmem:s23+$0x140];
	v5 =	vpop (erf)  }
0x6d: {  	v0 =	vld [tilespmem:s23+$0x130];
	v6 =	vbroadcast v5, $0x7  }
0x6e: {  	v8 =	vld [tilespmem:s23+$0x120];
	v7 =	vbroadcast v5, $0x6  }
0x6f: {  	v9 =	vld [tilespmem:s23+$0x110];
	v10 =	vbroadcast v5, $0x5;
	v2 =	vmul.f32 v2, v6  }
0x70: {  	v11 =	vld [tilespmem:s23+$0x100];
	[tilespmem:s23+$0x3370] =	vst v5;
	v61 =	vbroadcast v5, $0x4;
	v1 =	vmul.f32 v1, v7  }
0x71: {  	v4 =	vld [tilespmem:s23+$0xF0];
	v62 =	vbroadcast v5, $0x3;
	v3 =	vmul.f32 v3, v10;
	[tilespmem:s23+$0x3360] =	vst v2  }
0x72: {  	v0 =	vmul.f32 v0, v61;
	v2 =	vbroadcast v5, $0x2;
	[tilespmem:s23+$0x3350] =	vst v1  }
0x73: {  	v63 =	vmul.f32 v8, v62;
	v1 =	vbroadcast v5, $0x1;
	[tilespmem:s23+$0x3340] =	vst v3  }
0x74: {  	v3 =	vbroadcast v5, $0x0;
	[tilespmem:s23+$0x3330] =	vst v0;
	v2 =	vmul.f32 v2, v9  }
0x75: {  	[tilespmem:s23+$0x3320] =	vst v63;
	v0 =	vmul.f32 v1, v11  }
0x76: {  	v1 =	vmul.f32 v3, v4;
	[tilespmem:s23+$0x3310] =	vst v2  }
0x77: {  	[tilespmem:s23+$0x3300] =	vst v0  }
0x78: {  	[tilespmem:s23+$0x32F0] =	vst v1  }
0x79: {  	p1 =	seq.s32 s13, $0x7C;
	_ =	swait.ge [sflag:s31], $0x28  }
0x7a: {  	s10 =	sadd.s32 @!p1 s17, s15;
	[sflag:s31] =	ssyncset.done $0x0  }
0x7b: {  	s10 =	sshrl.u32 @!p1 s10, $0x3;
	[sflag:s31] =	ssyncadd.s32 $0xFFFFFFD8  }
0x7c: {  	[spmem:s3] =	stream.indirect.scatter.add.f32 [tilespmem:s0], [sflag:$0x3], $0x90, s30, s21, $0xb8;
	[tilespmem:$0x1C800] =	vst v63  }
0x7d: {  	s17 =	simm.s32 @!p1 $0x0;
	s11 =	sadd.s32 @!p1 s7, s10  }
0x7e: {  	[tilespmem:s17], [sflag:$0x7] =	stream.linear.gather @!p1 [hbm4b:s11+s17], $0x28, $0x38;
	[tilespmem:$0x1C800] =	vst v63  }
0x7f: {  	s11 =	simm.s32 @!p1 $0x7  }
0x80: {  	_ =	swait.ge @!p1 [sflag:s11], $0x28  }
0x81: {  	[sflag:s11] =	ssyncset.done @!p1 $0x0  }
0x82: {  	s18 =	simm.s32 @!p1 $0x28;
	s10 =	sadd.s32 @!p1 s8, s10;
	[sflag:s11] =	ssyncadd.s32 @!p1 $0xFFFFFFD8  }
0x83: {  	[tilespmem:s18], [sflag:$0x7] =	stream.linear.gather @!p1 [hbm4b:s10+s17], $0x28, $0x38;
	[tilespmem:$0x1C800] =	vst v63  }
0x84: {  	_ =	swait.ge @!p1 [sflag:s11], $0x28  }
0x85: {  	[sflag:s11] =	ssyncset.done @!p1 $0x0  }
0x86: {  	s10 =	simm.s32 @!p1 $0xF0;
	[sflag:s11] =	ssyncadd.s32 @!p1 $0xFFFFFFD8  }
0x87: {  	[tilespmem:s10], [sflag:$0x1] =	stream.indirect.gather @!p1 [hbm4b:s5+s18], $0x90, s17, s18, $0xb8;
	[tilespmem:$0x1C800] =	vst v63  }
0x88: {  	s10 =	simm.s32 @!p1 $0x2DF0  }
0x89: {  	[tilespmem:s10], [sflag:$0x1] =	stream.indirect.gather @!p1 [hbm4b:s6+s18], $0x10, s18, s18, $0xb8;
	[tilespmem:$0x1C800] =	vst v63  }
0x8a: {  	_ =	swait.ge [sflag:s2], $0x1680  }
0x8b: {  	[sflag:s2] =	ssyncset.done $0x0  }
0x8c: {  	[sflag:s2] =	ssyncadd.s32 $0xFFFFE980  }
0x8d: {  	_ =	swait.ge [sflag:s2], $0x280  }
0x8e: {  	[sflag:s2] =	ssyncset.done $0x0  }
0x8f: {  	s10 =	simm.s32 @!p0 $0x4;
	[sflag:s2] =	ssyncadd.s32 $0xFFFFFD80  }
0x90: {  	_ =	swait.ge @!p0 [sflag:s10], $0x1680  }
0x91: {  	[sflag:s10] =	ssyncset.done @!p0 $0x0  }
0x92: {  	s23 =	simm.s32 $0x0;
	[sflag:s10] =	ssyncadd.s32 @!p0 $0xFFFFE980  }
0x93: {  	[tilespmem:s1], [sflag:$0x6] =	stream.linear.gather [hbm4b:s16+s23], $0x28, $0x38;
	[tilespmem:$0x1C800] =	vst v63  }
0x94: {  	s16 =	simm.s32 $0x0  }
0x95: {  	s11 =	simm.s32 $0x240;
	s10 =	simm.s32 $0x3070;
	v0 =	vld [tilespmem:s16+$0x17F0]  }
.LBB2_5:
0x96: {  	p0 =	sne.s32 s11, $0x57C0;
	v1 =	vld [tilespmem:s10+$0x0]  }
0x97: {  	v2 =	vld [tilespmem:$0x5FF0];
	_ =	sdelay $0x3  }
0x98: {  	v0 =	vadd.f32 v1, v0;
	_ =	sdelay $0x1  }
0x99: {  	v1 =	vmul.f32 $2.000000030e-01, v0  }
0x9a: {  	vm0 =	vge.f32 v0, $0.0e+00  }
0x9b: {  	v0 =	vsel vm0, v0, v1  }
0x9c: {  	v0 =	vsub.f32 v0, v2;
	_ =	sdelay $0x1  }
0x9d: {  	v0 =	vmul.f32 $1.442695020e+00, v0;
	_ =	sdelay $0x1  }
0x9e: {  	(erf) = vpow2.f32 v0;
	_ =	sdelay $0x4  }
0x9f: {  	v0 =	vld [tilespmem:s16+$0x17B0]  }
0xa0: {  	v1 =	vld [tilespmem:s16+$0x17D0]  }
0xa1: {  	v2 =	vld [tilespmem:s16+$0x17E0]  }
0xa2: {  	v3 =	vld [tilespmem:s16+$0x17C0]  }
0xa3: {  	v4 =	vld [tilespmem:s16+$0x1770];
	v5 =	vpop (erf)  }
0xa4: {  	[tilespmem:s16+$0x49F0] =	vst v5;
	v6 =	vld [tilespmem:s16+$0x1790];
	v7 =	vbroadcast v5, $0x6;
	v8 =	vbroadcast v5, $0x7  }
0xa5: {  	v10 =	vbroadcast v5, $0x4;
	v11 =	vbroadcast v5, $0x5;
	v9 =	vld [tilespmem:s16+$0x17A0]  }
0xa6: {  	v12 =	vld [tilespmem:s16+$0x1780];
	v1 =	vmul.f32 v1, v7;
	v2 =	vmul.f32 v2, v8  }
0xa7: {  	v0 =	vmul.f32 v0, v10;
	v3 =	vmul.f32 v3, v11  }
0xa8: {  	v7 =	vbroadcast v5, $0x2;
	v8 =	vbroadcast v5, $0x3;
	[tilespmem:s16+$0x49E0] =	vst v2  }
0xa9: {  	v2 =	vbroadcast v5, $0x0;
	v5 =	vbroadcast v5, $0x1;
	[tilespmem:s16+$0x49D0] =	vst v1  }
0xaa: {  	v1 =	vmul.f32 v7, v6;
	v6 =	vmul.f32 v9, v8;
	[tilespmem:s16+$0x49C0] =	vst v3  }
.Ltmp1:
0xab: {  	v2 =	vmul.f32 v2, v4;
	v3 =	vmul.f32 v5, v12;
	[tilespmem:s16+$0x49B0] =	vst v0;
	(pc) =	sbr.rel @p0 .LBB2_5-.Ltmp1, $4  }
0xac: {  	[tilespmem:s16+$0x49A0] =	vst v6  }
0xad: {  	[tilespmem:s16+$0x4990] =	vst v1  }
0xae: {  	s17 =	sshra.s32 s11, $0x2;
	[tilespmem:s16+$0x4980] =	vst v3  }
0xaf: {  	s11 =	sadd.s32 $0x240, s11;
	s10 =	sadd.s32 $0x10, s10;
	v0 =	vld [tilespmem:s17+$0x17F0];
	[tilespmem:s16+$0x4970] =	vst v2;
	s16 =	smov.u32 s17  }
0xb0: {  	v1 =	vld [tilespmem:s10+$0x0];
	_ =	sdelay $0x4  }
0xb1: {  	v2 =	vld [tilespmem:$0x5FF0];
	v0 =	vadd.f32 v1, v0;
	_ =	sdelay $0x1  }
0xb2: {  	v1 =	vmul.f32 $2.000000030e-01, v0  }
0xb3: {  	vm0 =	vge.f32 v0, $0.0e+00  }
0xb4: {  	v0 =	vsel vm0, v0, v1  }
0xb5: {  	v0 =	vsub.f32 v0, v2;
	_ =	sdelay $0x1  }
0xb6: {  	v0 =	vmul.f32 $1.442695020e+00, v0;
	_ =	sdelay $0x1  }
0xb7: {  	(erf) = vpow2.f32 v0;
	_ =	sdelay $0x6  }
0xb8: {  	v55 =	vld [tilespmem:s16+$0x17E0]  }
0xb9: {  	v54 =	vld [tilespmem:s16+$0x17D0]  }
0xba: {  	v3 =	vld [tilespmem:s16+$0x17C0];
	v5 =	vpop (erf)  }
0xbb: {  	v53 =	vld [tilespmem:s16+$0x17B0];
	v6 =	vbroadcast v5, $0x7  }
0xbc: {  	v8 =	vld [tilespmem:s16+$0x17A0];
	v7 =	vbroadcast v5, $0x6  }
0xbd: {  	v11 =	vld [tilespmem:s16+$0x1780];
	v10 =	vbroadcast v5, $0x5;
	v2 =	vmul.f32 v55, v6  }
0xbe: {  	v4 =	vld [tilespmem:s16+$0x1770];
	[tilespmem:s16+$0x49F0] =	vst v5;
	v56 =	vbroadcast v5, $0x4;
	v1 =	vmul.f32 v54, v7  }
0xbf: {  	v9 =	vld [tilespmem:s16+$0x1790];
	v57 =	vbroadcast v5, $0x3;
	v3 =	vmul.f32 v3, v10;
	[tilespmem:s16+$0x49E0] =	vst v2  }
0xc0: {  	v59 =	vbroadcast v5, $0x1;
	v0 =	vmul.f32 v53, v56;
	[tilespmem:s16+$0x49D0] =	vst v1  }
0xc1: {  	v61 =	vbroadcast v5, $0x0;
	v60 =	vmul.f32 v8, v57;
	[tilespmem:s16+$0x49C0] =	vst v3  }
0xc2: {  	v58 =	vbroadcast v5, $0x2;
	v62 =	vmul.f32 v59, v11;
	[tilespmem:s16+$0x49B0] =	vst v0  }
0xc3: {  	v63 =	vmul.f32 v61, v4;
	[tilespmem:s16+$0x49A0] =	vst v60  }
0xc4: {  	s13 =	sadd.s32 $0x1, s13;
	v2 =	vmul.f32 v58, v9;
	[tilespmem:s16+$0x4980] =	vst v62  }
0xc5: {  	p0 =	sne.s32 s13, $0x7D;
	[tilespmem:s16+$0x4970] =	vst v63  }
.Ltmp2:
0xc6: {  	[tilespmem:s16+$0x4990] =	vst v2;
	(pc) =	sbr.rel @p0 .LBB2_2-.Ltmp2, $4  }
0xc7: {  	_ =	swait.ge [sflag:s20], $0x28  }
0xc8: {  	[sflag:s20] =	ssyncset.done $0x0  }
0xc9: {  	[sflag:s20] =	ssyncadd.s32 $0xFFFFFFD8  }
0xca: {  	[spmem:s3] =	stream.indirect.scatter.add.f32 [tilespmem:s22], [sflag:$0x4], $0x90, s1, s21, $0xb8;
	[tilespmem:$0x1C800] =	vst v63  }
0xcb: {  	s10 =	simm.s32 $0x3  }
0xcc: {  	_ =	swait.ge [sflag:s10], $0x1680  }
0xcd: {  	[sflag:s10] =	ssyncset.done $0x0  }
0xce: {  	s17 =	simm.s32 $0x4;
	[sflag:s10] =	ssyncadd.s32 $0xFFFFE980  }
0xcf: {  	_ =	swait.ge [sflag:s17], $0x1680  }
0xd0: {  	[sflag:s17] =	ssyncset.done $0x0  }
0xd1: {  	[sflag:s17] =	ssyncadd.s32 $0xFFFFE980  }
0xd2: {  	[bflag:$0x0] =	sbarrier.arrive $0xFFFF  }
0xd3: {  	s11 =	rddreg [dreg:$0x5]  }
0xd4: {  	s18 =	rddreg [dreg:$0x8]  }
0xd5: {  	s13 =	rddreg [dreg:$0xa]  }
0xd6: {  	[hbm:s18], [sflag:s11] =	dma.local [spmem:s13], $0x2D00  }
0xd7: {  	_ =	swait.ge [sflag:s19], $0x2D00  }
0xd8: {  	s12 =	sadd.s32 $0x1, s12;
	s23 =	rddreg [dreg:$0x9]  }
0xd9: {  	p0 =	sne.s32 s12, s23  }
.Ltmp3:
0xda: {  	_ = 	snop;
	(pc) =	sbr.rel @p0 .LBB2_1-.Ltmp3, $3  }
0xdb: {  	_ =	sdelay $0x1  }
0xdc: {  	[sflag:s19] =	ssyncset.done $0x0  }
0xdd: {  	[sflag:s19] =	ssyncadd.s32 $0xFFFFD300  }
0xde: {  	_ =	sfence.sel $0x180000  }
0xdf: {  	[bflag:$0x0] =	sbarrier.arrive $0xFFFF  }
0xe0: {  	_ =	strace $0x9000004D  }
0xe1: {  	s0 =	stileid.u32;
	[bflag:$0x2] =	sbarrier.arrive $0xFFFF  }
0xe2: {  	p0 =	sne.s32 s0, $0x0;
	s0 =	rddreg [dreg:$0x3]  }
0xe3: {  	s0 =	sadd.s32 @!p0 $0x100000, s0  }
0xe4: {  	[sflag:s0] =	ssyncadd.tile.s32 @!p0 $0x1;
	_ =	shalt  }
.Lfunc_end2:
_tile_overlayer_lowered:
.L_overlay_start_2:
0xe5: {  	(tag) =	ssettag $0x2  }
0xe6: {  	s0 =	rddreg [dreg:$0x0];
	s2 =	stileid.u32  }
0xe7: {  	s1 =	rddreg [dreg:$0x1];
	p0 =	sne.s32 s2, $0x0  }
0xe8: {  	s3 =	rddreg [dreg:$0x2];
	[bflag:$0x3] =	sbarrier.arrive $0xFFFF;
	s2 =	simm.s32 @!p0 $0x1C07  }
0xe9: {  	[timem:s3], [sflag:s2] =	dma.local @!p0 [hbm:s0], s1  }
0xea: {  	s0 =	simm.s32 @!p0 $0x7  }
0xeb: {  	_ =	swait.ge @!p0 [sflag:s0], s1  }
0xec: {  	s1 =	ssub.s32 @!p0 $0x0, s1;
	[sflag:s0] =	ssyncset.done @!p0 $0x0  }
0xed: {  	[sflag:s0] =	ssyncadd.s32 @!p0 s1  }
0xee: {  	[bflag:$0x3] =	sbarrier.arrive $0xFFFF  }
0xef: {  	_ =	shalt  }

// kernel: kernel.20.cloned.1.call-start
scs
__scs_entry_jumppad:
0x0: {  	(pc) =	sbr.rel $0x88, $3  }
0x1: {  	(tag) =	ssettag $0x0;
	lr =	simm.s32 $0x1  }
0x2: {  	[smem:$0x3F89] =	sst lr;
	_ =	strace $0xD0000000  }
0x3: {  	_ = 	snop  }
0x4: {  	_ = 	snop  }
0x5: {  	_ = 	snop  }
0x6: {  	_ = 	snop  }
0x7: {  	_ = 	snop  }
__scs_overlays_trampoline_lowered:
0x8: {  	[smem:$0x3F98] =	sst s0  }
0x9: {  	[smem:$0x3F99] =	sst s1  }
0xa: {  	[smem:$0x3F9A] =	sst s2  }
0xb: {  	[smem:$0x3F9B] =	sst s3  }
0xc: {  	[smem:$0x3F9C] =	sst s4  }
0xd: {  	[smem:$0x3F9D] =	sst s5  }
0xe: {  	[smem:$0x3F9E] =	sst s6  }
0xf: {  	[smem:$0x3F9F] =	sst s7  }
0x10: {  	[smem:$0x3FA0] =	sst s8  }
0x11: {  	[smem:$0x3FA1] =	sst s9;
	s0 =	simm.s32 @!p0 $0x0  }
0x12: {  	s1 =	sld [smem:$0x3F87];
	s0 =	simm.s32 @p0 $0x1  }
0x13: {  	[smem:$0x3FA2] =	sst s0;
	s0 =	simm.s32 @!p1 $0x0  }
0x14: {  	s2 =	sld [smem:$0x3F86];
	s0 =	simm.s32 @p1 $0x1  }
0x15: {  	[smem:$0x3FA3] =	sst s0;
	s0 =	simm.s32 @!p2 $0x0  }
0x16: {  	s3 =	sld [smem:$0x3FDB];
	s0 =	simm.s32 @p2 $0x1  }
0x17: {  	s4 =	simm.s32 $0x1BF5;
	[smem:$0x3FA5] =	sst s0  }
0x18: {  	s0 =	sld [smem:$0x3F88];
	_ =	swait.ge [sflag:s4], $0x0  }
0x19: {  	s7 =	sld [smem:$0x3F89]  }
0x1a: {  	s8 =	sadd.s32 $0xFFFFE003, lr  }
0x1b: {  	s9 =	sadd.s32 $0xFFFFFEF7, lr;
	s5 =	simm.s32 $0xFFFFFFFF;
	p2 =	slt.u32 s8, $0xFFFFF086  }
0x1c: {  	p1 =	slt.u32 s9, $0xF7A;
	s5 =	simm.s32 @!p2 $0x0  }
0x1d: {  	s5 =	simm.s32 @p1 $0x1;
	p0 =	seq.s32 s7, s2  }
0x1e: {  	s7 =	smul.u32 @!p0 $0xF7A, s2;
	p2 =	seq.s32 @!p0 s5, $0x0  }
0x1f: {  	s9 =	smul.u32 $0xF7A, s1;
	s8 =	simm.s32 @!p0 $0x1BF5;
	p2 =	por !p2, p0  }
0x20: {  	[sflag:s8] =	ssyncset.s32 @!p0 $0xFFFFF086;
	s6 =	sadd.s32 @!p0 s3, s7;
	s7 =	simm.s32 @!p0 $0x108  }
0x21: {  	s3 =	sadd.s32 s3, s9;
	s6 =	sadd.s32 @!p0 $0x88, s6;
	s7 =	simm.s32 @p2 $0x1082  }
0x22: {  	[simem:s7], [sflag:s8] =	dma.local @!p0 [hbm:s6], $0xF7A  }
0x23: {  	s9 =	sor.u32 $0xD0000000, s2;
	s6 =	simm.s32 $0x108;
	_ =	swait.ge @!p0 [sflag:s8], $0x0  }
0x24: {  	s3 =	sadd.s32 $0x88, s3;
	s6 =	simm.s32 @!p1 $0x1082;
	[sflag:s4] =	ssyncset.s32 $0xFFFFF086  }
0x25: {  	[simem:s6], [sflag:s4] =	dma.local [hbm:s3], $0xF7A  }
0x26: {  	[smem:$0x3F89] =	sst s1;
	(tag) =	ssettag s2;
	_ =	strace s9  }
0x27: {  	s1 =	sld [smem:$0x3F99]  }
0x28: {  	s2 =	sld [smem:$0x3F9A]  }
0x29: {  	s4 =	sld [smem:$0x3F9C]  }
0x2a: {  	p0 =	seq.s32 s5, $0x0;
	s5 =	sld [smem:$0x3F9D]  }
0x2b: {  	s6 =	sld [smem:$0x3F9E]  }
0x2c: {  	s7 =	sld [smem:$0x3F9F]  }
0x2d: {  	s3 =	simm.s32 $0x108;
	s8 =	sld [smem:$0x3FA0]  }
0x2e: {  	s3 =	simm.s32 @!p0 $0x1082;
	s9 =	sld [smem:$0x3FA1]  }
0x2f: {  	lr =	sadd.s32 s0, s3;
	s0 =	sld [smem:$0x3F98]  }
0x30: {  	s3 =	sld [smem:$0x3F9B]  }
0x31: {  	[smem:$0x3FA4] =	sst s10  }
0x32: {  	s10 =	sld [smem:$0x3FA2];
	_ =	sdelay $0x3  }
0x33: {  	p0 =	seq.s32 s10, $0x1;
	s10 =	sld [smem:$0x3FA4];
	_ =	sdelay $0x3  }
0x34: {  	[smem:$0x3FA4] =	sst s10  }
0x35: {  	s10 =	sld [smem:$0x3FA3];
	_ =	sdelay $0x3  }
0x36: {  	p1 =	seq.s32 s10, $0x1;
	s10 =	sld [smem:$0x3FA4];
	_ =	sdelay $0x3  }
0x37: {  	[smem:$0x3FA4] =	sst s10  }
0x38: {  	s10 =	sld [smem:$0x3FA5]  }
0x39: {  	_ = 	snop;
	(pc) =	sbr.ind lr, $3  }
0x3a: {  	_ = 	snop  }
0x3b: {  	_ = 	snop  }
0x3c: {  	p2 =	seq.s32 s10, $0x1;
	s10 =	sld [smem:$0x3FA4]  }
0x3d: {  	_ =	shalt  }
0x3e: {  	_ =	shalt  }
0x3f: {  	_ =	shalt  }
0x40: {  	_ =	shalt  }
0x41: {  	_ =	shalt  }
0x42: {  	_ =	shalt  }
0x43: {  	_ =	shalt  }
0x44: {  	_ =	shalt  }
0x45: {  	_ =	shalt  }
0x46: {  	_ =	shalt  }
0x47: {  	_ =	shalt  }
0x48: {  	_ =	shalt  }
0x49: {  	_ =	shalt  }
0x4a: {  	_ =	shalt  }
0x4b: {  	_ =	shalt  }
0x4c: {  	_ =	shalt  }
0x4d: {  	_ =	shalt  }
0x4e: {  	_ =	shalt  }
0x4f: {  	_ =	shalt  }
0x50: {  	_ =	shalt  }
0x51: {  	_ =	shalt  }
0x52: {  	_ =	shalt  }
0x53: {  	_ =	shalt  }
0x54: {  	_ =	shalt  }
0x55: {  	_ =	shalt  }
0x56: {  	_ =	shalt  }
0x57: {  	_ =	shalt  }
0x58: {  	_ =	shalt  }
0x59: {  	_ =	shalt  }
0x5a: {  	_ =	shalt  }
0x5b: {  	_ =	shalt  }
0x5c: {  	_ =	shalt  }
0x5d: {  	_ =	shalt  }
0x5e: {  	_ =	shalt  }
0x5f: {  	_ =	shalt  }
0x60: {  	_ =	shalt  }
0x61: {  	_ =	shalt  }
0x62: {  	_ =	shalt  }
0x63: {  	_ =	shalt  }
0x64: {  	_ =	shalt  }
0x65: {  	_ =	shalt  }
0x66: {  	_ =	shalt  }
0x67: {  	_ =	shalt  }
0x68: {  	_ =	shalt  }
0x69: {  	_ =	shalt  }
0x6a: {  	_ =	shalt  }
0x6b: {  	_ =	shalt  }
0x6c: {  	_ =	shalt  }
0x6d: {  	_ =	shalt  }
0x6e: {  	_ =	shalt  }
0x6f: {  	_ =	shalt  }
0x70: {  	_ =	shalt  }
0x71: {  	_ =	shalt  }
0x72: {  	_ =	shalt  }
0x73: {  	_ =	shalt  }
0x74: {  	_ =	shalt  }
0x75: {  	_ =	shalt  }
0x76: {  	_ =	shalt  }
0x77: {  	_ =	shalt  }
0x78: {  	_ =	shalt  }
0x79: {  	_ =	shalt  }
0x7a: {  	_ =	shalt  }
0x7b: {  	_ =	shalt  }
0x7c: {  	_ =	shalt  }
0x7d: {  	_ =	shalt  }
0x7e: {  	_ =	shalt  }
0x7f: {  	_ =	shalt  }
0x80: {  	_ =	shalt  }
0x81: {  	_ =	shalt  }
0x82: {  	_ =	shalt  }
0x83: {  	_ =	shalt  }
0x84: {  	_ =	shalt  }
0x85: {  	_ =	shalt  }
0x86: {  	_ =	shalt  }
0x87: {  	_ =	shalt  }
.Lfunc_end0:
.L_simem_size_0:
called_computation.3_lowered:
.L_overlay_start_0:
0x88: {  	s2 =	sld [smem:$0x3FD9]  }
0x89: {  	s3 =	sld [smem:$0x3FFE];
	_ =	sdelay $0x1  }
0x8a: {  	s1 =	srdreg.scid  }
0x8b: {  	s0 =	sand.u32 $0x1, s1  }
0x8c: {  	s17 =	sshll.u32 s0, $0xA;
	s2 =	sadd.s32 s3, s2  }
0x8d: {  	s2 =	sadd.s32 s2, s17  }
0x8e: {  	[smem:$0x3FB0] =	sst s2  }
0x8f: {  	_ = 	snop  }
0x90: {  	s2 =	sld [smem:$0x3FD0];
	(tm) =	ssettm $0x1  }
0x91: {  	s18 =	sld [smem:$0x3FFB];
	_ =	sdelay $0x3  }
0x92: {  	_ =	strace s18  }
0x93: {  	s3 =	sld [smem:$0x3FFC];
	_ =	sdelay $0x3  }
0x94: {  	_ =	strace s3  }
0x95: {  	s3 =	sld [smem:$0x3FFD];
	_ =	sdelay $0x3  }
0x96: {  	_ =	strace s3  }
0x97: {  	_ =	strace $0x8FFFFFFF  }
0x98: {  	s19 =	sld [smem:$0x3FDB];
	_ =	sdelay $0x1  }
0x99: {  	s4 =	simm.s32 $_scs_section_size  }
0x9a: {  	s5 =	simm.s32 $_size__tile_overlayer_lowered;
	s6 =	simm.s32 $_tile_overlayer_lowered  }
0x9b: {  	s22 =	simm.s32 $0x1BFF;
	s21 =	sshll.u32 s6, $0x1;
	s3 =	sadd.s32 s4, s19  }
0x9c: {  	s7 =	simm.s32 $0x0;
	s20 =	sshll.u32 s5, $0x1;
	s5 =	sadd.s32 s21, s3  }
0x9d: {  	[timem:s7], [sflag:s22] =	dma.local [hbm:s5], s20  }
0x9e: {  	_ =	swait.ge [sflag:s22], s20  }
0x9f: {  	s4 =	ssub.s32 $0x0, s20;
	[sflag:s22] =	ssyncset.done $0x0  }
0xa0: {  	[sflag:s22] =	ssyncadd.s32 s4;
	_ =	sdelay $0x1  }
0xa1: {  	s23 =	simm.s32 $0x1B8B  }
0xa2: {  	_ =	swait.ge [sflag:s23], $0x1  }
0xa3: {  	[sflag:s23] =	ssyncset.done $0x0  }
0xa4: {  	s25 =	simm.s32 $0x1B8E;
	s24 =	sld [smem:$0x3FFE];
	[sflag:s23] =	ssyncadd.s32 $0xFFFFFFFF  }
0xa5: {  	s26 =	simm.s32 $execute0_lowered;
	[smem:$0x3FD2] =	sst s25  }
0xa6: {  	s5 =	sshll.u32 s26, $0x1;
	_ =	strace $0x8000004F;
	[dreg:$0x1] =	wrdreg $0xFFFFFFFF  }
0xa7: {  	s28 =	simm.s32 $_size_execute0_lowered;
	s3 =	sadd.s32 s3, s5;
	[dreg:$0x0] =	wrdreg $0x0  }
0xa8: {  	s5 =	sshll.u32 s28, $0x1;
	[dreg:$0x2] =	wrdreg s3  }
0xa9: {  	[dreg:$0x3] =	wrdreg s5  }
0xaa: {  	[dreg:$0x4] =	wrdreg $0xC0  }
0xab: {  	_ =	task [dreg:s7], $0x5FFFF  }
0xac: {  	[dreg:$0x1] =	wrdreg $0xFFFFFFFF  }
0xad: {  	[dreg:$0x0] =	wrdreg $0x60  }
0xae: {  	[dreg:$0x2] =	wrdreg s24  }
0xaf: {  	[dreg:$0x3] =	wrdreg s2  }
0xb0: {  	[dreg:$0x4] =	wrdreg $0x60000  }
0xb1: {  	[dreg:$0x5] =	wrdreg $0x9  }
0xb2: {  	_ =	task.clear_ibuf [dreg:s7], $0x6FFFF;
	_ =	strace $0x9000004F  }
0xb3: {  	s29 =	simm.s32 $0x9;
	_ =	strace $0x80000051  }
0xb4: {  	_ =	swait.ge [sflag:s29], $0x1  }
0xb5: {  	[sflag:s29] =	ssyncadd.s32 $0xFFFFFFFF  }
0xb6: {  	_ =	strace $0x90000051  }
0xb7: {  	_ =	sfence  }
0xb8: {  	s30 =	sld [smem:$0x0];
	_ =	sdelay $0x2  }
0xb9: {  	s31 =	sshll.u32 s1, $0xD;
	s1 =	sshrl.u32 s1, $0x2  }
0xba: {  	s3 =	sand.u32 $0x4000, s31;
	s1 =	sadd.s32 s1, s30  }
0xbb: {  	s0 =	sor.u32 s3, s0;
	s1 =	sshll.u32 s1, $0x11  }
0xbc: {  	s0 =	sor.u32 s1, s0  }
0xbd: {  	s0 =	sadd.s32 $0x8F2B, s0  }
0xbe: {  	[sflag:s0] =	ssyncadd.remote.s32 $0x1  }
0xbf: {  	_ =	sfence.sel $0xFFFF  }
0xc0: {  	[dreg:$0x0] =	wrdreg $0xFFFFFFFF;
	(pc) =	sbr.abs _section_cstart, $3  }
0xc1: {  	[dreg:$0x1] =	wrdreg $0xFFFFFFFF  }
0xc2: {  	_ =	task.clear_ibuf [dreg:s7], $0x2FFFF;
	_ =	strace $0x9FFFFFFF  }
0xc3: {  	(tm) =	ssettm $0x7FFFFFFF  }
tec
execute0_lowered:
.L_overlay_start_1:
0x0: {  	(tag) =	ssettag $0x1  }
0x1: {  	s0 =	rddreg [dreg:$0x0]  }
0x2: {  	s3 =	rddreg [dreg:$0x2]  }
0x3: {  	s4 =	simm.s32 $0x0;
	s13 =	stileid.u32;
	s1 =	srdreg.scid  }
0x4: {  	s19 =	simm.s32 $0x7;
	s28 =	simm.s32 $0x3070;
	s29 =	simm.s32 $0x1  }
0x5: {  	s30 =	simm.s32 $0xA0;
	s31 =	simm.s32 $0x5;
	s20 =	simm.s32 $0x6  }
0x6: {  	[smem:$0x7FF] =	sst s4;
	s2 =	smul.u32 $0x16800, s13;
	s1 =	sand.u32 $0x1, s1  }
0x7: {  	s5 =	sadd.s32 $0x99800, s0;
	s6 =	sadd.s32 $0x3C00, s0;
	s7 =	sadd.s32 $0x12A00, s0  }
0x8: {  	s8 =	sadd.s32 $0x8C00, s0;
	s11 =	sshll.u32 s13, $0x1;
	s23 =	sshll.u32 s13, $0x6  }
0x9: {  	_ =	strace $0x80000050;
	s9 =	smul.u32 $0x168000, s1;
	s12 =	ssub.s32 $0x2, s1  }
0xa: {  	s1 =	sor.u32 s1, s11;
	s11 =	sor.u32 $0x1C07, s23;
	s10 =	sshrl.u32 s2, $0x3  }
0xb: {  	s21 =	sshrl.u32 s12, $0x1;
	[dreg:$0x5] =	wrdreg s11;
	s10 =	sadd.s32 s10, s0  }
0xc: {  	s9 =	sadd.s32 s2, s9;
	s22 =	ssub.s32 s12, s21;
	s2 =	sadd.s32 s2, s3  }
0xd: {  	s21 =	simm.s32 $0x28;
	s12 =	simm.s32 $0x0;
	s9 =	sshrl.u32 s9, $0x3  }
0xe: {  	s10 =	sadd.s32 $0x1C800, s10;
	s26 =	smax.u32 s22, $0x1;
	s13 =	sshrl.u32 s2, $0x3  }
0xf: {  	s2 =	simm.s32 $0x2;
	s22 =	simm.s32 $0x4970;
	[dreg:$0x4] =	wrdreg s10  }
0x10: {  	s0 =	sadd.s32 s9, s0;
	s9 =	smul.u32 $0x2710, s1;
	[dreg:$0x9] =	wrdreg s26  }
0x11: {  	s26 =	simm.s32 $0x1770;
	s1 =	simm.s32 $0xC8;
	[dreg:$0xa] =	wrdreg s13  }
0x12: {  	s0 =	sadd.s32 $0xC6800, s0;
	s24 =	sshrl.u32 s9, $0x3;
	s14 =	sadd.s32 $0x28, s9  }
0x13: {  	s15 =	sadd.s32 $0x50, s9;
	[dreg:$0x8] =	wrdreg s0;
	s25 =	sadd.s32 s7, s24  }
0x14: {  	s0 =	simm.s32 $0x32F0;
	s10 =	sadd.s32 s8, s24;
	[dreg:$0x6] =	wrdreg s25  }
0x15: {  	s24 =	simm.s32 $0x50;
	[dreg:$0x7] =	wrdreg s10;
	s25 =	simm.s32 $0x78  }
.LBB2_1:
0x16: {  	s10 =	rddreg [dreg:$0x4]  }
0x17: {  	[spmem:s13], [sflag:s11] =	dma.local [hbm:s10], $0x2D00  }
0x18: {  	_ =	swait.ge [sflag:s19], $0x2D00  }
0x19: {  	[sflag:s19] =	ssyncset.done $0x0  }
0x1a: {  	[sflag:s19] =	ssyncadd.s32 $0xFFFFD300  }
0x1b: {  	s13 =	simm.s32 $0x5FF0;
	s11 =	rddreg [dreg:$0x1]  }
0x1c: {  	[tilespmem:s13], [sflag:$0x7] =	stream.linear.gather [hbm4b:s11+s4], $0x10, $0x38;
	[tilespmem:$0x1C800] =	vst v63  }
0x1d: {  	_ =	swait.ge [sflag:s19], $0x10  }
0x1e: {  	[sflag:s19] =	ssyncset.done $0x0  }
0x1f: {  	[sflag:s19] =	ssyncadd.s32 $0xFFFFFFF0  }
0x20: {  	[bflag:$0x0] =	sbarrier.arrive $0xFFFF  }
0x21: {  	s16 =	rddreg [dreg:$0x6]  }
0x22: {  	[tilespmem:s4], [sflag:$0x7] =	stream.linear.gather [hbm4b:s16+s4], $0x28, $0x38;
	[tilespmem:$0x1C800] =	vst v63  }
0x23: {  	_ =	swait.ge [sflag:s19], $0x28  }
0x24: {  	[sflag:s19] =	ssyncset.done $0x0  }
0x25: {  	s17 =	rddreg [dreg:$0x7];
	[sflag:s19] =	ssyncadd.s32 $0xFFFFFFD8  }
0x26: {  	[tilespmem:s21], [sflag:$0x7] =	stream.linear.gather [hbm4b:s17+s4], $0x28, $0x38;
	[tilespmem:$0x1C800] =	vst v63  }
0x27: {  	_ =	swait.ge [sflag:s19], $0x28  }
0x28: {  	[sflag:s19] =	ssyncset.done $0x0  }
0x29: {  	s18 =	simm.s32 $0xF0;
	[sflag:s19] =	ssyncadd.s32 $0xFFFFFFD8  }
0x2a: {  	[tilespmem:s18], [sflag:$0x1] =	stream.indirect.gather [hbm4b:s5+s21], $0x90, s4, s21, $0xb8;
	[tilespmem:$0x1C800] =	vst v63  }
0x2b: {  	s23 =	simm.s32 $0x2DF0;
	s13 =	simm.s32 $0x0  }
0x2c: {  	[tilespmem:s23], [sflag:$0x1] =	stream.indirect.gather [hbm4b:s6+s21], $0x10, s21, s21, $0xb8;
	[tilespmem:$0x1C800] =	vst v63  }
.LBB2_2:
0x2d: {  	s17 =	smul.u32 $0x50, s13;
	_ =	sdelay $0x1  }
0x2e: {  	s10 =	sadd.s32 s17, s14  }
0x2f: {  	s10 =	sshrl.u32 s10, $0x3  }
0x30: {  	s11 =	sadd.s32 s7, s10  }
0x31: {  	[tilespmem:s24], [sflag:$0x7] =	stream.linear.gather [hbm4b:s11+s4], $0x28, $0x38;
	[tilespmem:$0x1C800] =	vst v63  }
0x32: {  	_ =	swait.ge [sflag:s19], $0x28  }
0x33: {  	[sflag:s19] =	ssyncset.done $0x0  }
0x34: {  	s16 =	sadd.s32 s8, s10;
	[sflag:s19] =	ssyncadd.s32 $0xFFFFFFD8  }
0x35: {  	[tilespmem:s25], [sflag:$0x7] =	stream.linear.gather [hbm4b:s16+s4], $0x28, $0x38;
	[tilespmem:$0x1C800] =	vst v63  }
0x36: {  	_ =	swait.ge [sflag:s19], $0x28  }
0x37: {  	[sflag:s19] =	ssyncset.done $0x0  }
0x38: {  	[sflag:s19] =	ssyncadd.s32 $0xFFFFFFD8  }
0x39: {  	[tilespmem:s26], [sflag:$0x2] =	stream.indirect.gather [hbm4b:s5+s21], $0x90, s24, s21, $0xb8;
	[tilespmem:$0x1C800] =	vst v63  }
0x3a: {  	_ = 	snop  }
0x3b: {  	[tilespmem:s28], [sflag:$0x2] =	stream.indirect.gather [hbm4b:s6+s21], $0x10, s25, s21, $0xb8;
	[tilespmem:$0x1C800] =	vst v63  }
0x3c: {  	_ =	swait.ge [sflag:s29], $0x1680  }
0x3d: {  	[sflag:s29] =	ssyncset.done $0x0  }
0x3e: {  	[sflag:s29] =	ssyncadd.s32 $0xFFFFE980  }
0x3f: {  	_ =	swait.ge [sflag:s29], $0x280  }
0x40: {  	p0 =	seq.s32 s13, $0x0;
	[sflag:s29] =	ssyncset.done $0x0  }
0x41: {  	s10 =	simm.s32 @!p0 $0x3;
	[sflag:s29] =	ssyncadd.s32 $0xFFFFFD80  }
0x42: {  	s23 =	sadd.s32 s9, s17;
	_ =	swait.ge @!p0 [sflag:s10], $0x1680  }
0x43: {  	s11 =	sshrl.u32 s23, $0x3;
	[sflag:s10] =	ssyncset.done @!p0 $0x0  }
0x44: {  	s23 =	simm.s32 $0x0;
	s18 =	sadd.s32 s8, s11;
	[sflag:s10] =	ssyncadd.s32 @!p0 $0xFFFFE980  }
0x45: {  	[tilespmem:s30], [sflag:$0x5] =	stream.linear.gather [hbm4b:s18+s23], $0x28, $0x38;
	[tilespmem:$0x1C800] =	vst v63  }
0x46: {  	s23 =	simm.s32 $0x0  }
0x47: {  	s11 =	simm.s32 $0x240;
	s10 =	simm.s32 $0x2DF0;
	v0 =	vld [tilespmem:s23+$0x170]  }
.LBB2_3:
0x48: {  	p1 =	sne.s32 s11, $0x57C0;
	v1 =	vld [tilespmem:s10+$0x0]  }
0x49: {  	v2 =	vld [tilespmem:$0x5FF0];
	_ =	sdelay $0x3  }
0x4a: {  	v0 =	vadd.f32 v1, v0;
	_ =	sdelay $0x1  }
0x4b: {  	v1 =	vmul.f32 $2.000000030e-01, v0  }
0x4c: {  	vm0 =	vge.f32 v0, $0.0e+00  }
0x4d: {  	v0 =	vsel vm0, v0, v1  }
0x4e: {  	v0 =	vsub.f32 v0, v2;
	_ =	sdelay $0x1  }
0x4f: {  	v0 =	vmul.f32 $1.442695020e+00, v0;
	_ =	sdelay $0x1  }
0x50: {  	(erf) = vpow2.f32 v0;
	_ =	sdelay $0x2  }
0x51: {  	v0 =	vld [tilespmem:s23+$0xF0]  }
0x52: {  	v1 =	vld [tilespmem:s23+$0x110]  }
0x53: {  	v2 =	vld [tilespmem:s23+$0x130]  }
0x54: {  	v3 =	vld [tilespmem:s23+$0x150]  }
0x55: {  	v4 =	vld [tilespmem:s23+$0x160]  }
0x56: {  	v5 =	vld [tilespmem:s23+$0x140]  }
0x57: {  	v6 =	vld [tilespmem:s23+$0x120];
	v7 =	vpop (erf)  }
0x58: {  	[tilespmem:s23+$0x3370] =	vst v7;
	v7 =	vbroadcast v7, $0x0;
	v8 =	vld [tilespmem:s23+$0x100];
	_ =	sdelay $0x1  }
0x59: {  	v3 =	vmul.f32 v3, v7;
	v4 =	vmul.f32 v4, v7  }
0x5a: {  	v2 =	vmul.f32 v2, v7;
	v5 =	vmul.f32 v5, v7  }
0x5b: {  	v1 =	vmul.f32 v7, v1;
	v6 =	vmul.f32 v6, v7;
	[tilespmem:s23+$0x3360] =	vst v4  }
0x5c: {  	v4 =	vmul.f32 v7, v0;
	v0 =	vmul.f32 v7, v8;
	[tilespmem:s23+$0x3350] =	vst v3  }
0x5d: {  	[tilespmem:s23+$0x3340] =	vst v5  }
.Ltmp0:
0x5e: {  	[tilespmem:s23+$0x3330] =	vst v2;
	(pc) =	sbr.rel @p1 .LBB2_3-.Ltmp0, $4  }
0x5f: {  	[tilespmem:s23+$0x3320] =	vst v6  }
0x60: {  	[tilespmem:s23+$0x3310] =	vst v1  }
0x61: {  	s18 =	sshra.s32 s11, $0x2;
	[tilespmem:s23+$0x3300] =	vst v0  }
0x62: {  	s11 =	sadd.s32 $0x240, s11;
	s10 =	sadd.s32 $0x10, s10;
	v0 =	vld [tilespmem:s18+$0x170];
	[tilespmem:s23+$0x32F0] =	vst v4;
	s23 =	smov.u32 s18  }
0x63: {  	v1 =	vld [tilespmem:s10+$0x0];
	_ =	sdelay $0x4  }
0x64: {  	v2 =	vld [tilespmem:$0x5FF0];
	v0 =	vadd.f32 v1, v0;
	_ =	sdelay $0x1  }
0x65: {  	v1 =	vmul.f32 $2.000000030e-01, v0  }
0x66: {  	vm0 =	vge.f32 v0, $0.0e+00  }
0x67: {  	v0 =	vsel vm0, v0, v1  }
0x68: {  	v0 =	vsub.f32 v0, v2;
	_ =	sdelay $0x1  }
0x69: {  	v0 =	vmul.f32 $1.442695020e+00, v0;
	_ =	sdelay $0x1  }
0x6a: {  	(erf) = vpow2.f32 v0;
	_ =	sdelay $0x6  }
0x6b: {  	v2 =	vld [tilespmem:s23+$0x160]  }
0x6c: {  	v3 =	vld [tilespmem:s23+$0x150]  }
0x6d: {  	v4 =	vld [tilespmem:s23+$0x140];
	v5 =	vpop (erf)  }
0x6e: {  	v1 =	vld [tilespmem:s23+$0x110];
	v7 =	vbroadcast v5, $0x0  }
0x6f: {  	v0 =	vld [tilespmem:s23+$0xF0]  }
0x70: {  	v6 =	vld [tilespmem:s23+$0x130];
	v2 =	vmul.f32 v2, v7  }
0x71: {  	v8 =	vld [tilespmem:s23+$0x120];
	[tilespmem:s23+$0x3370] =	vst v5;
	v3 =	vmul.f32 v3, v7  }
0x72: {  	v63 =	vld [tilespmem:s23+$0x100];
	v4 =	vmul.f32 v4, v7;
	[tilespmem:s23+$0x3360] =	vst v2  }
0x73: {  	v1 =	vmul.f32 v7, v1;
	[tilespmem:s23+$0x3350] =	vst v3  }
0x74: {  	v0 =	vmul.f32 v7, v0;
	[tilespmem:s23+$0x3340] =	vst v4  }
0x75: {  	v2 =	vmul.f32 v6, v7;
	[tilespmem:s23+$0x3310] =	vst v1  }
0x76: {  	v3 =	vmul.f32 v8, v7;
	[tilespmem:s23+$0x32F0] =	vst v0  }
0x77: {  	[tilespmem:s23+$0x3330] =	vst v2;
	v2 =	vmul.f32 v7, v63  }
0x78: {  	[tilespmem:s23+$0x3320] =	vst v3  }
0x79: {  	[tilespmem:s23+$0x3300] =	vst v2  }
0x7a: {  	p1 =	seq.s32 s13, $0x7C;
	_ =	swait.ge [sflag:s31], $0x28  }
0x7b: {  	s10 =	sadd.s32 @!p1 s17, s15;
	[sflag:s31] =	ssyncset.done $0x0  }
0x7c: {  	s10 =	sshrl.u32 @!p1 s10, $0x3;
	[sflag:s31] =	ssyncadd.s32 $0xFFFFFFD8  }
0x7d: {  	[spmem:s3] =	stream.indirect.scatter.add.f32 [tilespmem:s0], [sflag:$0x3], $0x90, s30, s21, $0xb8;
	[tilespmem:$0x1C800] =	vst v63  }
0x7e: {  	s17 =	simm.s32 @!p1 $0x0;
	s11 =	sadd.s32 @!p1 s7, s10  }
0x7f: {  	[tilespmem:s17], [sflag:$0x7] =	stream.linear.gather @!p1 [hbm4b:s11+s17], $0x28, $0x38;
	[tilespmem:$0x1C800] =	vst v63  }
0x80: {  	s11 =	simm.s32 @!p1 $0x7  }
0x81: {  	_ =	swait.ge @!p1 [sflag:s11], $0x28  }
0x82: {  	[sflag:s11] =	ssyncset.done @!p1 $0x0  }
0x83: {  	s18 =	simm.s32 @!p1 $0x28;
	s10 =	sadd.s32 @!p1 s8, s10;
	[sflag:s11] =	ssyncadd.s32 @!p1 $0xFFFFFFD8  }
0x84: {  	[tilespmem:s18], [sflag:$0x7] =	stream.linear.gather @!p1 [hbm4b:s10+s17], $0x28, $0x38;
	[tilespmem:$0x1C800] =	vst v63  }
0x85: {  	_ =	swait.ge @!p1 [sflag:s11], $0x28  }
0x86: {  	[sflag:s11] =	ssyncset.done @!p1 $0x0  }
0x87: {  	s10 =	simm.s32 @!p1 $0xF0;
	[sflag:s11] =	ssyncadd.s32 @!p1 $0xFFFFFFD8  }
0x88: {  	[tilespmem:s10], [sflag:$0x1] =	stream.indirect.gather @!p1 [hbm4b:s5+s18], $0x90, s17, s18, $0xb8;
	[tilespmem:$0x1C800] =	vst v63  }
0x89: {  	s10 =	simm.s32 @!p1 $0x2DF0  }
0x8a: {  	[tilespmem:s10], [sflag:$0x1] =	stream.indirect.gather @!p1 [hbm4b:s6+s18], $0x10, s18, s18, $0xb8;
	[tilespmem:$0x1C800] =	vst v63  }
0x8b: {  	_ =	swait.ge [sflag:s2], $0x1680  }
0x8c: {  	[sflag:s2] =	ssyncset.done $0x0  }
0x8d: {  	[sflag:s2] =	ssyncadd.s32 $0xFFFFE980  }
0x8e: {  	_ =	swait.ge [sflag:s2], $0x280  }
0x8f: {  	[sflag:s2] =	ssyncset.done $0x0  }
0x90: {  	s10 =	simm.s32 @!p0 $0x4;
	[sflag:s2] =	ssyncadd.s32 $0xFFFFFD80  }
0x91: {  	_ =	swait.ge @!p0 [sflag:s10], $0x1680  }
0x92: {  	[sflag:s10] =	ssyncset.done @!p0 $0x0  }
0x93: {  	s23 =	simm.s32 $0x0;
	[sflag:s10] =	ssyncadd.s32 @!p0 $0xFFFFE980  }
0x94: {  	[tilespmem:s1], [sflag:$0x6] =	stream.linear.gather [hbm4b:s16+s23], $0x28, $0x38;
	[tilespmem:$0x1C800] =	vst v63  }
0x95: {  	s16 =	simm.s32 $0x0  }
0x96: {  	s11 =	simm.s32 $0x240;
	s10 =	simm.s32 $0x3070;
	v0 =	vld [tilespmem:s16+$0x17F0]  }
.LBB2_5:
0x97: {  	p0 =	sne.s32 s11, $0x57C0;
	v1 =	vld [tilespmem:s10+$0x0]  }
0x98: {  	v2 =	vld [tilespmem:$0x5FF0];
	_ =	sdelay $0x3  }
0x99: {  	v0 =	vadd.f32 v1, v0;
	_ =	sdelay $0x1  }
0x9a: {  	v1 =	vmul.f32 $2.000000030e-01, v0  }
0x9b: {  	vm0 =	vge.f32 v0, $0.0e+00  }
0x9c: {  	v0 =	vsel vm0, v0, v1  }
0x9d: {  	v0 =	vsub.f32 v0, v2;
	_ =	sdelay $0x1  }
0x9e: {  	v0 =	vmul.f32 $1.442695020e+00, v0;
	_ =	sdelay $0x1  }
0x9f: {  	(erf) = vpow2.f32 v0;
	_ =	sdelay $0x2  }
0xa0: {  	v0 =	vld [tilespmem:s16+$0x1770]  }
0xa1: {  	v1 =	vld [tilespmem:s16+$0x1790]  }
0xa2: {  	v2 =	vld [tilespmem:s16+$0x17B0]  }
0xa3: {  	v3 =	vld [tilespmem:s16+$0x17D0]  }
0xa4: {  	v4 =	vld [tilespmem:s16+$0x17E0]  }
0xa5: {  	v5 =	vld [tilespmem:s16+$0x17C0]  }
0xa6: {  	v6 =	vld [tilespmem:s16+$0x17A0];
	v7 =	vpop (erf)  }
0xa7: {  	[tilespmem:s16+$0x49F0] =	vst v7;
	v7 =	vbroadcast v7, $0x0;
	v8 =	vld [tilespmem:s16+$0x1780];
	_ =	sdelay $0x1  }
0xa8: {  	v3 =	vmul.f32 v3, v7;
	v4 =	vmul.f32 v4, v7  }
0xa9: {  	v2 =	vmul.f32 v2, v7;
	v5 =	vmul.f32 v5, v7  }
0xaa: {  	v1 =	vmul.f32 v7, v1;
	v6 =	vmul.f32 v6, v7;
	[tilespmem:s16+$0x49E0] =	vst v4  }
0xab: {  	v4 =	vmul.f32 v7, v0;
	v0 =	vmul.f32 v7, v8;
	[tilespmem:s16+$0x49D0] =	vst v3  }
0xac: {  	[tilespmem:s16+$0x49C0] =	vst v5  }
.Ltmp1:
0xad: {  	[tilespmem:s16+$0x49B0] =	vst v2;
	(pc) =	sbr.rel @p0 .LBB2_5-.Ltmp1, $4  }
0xae: {  	[tilespmem:s16+$0x49A0] =	vst v6  }
0xaf: {  	[tilespmem:s16+$0x4990] =	vst v1  }
0xb0: {  	s17 =	sshra.s32 s11, $0x2;
	[tilespmem:s16+$0x4980] =	vst v0  }
0xb1: {  	s11 =	sadd.s32 $0x240, s11;
	s10 =	sadd.s32 $0x10, s10;
	v0 =	vld [tilespmem:s17+$0x17F0];
	[tilespmem:s16+$0x4970] =	vst v4;
	s16 =	smov.u32 s17  }
0xb2: {  	v1 =	vld [tilespmem:s10+$0x0];
	_ =	sdelay $0x4  }
0xb3: {  	v2 =	vld [tilespmem:$0x5FF0];
	v0 =	vadd.f32 v1, v0;
	_ =	sdelay $0x1  }
0xb4: {  	v1 =	vmul.f32 $2.000000030e-01, v0  }
0xb5: {  	vm0 =	vge.f32 v0, $0.0e+00  }
0xb6: {  	v0 =	vsel vm0, v0, v1  }
0xb7: {  	v0 =	vsub.f32 v0, v2;
	_ =	sdelay $0x1  }
0xb8: {  	v0 =	vmul.f32 $1.442695020e+00, v0;
	_ =	sdelay $0x1  }
0xb9: {  	(erf) = vpow2.f32 v0;
	_ =	sdelay $0x6  }
0xba: {  	v59 =	vld [tilespmem:s16+$0x17E0]  }
0xbb: {  	v3 =	vld [tilespmem:s16+$0x17D0]  }
0xbc: {  	v4 =	vld [tilespmem:s16+$0x17C0];
	v5 =	vpop (erf)  }
0xbd: {  	v6 =	vld [tilespmem:s16+$0x17B0];
	v7 =	vbroadcast v5, $0x0  }
0xbe: {  	v8 =	vld [tilespmem:s16+$0x17A0]  }
0xbf: {  	v58 =	vld [tilespmem:s16+$0x1790];
	v2 =	vmul.f32 v59, v7  }
0xc0: {  	v60 =	vld [tilespmem:s16+$0x1780];
	[tilespmem:s16+$0x49F0] =	vst v5;
	v3 =	vmul.f32 v3, v7  }
0xc1: {  	v57 =	vld [tilespmem:s16+$0x1770];
	v4 =	vmul.f32 v4, v7;
	[tilespmem:s16+$0x49E0] =	vst v2  }
0xc2: {  	v61 =	vmul.f32 v6, v7;
	[tilespmem:s16+$0x49D0] =	vst v3  }
0xc3: {  	v62 =	vmul.f32 v8, v7;
	[tilespmem:s16+$0x49C0] =	vst v4  }
0xc4: {  	v1 =	vmul.f32 v7, v58;
	[tilespmem:s16+$0x49B0] =	vst v61  }
0xc5: {  	v63 =	vmul.f32 v7, v60;
	[tilespmem:s16+$0x49A0] =	vst v62  }
0xc6: {  	s13 =	sadd.s32 $0x1, s13;
	v0 =	vmul.f32 v7, v57;
	[tilespmem:s16+$0x4990] =	vst v1  }
0xc7: {  	p0 =	sne.s32 s13, $0x7D;
	[tilespmem:s16+$0x4980] =	vst v63  }
.Ltmp2:
0xc8: {  	[tilespmem:s16+$0x4970] =	vst v0;
	(pc) =	sbr.rel @p0 .LBB2_2-.Ltmp2, $4  }
0xc9: {  	_ =	swait.ge [sflag:s20], $0x28  }
0xca: {  	[sflag:s20] =	ssyncset.done $0x0  }
0xcb: {  	[sflag:s20] =	ssyncadd.s32 $0xFFFFFFD8  }
0xcc: {  	[spmem:s3] =	stream.indirect.scatter.add.f32 [tilespmem:s22], [sflag:$0x4], $0x90, s1, s21, $0xb8;
	[tilespmem:$0x1C800] =	vst v63  }
0xcd: {  	s10 =	simm.s32 $0x3  }
0xce: {  	_ =	swait.ge [sflag:s10], $0x1680  }
0xcf: {  	[sflag:s10] =	ssyncset.done $0x0  }
0xd0: {  	s17 =	simm.s32 $0x4;
	[sflag:s10] =	ssyncadd.s32 $0xFFFFE980  }
0xd1: {  	_ =	swait.ge [sflag:s17], $0x1680  }
0xd2: {  	[sflag:s17] =	ssyncset.done $0x0  }
0xd3: {  	[sflag:s17] =	ssyncadd.s32 $0xFFFFE980  }
0xd4: {  	[bflag:$0x0] =	sbarrier.arrive $0xFFFF  }
0xd5: {  	s11 =	rddreg [dreg:$0x5]  }
0xd6: {  	s18 =	rddreg [dreg:$0x8]  }
0xd7: {  	s13 =	rddreg [dreg:$0xa]  }
0xd8: {  	[hbm:s18], [sflag:s11] =	dma.local [spmem:s13], $0x2D00  }
0xd9: {  	_ =	swait.ge [sflag:s19], $0x2D00  }
0xda: {  	s12 =	sadd.s32 $0x1, s12;
	s23 =	rddreg [dreg:$0x9]  }
0xdb: {  	p0 =	sne.s32 s12, s23  }
.Ltmp3:
0xdc: {  	_ = 	snop;
	(pc) =	sbr.rel @p0 .LBB2_1-.Ltmp3, $3  }
0xdd: {  	_ =	sdelay $0x1  }
0xde: {  	[sflag:s19] =	ssyncset.done $0x0  }
0xdf: {  	[sflag:s19] =	ssyncadd.s32 $0xFFFFD300  }
0xe0: {  	_ =	sfence.sel $0x180000  }
0xe1: {  	[bflag:$0x0] =	sbarrier.arrive $0xFFFF  }
0xe2: {  	_ =	strace $0x90000050  }
0xe3: {  	s0 =	stileid.u32;
	[bflag:$0x2] =	sbarrier.arrive $0xFFFF  }
0xe4: {  	p0 =	sne.s32 s0, $0x0;
	s0 =	rddreg [dreg:$0x3]  }
0xe5: {  	s0 =	sadd.s32 @!p0 $0x100000, s0  }
0xe6: {  	[sflag:s0] =	ssyncadd.tile.s32 @!p0 $0x1;
	_ =	shalt  }
.Lfunc_end2:
_tile_overlayer_lowered:
.L_overlay_start_2:
0xe7: {  	(tag) =	ssettag $0x2  }
0xe8: {  	s0 =	rddreg [dreg:$0x0];
	s2 =	stileid.u32  }
0xe9: {  	s1 =	rddreg [dreg:$0x1];
	p0 =	sne.s32 s2, $0x0  }
0xea: {  	s3 =	rddreg [dreg:$0x2];
	[bflag:$0x3] =	sbarrier.arrive $0xFFFF;
	s2 =	simm.s32 @!p0 $0x1C07  }
0xeb: {  	[timem:s3], [sflag:s2] =	dma.local @!p0 [hbm:s0], s1  }
0xec: {  	s0 =	simm.s32 @!p0 $0x7  }
0xed: {  	_ =	swait.ge @!p0 [sflag:s0], s1  }
0xee: {  	s1 =	ssub.s32 @!p0 $0x0, s1;
	[sflag:s0] =	ssyncset.done @!p0 $0x0  }
0xef: {  	[sflag:s0] =	ssyncadd.s32 @!p0 s1  }
0xf0: {  	[bflag:$0x3] =	sbarrier.arrive $0xFFFF  }
0xf1: {  	_ =	shalt  }

</sc_bundles>
